<compile_context>
chip_gen: v7x
topology: tpu7x:2x2x1
jax: 0.10.2.dev20260603
libtpu: 0.0.44.dev20260713+nightly
codegen_flags: <defaults>
</compile_context>

<pallas_src>
import functools
import math

import jax
import jax.numpy as jnp
import numpy as np
from jax import lax
from jax.experimental import pallas as pl
from jax.experimental.pallas import tpu as pltpu
from jax.experimental.pallas import tpu_sc as plsc

_ND, _RES, _NC, _NB = 64, 64, 4, 2
_N = 64 * 64 * 64
_RADIUS = math.sqrt(3.0)
_SCALE = (_RES - 1) / (2.0 * _RADIUS)

_NW = 32
_NCH = 6
_PR = 72
_PB = _NCH * _PR
_HROW = 4160
_HSZ = _NCH * _HROW + 256


def _directions_np():
    i = np.arange(_ND, dtype=np.float32)
    phi = np.float32((1 + 5**0.5) / 2)
    theta = np.float32(2 * math.pi) * i / phi
    z = (1 - 2 * (i + np.float32(0.5)) / np.float32(_ND)).astype(np.float32)
    r = np.sqrt(np.clip(1 - z * z, 0, None)).astype(np.float32)
    return np.stack([r * np.cos(theta), r * np.sin(theta), z], 0).astype(np.float32)


@functools.lru_cache(maxsize=1)
def _build_tables():
    dirs = _directions_np()
    amin = np.abs(dirs).argmin(axis=0)
    ax = np.linspace(-1.0, 1.0, 64, dtype=np.float32)
    groups = [np.where(amin == a)[0] for a in range(3)]
    tabs = []
    for a in range(3):
        oth = [u for u in range(3) if u != a]
        per_worker = [[] for _ in range(_NW)]
        for dl, d in enumerate(groups[a]):
            dv = dirs[:, d]
            u = (ax * dv[oth[0]])[:, None] + (ax * dv[oth[1]])[None, :]
            line = ax * dv[a]
            h = (u[:, :, None] + line[None, None, :]).astype(np.float32)
            b = np.clip(np.rint((h + np.float32(_RADIUS)) * np.float32(_SCALE)),
                        0, 63).astype(np.int64).reshape(4096, 64)
            change = np.ones((4096, 64), dtype=bool)
            change[:, 1:] = b[:, 1:] != b[:, :-1]
            colg, lstart = np.nonzero(change)
            lend = np.empty_like(lstart)
            lend[:-1] = lstart[1:] - 1
            lend[-1] = 63
            newcol = np.empty(len(colg), dtype=bool)
            newcol[:-1] = colg[1:] != colg[:-1]
            newcol[-1] = True
            lend[newcol] = 63
            rval = b[colg, lstart]
            dest = dl * 64 + rval
            packed = ((lend + 1).astype(np.uint32) << 25) | \
                     (lstart.astype(np.uint32) << 18) | \
                     ((colg & 127).astype(np.uint32) << 11) | dest.astype(np.uint32)
            wk = colg >> 7
            for w in range(_NW):
                sel = wk == w
                per_worker[w].append((packed[sel], dest[sel]))
        worker_tabs = []
        for w in range(_NW):
            packed = np.concatenate([p for p, _ in per_worker[w]])
            dest = np.concatenate([q for _, q in per_worker[w]])
            o = np.argsort(dest, kind="stable")
            sd = dest[o]
            first = np.r_[True, sd[1:] != sd[:-1]]
            idxs = np.arange(len(sd))
            start = np.maximum.accumulate(np.where(first, idxs, 0))
            seq = np.empty_like(idxs)
            seq[o] = idxs - start
            order = np.lexsort((dest, seq))
            packed = packed[order]
            seq = seq[order]
            colres = (packed >> 11) & 15
            o2 = np.lexsort((colres, seq))
            sr, rr = seq[o2], colres[o2]
            newgrp = np.r_[True, (sr[1:] != sr[:-1]) | (rr[1:] != rr[:-1])]
            idx2 = np.arange(len(sr))
            gstart = np.maximum.accumulate(np.where(newgrp, idx2, 0))
            rank = idx2 - gstart
            packed2 = packed[o2]
            o3 = np.lexsort((rr, rank, sr))
            packed = packed2[o3]
            seq = sr[o3]
            _, cnt = np.unique(seq, return_counts=True)
            pieces = []
            pos = 0
            for c in cnt:
                pieces.append(packed[pos:pos + c])
                pos += c
                pad = (-c) % 16
                if pad:
                    pieces.append((1472 + np.arange(pad, dtype=np.uint32)))
            worker_tabs.append(np.concatenate(pieces))
        maxb = max(len(t) for t in worker_tabs)
        maxb = ((maxb + 63) // 64) * 64
        tab = np.zeros((_NW, maxb), dtype=np.uint32)
        for w, t in enumerate(worker_tabs):
            tab[w, :len(t)] = t
            npad = maxb - len(t)
            if npad:
                tab[w, len(t):] = 1472 + (np.arange(npad, dtype=np.uint32) % 16)
        tabs.append(tab.view(np.int32))
    dcounts = [len(g) for g in groups]
    sizes = tuple(t.shape[1] for t in tabs)
    common = max(sizes)
    tabs = [np.pad(t, ((0, 0), (0, common - t.shape[1]))) for t in tabs]
    return tabs, sizes, dcounts


def _v_kernel(l_ref, t_ref, o_ref):
    l = l_ref[...]
    t = t_ref[...]
    cls3 = lax.broadcasted_iota(jnp.int32, (3, l.shape[1]), 0)
    outs = []
    for b in range(_NB):
        lb = l[4 * b:4 * b + 4]
        m = jnp.max(lb, axis=0, keepdims=True)
        e = jnp.exp(lb - m)
        pb = e * (1.0 / jnp.sum(e, axis=0, keepdims=True))
        oh = (t[b:b + 1] == cls3).astype(jnp.float32)
        outs.append(pb[0:3] - oh)
    o_ref[...] = jnp.concatenate(outs, axis=0).astype(jnp.bfloat16)


def _prefix_kernel(v0_ref, v1_ref, v2_ref, t_ref, p0_ref, p1_ref, p2_ref):
    t72 = t_ref[...]
    mm0 = jnp.dot(t72, v0_ref[0], preferred_element_type=jnp.float32)
    mm2 = lax.dot_general(t72, v2_ref[0], (((1,), (1,)), ((), ())),
                          preferred_element_type=jnp.float32)
    for w in range(_NW):
        p0_ref[w * _PR:(w + 1) * _PR, :] = mm0[:, w * 128:(w + 1) * 128]
        p2_ref[w * _PR:(w + 1) * _PR, :] = mm2[:, w * 128:(w + 1) * 128]
        vc = jnp.concatenate([v1_ref[0, 2 * w], v1_ref[0, 2 * w + 1]], axis=1)
        p1_ref[w * _PR:(w + 1) * _PR, :] = jnp.dot(
            t72, vc, preferred_element_type=jnp.float32)


def _sc_body(sizes, goffs, p0, p1, p2, t0, t1, t2, z, out,
             pb0, pb1, pb2, pb3, pb4, pb5, tbuf, hist, sem):
    cid = lax.axis_index("c")
    sid = lax.axis_index("s")
    wid = sid * 2 + cid
    pbufs = (pb0, pb1, pb2, pb3, pb4, pb5)
    zcp = pltpu.async_copy(z, hist, sem)
    zcp.wait()
    for g, (phbm, thbm) in enumerate(((p0, t0), (p1, t1), (p2, t2))):
        goff64 = goffs[g] * 64
        cps = [pltpu.async_copy(
            phbm.at[pl.ds(c * (_NW * _PR) + wid * _PR, _PR)], pbufs[c], sem)
            for c in range(_NCH)]
        cps.append(pltpu.async_copy(thbm.at[wid], tbuf, sem))
        for cp in cps:
            cp.wait()

        @plsc.parallel_loop(0, sizes[g] // 16, unroll=8)
        def body(t, goff64=goff64):
            x = tbuf[pl.ds(t * 16, 16)]
            m_a = lax.shift_right_logical(x, 25)
            m_p = lax.shift_right_logical(x, 18) & 127
            col = lax.shift_right_logical(x, 11) & 127
            dst = (x & 2047) + goff64
            for c in range(_NCH):
                ga = plsc.load_gather(pbufs[c], [m_a, col])
                gp = plsc.load_gather(pbufs[c], [m_p, col])
                plsc.addupdate_scatter(hist, [dst + c * _HROW], ga - gp)

    pltpu.sync_copy(hist, out.at[wid])


def _loss_kernel(h_ref, u64_ref, o_ref):
    s = jnp.sum(h_ref[...], axis=0)
    ect = jnp.dot(s, u64_ref[...], preferred_element_type=jnp.float32)
    e0 = ect[0:65] + ect[65:130] + ect[130:195]
    e1 = ect[195:260] + ect[260:325] + ect[325:390]
    val = (jnp.sum(ect * ect) + jnp.sum(e0 * e0) + jnp.sum(e1 * e1)) * (
        1.0 / (_NB * _NC * _ND * _RES) / (float(_N) * float(_N)))
    o_ref[...] = jnp.full((8, 128), val, jnp.float32)


def kernel(logits, targets):
    tabs, sizes, dcounts = _build_tables()
    goffs = (0, dcounts[0], dcounts[0] + dcounts[1])

    logits8 = logits.reshape(_NB * _NC, _N)
    tgt = targets.reshape(_NB, _N).astype(jnp.int32)

    v6 = pl.pallas_call(
        _v_kernel,
        grid=(16,),
        in_specs=[
            pl.BlockSpec((_NB * _NC, 16384), lambda i: (0, i)),
            pl.BlockSpec((_NB, 16384), lambda i: (0, i)),
        ],
        out_specs=pl.BlockSpec((_NCH, 16384), lambda i: (0, i)),
        out_shape=jax.ShapeDtypeStruct((_NCH, _N), jnp.bfloat16),
    )(logits8, tgt)

    tri = np.zeros((_PR, 64), np.float32)
    tri[:65, :] = np.tril(np.ones((65, 64), np.float32), -1)
    t72 = jnp.asarray(tri, jnp.bfloat16)

    v0 = v6.reshape(_NCH, 64, 4096)
    v1 = v6.reshape(_NCH, 64, 64, 64)
    v2 = v6.reshape(_NCH, 4096, 64)
    prows = _NW * _PB

    p0, p1, p2 = pl.pallas_call(
        _prefix_kernel,
        grid=(_NCH,),
        in_specs=[
            pl.BlockSpec((1, 64, 4096), lambda c: (c, 0, 0)),
            pl.BlockSpec((1, 64, 64, 64), lambda c: (c, 0, 0, 0)),
            pl.BlockSpec((1, 4096, 64), lambda c: (c, 0, 0)),
            pl.BlockSpec((_PR, 64), lambda c: (0, 0)),
        ],
        out_specs=[
            pl.BlockSpec((_NW * _PR, 128), lambda c: (c, 0)),
            pl.BlockSpec((_NW * _PR, 128), lambda c: (c, 0)),
            pl.BlockSpec((_NW * _PR, 128), lambda c: (c, 0)),
        ],
        out_shape=[
            jax.ShapeDtypeStruct((prows, 128), jnp.float32),
            jax.ShapeDtypeStruct((prows, 128), jnp.float32),
            jax.ShapeDtypeStruct((prows, 128), jnp.float32),
        ],
    )(v0, v1, v2, t72)

    jt = [jnp.asarray(t) for t in tabs]
    zeros = jnp.zeros((_HSZ,), jnp.float32)

    mesh = plsc.VectorSubcoreMesh(core_axis_name="c", subcore_axis_name="s",
                                  num_cores=2, num_subcores=16)
    hist = pl.kernel(
        functools.partial(_sc_body, sizes, goffs),
        out_type=jax.ShapeDtypeStruct((_NW, _HSZ), jnp.float32),
        mesh=mesh,
        compiler_params=pltpu.CompilerParams(needs_layout_passes=False),
        scratch_types=[pltpu.VMEM((_PR, 128), jnp.float32)] * _NCH + [
            pltpu.VMEM((tabs[0].shape[1],), jnp.int32),
            pltpu.VMEM((_HSZ,), jnp.float32),
            pltpu.SemaphoreType.DMA,
        ],
    )(p0, p1, p2, jt[0], jt[1], jt[2], zeros)

    hist4 = hist.reshape(_NW, _HSZ // 64, 64)
    u64 = jnp.asarray(np.triu(np.ones((64, 64), np.float32)))
    loss = pl.pallas_call(
        _loss_kernel,
        grid=(1,),
        in_specs=[
            pl.BlockSpec((_NW, _HSZ // 64, 64), lambda g: (0, 0, 0)),
            pl.BlockSpec((64, 64), lambda g: (0, 0)),
        ],
        out_specs=pl.BlockSpec((8, 128), lambda g: (0, 0)),
        out_shape=jax.ShapeDtypeStruct((8, 128), jnp.float32),
    )(hist4, u64)
    return loss[0, 0]

# --- scband reference (transcript-rebuilt; emitter-appended) ---
"""Pipeline reference for scband-ectloss-84490596647649 (READ-ONLY COPY).

The authoritative reference and input builder live on the scoring server;
editing this copy changes nothing except your own understanding.
"""

import math
import jax, jax.numpy as jnp
import numpy as np

NUM_DIRECTIONS = 64
RESOLUTION = 64
NUM_CLASSES = 4
BATCH = 2
GRID = (64, 64, 64)
DIR_CHUNK = 8


def _fibonacci_directions(num_directions):
    # Fibonacci sphere sampling, matching _generate_fibonacci_directions
    indices = jnp.arange(num_directions, dtype=jnp.float32)
    phi = (1 + 5 ** 0.5) / 2
    theta = 2 * math.pi * indices / phi
    z = 1 - 2 * (indices + 0.5) / num_directions
    r = jnp.sqrt(jnp.clip(1 - z ** 2, 0.0, None))
    x = r * jnp.cos(theta)
    y = r * jnp.sin(theta)
    return jnp.stack([x, y, z], axis=0)  # [3, num_directions]


def _grid_coordinates(shape):
    # Normalized voxel-center coordinates in [-1, 1]^3 (grid cache entry)
    axes = [jnp.linspace(-1.0, 1.0, s, dtype=jnp.float32) for s in shape]
    mesh = jnp.meshgrid(*axes, indexing='ij')
    coords = jnp.stack(mesh, axis=-1).reshape(-1, 3)
    radius = jnp.sqrt(jnp.asarray(3.0, dtype=jnp.float32))
    return coords, radius


def _weighted_ect(weights, coords, directions, radius, resolution):
    # weights: [B, C, N] per-voxel class weights
    # Faithful port of FastWeightedECT.forward: per-direction binning of
    # projected heights, scatter-add of class weights into histograms,
    # then cumulative sum along the filtration (resolution) axis.
    B, C, N = weights.shape
    num_dirs = directions.shape[1]
    scale = (resolution - 1) / (2.0 * radius)
    outs = []
    for b in range(B):
        w_bt = jnp.transpose(weights[b], (1, 0))  # [N, C]
        hist_flat = jnp.zeros((num_dirs * resolution, C), dtype=jnp.float32)
        for dir_start in range(0, num_dirs, DIR_CHUNK):
            dir_end = min(dir_start + DIR_CHUNK, num_dirs)
            dirs_chunk = directions[:, dir_start:dir_end]          # [3, c]
            heights = coords @ dirs_chunk                           # [N, c]
            bins = jnp.clip(
                jnp.round((heights + radius) * scale).astype(jnp.int32),
                0, resolution - 1)                                  # [N, c]
            offs = (jnp.arange(dir_start, dir_end, dtype=jnp.int32) * resolution)[None, :]
            idx = bins + offs                                       # [N, c]
            # scatter-add class weights into per-direction histograms
            hist_flat = hist_flat.at[idx].add(w_bt[:, None, :])
        hist = hist_flat.reshape(num_dirs, resolution, C)
        ect_b = jnp.transpose(jnp.cumsum(hist, axis=1), (2, 0, 1))  # [C, D, R]
        outs.append(ect_b)
    return jnp.stack(outs, axis=0)  # [B, C, num_dirs, resolution]


def setup_inputs(seed: int = 0) -> dict:
    key = jax.random.key(seed)
    k1, k2 = jax.random.split(key)
    logits = jax.random.normal(k1, (BATCH, NUM_CLASSES) + GRID, dtype=jnp.float32)
    targets = jax.random.randint(k2, (BATCH,) + GRID, 0, NUM_CLASSES, dtype=jnp.int64)
    return {"logits": logits, "targets": targets}


def reference(logits, targets):
    B = logits.shape[0]
    C = logits.shape[1]
    N = int(np.prod(GRID))
    coords, radius = _grid_coordinates(GRID)
    directions = _fibonacci_directions(NUM_DIRECTIONS)
    # prediction weights: softmax over class dim (apply_softmax=True path)
    pred_w = jax.nn.softmax(logits.reshape(B, C, N), axis=1)
    # target weights: one-hot class indicators (no softmax)
    tgt_w = jax.nn.one_hot(targets.reshape(B, N), C, dtype=jnp.float32)
    tgt_w = jnp.transpose(tgt_w, (0, 2, 1))  # [B, C, N]
    ect_pred = _weighted_ect(pred_w, coords, directions, radius, RESOLUTION)
    ect_tgt = _weighted_ect(tgt_w, coords, directions, radius, RESOLUTION)
    # normalize by number of points so the loss is scale-free, then MSE
    ect_pred = ect_pred / N
    ect_tgt = ect_tgt / N
    loss = jnp.mean((ect_pred - ect_tgt) ** 2)
    return loss

if __name__ == "__main__":
    import jax
    _d = setup_inputs()
    print(jax.jit(kernel)(*tuple(_d.values())))

</pallas_src>

<mosaic_0001>
#map = affine_map<(d0, d1) -> (0, 0)>
#map1 = affine_map<(d0, d1) -> (0)>
module attributes {stable_mosaic.version = 14 : i64} {
  func.func @_sc_body(%arg0: i32, %arg1: i32, %arg2: memref<13824x128xf32, #tpu.memory_space<hbm>>, %arg3: memref<13824x128xf32, #tpu.memory_space<hbm>>, %arg4: memref<13824x128xf32, #tpu.memory_space<hbm>>, %arg5: memref<32x28480xi32, #tpu.memory_space<hbm>>, %arg6: memref<32x28480xi32, #tpu.memory_space<hbm>>, %arg7: memref<32x28480xi32, #tpu.memory_space<hbm>>, %arg8: memref<25216xf32, #tpu.memory_space<hbm>>, %arg9: memref<32x25216xf32, #tpu.memory_space<hbm>>, %arg10: memref<72x128xf32, #tpu.memory_space<vmem>>, %arg11: memref<72x128xf32, #tpu.memory_space<vmem>>, %arg12: memref<72x128xf32, #tpu.memory_space<vmem>>, %arg13: memref<72x128xf32, #tpu.memory_space<vmem>>, %arg14: memref<72x128xf32, #tpu.memory_space<vmem>>, %arg15: memref<72x128xf32, #tpu.memory_space<vmem>>, %arg16: memref<28480xi32, #tpu.memory_space<vmem>>, %arg17: memref<25216xf32, #tpu.memory_space<vmem>>, %arg18: memref<!tpu.dma_semaphore, #tpu.memory_space<semaphore_mem>>) attributes {dimension_semantics = [#tpu.dimension_semantics<core_parallel>, #tpu.dimension_semantics<subcore_parallel>], iteration_bounds = array<i64: 2, 16>, scalar_prefetch = 0 : i64, scratch_operands = 9 : i64, tpu.core_type = #tpu.core_type<sc_vector_subcore>, window_params = [{transform_indices = #map}, {transform_indices = #map}, {transform_indices = #map}, {transform_indices = #map}, {transform_indices = #map}, {transform_indices = #map}, {transform_indices = #map1}, {transform_indices = #map}]} {
    %mul3A = arith.constant 2 : i32
    %mul3A_0 = arith.muli %arg1, %mul3A : i32
    %add3A = arith.addi %mul3A_0, %arg0 : i32
    tpu.enqueue_dma source(%arg8 : memref<25216xf32, #tpu.memory_space<hbm>>) target(%arg17 : memref<25216xf32, #tpu.memory_space<vmem>>) target_semaphore(%arg18 : memref<!tpu.dma_semaphore, #tpu.memory_space<semaphore_mem>>)
    tpu.wait_dma2 semaphore(%arg18 : memref<!tpu.dma_semaphore, #tpu.memory_space<semaphore_mem>>) src(%arg8 : memref<25216xf32, #tpu.memory_space<hbm>>) dst(%arg17 : memref<25216xf32, #tpu.memory_space<vmem>>)
    %mul3A_1 = arith.constant 72 : i32
    %mul3A_2 = arith.muli %add3A, %mul3A_1 : i32
    %add3A_3 = arith.constant 0 : i32
    %add3A_4 = arith.addi %add3A_3, %mul3A_2 : i32
    %dma_start3A = arith.constant 0 : i32
    %dma_start3A_5 = tpu.memref_slice %arg2[%add3A_4, %dma_start3A] : memref<13824x128xf32, #tpu.memory_space<hbm>> -> memref<72x128xf32, #tpu.memory_space<hbm>>
    %dma_start3A_6 = arith.constant 0 : i32
    %dma_start3A_7 = tpu.memref_slice %arg2[%add3A_4, %dma_start3A_6] : memref<13824x128xf32, #tpu.memory_space<hbm>> -> memref<72x128xf32, #tpu.memory_space<hbm>>
    tpu.enqueue_dma source(%dma_start3A_7 : memref<72x128xf32, #tpu.memory_space<hbm>>) target(%arg10 : memref<72x128xf32, #tpu.memory_space<vmem>>) target_semaphore(%arg18 : memref<!tpu.dma_semaphore, #tpu.memory_space<semaphore_mem>>)
    %mul3A_8 = arith.constant 72 : i32
    %mul3A_9 = arith.muli %add3A, %mul3A_8 : i32
    %add3A_10 = arith.constant 2304 : i32
    %add3A_11 = arith.addi %add3A_10, %mul3A_9 : i32
    %dma_start3A_12 = arith.constant 0 : i32
    %dma_start3A_13 = tpu.memref_slice %arg2[%add3A_11, %dma_start3A_12] : memref<13824x128xf32, #tpu.memory_space<hbm>> -> memref<72x128xf32, #tpu.memory_space<hbm>>
    %dma_start3A_14 = arith.constant 0 : i32
    %dma_start3A_15 = tpu.memref_slice %arg2[%add3A_11, %dma_start3A_14] : memref<13824x128xf32, #tpu.memory_space<hbm>> -> memref<72x128xf32, #tpu.memory_space<hbm>>
    tpu.enqueue_dma source(%dma_start3A_15 : memref<72x128xf32, #tpu.memory_space<hbm>>) target(%arg11 : memref<72x128xf32, #tpu.memory_space<vmem>>) target_semaphore(%arg18 : memref<!tpu.dma_semaphore, #tpu.memory_space<semaphore_mem>>)
    %mul3A_16 = arith.constant 72 : i32
    %mul3A_17 = arith.muli %add3A, %mul3A_16 : i32
    %add3A_18 = arith.constant 4608 : i32
    %add3A_19 = arith.addi %add3A_18, %mul3A_17 : i32
    %dma_start3A_20 = arith.constant 0 : i32
    %dma_start3A_21 = tpu.memref_slice %arg2[%add3A_19, %dma_start3A_20] : memref<13824x128xf32, #tpu.memory_space<hbm>> -> memref<72x128xf32, #tpu.memory_space<hbm>>
    %dma_start3A_22 = arith.constant 0 : i32
    %dma_start3A_23 = tpu.memref_slice %arg2[%add3A_19, %dma_start3A_22] : memref<13824x128xf32, #tpu.memory_space<hbm>> -> memref<72x128xf32, #tpu.memory_space<hbm>>
    tpu.enqueue_dma source(%dma_start3A_23 : memref<72x128xf32, #tpu.memory_space<hbm>>) target(%arg12 : memref<72x128xf32, #tpu.memory_space<vmem>>) target_semaphore(%arg18 : memref<!tpu.dma_semaphore, #tpu.memory_space<semaphore_mem>>)
    %mul3A_24 = arith.constant 72 : i32
    %mul3A_25 = arith.muli %add3A, %mul3A_24 : i32
    %add3A_26 = arith.constant 6912 : i32
    %add3A_27 = arith.addi %add3A_26, %mul3A_25 : i32
    %dma_start3A_28 = arith.constant 0 : i32
    %dma_start3A_29 = tpu.memref_slice %arg2[%add3A_27, %dma_start3A_28] : memref<13824x128xf32, #tpu.memory_space<hbm>> -> memref<72x128xf32, #tpu.memory_space<hbm>>
    %dma_start3A_30 = arith.constant 0 : i32
    %dma_start3A_31 = tpu.memref_slice %arg2[%add3A_27, %dma_start3A_30] : memref<13824x128xf32, #tpu.memory_space<hbm>> -> memref<72x128xf32, #tpu.memory_space<hbm>>
    tpu.enqueue_dma source(%dma_start3A_31 : memref<72x128xf32, #tpu.memory_space<hbm>>) target(%arg13 : memref<72x128xf32, #tpu.memory_space<vmem>>) target_semaphore(%arg18 : memref<!tpu.dma_semaphore, #tpu.memory_space<semaphore_mem>>)
    %mul3A_32 = arith.constant 72 : i32
    %mul3A_33 = arith.muli %add3A, %mul3A_32 : i32
    %add3A_34 = arith.constant 9216 : i32
    %add3A_35 = arith.addi %add3A_34, %mul3A_33 : i32
    %dma_start3A_36 = arith.constant 0 : i32
    %dma_start3A_37 = tpu.memref_slice %arg2[%add3A_35, %dma_start3A_36] : memref<13824x128xf32, #tpu.memory_space<hbm>> -> memref<72x128xf32, #tpu.memory_space<hbm>>
    %dma_start3A_38 = arith.constant 0 : i32
    %dma_start3A_39 = tpu.memref_slice %arg2[%add3A_35, %dma_start3A_38] : memref<13824x128xf32, #tpu.memory_space<hbm>> -> memref<72x128xf32, #tpu.memory_space<hbm>>
    tpu.enqueue_dma source(%dma_start3A_39 : memref<72x128xf32, #tpu.memory_space<hbm>>) target(%arg14 : memref<72x128xf32, #tpu.memory_space<vmem>>) target_semaphore(%arg18 : memref<!tpu.dma_semaphore, #tpu.memory_space<semaphore_mem>>)
    %mul3A_40 = arith.constant 72 : i32
    %mul3A_41 = arith.muli %add3A, %mul3A_40 : i32
    %add3A_42 = arith.constant 11520 : i32
    %add3A_43 = arith.addi %add3A_42, %mul3A_41 : i32
    %dma_start3A_44 = arith.constant 0 : i32
    %dma_start3A_45 = tpu.memref_slice %arg2[%add3A_43, %dma_start3A_44] : memref<13824x128xf32, #tpu.memory_space<hbm>> -> memref<72x128xf32, #tpu.memory_space<hbm>>
    %dma_start3A_46 = arith.constant 0 : i32
    %dma_start3A_47 = tpu.memref_slice %arg2[%add3A_43, %dma_start3A_46] : memref<13824x128xf32, #tpu.memory_space<hbm>> -> memref<72x128xf32, #tpu.memory_space<hbm>>
    tpu.enqueue_dma source(%dma_start3A_47 : memref<72x128xf32, #tpu.memory_space<hbm>>) target(%arg15 : memref<72x128xf32, #tpu.memory_space<vmem>>) target_semaphore(%arg18 : memref<!tpu.dma_semaphore, #tpu.memory_space<semaphore_mem>>)
    %dma_start3A_48 = arith.constant 0 : i32
    %dma_start3A_49 = tpu.memref_slice %arg5[%add3A, %dma_start3A_48] : memref<32x28480xi32, #tpu.memory_space<hbm>> -> memref<1x28480xi32, #tpu.memory_space<hbm>>
    %dma_start3A_50 = tpu.memref_squeeze %dma_start3A_49 : memref<1x28480xi32, #tpu.memory_space<hbm>> -> memref<28480xi32, #tpu.memory_space<hbm>>
    %dma_start3A_51 = arith.constant 0 : i32
    %dma_start3A_52 = tpu.memref_slice %arg5[%add3A, %dma_start3A_51] : memref<32x28480xi32, #tpu.memory_space<hbm>> -> memref<1x28480xi32, #tpu.memory_space<hbm>>
    %dma_start3A_53 = tpu.memref_squeeze %dma_start3A_52 : memref<1x28480xi32, #tpu.memory_space<hbm>> -> memref<28480xi32, #tpu.memory_space<hbm>>
    tpu.enqueue_dma source(%dma_start3A_53 : memref<28480xi32, #tpu.memory_space<hbm>>) target(%arg16 : memref<28480xi32, #tpu.memory_space<vmem>>) target_semaphore(%arg18 : memref<!tpu.dma_semaphore, #tpu.memory_space<semaphore_mem>>)
    %dma_wait3A = arith.constant 0 : i32
    %dma_wait3A_54 = tpu.memref_slice %arg2[%add3A_4, %dma_wait3A] : memref<13824x128xf32, #tpu.memory_space<hbm>> -> memref<72x128xf32, #tpu.memory_space<hbm>>
    %dma_wait3A_55 = arith.constant 0 : i32
    %dma_wait3A_56 = tpu.memref_slice %arg2[%add3A_4, %dma_wait3A_55] : memref<13824x128xf32, #tpu.memory_space<hbm>> -> memref<72x128xf32, #tpu.memory_space<hbm>>
    tpu.wait_dma2 semaphore(%arg18 : memref<!tpu.dma_semaphore, #tpu.memory_space<semaphore_mem>>) src(%dma_wait3A_56 : memref<72x128xf32, #tpu.memory_space<hbm>>) dst(%arg10 : memref<72x128xf32, #tpu.memory_space<vmem>>)
    %dma_wait3A_57 = arith.constant 0 : i32
    %dma_wait3A_58 = tpu.memref_slice %arg2[%add3A_11, %dma_wait3A_57] : memref<13824x128xf32, #tpu.memory_space<hbm>> -> memref<72x128xf32, #tpu.memory_space<hbm>>
    %dma_wait3A_59 = arith.constant 0 : i32
    %dma_wait3A_60 = tpu.memref_slice %arg2[%add3A_11, %dma_wait3A_59] : memref<13824x128xf32, #tpu.memory_space<hbm>> -> memref<72x128xf32, #tpu.memory_space<hbm>>
    tpu.wait_dma2 semaphore(%arg18 : memref<!tpu.dma_semaphore, #tpu.memory_space<semaphore_mem>>) src(%dma_wait3A_60 : memref<72x128xf32, #tpu.memory_space<hbm>>) dst(%arg11 : memref<72x128xf32, #tpu.memory_space<vmem>>)
    %dma_wait3A_61 = arith.constant 0 : i32
    %dma_wait3A_62 = tpu.memref_slice %arg2[%add3A_19, %dma_wait3A_61] : memref<13824x128xf32, #tpu.memory_space<hbm>> -> memref<72x128xf32, #tpu.memory_space<hbm>>
    %dma_wait3A_63 = arith.constant 0 : i32
    %dma_wait3A_64 = tpu.memref_slice %arg2[%add3A_19, %dma_wait3A_63] : memref<13824x128xf32, #tpu.memory_space<hbm>> -> memref<72x128xf32, #tpu.memory_space<hbm>>
    tpu.wait_dma2 semaphore(%arg18 : memref<!tpu.dma_semaphore, #tpu.memory_space<semaphore_mem>>) src(%dma_wait3A_64 : memref<72x128xf32, #tpu.memory_space<hbm>>) dst(%arg12 : memref<72x128xf32, #tpu.memory_space<vmem>>)
    %dma_wait3A_65 = arith.constant 0 : i32
    %dma_wait3A_66 = tpu.memref_slice %arg2[%add3A_27, %dma_wait3A_65] : memref<13824x128xf32, #tpu.memory_space<hbm>> -> memref<72x128xf32, #tpu.memory_space<hbm>>
    %dma_wait3A_67 = arith.constant 0 : i32
    %dma_wait3A_68 = tpu.memref_slice %arg2[%add3A_27, %dma_wait3A_67] : memref<13824x128xf32, #tpu.memory_space<hbm>> -> memref<72x128xf32, #tpu.memory_space<hbm>>
    tpu.wait_dma2 semaphore(%arg18 : memref<!tpu.dma_semaphore, #tpu.memory_space<semaphore_mem>>) src(%dma_wait3A_68 : memref<72x128xf32, #tpu.memory_space<hbm>>) dst(%arg13 : memref<72x128xf32, #tpu.memory_space<vmem>>)
    %dma_wait3A_69 = arith.constant 0 : i32
    %dma_wait3A_70 = tpu.memref_slice %arg2[%add3A_35, %dma_wait3A_69] : memref<13824x128xf32, #tpu.memory_space<hbm>> -> memref<72x128xf32, #tpu.memory_space<hbm>>
    %dma_wait3A_71 = arith.constant 0 : i32
    %dma_wait3A_72 = tpu.memref_slice %arg2[%add3A_35, %dma_wait3A_71] : memref<13824x128xf32, #tpu.memory_space<hbm>> -> memref<72x128xf32, #tpu.memory_space<hbm>>
    tpu.wait_dma2 semaphore(%arg18 : memref<!tpu.dma_semaphore, #tpu.memory_space<semaphore_mem>>) src(%dma_wait3A_72 : memref<72x128xf32, #tpu.memory_space<hbm>>) dst(%arg14 : memref<72x128xf32, #tpu.memory_space<vmem>>)
    %dma_wait3A_73 = arith.constant 0 : i32
    %dma_wait3A_74 = tpu.memref_slice %arg2[%add3A_43, %dma_wait3A_73] : memref<13824x128xf32, #tpu.memory_space<hbm>> -> memref<72x128xf32, #tpu.memory_space<hbm>>
    %dma_wait3A_75 = arith.constant 0 : i32
    %dma_wait3A_76 = tpu.memref_slice %arg2[%add3A_43, %dma_wait3A_75] : memref<13824x128xf32, #tpu.memory_space<hbm>> -> memref<72x128xf32, #tpu.memory_space<hbm>>
    tpu.wait_dma2 semaphore(%arg18 : memref<!tpu.dma_semaphore, #tpu.memory_space<semaphore_mem>>) src(%dma_wait3A_76 : memref<72x128xf32, #tpu.memory_space<hbm>>) dst(%arg15 : memref<72x128xf32, #tpu.memory_space<vmem>>)
    %dma_wait3A_77 = arith.constant 0 : i32
    %dma_wait3A_78 = tpu.memref_slice %arg5[%add3A, %dma_wait3A_77] : memref<32x28480xi32, #tpu.memory_space<hbm>> -> memref<1x28480xi32, #tpu.memory_space<hbm>>
    %dma_wait3A_79 = tpu.memref_squeeze %dma_wait3A_78 : memref<1x28480xi32, #tpu.memory_space<hbm>> -> memref<28480xi32, #tpu.memory_space<hbm>>
    %dma_wait3A_80 = arith.constant 0 : i32
    %dma_wait3A_81 = tpu.memref_slice %arg5[%add3A, %dma_wait3A_80] : memref<32x28480xi32, #tpu.memory_space<hbm>> -> memref<1x28480xi32, #tpu.memory_space<hbm>>
    %dma_wait3A_82 = tpu.memref_squeeze %dma_wait3A_81 : memref<1x28480xi32, #tpu.memory_space<hbm>> -> memref<28480xi32, #tpu.memory_space<hbm>>
    tpu.wait_dma2 semaphore(%arg18 : memref<!tpu.dma_semaphore, #tpu.memory_space<semaphore_mem>>) src(%dma_wait3A_82 : memref<28480xi32, #tpu.memory_space<hbm>>) dst(%arg16 : memref<28480xi32, #tpu.memory_space<vmem>>)
    %parallel_loop3A = arith.constant 0 : i32
    %parallel_loop3A_83 = arith.constant 1780 : i32
    %parallel_loop3A_84 = arith.constant 1 : i32
    scf.for %parallel_loop3A_259 = %parallel_loop3A to %parallel_loop3A_83 step %parallel_loop3A_84  : i32 {
      %parallel_loop3A_260 = arith.constant 16 : i32
      %parallel_loop3A_261 = arith.muli %parallel_loop3A_259, %parallel_loop3A_260 : i32
      %parallel_loop3A_262 = arith.index_cast %parallel_loop3A_261 : i32 to index
      %parallel_loop3A_263 = tpu.vector_load %arg16[%parallel_loop3A_262] {strides = array<i32>} : memref<28480xi32, #tpu.memory_space<vmem>>, vector<16xi32>,
      %parallel_loop3A_264 = arith.constant 25 : i32
      %parallel_loop3A_265 = vector.broadcast %parallel_loop3A_264 : i32 to vector<16xi32>
      %parallel_loop3A_266 = arith.shrui %parallel_loop3A_263, %parallel_loop3A_265 : vector<16xi32>
      %parallel_loop3A_267 = arith.constant 18 : i32
      %parallel_loop3A_268 = vector.broadcast %parallel_loop3A_267 : i32 to vector<16xi32>
      %parallel_loop3A_269 = arith.shrui %parallel_loop3A_263, %parallel_loop3A_268 : vector<16xi32>
      %parallel_loop3A_270 = arith.constant 127 : i32
      %parallel_loop3A_271 = vector.broadcast %parallel_loop3A_270 : i32 to vector<16xi32>
      %parallel_loop3A_272 = arith.andi %parallel_loop3A_269, %parallel_loop3A_271 : vector<16xi32>
      %parallel_loop3A_273 = arith.constant 11 : i32
      %parallel_loop3A_274 = vector.broadcast %parallel_loop3A_273 : i32 to vector<16xi32>
      %parallel_loop3A_275 = arith.shrui %parallel_loop3A_263, %parallel_loop3A_274 : vector<16xi32>
      %parallel_loop3A_276 = arith.constant 127 : i32
      %parallel_loop3A_277 = vector.broadcast %parallel_loop3A_276 : i32 to vector<16xi32>
      %parallel_loop3A_278 = arith.andi %parallel_loop3A_275, %parallel_loop3A_277 : vector<16xi32>
      %parallel_loop3A_279 = arith.constant 2047 : i32
      %parallel_loop3A_280 = vector.broadcast %parallel_loop3A_279 : i32 to vector<16xi32>
      %parallel_loop3A_281 = arith.andi %parallel_loop3A_263, %parallel_loop3A_280 : vector<16xi32>
      %parallel_loop3A_282 = arith.constant 0 : i32
      %parallel_loop3A_283 = vector.broadcast %parallel_loop3A_282 : i32 to vector<16xi32>
      %parallel_loop3A_284 = arith.addi %parallel_loop3A_281, %parallel_loop3A_283 : vector<16xi32>
      %parallel_loop3A_285 = tpu.vector_load_idx %arg10[%parallel_loop3A_266, %parallel_loop3A_278] : memref<72x128xf32, #tpu.memory_space<vmem>>[vector<16xi32>, vector<16xi32>], vector<16xf32>,
      %parallel_loop3A_286 = tpu.vector_load_idx %arg10[%parallel_loop3A_272, %parallel_loop3A_278] : memref<72x128xf32, #tpu.memory_space<vmem>>[vector<16xi32>, vector<16xi32>], vector<16xf32>,
      %parallel_loop3A_287 = arith.constant 0 : i32
      %parallel_loop3A_288 = vector.broadcast %parallel_loop3A_287 : i32 to vector<16xi32>
      %parallel_loop3A_289 = arith.addi %parallel_loop3A_284, %parallel_loop3A_288 : vector<16xi32>
      %parallel_loop3A_290 = arith.subf %parallel_loop3A_285, %parallel_loop3A_286 : vector<16xf32>
      tpu.vector_store_idx %arg17[%parallel_loop3A_289], %parallel_loop3A_290 {add = true} : memref<25216xf32, #tpu.memory_space<vmem>>[vector<16xi32>], vector<16xf32>,
      %parallel_loop3A_291 = tpu.vector_load_idx %arg11[%parallel_loop3A_266, %parallel_loop3A_278] : memref<72x128xf32, #tpu.memory_space<vmem>>[vector<16xi32>, vector<16xi32>], vector<16xf32>,
      %parallel_loop3A_292 = tpu.vector_load_idx %arg11[%parallel_loop3A_272, %parallel_loop3A_278] : memref<72x128xf32, #tpu.memory_space<vmem>>[vector<16xi32>, vector<16xi32>], vector<16xf32>,
      %parallel_loop3A_293 = arith.constant 4160 : i32
      %parallel_loop3A_294 = vector.broadcast %parallel_loop3A_293 : i32 to vector<16xi32>
      %parallel_loop3A_295 = arith.addi %parallel_loop3A_284, %parallel_loop3A_294 : vector<16xi32>
      %parallel_loop3A_296 = arith.subf %parallel_loop3A_291, %parallel_loop3A_292 : vector<16xf32>
      tpu.vector_store_idx %arg17[%parallel_loop3A_295], %parallel_loop3A_296 {add = true} : memref<25216xf32, #tpu.memory_space<vmem>>[vector<16xi32>], vector<16xf32>,
      %parallel_loop3A_297 = tpu.vector_load_idx %arg12[%parallel_loop3A_266, %parallel_loop3A_278] : memref<72x128xf32, #tpu.memory_space<vmem>>[vector<16xi32>, vector<16xi32>], vector<16xf32>,
      %parallel_loop3A_298 = tpu.vector_load_idx %arg12[%parallel_loop3A_272, %parallel_loop3A_278] : memref<72x128xf32, #tpu.memory_space<vmem>>[vector<16xi32>, vector<16xi32>], vector<16xf32>,
      %parallel_loop3A_299 = arith.constant 8320 : i32
      %parallel_loop3A_300 = vector.broadcast %parallel_loop3A_299 : i32 to vector<16xi32>
      %parallel_loop3A_301 = arith.addi %parallel_loop3A_284, %parallel_loop3A_300 : vector<16xi32>
      %parallel_loop3A_302 = arith.subf %parallel_loop3A_297, %parallel_loop3A_298 : vector<16xf32>
      tpu.vector_store_idx %arg17[%parallel_loop3A_301], %parallel_loop3A_302 {add = true} : memref<25216xf32, #tpu.memory_space<vmem>>[vector<16xi32>], vector<16xf32>,
      %parallel_loop3A_303 = tpu.vector_load_idx %arg13[%parallel_loop3A_266, %parallel_loop3A_278] : memref<72x128xf32, #tpu.memory_space<vmem>>[vector<16xi32>, vector<16xi32>], vector<16xf32>,
      %parallel_loop3A_304 = tpu.vector_load_idx %arg13[%parallel_loop3A_272, %parallel_loop3A_278] : memref<72x128xf32, #tpu.memory_space<vmem>>[vector<16xi32>, vector<16xi32>], vector<16xf32>,
      %parallel_loop3A_305 = arith.constant 12480 : i32
      %parallel_loop3A_306 = vector.broadcast %parallel_loop3A_305 : i32 to vector<16xi32>
      %parallel_loop3A_307 = arith.addi %parallel_loop3A_284, %parallel_loop3A_306 : vector<16xi32>
      %parallel_loop3A_308 = arith.subf %parallel_loop3A_303, %parallel_loop3A_304 : vector<16xf32>
      tpu.vector_store_idx %arg17[%parallel_loop3A_307], %parallel_loop3A_308 {add = true} : memref<25216xf32, #tpu.memory_space<vmem>>[vector<16xi32>], vector<16xf32>,
      %parallel_loop3A_309 = tpu.vector_load_idx %arg14[%parallel_loop3A_266, %parallel_loop3A_278] : memref<72x128xf32, #tpu.memory_space<vmem>>[vector<16xi32>, vector<16xi32>], vector<16xf32>,
      %parallel_loop3A_310 = tpu.vector_load_idx %arg14[%parallel_loop3A_272, %parallel_loop3A_278] : memref<72x128xf32, #tpu.memory_space<vmem>>[vector<16xi32>, vector<16xi32>], vector<16xf32>,
      %parallel_loop3A_311 = arith.constant 16640 : i32
      %parallel_loop3A_312 = vector.broadcast %parallel_loop3A_311 : i32 to vector<16xi32>
      %parallel_loop3A_313 = arith.addi %parallel_loop3A_284, %parallel_loop3A_312 : vector<16xi32>
      %parallel_loop3A_314 = arith.subf %parallel_loop3A_309, %parallel_loop3A_310 : vector<16xf32>
      tpu.vector_store_idx %arg17[%parallel_loop3A_313], %parallel_loop3A_314 {add = true} : memref<25216xf32, #tpu.memory_space<vmem>>[vector<16xi32>], vector<16xf32>,
      %parallel_loop3A_315 = tpu.vector_load_idx %arg15[%parallel_loop3A_266, %parallel_loop3A_278] : memref<72x128xf32, #tpu.memory_space<vmem>>[vector<16xi32>, vector<16xi32>], vector<16xf32>,
      %parallel_loop3A_316 = tpu.vector_load_idx %arg15[%parallel_loop3A_272, %parallel_loop3A_278] : memref<72x128xf32, #tpu.memory_space<vmem>>[vector<16xi32>, vector<16xi32>], vector<16xf32>,
      %parallel_loop3A_317 = arith.constant 20800 : i32
      %parallel_loop3A_318 = vector.broadcast %parallel_loop3A_317 : i32 to vector<16xi32>
      %parallel_loop3A_319 = arith.addi %parallel_loop3A_284, %parallel_loop3A_318 : vector<16xi32>
      %parallel_loop3A_320 = arith.subf %parallel_loop3A_315, %parallel_loop3A_316 : vector<16xf32>
      tpu.vector_store_idx %arg17[%parallel_loop3A_319], %parallel_loop3A_320 {add = true} : memref<25216xf32, #tpu.memory_space<vmem>>[vector<16xi32>], vector<16xf32>,
    } {sc.loop_unroll_factor = 8 : i64, sc.parallel_access}
    %mul3A_85 = arith.constant 72 : i32
    %mul3A_86 = arith.muli %add3A, %mul3A_85 : i32
    %add3A_87 = arith.constant 0 : i32
    %add3A_88 = arith.addi %add3A_87, %mul3A_86 : i32
    %dma_start3A_89 = arith.constant 0 : i32
    %dma_start3A_90 = tpu.memref_slice %arg3[%add3A_88, %dma_start3A_89] : memref<13824x128xf32, #tpu.memory_space<hbm>> -> memref<72x128xf32, #tpu.memory_space<hbm>>
    %dma_start3A_91 = arith.constant 0 : i32
    %dma_start3A_92 = tpu.memref_slice %arg3[%add3A_88, %dma_start3A_91] : memref<13824x128xf32, #tpu.memory_space<hbm>> -> memref<72x128xf32, #tpu.memory_space<hbm>>
    tpu.enqueue_dma source(%dma_start3A_92 : memref<72x128xf32, #tpu.memory_space<hbm>>) target(%arg10 : memref<72x128xf32, #tpu.memory_space<vmem>>) target_semaphore(%arg18 : memref<!tpu.dma_semaphore, #tpu.memory_space<semaphore_mem>>)
    %mul3A_93 = arith.constant 72 : i32
    %mul3A_94 = arith.muli %add3A, %mul3A_93 : i32
    %add3A_95 = arith.constant 2304 : i32
    %add3A_96 = arith.addi %add3A_95, %mul3A_94 : i32
    %dma_start3A_97 = arith.constant 0 : i32
    %dma_start3A_98 = tpu.memref_slice %arg3[%add3A_96, %dma_start3A_97] : memref<13824x128xf32, #tpu.memory_space<hbm>> -> memref<72x128xf32, #tpu.memory_space<hbm>>
    %dma_start3A_99 = arith.constant 0 : i32
    %dma_start3A_100 = tpu.memref_slice %arg3[%add3A_96, %dma_start3A_99] : memref<13824x128xf32, #tpu.memory_space<hbm>> -> memref<72x128xf32, #tpu.memory_space<hbm>>
    tpu.enqueue_dma source(%dma_start3A_100 : memref<72x128xf32, #tpu.memory_space<hbm>>) target(%arg11 : memref<72x128xf32, #tpu.memory_space<vmem>>) target_semaphore(%arg18 : memref<!tpu.dma_semaphore, #tpu.memory_space<semaphore_mem>>)
    %mul3A_101 = arith.constant 72 : i32
    %mul3A_102 = arith.muli %add3A, %mul3A_101 : i32
    %add3A_103 = arith.constant 4608 : i32
    %add3A_104 = arith.addi %add3A_103, %mul3A_102 : i32
    %dma_start3A_105 = arith.constant 0 : i32
    %dma_start3A_106 = tpu.memref_slice %arg3[%add3A_104, %dma_start3A_105] : memref<13824x128xf32, #tpu.memory_space<hbm>> -> memref<72x128xf32, #tpu.memory_space<hbm>>
    %dma_start3A_107 = arith.constant 0 : i32
    %dma_start3A_108 = tpu.memref_slice %arg3[%add3A_104, %dma_start3A_107] : memref<13824x128xf32, #tpu.memory_space<hbm>> -> memref<72x128xf32, #tpu.memory_space<hbm>>
    tpu.enqueue_dma source(%dma_start3A_108 : memref<72x128xf32, #tpu.memory_space<hbm>>) target(%arg12 : memref<72x128xf32, #tpu.memory_space<vmem>>) target_semaphore(%arg18 : memref<!tpu.dma_semaphore, #tpu.memory_space<semaphore_mem>>)
    %mul3A_109 = arith.constant 72 : i32
    %mul3A_110 = arith.muli %add3A, %mul3A_109 : i32
    %add3A_111 = arith.constant 6912 : i32
    %add3A_112 = arith.addi %add3A_111, %mul3A_110 : i32
    %dma_start3A_113 = arith.constant 0 : i32
    %dma_start3A_114 = tpu.memref_slice %arg3[%add3A_112, %dma_start3A_113] : memref<13824x128xf32, #tpu.memory_space<hbm>> -> memref<72x128xf32, #tpu.memory_space<hbm>>
    %dma_start3A_115 = arith.constant 0 : i32
    %dma_start3A_116 = tpu.memref_slice %arg3[%add3A_112, %dma_start3A_115] : memref<13824x128xf32, #tpu.memory_space<hbm>> -> memref<72x128xf32, #tpu.memory_space<hbm>>
    tpu.enqueue_dma source(%dma_start3A_116 : memref<72x128xf32, #tpu.memory_space<hbm>>) target(%arg13 : memref<72x128xf32, #tpu.memory_space<vmem>>) target_semaphore(%arg18 : memref<!tpu.dma_semaphore, #tpu.memory_space<semaphore_mem>>)
    %mul3A_117 = arith.constant 72 : i32
    %mul3A_118 = arith.muli %add3A, %mul3A_117 : i32
    %add3A_119 = arith.constant 9216 : i32
    %add3A_120 = arith.addi %add3A_119, %mul3A_118 : i32
    %dma_start3A_121 = arith.constant 0 : i32
    %dma_start3A_122 = tpu.memref_slice %arg3[%add3A_120, %dma_start3A_121] : memref<13824x128xf32, #tpu.memory_space<hbm>> -> memref<72x128xf32, #tpu.memory_space<hbm>>
    %dma_start3A_123 = arith.constant 0 : i32
    %dma_start3A_124 = tpu.memref_slice %arg3[%add3A_120, %dma_start3A_123] : memref<13824x128xf32, #tpu.memory_space<hbm>> -> memref<72x128xf32, #tpu.memory_space<hbm>>
    tpu.enqueue_dma source(%dma_start3A_124 : memref<72x128xf32, #tpu.memory_space<hbm>>) target(%arg14 : memref<72x128xf32, #tpu.memory_space<vmem>>) target_semaphore(%arg18 : memref<!tpu.dma_semaphore, #tpu.memory_space<semaphore_mem>>)
    %mul3A_125 = arith.constant 72 : i32
    %mul3A_126 = arith.muli %add3A, %mul3A_125 : i32
    %add3A_127 = arith.constant 11520 : i32
    %add3A_128 = arith.addi %add3A_127, %mul3A_126 : i32
    %dma_start3A_129 = arith.constant 0 : i32
    %dma_start3A_130 = tpu.memref_slice %arg3[%add3A_128, %dma_start3A_129] : memref<13824x128xf32, #tpu.memory_space<hbm>> -> memref<72x128xf32, #tpu.memory_space<hbm>>
    %dma_start3A_131 = arith.constant 0 : i32
    %dma_start3A_132 = tpu.memref_slice %arg3[%add3A_128, %dma_start3A_131] : memref<13824x128xf32, #tpu.memory_space<hbm>> -> memref<72x128xf32, #tpu.memory_space<hbm>>
    tpu.enqueue_dma source(%dma_start3A_132 : memref<72x128xf32, #tpu.memory_space<hbm>>) target(%arg15 : memref<72x128xf32, #tpu.memory_space<vmem>>) target_semaphore(%arg18 : memref<!tpu.dma_semaphore, #tpu.memory_space<semaphore_mem>>)
    %dma_start3A_133 = arith.constant 0 : i32
    %dma_start3A_134 = tpu.memref_slice %arg6[%add3A, %dma_start3A_133] : memref<32x28480xi32, #tpu.memory_space<hbm>> -> memref<1x28480xi32, #tpu.memory_space<hbm>>
    %dma_start3A_135 = tpu.memref_squeeze %dma_start3A_134 : memref<1x28480xi32, #tpu.memory_space<hbm>> -> memref<28480xi32, #tpu.memory_space<hbm>>
    %dma_start3A_136 = arith.constant 0 : i32
    %dma_start3A_137 = tpu.memref_slice %arg6[%add3A, %dma_start3A_136] : memref<32x28480xi32, #tpu.memory_space<hbm>> -> memref<1x28480xi32, #tpu.memory_space<hbm>>
    %dma_start3A_138 = tpu.memref_squeeze %dma_start3A_137 : memref<1x28480xi32, #tpu.memory_space<hbm>> -> memref<28480xi32, #tpu.memory_space<hbm>>
    tpu.enqueue_dma source(%dma_start3A_138 : memref<28480xi32, #tpu.memory_space<hbm>>) target(%arg16 : memref<28480xi32, #tpu.memory_space<vmem>>) target_semaphore(%arg18 : memref<!tpu.dma_semaphore, #tpu.memory_space<semaphore_mem>>)
    %dma_wait3A_139 = arith.constant 0 : i32
    %dma_wait3A_140 = tpu.memref_slice %arg3[%add3A_88, %dma_wait3A_139] : memref<13824x128xf32, #tpu.memory_space<hbm>> -> memref<72x128xf32, #tpu.memory_space<hbm>>
    %dma_wait3A_141 = arith.constant 0 : i32
    %dma_wait3A_142 = tpu.memref_slice %arg3[%add3A_88, %dma_wait3A_141] : memref<13824x128xf32, #tpu.memory_space<hbm>> -> memref<72x128xf32, #tpu.memory_space<hbm>>
    tpu.wait_dma2 semaphore(%arg18 : memref<!tpu.dma_semaphore, #tpu.memory_space<semaphore_mem>>) src(%dma_wait3A_142 : memref<72x128xf32, #tpu.memory_space<hbm>>) dst(%arg10 : memref<72x128xf32, #tpu.memory_space<vmem>>)
    %dma_wait3A_143 = arith.constant 0 : i32
    %dma_wait3A_144 = tpu.memref_slice %arg3[%add3A_96, %dma_wait3A_143] : memref<13824x128xf32, #tpu.memory_space<hbm>> -> memref<72x128xf32, #tpu.memory_space<hbm>>
    %dma_wait3A_145 = arith.constant 0 : i32
    %dma_wait3A_146 = tpu.memref_slice %arg3[%add3A_96, %dma_wait3A_145] : memref<13824x128xf32, #tpu.memory_space<hbm>> -> memref<72x128xf32, #tpu.memory_space<hbm>>
    tpu.wait_dma2 semaphore(%arg18 : memref<!tpu.dma_semaphore, #tpu.memory_space<semaphore_mem>>) src(%dma_wait3A_146 : memref<72x128xf32, #tpu.memory_space<hbm>>) dst(%arg11 : memref<72x128xf32, #tpu.memory_space<vmem>>)
    %dma_wait3A_147 = arith.constant 0 : i32
    %dma_wait3A_148 = tpu.memref_slice %arg3[%add3A_104, %dma_wait3A_147] : memref<13824x128xf32, #tpu.memory_space<hbm>> -> memref<72x128xf32, #tpu.memory_space<hbm>>
    %dma_wait3A_149 = arith.constant 0 : i32
    %dma_wait3A_150 = tpu.memref_slice %arg3[%add3A_104, %dma_wait3A_149] : memref<13824x128xf32, #tpu.memory_space<hbm>> -> memref<72x128xf32, #tpu.memory_space<hbm>>
    tpu.wait_dma2 semaphore(%arg18 : memref<!tpu.dma_semaphore, #tpu.memory_space<semaphore_mem>>) src(%dma_wait3A_150 : memref<72x128xf32, #tpu.memory_space<hbm>>) dst(%arg12 : memref<72x128xf32, #tpu.memory_space<vmem>>)
    %dma_wait3A_151 = arith.constant 0 : i32
    %dma_wait3A_152 = tpu.memref_slice %arg3[%add3A_112, %dma_wait3A_151] : memref<13824x128xf32, #tpu.memory_space<hbm>> -> memref<72x128xf32, #tpu.memory_space<hbm>>
    %dma_wait3A_153 = arith.constant 0 : i32
    %dma_wait3A_154 = tpu.memref_slice %arg3[%add3A_112, %dma_wait3A_153] : memref<13824x128xf32, #tpu.memory_space<hbm>> -> memref<72x128xf32, #tpu.memory_space<hbm>>
    tpu.wait_dma2 semaphore(%arg18 : memref<!tpu.dma_semaphore, #tpu.memory_space<semaphore_mem>>) src(%dma_wait3A_154 : memref<72x128xf32, #tpu.memory_space<hbm>>) dst(%arg13 : memref<72x128xf32, #tpu.memory_space<vmem>>)
    %dma_wait3A_155 = arith.constant 0 : i32
    %dma_wait3A_156 = tpu.memref_slice %arg3[%add3A_120, %dma_wait3A_155] : memref<13824x128xf32, #tpu.memory_space<hbm>> -> memref<72x128xf32, #tpu.memory_space<hbm>>
    %dma_wait3A_157 = arith.constant 0 : i32
    %dma_wait3A_158 = tpu.memref_slice %arg3[%add3A_120, %dma_wait3A_157] : memref<13824x128xf32, #tpu.memory_space<hbm>> -> memref<72x128xf32, #tpu.memory_space<hbm>>
    tpu.wait_dma2 semaphore(%arg18 : memref<!tpu.dma_semaphore, #tpu.memory_space<semaphore_mem>>) src(%dma_wait3A_158 : memref<72x128xf32, #tpu.memory_space<hbm>>) dst(%arg14 : memref<72x128xf32, #tpu.memory_space<vmem>>)
    %dma_wait3A_159 = arith.constant 0 : i32
    %dma_wait3A_160 = tpu.memref_slice %arg3[%add3A_128, %dma_wait3A_159] : memref<13824x128xf32, #tpu.memory_space<hbm>> -> memref<72x128xf32, #tpu.memory_space<hbm>>
    %dma_wait3A_161 = arith.constant 0 : i32
    %dma_wait3A_162 = tpu.memref_slice %arg3[%add3A_128, %dma_wait3A_161] : memref<13824x128xf32, #tpu.memory_space<hbm>> -> memref<72x128xf32, #tpu.memory_space<hbm>>
    tpu.wait_dma2 semaphore(%arg18 : memref<!tpu.dma_semaphore, #tpu.memory_space<semaphore_mem>>) src(%dma_wait3A_162 : memref<72x128xf32, #tpu.memory_space<hbm>>) dst(%arg15 : memref<72x128xf32, #tpu.memory_space<vmem>>)
    %dma_wait3A_163 = arith.constant 0 : i32
    %dma_wait3A_164 = tpu.memref_slice %arg6[%add3A, %dma_wait3A_163] : memref<32x28480xi32, #tpu.memory_space<hbm>> -> memref<1x28480xi32, #tpu.memory_space<hbm>>
    %dma_wait3A_165 = tpu.memref_squeeze %dma_wait3A_164 : memref<1x28480xi32, #tpu.memory_space<hbm>> -> memref<28480xi32, #tpu.memory_space<hbm>>
    %dma_wait3A_166 = arith.constant 0 : i32
    %dma_wait3A_167 = tpu.memref_slice %arg6[%add3A, %dma_wait3A_166] : memref<32x28480xi32, #tpu.memory_space<hbm>> -> memref<1x28480xi32, #tpu.memory_space<hbm>>
    %dma_wait3A_168 = tpu.memref_squeeze %dma_wait3A_167 : memref<1x28480xi32, #tpu.memory_space<hbm>> -> memref<28480xi32, #tpu.memory_space<hbm>>
    tpu.wait_dma2 semaphore(%arg18 : memref<!tpu.dma_semaphore, #tpu.memory_space<semaphore_mem>>) src(%dma_wait3A_168 : memref<28480xi32, #tpu.memory_space<hbm>>) dst(%arg16 : memref<28480xi32, #tpu.memory_space<vmem>>)
    %parallel_loop3A_169 = arith.constant 0 : i32
    %parallel_loop3A_170 = arith.constant 1460 : i32
    %parallel_loop3A_171 = arith.constant 1 : i32
    scf.for %parallel_loop3A_259 = %parallel_loop3A_169 to %parallel_loop3A_170 step %parallel_loop3A_171  : i32 {
      %parallel_loop3A_260 = arith.constant 16 : i32
      %parallel_loop3A_261 = arith.muli %parallel_loop3A_259, %parallel_loop3A_260 : i32
      %parallel_loop3A_262 = arith.index_cast %parallel_loop3A_261 : i32 to index
      %parallel_loop3A_263 = tpu.vector_load %arg16[%parallel_loop3A_262] {strides = array<i32>} : memref<28480xi32, #tpu.memory_space<vmem>>, vector<16xi32>,
      %parallel_loop3A_264 = arith.constant 25 : i32
      %parallel_loop3A_265 = vector.broadcast %parallel_loop3A_264 : i32 to vector<16xi32>
      %parallel_loop3A_266 = arith.shrui %parallel_loop3A_263, %parallel_loop3A_265 : vector<16xi32>
      %parallel_loop3A_267 = arith.constant 18 : i32
      %parallel_loop3A_268 = vector.broadcast %parallel_loop3A_267 : i32 to vector<16xi32>
      %parallel_loop3A_269 = arith.shrui %parallel_loop3A_263, %parallel_loop3A_268 : vector<16xi32>
      %parallel_loop3A_270 = arith.constant 127 : i32
      %parallel_loop3A_271 = vector.broadcast %parallel_loop3A_270 : i32 to vector<16xi32>
      %parallel_loop3A_272 = arith.andi %parallel_loop3A_269, %parallel_loop3A_271 : vector<16xi32>
      %parallel_loop3A_273 = arith.constant 11 : i32
      %parallel_loop3A_274 = vector.broadcast %parallel_loop3A_273 : i32 to vector<16xi32>
      %parallel_loop3A_275 = arith.shrui %parallel_loop3A_263, %parallel_loop3A_274 : vector<16xi32>
      %parallel_loop3A_276 = arith.constant 127 : i32
      %parallel_loop3A_277 = vector.broadcast %parallel_loop3A_276 : i32 to vector<16xi32>
      %parallel_loop3A_278 = arith.andi %parallel_loop3A_275, %parallel_loop3A_277 : vector<16xi32>
      %parallel_loop3A_279 = arith.constant 2047 : i32
      %parallel_loop3A_280 = vector.broadcast %parallel_loop3A_279 : i32 to vector<16xi32>
      %parallel_loop3A_281 = arith.andi %parallel_loop3A_263, %parallel_loop3A_280 : vector<16xi32>
      %parallel_loop3A_282 = arith.constant 1472 : i32
      %parallel_loop3A_283 = vector.broadcast %parallel_loop3A_282 : i32 to vector<16xi32>
      %parallel_loop3A_284 = arith.addi %parallel_loop3A_281, %parallel_loop3A_283 : vector<16xi32>
      %parallel_loop3A_285 = tpu.vector_load_idx %arg10[%parallel_loop3A_266, %parallel_loop3A_278] : memref<72x128xf32, #tpu.memory_space<vmem>>[vector<16xi32>, vector<16xi32>], vector<16xf32>,
      %parallel_loop3A_286 = tpu.vector_load_idx %arg10[%parallel_loop3A_272, %parallel_loop3A_278] : memref<72x128xf32, #tpu.memory_space<vmem>>[vector<16xi32>, vector<16xi32>], vector<16xf32>,
      %parallel_loop3A_287 = arith.constant 0 : i32
      %parallel_loop3A_288 = vector.broadcast %parallel_loop3A_287 : i32 to vector<16xi32>
      %parallel_loop3A_289 = arith.addi %parallel_loop3A_284, %parallel_loop3A_288 : vector<16xi32>
      %parallel_loop3A_290 = arith.subf %parallel_loop3A_285, %parallel_loop3A_286 : vector<16xf32>
      tpu.vector_store_idx %arg17[%parallel_loop3A_289], %parallel_loop3A_290 {add = true} : memref<25216xf32, #tpu.memory_space<vmem>>[vector<16xi32>], vector<16xf32>,
      %parallel_loop3A_291 = tpu.vector_load_idx %arg11[%parallel_loop3A_266, %parallel_loop3A_278] : memref<72x128xf32, #tpu.memory_space<vmem>>[vector<16xi32>, vector<16xi32>], vector<16xf32>,
      %parallel_loop3A_292 = tpu.vector_load_idx %arg11[%parallel_loop3A_272, %parallel_loop3A_278] : memref<72x128xf32, #tpu.memory_space<vmem>>[vector<16xi32>, vector<16xi32>], vector<16xf32>,
      %parallel_loop3A_293 = arith.constant 4160 : i32
      %parallel_loop3A_294 = vector.broadcast %parallel_loop3A_293 : i32 to vector<16xi32>
      %parallel_loop3A_295 = arith.addi %parallel_loop3A_284, %parallel_loop3A_294 : vector<16xi32>
      %parallel_loop3A_296 = arith.subf %parallel_loop3A_291, %parallel_loop3A_292 : vector<16xf32>
      tpu.vector_store_idx %arg17[%parallel_loop3A_295], %parallel_loop3A_296 {add = true} : memref<25216xf32, #tpu.memory_space<vmem>>[vector<16xi32>], vector<16xf32>,
      %parallel_loop3A_297 = tpu.vector_load_idx %arg12[%parallel_loop3A_266, %parallel_loop3A_278] : memref<72x128xf32, #tpu.memory_space<vmem>>[vector<16xi32>, vector<16xi32>], vector<16xf32>,
      %parallel_loop3A_298 = tpu.vector_load_idx %arg12[%parallel_loop3A_272, %parallel_loop3A_278] : memref<72x128xf32, #tpu.memory_space<vmem>>[vector<16xi32>, vector<16xi32>], vector<16xf32>,
      %parallel_loop3A_299 = arith.constant 8320 : i32
      %parallel_loop3A_300 = vector.broadcast %parallel_loop3A_299 : i32 to vector<16xi32>
      %parallel_loop3A_301 = arith.addi %parallel_loop3A_284, %parallel_loop3A_300 : vector<16xi32>
      %parallel_loop3A_302 = arith.subf %parallel_loop3A_297, %parallel_loop3A_298 : vector<16xf32>
      tpu.vector_store_idx %arg17[%parallel_loop3A_301], %parallel_loop3A_302 {add = true} : memref<25216xf32, #tpu.memory_space<vmem>>[vector<16xi32>], vector<16xf32>,
      %parallel_loop3A_303 = tpu.vector_load_idx %arg13[%parallel_loop3A_266, %parallel_loop3A_278] : memref<72x128xf32, #tpu.memory_space<vmem>>[vector<16xi32>, vector<16xi32>], vector<16xf32>,
      %parallel_loop3A_304 = tpu.vector_load_idx %arg13[%parallel_loop3A_272, %parallel_loop3A_278] : memref<72x128xf32, #tpu.memory_space<vmem>>[vector<16xi32>, vector<16xi32>], vector<16xf32>,
      %parallel_loop3A_305 = arith.constant 12480 : i32
      %parallel_loop3A_306 = vector.broadcast %parallel_loop3A_305 : i32 to vector<16xi32>
      %parallel_loop3A_307 = arith.addi %parallel_loop3A_284, %parallel_loop3A_306 : vector<16xi32>
      %parallel_loop3A_308 = arith.subf %parallel_loop3A_303, %parallel_loop3A_304 : vector<16xf32>
      tpu.vector_store_idx %arg17[%parallel_loop3A_307], %parallel_loop3A_308 {add = true} : memref<25216xf32, #tpu.memory_space<vmem>>[vector<16xi32>], vector<16xf32>,
      %parallel_loop3A_309 = tpu.vector_load_idx %arg14[%parallel_loop3A_266, %parallel_loop3A_278] : memref<72x128xf32, #tpu.memory_space<vmem>>[vector<16xi32>, vector<16xi32>], vector<16xf32>,
      %parallel_loop3A_310 = tpu.vector_load_idx %arg14[%parallel_loop3A_272, %parallel_loop3A_278] : memref<72x128xf32, #tpu.memory_space<vmem>>[vector<16xi32>, vector<16xi32>], vector<16xf32>,
      %parallel_loop3A_311 = arith.constant 16640 : i32
      %parallel_loop3A_312 = vector.broadcast %parallel_loop3A_311 : i32 to vector<16xi32>
      %parallel_loop3A_313 = arith.addi %parallel_loop3A_284, %parallel_loop3A_312 : vector<16xi32>
      %parallel_loop3A_314 = arith.subf %parallel_loop3A_309, %parallel_loop3A_310 : vector<16xf32>
      tpu.vector_store_idx %arg17[%parallel_loop3A_313], %parallel_loop3A_314 {add = true} : memref<25216xf32, #tpu.memory_space<vmem>>[vector<16xi32>], vector<16xf32>,
      %parallel_loop3A_315 = tpu.vector_load_idx %arg15[%parallel_loop3A_266, %parallel_loop3A_278] : memref<72x128xf32, #tpu.memory_space<vmem>>[vector<16xi32>, vector<16xi32>], vector<16xf32>,
      %parallel_loop3A_316 = tpu.vector_load_idx %arg15[%parallel_loop3A_272, %parallel_loop3A_278] : memref<72x128xf32, #tpu.memory_space<vmem>>[vector<16xi32>, vector<16xi32>], vector<16xf32>,
      %parallel_loop3A_317 = arith.constant 20800 : i32
      %parallel_loop3A_318 = vector.broadcast %parallel_loop3A_317 : i32 to vector<16xi32>
      %parallel_loop3A_319 = arith.addi %parallel_loop3A_284, %parallel_loop3A_318 : vector<16xi32>
      %parallel_loop3A_320 = arith.subf %parallel_loop3A_315, %parallel_loop3A_316 : vector<16xf32>
      tpu.vector_store_idx %arg17[%parallel_loop3A_319], %parallel_loop3A_320 {add = true} : memref<25216xf32, #tpu.memory_space<vmem>>[vector<16xi32>], vector<16xf32>,
    } {sc.loop_unroll_factor = 8 : i64, sc.parallel_access}
    %mul3A_172 = arith.constant 72 : i32
    %mul3A_173 = arith.muli %add3A, %mul3A_172 : i32
    %add3A_174 = arith.constant 0 : i32
    %add3A_175 = arith.addi %add3A_174, %mul3A_173 : i32
    %dma_start3A_176 = arith.constant 0 : i32
    %dma_start3A_177 = tpu.memref_slice %arg4[%add3A_175, %dma_start3A_176] : memref<13824x128xf32, #tpu.memory_space<hbm>> -> memref<72x128xf32, #tpu.memory_space<hbm>>
    %dma_start3A_178 = arith.constant 0 : i32
    %dma_start3A_179 = tpu.memref_slice %arg4[%add3A_175, %dma_start3A_178] : memref<13824x128xf32, #tpu.memory_space<hbm>> -> memref<72x128xf32, #tpu.memory_space<hbm>>
    tpu.enqueue_dma source(%dma_start3A_179 : memref<72x128xf32, #tpu.memory_space<hbm>>) target(%arg10 : memref<72x128xf32, #tpu.memory_space<vmem>>) target_semaphore(%arg18 : memref<!tpu.dma_semaphore, #tpu.memory_space<semaphore_mem>>)
    %mul3A_180 = arith.constant 72 : i32
    %mul3A_181 = arith.muli %add3A, %mul3A_180 : i32
    %add3A_182 = arith.constant 2304 : i32
    %add3A_183 = arith.addi %add3A_182, %mul3A_181 : i32
    %dma_start3A_184 = arith.constant 0 : i32
    %dma_start3A_185 = tpu.memref_slice %arg4[%add3A_183, %dma_start3A_184] : memref<13824x128xf32, #tpu.memory_space<hbm>> -> memref<72x128xf32, #tpu.memory_space<hbm>>
    %dma_start3A_186 = arith.constant 0 : i32
    %dma_start3A_187 = tpu.memref_slice %arg4[%add3A_183, %dma_start3A_186] : memref<13824x128xf32, #tpu.memory_space<hbm>> -> memref<72x128xf32, #tpu.memory_space<hbm>>
    tpu.enqueue_dma source(%dma_start3A_187 : memref<72x128xf32, #tpu.memory_space<hbm>>) target(%arg11 : memref<72x128xf32, #tpu.memory_space<vmem>>) target_semaphore(%arg18 : memref<!tpu.dma_semaphore, #tpu.memory_space<semaphore_mem>>)
    %mul3A_188 = arith.constant 72 : i32
    %mul3A_189 = arith.muli %add3A, %mul3A_188 : i32
    %add3A_190 = arith.constant 4608 : i32
    %add3A_191 = arith.addi %add3A_190, %mul3A_189 : i32
    %dma_start3A_192 = arith.constant 0 : i32
    %dma_start3A_193 = tpu.memref_slice %arg4[%add3A_191, %dma_start3A_192] : memref<13824x128xf32, #tpu.memory_space<hbm>> -> memref<72x128xf32, #tpu.memory_space<hbm>>
    %dma_start3A_194 = arith.constant 0 : i32
    %dma_start3A_195 = tpu.memref_slice %arg4[%add3A_191, %dma_start3A_194] : memref<13824x128xf32, #tpu.memory_space<hbm>> -> memref<72x128xf32, #tpu.memory_space<hbm>>
    tpu.enqueue_dma source(%dma_start3A_195 : memref<72x128xf32, #tpu.memory_space<hbm>>) target(%arg12 : memref<72x128xf32, #tpu.memory_space<vmem>>) target_semaphore(%arg18 : memref<!tpu.dma_semaphore, #tpu.memory_space<semaphore_mem>>)
    %mul3A_196 = arith.constant 72 : i32
    %mul3A_197 = arith.muli %add3A, %mul3A_196 : i32
    %add3A_198 = arith.constant 6912 : i32
    %add3A_199 = arith.addi %add3A_198, %mul3A_197 : i32
    %dma_start3A_200 = arith.constant 0 : i32
    %dma_start3A_201 = tpu.memref_slice %arg4[%add3A_199, %dma_start3A_200] : memref<13824x128xf32, #tpu.memory_space<hbm>> -> memref<72x128xf32, #tpu.memory_space<hbm>>
    %dma_start3A_202 = arith.constant 0 : i32
    %dma_start3A_203 = tpu.memref_slice %arg4[%add3A_199, %dma_start3A_202] : memref<13824x128xf32, #tpu.memory_space<hbm>> -> memref<72x128xf32, #tpu.memory_space<hbm>>
    tpu.enqueue_dma source(%dma_start3A_203 : memref<72x128xf32, #tpu.memory_space<hbm>>) target(%arg13 : memref<72x128xf32, #tpu.memory_space<vmem>>) target_semaphore(%arg18 : memref<!tpu.dma_semaphore, #tpu.memory_space<semaphore_mem>>)
    %mul3A_204 = arith.constant 72 : i32
    %mul3A_205 = arith.muli %add3A, %mul3A_204 : i32
    %add3A_206 = arith.constant 9216 : i32
    %add3A_207 = arith.addi %add3A_206, %mul3A_205 : i32
    %dma_start3A_208 = arith.constant 0 : i32
    %dma_start3A_209 = tpu.memref_slice %arg4[%add3A_207, %dma_start3A_208] : memref<13824x128xf32, #tpu.memory_space<hbm>> -> memref<72x128xf32, #tpu.memory_space<hbm>>
    %dma_start3A_210 = arith.constant 0 : i32
    %dma_start3A_211 = tpu.memref_slice %arg4[%add3A_207, %dma_start3A_210] : memref<13824x128xf32, #tpu.memory_space<hbm>> -> memref<72x128xf32, #tpu.memory_space<hbm>>
    tpu.enqueue_dma source(%dma_start3A_211 : memref<72x128xf32, #tpu.memory_space<hbm>>) target(%arg14 : memref<72x128xf32, #tpu.memory_space<vmem>>) target_semaphore(%arg18 : memref<!tpu.dma_semaphore, #tpu.memory_space<semaphore_mem>>)
    %mul3A_212 = arith.constant 72 : i32
    %mul3A_213 = arith.muli %add3A, %mul3A_212 : i32
    %add3A_214 = arith.constant 11520 : i32
    %add3A_215 = arith.addi %add3A_214, %mul3A_213 : i32
    %dma_start3A_216 = arith.constant 0 : i32
    %dma_start3A_217 = tpu.memref_slice %arg4[%add3A_215, %dma_start3A_216] : memref<13824x128xf32, #tpu.memory_space<hbm>> -> memref<72x128xf32, #tpu.memory_space<hbm>>
    %dma_start3A_218 = arith.constant 0 : i32
    %dma_start3A_219 = tpu.memref_slice %arg4[%add3A_215, %dma_start3A_218] : memref<13824x128xf32, #tpu.memory_space<hbm>> -> memref<72x128xf32, #tpu.memory_space<hbm>>
    tpu.enqueue_dma source(%dma_start3A_219 : memref<72x128xf32, #tpu.memory_space<hbm>>) target(%arg15 : memref<72x128xf32, #tpu.memory_space<vmem>>) target_semaphore(%arg18 : memref<!tpu.dma_semaphore, #tpu.memory_space<semaphore_mem>>)
    %dma_start3A_220 = arith.constant 0 : i32
    %dma_start3A_221 = tpu.memref_slice %arg7[%add3A, %dma_start3A_220] : memref<32x28480xi32, #tpu.memory_space<hbm>> -> memref<1x28480xi32, #tpu.memory_space<hbm>>
    %dma_start3A_222 = tpu.memref_squeeze %dma_start3A_221 : memref<1x28480xi32, #tpu.memory_space<hbm>> -> memref<28480xi32, #tpu.memory_space<hbm>>
    %dma_start3A_223 = arith.constant 0 : i32
    %dma_start3A_224 = tpu.memref_slice %arg7[%add3A, %dma_start3A_223] : memref<32x28480xi32, #tpu.memory_space<hbm>> -> memref<1x28480xi32, #tpu.memory_space<hbm>>
    %dma_start3A_225 = tpu.memref_squeeze %dma_start3A_224 : memref<1x28480xi32, #tpu.memory_space<hbm>> -> memref<28480xi32, #tpu.memory_space<hbm>>
    tpu.enqueue_dma source(%dma_start3A_225 : memref<28480xi32, #tpu.memory_space<hbm>>) target(%arg16 : memref<28480xi32, #tpu.memory_space<vmem>>) target_semaphore(%arg18 : memref<!tpu.dma_semaphore, #tpu.memory_space<semaphore_mem>>)
    %dma_wait3A_226 = arith.constant 0 : i32
    %dma_wait3A_227 = tpu.memref_slice %arg4[%add3A_175, %dma_wait3A_226] : memref<13824x128xf32, #tpu.memory_space<hbm>> -> memref<72x128xf32, #tpu.memory_space<hbm>>
    %dma_wait3A_228 = arith.constant 0 : i32
    %dma_wait3A_229 = tpu.memref_slice %arg4[%add3A_175, %dma_wait3A_228] : memref<13824x128xf32, #tpu.memory_space<hbm>> -> memref<72x128xf32, #tpu.memory_space<hbm>>
    tpu.wait_dma2 semaphore(%arg18 : memref<!tpu.dma_semaphore, #tpu.memory_space<semaphore_mem>>) src(%dma_wait3A_229 : memref<72x128xf32, #tpu.memory_space<hbm>>) dst(%arg10 : memref<72x128xf32, #tpu.memory_space<vmem>>)
    %dma_wait3A_230 = arith.constant 0 : i32
    %dma_wait3A_231 = tpu.memref_slice %arg4[%add3A_183, %dma_wait3A_230] : memref<13824x128xf32, #tpu.memory_space<hbm>> -> memref<72x128xf32, #tpu.memory_space<hbm>>
    %dma_wait3A_232 = arith.constant 0 : i32
    %dma_wait3A_233 = tpu.memref_slice %arg4[%add3A_183, %dma_wait3A_232] : memref<13824x128xf32, #tpu.memory_space<hbm>> -> memref<72x128xf32, #tpu.memory_space<hbm>>
    tpu.wait_dma2 semaphore(%arg18 : memref<!tpu.dma_semaphore, #tpu.memory_space<semaphore_mem>>) src(%dma_wait3A_233 : memref<72x128xf32, #tpu.memory_space<hbm>>) dst(%arg11 : memref<72x128xf32, #tpu.memory_space<vmem>>)
    %dma_wait3A_234 = arith.constant 0 : i32
    %dma_wait3A_235 = tpu.memref_slice %arg4[%add3A_191, %dma_wait3A_234] : memref<13824x128xf32, #tpu.memory_space<hbm>> -> memref<72x128xf32, #tpu.memory_space<hbm>>
    %dma_wait3A_236 = arith.constant 0 : i32
    %dma_wait3A_237 = tpu.memref_slice %arg4[%add3A_191, %dma_wait3A_236] : memref<13824x128xf32, #tpu.memory_space<hbm>> -> memref<72x128xf32, #tpu.memory_space<hbm>>
    tpu.wait_dma2 semaphore(%arg18 : memref<!tpu.dma_semaphore, #tpu.memory_space<semaphore_mem>>) src(%dma_wait3A_237 : memref<72x128xf32, #tpu.memory_space<hbm>>) dst(%arg12 : memref<72x128xf32, #tpu.memory_space<vmem>>)
    %dma_wait3A_238 = arith.constant 0 : i32
    %dma_wait3A_239 = tpu.memref_slice %arg4[%add3A_199, %dma_wait3A_238] : memref<13824x128xf32, #tpu.memory_space<hbm>> -> memref<72x128xf32, #tpu.memory_space<hbm>>
    %dma_wait3A_240 = arith.constant 0 : i32
    %dma_wait3A_241 = tpu.memref_slice %arg4[%add3A_199, %dma_wait3A_240] : memref<13824x128xf32, #tpu.memory_space<hbm>> -> memref<72x128xf32, #tpu.memory_space<hbm>>
    tpu.wait_dma2 semaphore(%arg18 : memref<!tpu.dma_semaphore, #tpu.memory_space<semaphore_mem>>) src(%dma_wait3A_241 : memref<72x128xf32, #tpu.memory_space<hbm>>) dst(%arg13 : memref<72x128xf32, #tpu.memory_space<vmem>>)
    %dma_wait3A_242 = arith.constant 0 : i32
    %dma_wait3A_243 = tpu.memref_slice %arg4[%add3A_207, %dma_wait3A_242] : memref<13824x128xf32, #tpu.memory_space<hbm>> -> memref<72x128xf32, #tpu.memory_space<hbm>>
    %dma_wait3A_244 = arith.constant 0 : i32
    %dma_wait3A_245 = tpu.memref_slice %arg4[%add3A_207, %dma_wait3A_244] : memref<13824x128xf32, #tpu.memory_space<hbm>> -> memref<72x128xf32, #tpu.memory_space<hbm>>
    tpu.wait_dma2 semaphore(%arg18 : memref<!tpu.dma_semaphore, #tpu.memory_space<semaphore_mem>>) src(%dma_wait3A_245 : memref<72x128xf32, #tpu.memory_space<hbm>>) dst(%arg14 : memref<72x128xf32, #tpu.memory_space<vmem>>)
    %dma_wait3A_246 = arith.constant 0 : i32
    %dma_wait3A_247 = tpu.memref_slice %arg4[%add3A_215, %dma_wait3A_246] : memref<13824x128xf32, #tpu.memory_space<hbm>> -> memref<72x128xf32, #tpu.memory_space<hbm>>
    %dma_wait3A_248 = arith.constant 0 : i32
    %dma_wait3A_249 = tpu.memref_slice %arg4[%add3A_215, %dma_wait3A_248] : memref<13824x128xf32, #tpu.memory_space<hbm>> -> memref<72x128xf32, #tpu.memory_space<hbm>>
    tpu.wait_dma2 semaphore(%arg18 : memref<!tpu.dma_semaphore, #tpu.memory_space<semaphore_mem>>) src(%dma_wait3A_249 : memref<72x128xf32, #tpu.memory_space<hbm>>) dst(%arg15 : memref<72x128xf32, #tpu.memory_space<vmem>>)
    %dma_wait3A_250 = arith.constant 0 : i32
    %dma_wait3A_251 = tpu.memref_slice %arg7[%add3A, %dma_wait3A_250] : memref<32x28480xi32, #tpu.memory_space<hbm>> -> memref<1x28480xi32, #tpu.memory_space<hbm>>
    %dma_wait3A_252 = tpu.memref_squeeze %dma_wait3A_251 : memref<1x28480xi32, #tpu.memory_space<hbm>> -> memref<28480xi32, #tpu.memory_space<hbm>>
    %dma_wait3A_253 = arith.constant 0 : i32
    %dma_wait3A_254 = tpu.memref_slice %arg7[%add3A, %dma_wait3A_253] : memref<32x28480xi32, #tpu.memory_space<hbm>> -> memref<1x28480xi32, #tpu.memory_space<hbm>>
    %dma_wait3A_255 = tpu.memref_squeeze %dma_wait3A_254 : memref<1x28480xi32, #tpu.memory_space<hbm>> -> memref<28480xi32, #tpu.memory_space<hbm>>
    tpu.wait_dma2 semaphore(%arg18 : memref<!tpu.dma_semaphore, #tpu.memory_space<semaphore_mem>>) src(%dma_wait3A_255 : memref<28480xi32, #tpu.memory_space<hbm>>) dst(%arg16 : memref<28480xi32, #tpu.memory_space<vmem>>)
    %parallel_loop3A_256 = arith.constant 0 : i32
    %parallel_loop3A_257 = arith.constant 1356 : i32
    %parallel_loop3A_258 = arith.constant 1 : i32
    scf.for %parallel_loop3A_259 = %parallel_loop3A_256 to %parallel_loop3A_257 step %parallel_loop3A_258  : i32 {
      %parallel_loop3A_260 = arith.constant 16 : i32
      %parallel_loop3A_261 = arith.muli %parallel_loop3A_259, %parallel_loop3A_260 : i32
      %parallel_loop3A_262 = arith.index_cast %parallel_loop3A_261 : i32 to index
      %parallel_loop3A_263 = tpu.vector_load %arg16[%parallel_loop3A_262] {strides = array<i32>} : memref<28480xi32, #tpu.memory_space<vmem>>, vector<16xi32>,
      %parallel_loop3A_264 = arith.constant 25 : i32
      %parallel_loop3A_265 = vector.broadcast %parallel_loop3A_264 : i32 to vector<16xi32>
      %parallel_loop3A_266 = arith.shrui %parallel_loop3A_263, %parallel_loop3A_265 : vector<16xi32>
      %parallel_loop3A_267 = arith.constant 18 : i32
      %parallel_loop3A_268 = vector.broadcast %parallel_loop3A_267 : i32 to vector<16xi32>
      %parallel_loop3A_269 = arith.shrui %parallel_loop3A_263, %parallel_loop3A_268 : vector<16xi32>
      %parallel_loop3A_270 = arith.constant 127 : i32
      %parallel_loop3A_271 = vector.broadcast %parallel_loop3A_270 : i32 to vector<16xi32>
      %parallel_loop3A_272 = arith.andi %parallel_loop3A_269, %parallel_loop3A_271 : vector<16xi32>
      %parallel_loop3A_273 = arith.constant 11 : i32
      %parallel_loop3A_274 = vector.broadcast %parallel_loop3A_273 : i32 to vector<16xi32>
      %parallel_loop3A_275 = arith.shrui %parallel_loop3A_263, %parallel_loop3A_274 : vector<16xi32>
      %parallel_loop3A_276 = arith.constant 127 : i32
      %parallel_loop3A_277 = vector.broadcast %parallel_loop3A_276 : i32 to vector<16xi32>
      %parallel_loop3A_278 = arith.andi %parallel_loop3A_275, %parallel_loop3A_277 : vector<16xi32>
      %parallel_loop3A_279 = arith.constant 2047 : i32
      %parallel_loop3A_280 = vector.broadcast %parallel_loop3A_279 : i32 to vector<16xi32>
      %parallel_loop3A_281 = arith.andi %parallel_loop3A_263, %parallel_loop3A_280 : vector<16xi32>
      %parallel_loop3A_282 = arith.constant 2816 : i32
      %parallel_loop3A_283 = vector.broadcast %parallel_loop3A_282 : i32 to vector<16xi32>
      %parallel_loop3A_284 = arith.addi %parallel_loop3A_281, %parallel_loop3A_283 : vector<16xi32>
      %parallel_loop3A_285 = tpu.vector_load_idx %arg10[%parallel_loop3A_266, %parallel_loop3A_278] : memref<72x128xf32, #tpu.memory_space<vmem>>[vector<16xi32>, vector<16xi32>], vector<16xf32>,
      %parallel_loop3A_286 = tpu.vector_load_idx %arg10[%parallel_loop3A_272, %parallel_loop3A_278] : memref<72x128xf32, #tpu.memory_space<vmem>>[vector<16xi32>, vector<16xi32>], vector<16xf32>,
      %parallel_loop3A_287 = arith.constant 0 : i32
      %parallel_loop3A_288 = vector.broadcast %parallel_loop3A_287 : i32 to vector<16xi32>
      %parallel_loop3A_289 = arith.addi %parallel_loop3A_284, %parallel_loop3A_288 : vector<16xi32>
      %parallel_loop3A_290 = arith.subf %parallel_loop3A_285, %parallel_loop3A_286 : vector<16xf32>
      tpu.vector_store_idx %arg17[%parallel_loop3A_289], %parallel_loop3A_290 {add = true} : memref<25216xf32, #tpu.memory_space<vmem>>[vector<16xi32>], vector<16xf32>,
      %parallel_loop3A_291 = tpu.vector_load_idx %arg11[%parallel_loop3A_266, %parallel_loop3A_278] : memref<72x128xf32, #tpu.memory_space<vmem>>[vector<16xi32>, vector<16xi32>], vector<16xf32>,
      %parallel_loop3A_292 = tpu.vector_load_idx %arg11[%parallel_loop3A_272, %parallel_loop3A_278] : memref<72x128xf32, #tpu.memory_space<vmem>>[vector<16xi32>, vector<16xi32>], vector<16xf32>,
      %parallel_loop3A_293 = arith.constant 4160 : i32
      %parallel_loop3A_294 = vector.broadcast %parallel_loop3A_293 : i32 to vector<16xi32>
      %parallel_loop3A_295 = arith.addi %parallel_loop3A_284, %parallel_loop3A_294 : vector<16xi32>
      %parallel_loop3A_296 = arith.subf %parallel_loop3A_291, %parallel_loop3A_292 : vector<16xf32>
      tpu.vector_store_idx %arg17[%parallel_loop3A_295], %parallel_loop3A_296 {add = true} : memref<25216xf32, #tpu.memory_space<vmem>>[vector<16xi32>], vector<16xf32>,
      %parallel_loop3A_297 = tpu.vector_load_idx %arg12[%parallel_loop3A_266, %parallel_loop3A_278] : memref<72x128xf32, #tpu.memory_space<vmem>>[vector<16xi32>, vector<16xi32>], vector<16xf32>,
      %parallel_loop3A_298 = tpu.vector_load_idx %arg12[%parallel_loop3A_272, %parallel_loop3A_278] : memref<72x128xf32, #tpu.memory_space<vmem>>[vector<16xi32>, vector<16xi32>], vector<16xf32>,
      %parallel_loop3A_299 = arith.constant 8320 : i32
      %parallel_loop3A_300 = vector.broadcast %parallel_loop3A_299 : i32 to vector<16xi32>
      %parallel_loop3A_301 = arith.addi %parallel_loop3A_284, %parallel_loop3A_300 : vector<16xi32>
      %parallel_loop3A_302 = arith.subf %parallel_loop3A_297, %parallel_loop3A_298 : vector<16xf32>
      tpu.vector_store_idx %arg17[%parallel_loop3A_301], %parallel_loop3A_302 {add = true} : memref<25216xf32, #tpu.memory_space<vmem>>[vector<16xi32>], vector<16xf32>,
      %parallel_loop3A_303 = tpu.vector_load_idx %arg13[%parallel_loop3A_266, %parallel_loop3A_278] : memref<72x128xf32, #tpu.memory_space<vmem>>[vector<16xi32>, vector<16xi32>], vector<16xf32>,
      %parallel_loop3A_304 = tpu.vector_load_idx %arg13[%parallel_loop3A_272, %parallel_loop3A_278] : memref<72x128xf32, #tpu.memory_space<vmem>>[vector<16xi32>, vector<16xi32>], vector<16xf32>,
      %parallel_loop3A_305 = arith.constant 12480 : i32
      %parallel_loop3A_306 = vector.broadcast %parallel_loop3A_305 : i32 to vector<16xi32>
      %parallel_loop3A_307 = arith.addi %parallel_loop3A_284, %parallel_loop3A_306 : vector<16xi32>
      %parallel_loop3A_308 = arith.subf %parallel_loop3A_303, %parallel_loop3A_304 : vector<16xf32>
      tpu.vector_store_idx %arg17[%parallel_loop3A_307], %parallel_loop3A_308 {add = true} : memref<25216xf32, #tpu.memory_space<vmem>>[vector<16xi32>], vector<16xf32>,
      %parallel_loop3A_309 = tpu.vector_load_idx %arg14[%parallel_loop3A_266, %parallel_loop3A_278] : memref<72x128xf32, #tpu.memory_space<vmem>>[vector<16xi32>, vector<16xi32>], vector<16xf32>,
      %parallel_loop3A_310 = tpu.vector_load_idx %arg14[%parallel_loop3A_272, %parallel_loop3A_278] : memref<72x128xf32, #tpu.memory_space<vmem>>[vector<16xi32>, vector<16xi32>], vector<16xf32>,
      %parallel_loop3A_311 = arith.constant 16640 : i32
      %parallel_loop3A_312 = vector.broadcast %parallel_loop3A_311 : i32 to vector<16xi32>
      %parallel_loop3A_313 = arith.addi %parallel_loop3A_284, %parallel_loop3A_312 : vector<16xi32>
      %parallel_loop3A_314 = arith.subf %parallel_loop3A_309, %parallel_loop3A_310 : vector<16xf32>
      tpu.vector_store_idx %arg17[%parallel_loop3A_313], %parallel_loop3A_314 {add = true} : memref<25216xf32, #tpu.memory_space<vmem>>[vector<16xi32>], vector<16xf32>,
      %parallel_loop3A_315 = tpu.vector_load_idx %arg15[%parallel_loop3A_266, %parallel_loop3A_278] : memref<72x128xf32, #tpu.memory_space<vmem>>[vector<16xi32>, vector<16xi32>], vector<16xf32>,
      %parallel_loop3A_316 = tpu.vector_load_idx %arg15[%parallel_loop3A_272, %parallel_loop3A_278] : memref<72x128xf32, #tpu.memory_space<vmem>>[vector<16xi32>, vector<16xi32>], vector<16xf32>,
      %parallel_loop3A_317 = arith.constant 20800 : i32
      %parallel_loop3A_318 = vector.broadcast %parallel_loop3A_317 : i32 to vector<16xi32>
      %parallel_loop3A_319 = arith.addi %parallel_loop3A_284, %parallel_loop3A_318 : vector<16xi32>
      %parallel_loop3A_320 = arith.subf %parallel_loop3A_315, %parallel_loop3A_316 : vector<16xf32>
      tpu.vector_store_idx %arg17[%parallel_loop3A_319], %parallel_loop3A_320 {add = true} : memref<25216xf32, #tpu.memory_space<vmem>>[vector<16xi32>], vector<16xf32>,
    } {sc.loop_unroll_factor = 8 : i64, sc.parallel_access}
    "tpu.region"() ({
      %run_scoped3A = tpu.sem_alloc : memref<!tpu.dma_semaphore, #tpu.memory_space<semaphore_mem>>
      %dma_start3A_259 = arith.constant 0 : i32
      %dma_start3A_260 = tpu.memref_slice %arg9[%add3A, %dma_start3A_259] : memref<32x25216xf32, #tpu.memory_space<hbm>> -> memref<1x25216xf32, #tpu.memory_space<hbm>>
      %dma_start3A_261 = tpu.memref_squeeze %dma_start3A_260 : memref<1x25216xf32, #tpu.memory_space<hbm>> -> memref<25216xf32, #tpu.memory_space<hbm>>
      %dma_start3A_262 = arith.constant 0 : i32
      %dma_start3A_263 = tpu.memref_slice %arg9[%add3A, %dma_start3A_262] : memref<32x25216xf32, #tpu.memory_space<hbm>> -> memref<1x25216xf32, #tpu.memory_space<hbm>>
      %dma_start3A_264 = tpu.memref_squeeze %dma_start3A_263 : memref<1x25216xf32, #tpu.memory_space<hbm>> -> memref<25216xf32, #tpu.memory_space<hbm>>
      tpu.enqueue_dma source(%arg17 : memref<25216xf32, #tpu.memory_space<vmem>>) target(%dma_start3A_264 : memref<25216xf32, #tpu.memory_space<hbm>>) target_semaphore(%run_scoped3A : memref<!tpu.dma_semaphore, #tpu.memory_space<semaphore_mem>>)
      %dma_wait3A_265 = arith.constant 0 : i32
      %dma_wait3A_266 = tpu.memref_slice %arg9[%add3A, %dma_wait3A_265] : memref<32x25216xf32, #tpu.memory_space<hbm>> -> memref<1x25216xf32, #tpu.memory_space<hbm>>
      %dma_wait3A_267 = tpu.memref_squeeze %dma_wait3A_266 : memref<1x25216xf32, #tpu.memory_space<hbm>> -> memref<25216xf32, #tpu.memory_space<hbm>>
      %dma_wait3A_268 = arith.constant 0 : i32
      %dma_wait3A_269 = tpu.memref_slice %arg9[%add3A, %dma_wait3A_268] : memref<32x25216xf32, #tpu.memory_space<hbm>> -> memref<1x25216xf32, #tpu.memory_space<hbm>>
      %dma_wait3A_270 = tpu.memref_squeeze %dma_wait3A_269 : memref<1x25216xf32, #tpu.memory_space<hbm>> -> memref<25216xf32, #tpu.memory_space<hbm>>
      tpu.wait_dma2 semaphore(%run_scoped3A : memref<!tpu.dma_semaphore, #tpu.memory_space<semaphore_mem>>) src(%arg17 : memref<25216xf32, #tpu.memory_space<vmem>>) dst(%dma_wait3A_270 : memref<25216xf32, #tpu.memory_space<hbm>>)
      tpu.yield
    }) : () -> ()
    return
  }
}

module attributes {stable_mosaic.version = 14 : i64} {
  func.func @_v_kernel(%arg0: i32, %arg1: memref<8x16384xf32, #tpu.memory_space<vmem>>, %arg2: memref<2x16384xi32, #tpu.memory_space<vmem>>, %arg3: memref<6x16384xbf16, #tpu.memory_space<vmem>>) attributes {dimension_semantics = [#tpu.dimension_semantics<arbitrary>], iteration_bounds = array<i64: 16>, scalar_prefetch = 0 : i64, scratch_operands = 0 : i64, tpu.core_type = #tpu.core_type<tc>, window_params = [{transform_indices = @transform_0, window_bounds = array<i64: 8, 16384>}, {transform_indices = @transform_1, window_bounds = array<i64: 2, 16384>}, {transform_indices = @transform_2, window_bounds = array<i64: 6, 16384>}]} {
    %get3A = arith.constant 0 : index
    %get3A_0 = arith.constant 0 : index
    %get3A_1 = vector.load %arg1[%get3A, %get3A_0] : memref<8x16384xf32, #tpu.memory_space<vmem>>, vector<8x16384xf32>
    %get3A_2 = arith.constant 0 : index
    %get3A_3 = arith.constant 0 : index
    %get3A_4 = vector.load %arg2[%get3A_2, %get3A_3] : memref<2x16384xi32, #tpu.memory_space<vmem>>, vector<2x16384xi32>
    %iota3A = tpu.iota {dimensions = array<i32: 0>} : vector<3x16384xi32>
    %slice3A = vector.extract_strided_slice %get3A_1 {offsets = [0, 0], sizes = [4, 16384], strides = [1, 1]} : vector<8x16384xf32> to vector<4x16384xf32>
    %reduce_max3A = arith.constant dense<0xFF800000> : vector<16384xf32>
    %reduce_max3A_5 = vector.multi_reduction <maximumf>, %slice3A, %reduce_max3A [0] : vector<4x16384xf32> to vector<16384xf32>
    %broadcast_in_dim3A = vector.shape_cast %reduce_max3A_5 : vector<16384xf32> to vector<1x16384xf32>
    %sub3A = vector.broadcast %broadcast_in_dim3A : vector<1x16384xf32> to vector<4x16384xf32>
    %sub3A_6 = arith.subf %slice3A, %sub3A : vector<4x16384xf32>
    %exp3A = math.exp %sub3A_6 : vector<4x16384xf32>
    %reduce_sum3A = arith.constant dense<0.000000e+00> : vector<16384xf32>
    %reduce_sum3A_7 = vector.multi_reduction <add>, %exp3A, %reduce_sum3A [0] : vector<4x16384xf32> to vector<16384xf32>
    %broadcast_in_dim3A_8 = vector.shape_cast %reduce_sum3A_7 : vector<16384xf32> to vector<1x16384xf32>
    %div3A = arith.constant 1.000000e+00 : f32
    %div3A_9 = vector.broadcast %div3A : f32 to vector<1x16384xf32>
    %div3A_10 = arith.divf %div3A_9, %broadcast_in_dim3A_8 : vector<1x16384xf32>
    %mul3A = vector.broadcast %div3A_10 : vector<1x16384xf32> to vector<4x16384xf32>
    %mul3A_11 = arith.mulf %exp3A, %mul3A : vector<4x16384xf32>
    %slice3A_12 = vector.extract_strided_slice %get3A_4 {offsets = [0, 0], sizes = [1, 16384], strides = [1, 1]} : vector<2x16384xi32> to vector<1x16384xi32>
    %eq3A = vector.broadcast %slice3A_12 : vector<1x16384xi32> to vector<3x16384xi32>
    %eq3A_13 = arith.cmpi eq, %eq3A, %iota3A : vector<3x16384xi32>
    %convert_element_type3A = arith.extui %eq3A_13 : vector<3x16384xi1> to vector<3x16384xi32>
    %convert_element_type3A_14 = arith.sitofp %convert_element_type3A : vector<3x16384xi32> to vector<3x16384xf32>
    %slice3A_15 = vector.extract_strided_slice %mul3A_11 {offsets = [0, 0], sizes = [3, 16384], strides = [1, 1]} : vector<4x16384xf32> to vector<3x16384xf32>
    %sub3A_16 = arith.subf %slice3A_15, %convert_element_type3A_14 : vector<3x16384xf32>
    %slice3A_17 = vector.extract_strided_slice %get3A_1 {offsets = [4, 0], sizes = [4, 16384], strides = [1, 1]} : vector<8x16384xf32> to vector<4x16384xf32>
    %reduce_max3A_18 = arith.constant dense<0xFF800000> : vector<16384xf32>
    %reduce_max3A_19 = vector.multi_reduction <maximumf>, %slice3A_17, %reduce_max3A_18 [0] : vector<4x16384xf32> to vector<16384xf32>
    %broadcast_in_dim3A_20 = vector.shape_cast %reduce_max3A_19 : vector<16384xf32> to vector<1x16384xf32>
    %sub3A_21 = vector.broadcast %broadcast_in_dim3A_20 : vector<1x16384xf32> to vector<4x16384xf32>
    %sub3A_22 = arith.subf %slice3A_17, %sub3A_21 : vector<4x16384xf32>
    %exp3A_23 = math.exp %sub3A_22 : vector<4x16384xf32>
    %reduce_sum3A_24 = arith.constant dense<0.000000e+00> : vector<16384xf32>
    %reduce_sum3A_25 = vector.multi_reduction <add>, %exp3A_23, %reduce_sum3A_24 [0] : vector<4x16384xf32> to vector<16384xf32>
    %broadcast_in_dim3A_26 = vector.shape_cast %reduce_sum3A_25 : vector<16384xf32> to vector<1x16384xf32>
    %div3A_27 = arith.constant 1.000000e+00 : f32
    %div3A_28 = vector.broadcast %div3A_27 : f32 to vector<1x16384xf32>
    %div3A_29 = arith.divf %div3A_28, %broadcast_in_dim3A_26 : vector<1x16384xf32>
    %mul3A_30 = vector.broadcast %div3A_29 : vector<1x16384xf32> to vector<4x16384xf32>
    %mul3A_31 = arith.mulf %exp3A_23, %mul3A_30 : vector<4x16384xf32>
    %slice3A_32 = vector.extract_strided_slice %get3A_4 {offsets = [1, 0], sizes = [1, 16384], strides = [1, 1]} : vector<2x16384xi32> to vector<1x16384xi32>
    %eq3A_33 = vector.broadcast %slice3A_32 : vector<1x16384xi32> to vector<3x16384xi32>
    %eq3A_34 = arith.cmpi eq, %eq3A_33, %iota3A : vector<3x16384xi32>
    %convert_element_type3A_35 = arith.extui %eq3A_34 : vector<3x16384xi1> to vector<3x16384xi32>
    %convert_element_type3A_36 = arith.sitofp %convert_element_type3A_35 : vector<3x16384xi32> to vector<3x16384xf32>
    %slice3A_37 = vector.extract_strided_slice %mul3A_31 {offsets = [0, 0], sizes = [3, 16384], strides = [1, 1]} : vector<4x16384xf32> to vector<3x16384xf32>
    %sub3A_38 = arith.subf %slice3A_37, %convert_element_type3A_36 : vector<3x16384xf32>
    %concatenate3A = tpu.concatenate %sub3A_16, %sub3A_38 in 0 : vector<3x16384xf32>, vector<3x16384xf32> -> vector<6x16384xf32>
    %convert_element_type3A_39 = arith.truncf %concatenate3A : vector<6x16384xf32> to vector<6x16384xbf16>
    %swap3A = arith.constant 0 : index
    %swap3A_40 = arith.constant 0 : index
    %swap3A_41 = vector.load %arg3[%swap3A, %swap3A_40] : memref<6x16384xbf16, #tpu.memory_space<vmem>>, vector<6x16384xbf16>
    tpu.vector_store %arg3[%swap3A, %swap3A_40], %convert_element_type3A_39 {strides = array<i32>} : memref<6x16384xbf16, #tpu.memory_space<vmem>>, vector<6x16384xbf16>,
    return
  }
  func.func @transform_0(%arg0: i32) -> (i32, i32) {
    %c0_i32 = arith.constant 0 : i32
    %c0_i32_0 = arith.constant 0 : i32
    return %c0_i32, %arg0 : i32, i32
  }
  func.func @transform_1(%arg0: i32) -> (i32, i32) {
    %c0_i32 = arith.constant 0 : i32
    %c0_i32_0 = arith.constant 0 : i32
    return %c0_i32, %arg0 : i32, i32
  }
  func.func @transform_2(%arg0: i32) -> (i32, i32) {
    %c0_i32 = arith.constant 0 : i32
    %c0_i32_0 = arith.constant 0 : i32
    return %c0_i32, %arg0 : i32, i32
  }
}

module attributes {stable_mosaic.version = 14 : i64} {
  func.func @_prefix_kernel(%arg0: i32, %arg1: memref<1x64x4096xbf16, #tpu.memory_space<vmem>>, %arg2: memref<1x64x64x64xbf16, #tpu.memory_space<vmem>>, %arg3: memref<1x4096x64xbf16, #tpu.memory_space<vmem>>, %arg4: memref<72x64xbf16, #tpu.memory_space<vmem>>, %arg5: memref<2304x128xf32, #tpu.memory_space<vmem>>, %arg6: memref<2304x128xf32, #tpu.memory_space<vmem>>, %arg7: memref<2304x128xf32, #tpu.memory_space<vmem>>) attributes {dimension_semantics = [#tpu.dimension_semantics<arbitrary>], iteration_bounds = array<i64: 6>, scalar_prefetch = 0 : i64, scratch_operands = 0 : i64, tpu.core_type = #tpu.core_type<tc>, window_params = [{transform_indices = @transform_0, window_bounds = array<i64: 1, 64, 4096>}, {transform_indices = @transform_1, window_bounds = array<i64: 1, 64, 64, 64>}, {transform_indices = @transform_2, window_bounds = array<i64: 1, 4096, 64>}, {pipeline_mode = #tpu.pipeline_mode<synchronous>, transform_indices = @transform_3, window_bounds = array<i64: 72, 64>}, {transform_indices = @transform_4, window_bounds = array<i64: 2304, 128>}, {transform_indices = @transform_5, window_bounds = array<i64: 2304, 128>}, {transform_indices = @transform_6, window_bounds = array<i64: 2304, 128>}]} {
    %get3A = arith.constant 0 : index
    %get3A_0 = arith.constant 0 : index
    %get3A_1 = vector.load %arg4[%get3A, %get3A_0] : memref<72x64xbf16, #tpu.memory_space<vmem>>, vector<72x64xbf16>
    %get3A_2 = arith.constant 0 : index
    %get3A_3 = arith.constant 0 : index
    %get3A_4 = arith.constant 0 : index
    %get3A_5 = vector.load %arg1[%get3A_2, %get3A_3, %get3A_4] : memref<1x64x4096xbf16, #tpu.memory_space<vmem>>, vector<1x64x4096xbf16>
    %get3A_6 = vector.shape_cast %get3A_5 : vector<1x64x4096xbf16> to vector<64x4096xbf16>
    %dot_general3A = arith.constant dense<0.000000e+00> : vector<72x4096xf32>
    %dot_general3A_7 = tpu.matmul %get3A_1, %get3A_6, %dot_general3A {dimension_numbers = #tpu.dot_dimension_numbers<[1], [0], [0], [1], [0, 0, 1, 1], [], []>, transpose_lhs_hint = false} : vector<72x64xbf16>, vector<64x4096xbf16>, vector<72x4096xf32> -> vector<72x4096xf32>
    %get3A_8 = arith.constant 0 : index
    %get3A_9 = arith.constant 0 : index
    %get3A_10 = arith.constant 0 : index
    %get3A_11 = vector.load %arg3[%get3A_8, %get3A_9, %get3A_10] : memref<1x4096x64xbf16, #tpu.memory_space<vmem>>, vector<1x4096x64xbf16>
    %get3A_12 = vector.shape_cast %get3A_11 : vector<1x4096x64xbf16> to vector<4096x64xbf16>
    %dot_general3A_13 = arith.constant dense<0.000000e+00> : vector<72x4096xf32>
    %dot_general3A_14 = tpu.matmul %get3A_1, %get3A_12, %dot_general3A_13 {dimension_numbers = #tpu.dot_dimension_numbers<[1], [1], [0], [0], [0, 0, 1, 0], [], []>, transpose_lhs_hint = false} : vector<72x64xbf16>, vector<4096x64xbf16>, vector<72x4096xf32> -> vector<72x4096xf32>
    %slice3A = vector.extract_strided_slice %dot_general3A_7 {offsets = [0, 0], sizes = [72, 128], strides = [1, 1]} : vector<72x4096xf32> to vector<72x128xf32>
    %swap3A = arith.constant 0 : index
    %swap3A_15 = arith.constant 0 : index
    %swap3A_16 = vector.load %arg5[%swap3A, %swap3A_15] : memref<2304x128xf32, #tpu.memory_space<vmem>>, vector<72x128xf32>
    tpu.vector_store %arg5[%swap3A, %swap3A_15], %slice3A {strides = array<i32>} : memref<2304x128xf32, #tpu.memory_space<vmem>>, vector<72x128xf32>,
    %slice3A_17 = vector.extract_strided_slice %dot_general3A_14 {offsets = [0, 0], sizes = [72, 128], strides = [1, 1]} : vector<72x4096xf32> to vector<72x128xf32>
    %swap3A_18 = arith.constant 0 : index
    %swap3A_19 = arith.constant 0 : index
    %swap3A_20 = vector.load %arg7[%swap3A_18, %swap3A_19] : memref<2304x128xf32, #tpu.memory_space<vmem>>, vector<72x128xf32>
    tpu.vector_store %arg7[%swap3A_18, %swap3A_19], %slice3A_17 {strides = array<i32>} : memref<2304x128xf32, #tpu.memory_space<vmem>>, vector<72x128xf32>,
    %get3A_21 = arith.constant 0 : index
    %get3A_22 = arith.constant 0 : index
    %get3A_23 = arith.constant 0 : index
    %get3A_24 = arith.constant 0 : index
    %get3A_25 = vector.load %arg2[%get3A_21, %get3A_22, %get3A_23, %get3A_24] : memref<1x64x64x64xbf16, #tpu.memory_space<vmem>>, vector<1x1x64x64xbf16>
    %get3A_26 = vector.shape_cast %get3A_25 : vector<1x1x64x64xbf16> to vector<64x64xbf16>
    %get3A_27 = arith.constant 0 : index
    %get3A_28 = arith.constant 1 : index
    %get3A_29 = arith.constant 0 : index
    %get3A_30 = arith.constant 0 : index
    %get3A_31 = vector.load %arg2[%get3A_27, %get3A_28, %get3A_29, %get3A_30] : memref<1x64x64x64xbf16, #tpu.memory_space<vmem>>, vector<1x1x64x64xbf16>
    %get3A_32 = vector.shape_cast %get3A_31 : vector<1x1x64x64xbf16> to vector<64x64xbf16>
    %concatenate3A = tpu.concatenate %get3A_26, %get3A_32 in 1 : vector<64x64xbf16>, vector<64x64xbf16> -> vector<64x128xbf16>
    %dot_general3A_33 = arith.constant dense<0.000000e+00> : vector<72x128xf32>
    %dot_general3A_34 = tpu.matmul %get3A_1, %concatenate3A, %dot_general3A_33 {dimension_numbers = #tpu.dot_dimension_numbers<[1], [0], [0], [1], [0, 0, 1, 1], [], []>, transpose_lhs_hint = false} : vector<72x64xbf16>, vector<64x128xbf16>, vector<72x128xf32> -> vector<72x128xf32>
    %swap3A_35 = arith.constant 0 : index
    %swap3A_36 = arith.constant 0 : index
    %swap3A_37 = vector.load %arg6[%swap3A_35, %swap3A_36] : memref<2304x128xf32, #tpu.memory_space<vmem>>, vector<72x128xf32>
    tpu.vector_store %arg6[%swap3A_35, %swap3A_36], %dot_general3A_34 {strides = array<i32>} : memref<2304x128xf32, #tpu.memory_space<vmem>>, vector<72x128xf32>,
    %slice3A_38 = vector.extract_strided_slice %dot_general3A_7 {offsets = [0, 128], sizes = [72, 128], strides = [1, 1]} : vector<72x4096xf32> to vector<72x128xf32>
    %swap3A_39 = arith.constant 72 : index
    %swap3A_40 = arith.constant 0 : index
    %swap3A_41 = vector.load %arg5[%swap3A_39, %swap3A_40] : memref<2304x128xf32, #tpu.memory_space<vmem>>, vector<72x128xf32>
    tpu.vector_store %arg5[%swap3A_39, %swap3A_40], %slice3A_38 {strides = array<i32>} : memref<2304x128xf32, #tpu.memory_space<vmem>>, vector<72x128xf32>,
    %slice3A_42 = vector.extract_strided_slice %dot_general3A_14 {offsets = [0, 128], sizes = [72, 128], strides = [1, 1]} : vector<72x4096xf32> to vector<72x128xf32>
    %swap3A_43 = arith.constant 72 : index
    %swap3A_44 = arith.constant 0 : index
    %swap3A_45 = vector.load %arg7[%swap3A_43, %swap3A_44] : memref<2304x128xf32, #tpu.memory_space<vmem>>, vector<72x128xf32>
    tpu.vector_store %arg7[%swap3A_43, %swap3A_44], %slice3A_42 {strides = array<i32>} : memref<2304x128xf32, #tpu.memory_space<vmem>>, vector<72x128xf32>,
    %get3A_46 = arith.constant 0 : index
    %get3A_47 = arith.constant 2 : index
    %get3A_48 = arith.constant 0 : index
    %get3A_49 = arith.constant 0 : index
    %get3A_50 = vector.load %arg2[%get3A_46, %get3A_47, %get3A_48, %get3A_49] : memref<1x64x64x64xbf16, #tpu.memory_space<vmem>>, vector<1x1x64x64xbf16>
    %get3A_51 = vector.shape_cast %get3A_50 : vector<1x1x64x64xbf16> to vector<64x64xbf16>
    %get3A_52 = arith.constant 0 : index
    %get3A_53 = arith.constant 3 : index
    %get3A_54 = arith.constant 0 : index
    %get3A_55 = arith.constant 0 : index
    %get3A_56 = vector.load %arg2[%get3A_52, %get3A_53, %get3A_54, %get3A_55] : memref<1x64x64x64xbf16, #tpu.memory_space<vmem>>, vector<1x1x64x64xbf16>
    %get3A_57 = vector.shape_cast %get3A_56 : vector<1x1x64x64xbf16> to vector<64x64xbf16>
    %concatenate3A_58 = tpu.concatenate %get3A_51, %get3A_57 in 1 : vector<64x64xbf16>, vector<64x64xbf16> -> vector<64x128xbf16>
    %dot_general3A_59 = arith.constant dense<0.000000e+00> : vector<72x128xf32>
    %dot_general3A_60 = tpu.matmul %get3A_1, %concatenate3A_58, %dot_general3A_59 {dimension_numbers = #tpu.dot_dimension_numbers<[1], [0], [0], [1], [0, 0, 1, 1], [], []>, transpose_lhs_hint = false} : vector<72x64xbf16>, vector<64x128xbf16>, vector<72x128xf32> -> vector<72x128xf32>
    %swap3A_61 = arith.constant 72 : index
    %swap3A_62 = arith.constant 0 : index
    %swap3A_63 = vector.load %arg6[%swap3A_61, %swap3A_62] : memref<2304x128xf32, #tpu.memory_space<vmem>>, vector<72x128xf32>
    tpu.vector_store %arg6[%swap3A_61, %swap3A_62], %dot_general3A_60 {strides = array<i32>} : memref<2304x128xf32, #tpu.memory_space<vmem>>, vector<72x128xf32>,
    %slice3A_64 = vector.extract_strided_slice %dot_general3A_7 {offsets = [0, 256], sizes = [72, 128], strides = [1, 1]} : vector<72x4096xf32> to vector<72x128xf32>
    %swap3A_65 = arith.constant 144 : index
    %swap3A_66 = arith.constant 0 : index
    %swap3A_67 = vector.load %arg5[%swap3A_65, %swap3A_66] : memref<2304x128xf32, #tpu.memory_space<vmem>>, vector<72x128xf32>
    tpu.vector_store %arg5[%swap3A_65, %swap3A_66], %slice3A_64 {strides = array<i32>} : memref<2304x128xf32, #tpu.memory_space<vmem>>, vector<72x128xf32>,
    %slice3A_68 = vector.extract_strided_slice %dot_general3A_14 {offsets = [0, 256], sizes = [72, 128], strides = [1, 1]} : vector<72x4096xf32> to vector<72x128xf32>
    %swap3A_69 = arith.constant 144 : index
    %swap3A_70 = arith.constant 0 : index
    %swap3A_71 = vector.load %arg7[%swap3A_69, %swap3A_70] : memref<2304x128xf32, #tpu.memory_space<vmem>>, vector<72x128xf32>
    tpu.vector_store %arg7[%swap3A_69, %swap3A_70], %slice3A_68 {strides = array<i32>} : memref<2304x128xf32, #tpu.memory_space<vmem>>, vector<72x128xf32>,
    %get3A_72 = arith.constant 0 : index
    %get3A_73 = arith.constant 4 : index
    %get3A_74 = arith.constant 0 : index
    %get3A_75 = arith.constant 0 : index
    %get3A_76 = vector.load %arg2[%get3A_72, %get3A_73, %get3A_74, %get3A_75] : memref<1x64x64x64xbf16, #tpu.memory_space<vmem>>, vector<1x1x64x64xbf16>
    %get3A_77 = vector.shape_cast %get3A_76 : vector<1x1x64x64xbf16> to vector<64x64xbf16>
    %get3A_78 = arith.constant 0 : index
    %get3A_79 = arith.constant 5 : index
    %get3A_80 = arith.constant 0 : index
    %get3A_81 = arith.constant 0 : index
    %get3A_82 = vector.load %arg2[%get3A_78, %get3A_79, %get3A_80, %get3A_81] : memref<1x64x64x64xbf16, #tpu.memory_space<vmem>>, vector<1x1x64x64xbf16>
    %get3A_83 = vector.shape_cast %get3A_82 : vector<1x1x64x64xbf16> to vector<64x64xbf16>
    %concatenate3A_84 = tpu.concatenate %get3A_77, %get3A_83 in 1 : vector<64x64xbf16>, vector<64x64xbf16> -> vector<64x128xbf16>
    %dot_general3A_85 = arith.constant dense<0.000000e+00> : vector<72x128xf32>
    %dot_general3A_86 = tpu.matmul %get3A_1, %concatenate3A_84, %dot_general3A_85 {dimension_numbers = #tpu.dot_dimension_numbers<[1], [0], [0], [1], [0, 0, 1, 1], [], []>, transpose_lhs_hint = false} : vector<72x64xbf16>, vector<64x128xbf16>, vector<72x128xf32> -> vector<72x128xf32>
    %swap3A_87 = arith.constant 144 : index
    %swap3A_88 = arith.constant 0 : index
    %swap3A_89 = vector.load %arg6[%swap3A_87, %swap3A_88] : memref<2304x128xf32, #tpu.memory_space<vmem>>, vector<72x128xf32>
    tpu.vector_store %arg6[%swap3A_87, %swap3A_88], %dot_general3A_86 {strides = array<i32>} : memref<2304x128xf32, #tpu.memory_space<vmem>>, vector<72x128xf32>,
    %slice3A_90 = vector.extract_strided_slice %dot_general3A_7 {offsets = [0, 384], sizes = [72, 128], strides = [1, 1]} : vector<72x4096xf32> to vector<72x128xf32>
    %swap3A_91 = arith.constant 216 : index
    %swap3A_92 = arith.constant 0 : index
    %swap3A_93 = vector.load %arg5[%swap3A_91, %swap3A_92] : memref<2304x128xf32, #tpu.memory_space<vmem>>, vector<72x128xf32>
    tpu.vector_store %arg5[%swap3A_91, %swap3A_92], %slice3A_90 {strides = array<i32>} : memref<2304x128xf32, #tpu.memory_space<vmem>>, vector<72x128xf32>,
    %slice3A_94 = vector.extract_strided_slice %dot_general3A_14 {offsets = [0, 384], sizes = [72, 128], strides = [1, 1]} : vector<72x4096xf32> to vector<72x128xf32>
    %swap3A_95 = arith.constant 216 : index
    %swap3A_96 = arith.constant 0 : index
    %swap3A_97 = vector.load %arg7[%swap3A_95, %swap3A_96] : memref<2304x128xf32, #tpu.memory_space<vmem>>, vector<72x128xf32>
    tpu.vector_store %arg7[%swap3A_95, %swap3A_96], %slice3A_94 {strides = array<i32>} : memref<2304x128xf32, #tpu.memory_space<vmem>>, vector<72x128xf32>,
    %get3A_98 = arith.constant 0 : index
    %get3A_99 = arith.constant 6 : index
    %get3A_100 = arith.constant 0 : index
    %get3A_101 = arith.constant 0 : index
    %get3A_102 = vector.load %arg2[%get3A_98, %get3A_99, %get3A_100, %get3A_101] : memref<1x64x64x64xbf16, #tpu.memory_space<vmem>>, vector<1x1x64x64xbf16>
    %get3A_103 = vector.shape_cast %get3A_102 : vector<1x1x64x64xbf16> to vector<64x64xbf16>
    %get3A_104 = arith.constant 0 : index
    %get3A_105 = arith.constant 7 : index
    %get3A_106 = arith.constant 0 : index
    %get3A_107 = arith.constant 0 : index
    %get3A_108 = vector.load %arg2[%get3A_104, %get3A_105, %get3A_106, %get3A_107] : memref<1x64x64x64xbf16, #tpu.memory_space<vmem>>, vector<1x1x64x64xbf16>
    %get3A_109 = vector.shape_cast %get3A_108 : vector<1x1x64x64xbf16> to vector<64x64xbf16>
    %concatenate3A_110 = tpu.concatenate %get3A_103, %get3A_109 in 1 : vector<64x64xbf16>, vector<64x64xbf16> -> vector<64x128xbf16>
    %dot_general3A_111 = arith.constant dense<0.000000e+00> : vector<72x128xf32>
    %dot_general3A_112 = tpu.matmul %get3A_1, %concatenate3A_110, %dot_general3A_111 {dimension_numbers = #tpu.dot_dimension_numbers<[1], [0], [0], [1], [0, 0, 1, 1], [], []>, transpose_lhs_hint = false} : vector<72x64xbf16>, vector<64x128xbf16>, vector<72x128xf32> -> vector<72x128xf32>
    %swap3A_113 = arith.constant 216 : index
    %swap3A_114 = arith.constant 0 : index
    %swap3A_115 = vector.load %arg6[%swap3A_113, %swap3A_114] : memref<2304x128xf32, #tpu.memory_space<vmem>>, vector<72x128xf32>
    tpu.vector_store %arg6[%swap3A_113, %swap3A_114], %dot_general3A_112 {strides = array<i32>} : memref<2304x128xf32, #tpu.memory_space<vmem>>, vector<72x128xf32>,
    %slice3A_116 = vector.extract_strided_slice %dot_general3A_7 {offsets = [0, 512], sizes = [72, 128], strides = [1, 1]} : vector<72x4096xf32> to vector<72x128xf32>
    %swap3A_117 = arith.constant 288 : index
    %swap3A_118 = arith.constant 0 : index
    %swap3A_119 = vector.load %arg5[%swap3A_117, %swap3A_118] : memref<2304x128xf32, #tpu.memory_space<vmem>>, vector<72x128xf32>
    tpu.vector_store %arg5[%swap3A_117, %swap3A_118], %slice3A_116 {strides = array<i32>} : memref<2304x128xf32, #tpu.memory_space<vmem>>, vector<72x128xf32>,
    %slice3A_120 = vector.extract_strided_slice %dot_general3A_14 {offsets = [0, 512], sizes = [72, 128], strides = [1, 1]} : vector<72x4096xf32> to vector<72x128xf32>
    %swap3A_121 = arith.constant 288 : index
    %swap3A_122 = arith.constant 0 : index
    %swap3A_123 = vector.load %arg7[%swap3A_121, %swap3A_122] : memref<2304x128xf32, #tpu.memory_space<vmem>>, vector<72x128xf32>
    tpu.vector_store %arg7[%swap3A_121, %swap3A_122], %slice3A_120 {strides = array<i32>} : memref<2304x128xf32, #tpu.memory_space<vmem>>, vector<72x128xf32>,
    %get3A_124 = arith.constant 0 : index
    %get3A_125 = arith.constant 8 : index
    %get3A_126 = arith.constant 0 : index
    %get3A_127 = arith.constant 0 : index
    %get3A_128 = vector.load %arg2[%get3A_124, %get3A_125, %get3A_126, %get3A_127] : memref<1x64x64x64xbf16, #tpu.memory_space<vmem>>, vector<1x1x64x64xbf16>
    %get3A_129 = vector.shape_cast %get3A_128 : vector<1x1x64x64xbf16> to vector<64x64xbf16>
    %get3A_130 = arith.constant 0 : index
    %get3A_131 = arith.constant 9 : index
    %get3A_132 = arith.constant 0 : index
    %get3A_133 = arith.constant 0 : index
    %get3A_134 = vector.load %arg2[%get3A_130, %get3A_131, %get3A_132, %get3A_133] : memref<1x64x64x64xbf16, #tpu.memory_space<vmem>>, vector<1x1x64x64xbf16>
    %get3A_135 = vector.shape_cast %get3A_134 : vector<1x1x64x64xbf16> to vector<64x64xbf16>
    %concatenate3A_136 = tpu.concatenate %get3A_129, %get3A_135 in 1 : vector<64x64xbf16>, vector<64x64xbf16> -> vector<64x128xbf16>
    %dot_general3A_137 = arith.constant dense<0.000000e+00> : vector<72x128xf32>
    %dot_general3A_138 = tpu.matmul %get3A_1, %concatenate3A_136, %dot_general3A_137 {dimension_numbers = #tpu.dot_dimension_numbers<[1], [0], [0], [1], [0, 0, 1, 1], [], []>, transpose_lhs_hint = false} : vector<72x64xbf16>, vector<64x128xbf16>, vector<72x128xf32> -> vector<72x128xf32>
    %swap3A_139 = arith.constant 288 : index
    %swap3A_140 = arith.constant 0 : index
    %swap3A_141 = vector.load %arg6[%swap3A_139, %swap3A_140] : memref<2304x128xf32, #tpu.memory_space<vmem>>, vector<72x128xf32>
    tpu.vector_store %arg6[%swap3A_139, %swap3A_140], %dot_general3A_138 {strides = array<i32>} : memref<2304x128xf32, #tpu.memory_space<vmem>>, vector<72x128xf32>,
    %slice3A_142 = vector.extract_strided_slice %dot_general3A_7 {offsets = [0, 640], sizes = [72, 128], strides = [1, 1]} : vector<72x4096xf32> to vector<72x128xf32>
    %swap3A_143 = arith.constant 360 : index
    %swap3A_144 = arith.constant 0 : index
    %swap3A_145 = vector.load %arg5[%swap3A_143, %swap3A_144] : memref<2304x128xf32, #tpu.memory_space<vmem>>, vector<72x128xf32>
    tpu.vector_store %arg5[%swap3A_143, %swap3A_144], %slice3A_142 {strides = array<i32>} : memref<2304x128xf32, #tpu.memory_space<vmem>>, vector<72x128xf32>,
    %slice3A_146 = vector.extract_strided_slice %dot_general3A_14 {offsets = [0, 640], sizes = [72, 128], strides = [1, 1]} : vector<72x4096xf32> to vector<72x128xf32>
    %swap3A_147 = arith.constant 360 : index
    %swap3A_148 = arith.constant 0 : index
    %swap3A_149 = vector.load %arg7[%swap3A_147, %swap3A_148] : memref<2304x128xf32, #tpu.memory_space<vmem>>, vector<72x128xf32>
    tpu.vector_store %arg7[%swap3A_147, %swap3A_148], %slice3A_146 {strides = array<i32>} : memref<2304x128xf32, #tpu.memory_space<vmem>>, vector<72x128xf32>,
    %get3A_150 = arith.constant 0 : index
    %get3A_151 = arith.constant 10 : index
    %get3A_152 = arith.constant 0 : index
    %get3A_153 = arith.constant 0 : index
    %get3A_154 = vector.load %arg2[%get3A_150, %get3A_151, %get3A_152, %get3A_153] : memref<1x64x64x64xbf16, #tpu.memory_space<vmem>>, vector<1x1x64x64xbf16>
    %get3A_155 = vector.shape_cast %get3A_154 : vector<1x1x64x64xbf16> to vector<64x64xbf16>
    %get3A_156 = arith.constant 0 : index
    %get3A_157 = arith.constant 11 : index
    %get3A_158 = arith.constant 0 : index
    %get3A_159 = arith.constant 0 : index
    %get3A_160 = vector.load %arg2[%get3A_156, %get3A_157, %get3A_158, %get3A_159] : memref<1x64x64x64xbf16, #tpu.memory_space<vmem>>, vector<1x1x64x64xbf16>
    %get3A_161 = vector.shape_cast %get3A_160 : vector<1x1x64x64xbf16> to vector<64x64xbf16>
    %concatenate3A_162 = tpu.concatenate %get3A_155, %get3A_161 in 1 : vector<64x64xbf16>, vector<64x64xbf16> -> vector<64x128xbf16>
    %dot_general3A_163 = arith.constant dense<0.000000e+00> : vector<72x128xf32>
    %dot_general3A_164 = tpu.matmul %get3A_1, %concatenate3A_162, %dot_general3A_163 {dimension_numbers = #tpu.dot_dimension_numbers<[1], [0], [0], [1], [0, 0, 1, 1], [], []>, transpose_lhs_hint = false} : vector<72x64xbf16>, vector<64x128xbf16>, vector<72x128xf32> -> vector<72x128xf32>
    %swap3A_165 = arith.constant 360 : index
    %swap3A_166 = arith.constant 0 : index
    %swap3A_167 = vector.load %arg6[%swap3A_165, %swap3A_166] : memref<2304x128xf32, #tpu.memory_space<vmem>>, vector<72x128xf32>
    tpu.vector_store %arg6[%swap3A_165, %swap3A_166], %dot_general3A_164 {strides = array<i32>} : memref<2304x128xf32, #tpu.memory_space<vmem>>, vector<72x128xf32>,
    %slice3A_168 = vector.extract_strided_slice %dot_general3A_7 {offsets = [0, 768], sizes = [72, 128], strides = [1, 1]} : vector<72x4096xf32> to vector<72x128xf32>
    %swap3A_169 = arith.constant 432 : index
    %swap3A_170 = arith.constant 0 : index
    %swap3A_171 = vector.load %arg5[%swap3A_169, %swap3A_170] : memref<2304x128xf32, #tpu.memory_space<vmem>>, vector<72x128xf32>
    tpu.vector_store %arg5[%swap3A_169, %swap3A_170], %slice3A_168 {strides = array<i32>} : memref<2304x128xf32, #tpu.memory_space<vmem>>, vector<72x128xf32>,
    %slice3A_172 = vector.extract_strided_slice %dot_general3A_14 {offsets = [0, 768], sizes = [72, 128], strides = [1, 1]} : vector<72x4096xf32> to vector<72x128xf32>
    %swap3A_173 = arith.constant 432 : index
    %swap3A_174 = arith.constant 0 : index
    %swap3A_175 = vector.load %arg7[%swap3A_173, %swap3A_174] : memref<2304x128xf32, #tpu.memory_space<vmem>>, vector<72x128xf32>
    tpu.vector_store %arg7[%swap3A_173, %swap3A_174], %slice3A_172 {strides = array<i32>} : memref<2304x128xf32, #tpu.memory_space<vmem>>, vector<72x128xf32>,
    %get3A_176 = arith.constant 0 : index
    %get3A_177 = arith.constant 12 : index
    %get3A_178 = arith.constant 0 : index
    %get3A_179 = arith.constant 0 : index
    %get3A_180 = vector.load %arg2[%get3A_176, %get3A_177, %get3A_178, %get3A_179] : memref<1x64x64x64xbf16, #tpu.memory_space<vmem>>, vector<1x1x64x64xbf16>
    %get3A_181 = vector.shape_cast %get3A_180 : vector<1x1x64x64xbf16> to vector<64x64xbf16>
    %get3A_182 = arith.constant 0 : index
    %get3A_183 = arith.constant 13 : index
    %get3A_184 = arith.constant 0 : index
    %get3A_185 = arith.constant 0 : index
    %get3A_186 = vector.load %arg2[%get3A_182, %get3A_183, %get3A_184, %get3A_185] : memref<1x64x64x64xbf16, #tpu.memory_space<vmem>>, vector<1x1x64x64xbf16>
    %get3A_187 = vector.shape_cast %get3A_186 : vector<1x1x64x64xbf16> to vector<64x64xbf16>
    %concatenate3A_188 = tpu.concatenate %get3A_181, %get3A_187 in 1 : vector<64x64xbf16>, vector<64x64xbf16> -> vector<64x128xbf16>
    %dot_general3A_189 = arith.constant dense<0.000000e+00> : vector<72x128xf32>
    %dot_general3A_190 = tpu.matmul %get3A_1, %concatenate3A_188, %dot_general3A_189 {dimension_numbers = #tpu.dot_dimension_numbers<[1], [0], [0], [1], [0, 0, 1, 1], [], []>, transpose_lhs_hint = false} : vector<72x64xbf16>, vector<64x128xbf16>, vector<72x128xf32> -> vector<72x128xf32>
    %swap3A_191 = arith.constant 432 : index
    %swap3A_192 = arith.constant 0 : index
    %swap3A_193 = vector.load %arg6[%swap3A_191, %swap3A_192] : memref<2304x128xf32, #tpu.memory_space<vmem>>, vector<72x128xf32>
    tpu.vector_store %arg6[%swap3A_191, %swap3A_192], %dot_general3A_190 {strides = array<i32>} : memref<2304x128xf32, #tpu.memory_space<vmem>>, vector<72x128xf32>,
    %slice3A_194 = vector.extract_strided_slice %dot_general3A_7 {offsets = [0, 896], sizes = [72, 128], strides = [1, 1]} : vector<72x4096xf32> to vector<72x128xf32>
    %swap3A_195 = arith.constant 504 : index
    %swap3A_196 = arith.constant 0 : index
    %swap3A_197 = vector.load %arg5[%swap3A_195, %swap3A_196] : memref<2304x128xf32, #tpu.memory_space<vmem>>, vector<72x128xf32>
    tpu.vector_store %arg5[%swap3A_195, %swap3A_196], %slice3A_194 {strides = array<i32>} : memref<2304x128xf32, #tpu.memory_space<vmem>>, vector<72x128xf32>,
    %slice3A_198 = vector.extract_strided_slice %dot_general3A_14 {offsets = [0, 896], sizes = [72, 128], strides = [1, 1]} : vector<72x4096xf32> to vector<72x128xf32>
    %swap3A_199 = arith.constant 504 : index
    %swap3A_200 = arith.constant 0 : index
    %swap3A_201 = vector.load %arg7[%swap3A_199, %swap3A_200] : memref<2304x128xf32, #tpu.memory_space<vmem>>, vector<72x128xf32>
    tpu.vector_store %arg7[%swap3A_199, %swap3A_200], %slice3A_198 {strides = array<i32>} : memref<2304x128xf32, #tpu.memory_space<vmem>>, vector<72x128xf32>,
    %get3A_202 = arith.constant 0 : index
    %get3A_203 = arith.constant 14 : index
    %get3A_204 = arith.constant 0 : index
    %get3A_205 = arith.constant 0 : index
    %get3A_206 = vector.load %arg2[%get3A_202, %get3A_203, %get3A_204, %get3A_205] : memref<1x64x64x64xbf16, #tpu.memory_space<vmem>>, vector<1x1x64x64xbf16>
    %get3A_207 = vector.shape_cast %get3A_206 : vector<1x1x64x64xbf16> to vector<64x64xbf16>
    %get3A_208 = arith.constant 0 : index
    %get3A_209 = arith.constant 15 : index
    %get3A_210 = arith.constant 0 : index
    %get3A_211 = arith.constant 0 : index
    %get3A_212 = vector.load %arg2[%get3A_208, %get3A_209, %get3A_210, %get3A_211] : memref<1x64x64x64xbf16, #tpu.memory_space<vmem>>, vector<1x1x64x64xbf16>
    %get3A_213 = vector.shape_cast %get3A_212 : vector<1x1x64x64xbf16> to vector<64x64xbf16>
    %concatenate3A_214 = tpu.concatenate %get3A_207, %get3A_213 in 1 : vector<64x64xbf16>, vector<64x64xbf16> -> vector<64x128xbf16>
    %dot_general3A_215 = arith.constant dense<0.000000e+00> : vector<72x128xf32>
    %dot_general3A_216 = tpu.matmul %get3A_1, %concatenate3A_214, %dot_general3A_215 {dimension_numbers = #tpu.dot_dimension_numbers<[1], [0], [0], [1], [0, 0, 1, 1], [], []>, transpose_lhs_hint = false} : vector<72x64xbf16>, vector<64x128xbf16>, vector<72x128xf32> -> vector<72x128xf32>
    %swap3A_217 = arith.constant 504 : index
    %swap3A_218 = arith.constant 0 : index
    %swap3A_219 = vector.load %arg6[%swap3A_217, %swap3A_218] : memref<2304x128xf32, #tpu.memory_space<vmem>>, vector<72x128xf32>
    tpu.vector_store %arg6[%swap3A_217, %swap3A_218], %dot_general3A_216 {strides = array<i32>} : memref<2304x128xf32, #tpu.memory_space<vmem>>, vector<72x128xf32>,
    %slice3A_220 = vector.extract_strided_slice %dot_general3A_7 {offsets = [0, 1024], sizes = [72, 128], strides = [1, 1]} : vector<72x4096xf32> to vector<72x128xf32>
    %swap3A_221 = arith.constant 576 : index
    %swap3A_222 = arith.constant 0 : index
    %swap3A_223 = vector.load %arg5[%swap3A_221, %swap3A_222] : memref<2304x128xf32, #tpu.memory_space<vmem>>, vector<72x128xf32>
    tpu.vector_store %arg5[%swap3A_221, %swap3A_222], %slice3A_220 {strides = array<i32>} : memref<2304x128xf32, #tpu.memory_space<vmem>>, vector<72x128xf32>,
    %slice3A_224 = vector.extract_strided_slice %dot_general3A_14 {offsets = [0, 1024], sizes = [72, 128], strides = [1, 1]} : vector<72x4096xf32> to vector<72x128xf32>
    %swap3A_225 = arith.constant 576 : index
    %swap3A_226 = arith.constant 0 : index
    %swap3A_227 = vector.load %arg7[%swap3A_225, %swap3A_226] : memref<2304x128xf32, #tpu.memory_space<vmem>>, vector<72x128xf32>
    tpu.vector_store %arg7[%swap3A_225, %swap3A_226], %slice3A_224 {strides = array<i32>} : memref<2304x128xf32, #tpu.memory_space<vmem>>, vector<72x128xf32>,
    %get3A_228 = arith.constant 0 : index
    %get3A_229 = arith.constant 16 : index
    %get3A_230 = arith.constant 0 : index
    %get3A_231 = arith.constant 0 : index
    %get3A_232 = vector.load %arg2[%get3A_228, %get3A_229, %get3A_230, %get3A_231] : memref<1x64x64x64xbf16, #tpu.memory_space<vmem>>, vector<1x1x64x64xbf16>
    %get3A_233 = vector.shape_cast %get3A_232 : vector<1x1x64x64xbf16> to vector<64x64xbf16>
    %get3A_234 = arith.constant 0 : index
    %get3A_235 = arith.constant 17 : index
    %get3A_236 = arith.constant 0 : index
    %get3A_237 = arith.constant 0 : index
    %get3A_238 = vector.load %arg2[%get3A_234, %get3A_235, %get3A_236, %get3A_237] : memref<1x64x64x64xbf16, #tpu.memory_space<vmem>>, vector<1x1x64x64xbf16>
    %get3A_239 = vector.shape_cast %get3A_238 : vector<1x1x64x64xbf16> to vector<64x64xbf16>
    %concatenate3A_240 = tpu.concatenate %get3A_233, %get3A_239 in 1 : vector<64x64xbf16>, vector<64x64xbf16> -> vector<64x128xbf16>
    %dot_general3A_241 = arith.constant dense<0.000000e+00> : vector<72x128xf32>
    %dot_general3A_242 = tpu.matmul %get3A_1, %concatenate3A_240, %dot_general3A_241 {dimension_numbers = #tpu.dot_dimension_numbers<[1], [0], [0], [1], [0, 0, 1, 1], [], []>, transpose_lhs_hint = false} : vector<72x64xbf16>, vector<64x128xbf16>, vector<72x128xf32> -> vector<72x128xf32>
    %swap3A_243 = arith.constant 576 : index
    %swap3A_244 = arith.constant 0 : index
    %swap3A_245 = vector.load %arg6[%swap3A_243, %swap3A_244] : memref<2304x128xf32, #tpu.memory_space<vmem>>, vector<72x128xf32>
    tpu.vector_store %arg6[%swap3A_243, %swap3A_244], %dot_general3A_242 {strides = array<i32>} : memref<2304x128xf32, #tpu.memory_space<vmem>>, vector<72x128xf32>,
    %slice3A_246 = vector.extract_strided_slice %dot_general3A_7 {offsets = [0, 1152], sizes = [72, 128], strides = [1, 1]} : vector<72x4096xf32> to vector<72x128xf32>
    %swap3A_247 = arith.constant 648 : index
    %swap3A_248 = arith.constant 0 : index
    %swap3A_249 = vector.load %arg5[%swap3A_247, %swap3A_248] : memref<2304x128xf32, #tpu.memory_space<vmem>>, vector<72x128xf32>
    tpu.vector_store %arg5[%swap3A_247, %swap3A_248], %slice3A_246 {strides = array<i32>} : memref<2304x128xf32, #tpu.memory_space<vmem>>, vector<72x128xf32>,
    %slice3A_250 = vector.extract_strided_slice %dot_general3A_14 {offsets = [0, 1152], sizes = [72, 128], strides = [1, 1]} : vector<72x4096xf32> to vector<72x128xf32>
    %swap3A_251 = arith.constant 648 : index
    %swap3A_252 = arith.constant 0 : index
    %swap3A_253 = vector.load %arg7[%swap3A_251, %swap3A_252] : memref<2304x128xf32, #tpu.memory_space<vmem>>, vector<72x128xf32>
    tpu.vector_store %arg7[%swap3A_251, %swap3A_252], %slice3A_250 {strides = array<i32>} : memref<2304x128xf32, #tpu.memory_space<vmem>>, vector<72x128xf32>,
    %get3A_254 = arith.constant 0 : index
    %get3A_255 = arith.constant 18 : index
    %get3A_256 = arith.constant 0 : index
    %get3A_257 = arith.constant 0 : index
    %get3A_258 = vector.load %arg2[%get3A_254, %get3A_255, %get3A_256, %get3A_257] : memref<1x64x64x64xbf16, #tpu.memory_space<vmem>>, vector<1x1x64x64xbf16>
    %get3A_259 = vector.shape_cast %get3A_258 : vector<1x1x64x64xbf16> to vector<64x64xbf16>
    %get3A_260 = arith.constant 0 : index
    %get3A_261 = arith.constant 19 : index
    %get3A_262 = arith.constant 0 : index
    %get3A_263 = arith.constant 0 : index
    %get3A_264 = vector.load %arg2[%get3A_260, %get3A_261, %get3A_262, %get3A_263] : memref<1x64x64x64xbf16, #tpu.memory_space<vmem>>, vector<1x1x64x64xbf16>
    %get3A_265 = vector.shape_cast %get3A_264 : vector<1x1x64x64xbf16> to vector<64x64xbf16>
    %concatenate3A_266 = tpu.concatenate %get3A_259, %get3A_265 in 1 : vector<64x64xbf16>, vector<64x64xbf16> -> vector<64x128xbf16>
    %dot_general3A_267 = arith.constant dense<0.000000e+00> : vector<72x128xf32>
    %dot_general3A_268 = tpu.matmul %get3A_1, %concatenate3A_266, %dot_general3A_267 {dimension_numbers = #tpu.dot_dimension_numbers<[1], [0], [0], [1], [0, 0, 1, 1], [], []>, transpose_lhs_hint = false} : vector<72x64xbf16>, vector<64x128xbf16>, vector<72x128xf32> -> vector<72x128xf32>
    %swap3A_269 = arith.constant 648 : index
    %swap3A_270 = arith.constant 0 : index
    %swap3A_271 = vector.load %arg6[%swap3A_269, %swap3A_270] : memref<2304x128xf32, #tpu.memory_space<vmem>>, vector<72x128xf32>
    tpu.vector_store %arg6[%swap3A_269, %swap3A_270], %dot_general3A_268 {strides = array<i32>} : memref<2304x128xf32, #tpu.memory_space<vmem>>, vector<72x128xf32>,
    %slice3A_272 = vector.extract_strided_slice %dot_general3A_7 {offsets = [0, 1280], sizes = [72, 128], strides = [1, 1]} : vector<72x4096xf32> to vector<72x128xf32>
    %swap3A_273 = arith.constant 720 : index
    %swap3A_274 = arith.constant 0 : index
    %swap3A_275 = vector.load %arg5[%swap3A_273, %swap3A_274] : memref<2304x128xf32, #tpu.memory_space<vmem>>, vector<72x128xf32>
    tpu.vector_store %arg5[%swap3A_273, %swap3A_274], %slice3A_272 {strides = array<i32>} : memref<2304x128xf32, #tpu.memory_space<vmem>>, vector<72x128xf32>,
    %slice3A_276 = vector.extract_strided_slice %dot_general3A_14 {offsets = [0, 1280], sizes = [72, 128], strides = [1, 1]} : vector<72x4096xf32> to vector<72x128xf32>
    %swap3A_277 = arith.constant 720 : index
    %swap3A_278 = arith.constant 0 : index
    %swap3A_279 = vector.load %arg7[%swap3A_277, %swap3A_278] : memref<2304x128xf32, #tpu.memory_space<vmem>>, vector<72x128xf32>
    tpu.vector_store %arg7[%swap3A_277, %swap3A_278], %slice3A_276 {strides = array<i32>} : memref<2304x128xf32, #tpu.memory_space<vmem>>, vector<72x128xf32>,
    %get3A_280 = arith.constant 0 : index
    %get3A_281 = arith.constant 20 : index
    %get3A_282 = arith.constant 0 : index
    %get3A_283 = arith.constant 0 : index
    %get3A_284 = vector.load %arg2[%get3A_280, %get3A_281, %get3A_282, %get3A_283] : memref<1x64x64x64xbf16, #tpu.memory_space<vmem>>, vector<1x1x64x64xbf16>
    %get3A_285 = vector.shape_cast %get3A_284 : vector<1x1x64x64xbf16> to vector<64x64xbf16>
    %get3A_286 = arith.constant 0 : index
    %get3A_287 = arith.constant 21 : index
    %get3A_288 = arith.constant 0 : index
    %get3A_289 = arith.constant 0 : index
    %get3A_290 = vector.load %arg2[%get3A_286, %get3A_287, %get3A_288, %get3A_289] : memref<1x64x64x64xbf16, #tpu.memory_space<vmem>>, vector<1x1x64x64xbf16>
    %get3A_291 = vector.shape_cast %get3A_290 : vector<1x1x64x64xbf16> to vector<64x64xbf16>
    %concatenate3A_292 = tpu.concatenate %get3A_285, %get3A_291 in 1 : vector<64x64xbf16>, vector<64x64xbf16> -> vector<64x128xbf16>
    %dot_general3A_293 = arith.constant dense<0.000000e+00> : vector<72x128xf32>
    %dot_general3A_294 = tpu.matmul %get3A_1, %concatenate3A_292, %dot_general3A_293 {dimension_numbers = #tpu.dot_dimension_numbers<[1], [0], [0], [1], [0, 0, 1, 1], [], []>, transpose_lhs_hint = false} : vector<72x64xbf16>, vector<64x128xbf16>, vector<72x128xf32> -> vector<72x128xf32>
    %swap3A_295 = arith.constant 720 : index
    %swap3A_296 = arith.constant 0 : index
    %swap3A_297 = vector.load %arg6[%swap3A_295, %swap3A_296] : memref<2304x128xf32, #tpu.memory_space<vmem>>, vector<72x128xf32>
    tpu.vector_store %arg6[%swap3A_295, %swap3A_296], %dot_general3A_294 {strides = array<i32>} : memref<2304x128xf32, #tpu.memory_space<vmem>>, vector<72x128xf32>,
    %slice3A_298 = vector.extract_strided_slice %dot_general3A_7 {offsets = [0, 1408], sizes = [72, 128], strides = [1, 1]} : vector<72x4096xf32> to vector<72x128xf32>
    %swap3A_299 = arith.constant 792 : index
    %swap3A_300 = arith.constant 0 : index
    %swap3A_301 = vector.load %arg5[%swap3A_299, %swap3A_300] : memref<2304x128xf32, #tpu.memory_space<vmem>>, vector<72x128xf32>
    tpu.vector_store %arg5[%swap3A_299, %swap3A_300], %slice3A_298 {strides = array<i32>} : memref<2304x128xf32, #tpu.memory_space<vmem>>, vector<72x128xf32>,
    %slice3A_302 = vector.extract_strided_slice %dot_general3A_14 {offsets = [0, 1408], sizes = [72, 128], strides = [1, 1]} : vector<72x4096xf32> to vector<72x128xf32>
    %swap3A_303 = arith.constant 792 : index
    %swap3A_304 = arith.constant 0 : index
    %swap3A_305 = vector.load %arg7[%swap3A_303, %swap3A_304] : memref<2304x128xf32, #tpu.memory_space<vmem>>, vector<72x128xf32>
    tpu.vector_store %arg7[%swap3A_303, %swap3A_304], %slice3A_302 {strides = array<i32>} : memref<2304x128xf32, #tpu.memory_space<vmem>>, vector<72x128xf32>,
    %get3A_306 = arith.constant 0 : index
    %get3A_307 = arith.constant 22 : index
    %get3A_308 = arith.constant 0 : index
    %get3A_309 = arith.constant 0 : index
    %get3A_310 = vector.load %arg2[%get3A_306, %get3A_307, %get3A_308, %get3A_309] : memref<1x64x64x64xbf16, #tpu.memory_space<vmem>>, vector<1x1x64x64xbf16>
    %get3A_311 = vector.shape_cast %get3A_310 : vector<1x1x64x64xbf16> to vector<64x64xbf16>
    %get3A_312 = arith.constant 0 : index
    %get3A_313 = arith.constant 23 : index
    %get3A_314 = arith.constant 0 : index
    %get3A_315 = arith.constant 0 : index
    %get3A_316 = vector.load %arg2[%get3A_312, %get3A_313, %get3A_314, %get3A_315] : memref<1x64x64x64xbf16, #tpu.memory_space<vmem>>, vector<1x1x64x64xbf16>
    %get3A_317 = vector.shape_cast %get3A_316 : vector<1x1x64x64xbf16> to vector<64x64xbf16>
    %concatenate3A_318 = tpu.concatenate %get3A_311, %get3A_317 in 1 : vector<64x64xbf16>, vector<64x64xbf16> -> vector<64x128xbf16>
    %dot_general3A_319 = arith.constant dense<0.000000e+00> : vector<72x128xf32>
    %dot_general3A_320 = tpu.matmul %get3A_1, %concatenate3A_318, %dot_general3A_319 {dimension_numbers = #tpu.dot_dimension_numbers<[1], [0], [0], [1], [0, 0, 1, 1], [], []>, transpose_lhs_hint = false} : vector<72x64xbf16>, vector<64x128xbf16>, vector<72x128xf32> -> vector<72x128xf32>
    %swap3A_321 = arith.constant 792 : index
    %swap3A_322 = arith.constant 0 : index
    %swap3A_323 = vector.load %arg6[%swap3A_321, %swap3A_322] : memref<2304x128xf32, #tpu.memory_space<vmem>>, vector<72x128xf32>
    tpu.vector_store %arg6[%swap3A_321, %swap3A_322], %dot_general3A_320 {strides = array<i32>} : memref<2304x128xf32, #tpu.memory_space<vmem>>, vector<72x128xf32>,
    %slice3A_324 = vector.extract_strided_slice %dot_general3A_7 {offsets = [0, 1536], sizes = [72, 128], strides = [1, 1]} : vector<72x4096xf32> to vector<72x128xf32>
    %swap3A_325 = arith.constant 864 : index
    %swap3A_326 = arith.constant 0 : index
    %swap3A_327 = vector.load %arg5[%swap3A_325, %swap3A_326] : memref<2304x128xf32, #tpu.memory_space<vmem>>, vector<72x128xf32>
    tpu.vector_store %arg5[%swap3A_325, %swap3A_326], %slice3A_324 {strides = array<i32>} : memref<2304x128xf32, #tpu.memory_space<vmem>>, vector<72x128xf32>,
    %slice3A_328 = vector.extract_strided_slice %dot_general3A_14 {offsets = [0, 1536], sizes = [72, 128], strides = [1, 1]} : vector<72x4096xf32> to vector<72x128xf32>
    %swap3A_329 = arith.constant 864 : index
    %swap3A_330 = arith.constant 0 : index
    %swap3A_331 = vector.load %arg7[%swap3A_329, %swap3A_330] : memref<2304x128xf32, #tpu.memory_space<vmem>>, vector<72x128xf32>
    tpu.vector_store %arg7[%swap3A_329, %swap3A_330], %slice3A_328 {strides = array<i32>} : memref<2304x128xf32, #tpu.memory_space<vmem>>, vector<72x128xf32>,
    %get3A_332 = arith.constant 0 : index
    %get3A_333 = arith.constant 24 : index
    %get3A_334 = arith.constant 0 : index
    %get3A_335 = arith.constant 0 : index
    %get3A_336 = vector.load %arg2[%get3A_332, %get3A_333, %get3A_334, %get3A_335] : memref<1x64x64x64xbf16, #tpu.memory_space<vmem>>, vector<1x1x64x64xbf16>
    %get3A_337 = vector.shape_cast %get3A_336 : vector<1x1x64x64xbf16> to vector<64x64xbf16>
    %get3A_338 = arith.constant 0 : index
    %get3A_339 = arith.constant 25 : index
    %get3A_340 = arith.constant 0 : index
    %get3A_341 = arith.constant 0 : index
    %get3A_342 = vector.load %arg2[%get3A_338, %get3A_339, %get3A_340, %get3A_341] : memref<1x64x64x64xbf16, #tpu.memory_space<vmem>>, vector<1x1x64x64xbf16>
    %get3A_343 = vector.shape_cast %get3A_342 : vector<1x1x64x64xbf16> to vector<64x64xbf16>
    %concatenate3A_344 = tpu.concatenate %get3A_337, %get3A_343 in 1 : vector<64x64xbf16>, vector<64x64xbf16> -> vector<64x128xbf16>
    %dot_general3A_345 = arith.constant dense<0.000000e+00> : vector<72x128xf32>
    %dot_general3A_346 = tpu.matmul %get3A_1, %concatenate3A_344, %dot_general3A_345 {dimension_numbers = #tpu.dot_dimension_numbers<[1], [0], [0], [1], [0, 0, 1, 1], [], []>, transpose_lhs_hint = false} : vector<72x64xbf16>, vector<64x128xbf16>, vector<72x128xf32> -> vector<72x128xf32>
    %swap3A_347 = arith.constant 864 : index
    %swap3A_348 = arith.constant 0 : index
    %swap3A_349 = vector.load %arg6[%swap3A_347, %swap3A_348] : memref<2304x128xf32, #tpu.memory_space<vmem>>, vector<72x128xf32>
    tpu.vector_store %arg6[%swap3A_347, %swap3A_348], %dot_general3A_346 {strides = array<i32>} : memref<2304x128xf32, #tpu.memory_space<vmem>>, vector<72x128xf32>,
    %slice3A_350 = vector.extract_strided_slice %dot_general3A_7 {offsets = [0, 1664], sizes = [72, 128], strides = [1, 1]} : vector<72x4096xf32> to vector<72x128xf32>
    %swap3A_351 = arith.constant 936 : index
    %swap3A_352 = arith.constant 0 : index
    %swap3A_353 = vector.load %arg5[%swap3A_351, %swap3A_352] : memref<2304x128xf32, #tpu.memory_space<vmem>>, vector<72x128xf32>
    tpu.vector_store %arg5[%swap3A_351, %swap3A_352], %slice3A_350 {strides = array<i32>} : memref<2304x128xf32, #tpu.memory_space<vmem>>, vector<72x128xf32>,
    %slice3A_354 = vector.extract_strided_slice %dot_general3A_14 {offsets = [0, 1664], sizes = [72, 128], strides = [1, 1]} : vector<72x4096xf32> to vector<72x128xf32>
    %swap3A_355 = arith.constant 936 : index
    %swap3A_356 = arith.constant 0 : index
    %swap3A_357 = vector.load %arg7[%swap3A_355, %swap3A_356] : memref<2304x128xf32, #tpu.memory_space<vmem>>, vector<72x128xf32>
    tpu.vector_store %arg7[%swap3A_355, %swap3A_356], %slice3A_354 {strides = array<i32>} : memref<2304x128xf32, #tpu.memory_space<vmem>>, vector<72x128xf32>,
    %get3A_358 = arith.constant 0 : index
    %get3A_359 = arith.constant 26 : index
    %get3A_360 = arith.constant 0 : index
    %get3A_361 = arith.constant 0 : index
    %get3A_362 = vector.load %arg2[%get3A_358, %get3A_359, %get3A_360, %get3A_361] : memref<1x64x64x64xbf16, #tpu.memory_space<vmem>>, vector<1x1x64x64xbf16>
    %get3A_363 = vector.shape_cast %get3A_362 : vector<1x1x64x64xbf16> to vector<64x64xbf16>
    %get3A_364 = arith.constant 0 : index
    %get3A_365 = arith.constant 27 : index
    %get3A_366 = arith.constant 0 : index
    %get3A_367 = arith.constant 0 : index
    %get3A_368 = vector.load %arg2[%get3A_364, %get3A_365, %get3A_366, %get3A_367] : memref<1x64x64x64xbf16, #tpu.memory_space<vmem>>, vector<1x1x64x64xbf16>
    %get3A_369 = vector.shape_cast %get3A_368 : vector<1x1x64x64xbf16> to vector<64x64xbf16>
    %concatenate3A_370 = tpu.concatenate %get3A_363, %get3A_369 in 1 : vector<64x64xbf16>, vector<64x64xbf16> -> vector<64x128xbf16>
    %dot_general3A_371 = arith.constant dense<0.000000e+00> : vector<72x128xf32>
    %dot_general3A_372 = tpu.matmul %get3A_1, %concatenate3A_370, %dot_general3A_371 {dimension_numbers = #tpu.dot_dimension_numbers<[1], [0], [0], [1], [0, 0, 1, 1], [], []>, transpose_lhs_hint = false} : vector<72x64xbf16>, vector<64x128xbf16>, vector<72x128xf32> -> vector<72x128xf32>
    %swap3A_373 = arith.constant 936 : index
    %swap3A_374 = arith.constant 0 : index
    %swap3A_375 = vector.load %arg6[%swap3A_373, %swap3A_374] : memref<2304x128xf32, #tpu.memory_space<vmem>>, vector<72x128xf32>
    tpu.vector_store %arg6[%swap3A_373, %swap3A_374], %dot_general3A_372 {strides = array<i32>} : memref<2304x128xf32, #tpu.memory_space<vmem>>, vector<72x128xf32>,
    %slice3A_376 = vector.extract_strided_slice %dot_general3A_7 {offsets = [0, 1792], sizes = [72, 128], strides = [1, 1]} : vector<72x4096xf32> to vector<72x128xf32>
    %swap3A_377 = arith.constant 1008 : index
    %swap3A_378 = arith.constant 0 : index
    %swap3A_379 = vector.load %arg5[%swap3A_377, %swap3A_378] : memref<2304x128xf32, #tpu.memory_space<vmem>>, vector<72x128xf32>
    tpu.vector_store %arg5[%swap3A_377, %swap3A_378], %slice3A_376 {strides = array<i32>} : memref<2304x128xf32, #tpu.memory_space<vmem>>, vector<72x128xf32>,
    %slice3A_380 = vector.extract_strided_slice %dot_general3A_14 {offsets = [0, 1792], sizes = [72, 128], strides = [1, 1]} : vector<72x4096xf32> to vector<72x128xf32>
    %swap3A_381 = arith.constant 1008 : index
    %swap3A_382 = arith.constant 0 : index
    %swap3A_383 = vector.load %arg7[%swap3A_381, %swap3A_382] : memref<2304x128xf32, #tpu.memory_space<vmem>>, vector<72x128xf32>
    tpu.vector_store %arg7[%swap3A_381, %swap3A_382], %slice3A_380 {strides = array<i32>} : memref<2304x128xf32, #tpu.memory_space<vmem>>, vector<72x128xf32>,
    %get3A_384 = arith.constant 0 : index
    %get3A_385 = arith.constant 28 : index
    %get3A_386 = arith.constant 0 : index
    %get3A_387 = arith.constant 0 : index
    %get3A_388 = vector.load %arg2[%get3A_384, %get3A_385, %get3A_386, %get3A_387] : memref<1x64x64x64xbf16, #tpu.memory_space<vmem>>, vector<1x1x64x64xbf16>
    %get3A_389 = vector.shape_cast %get3A_388 : vector<1x1x64x64xbf16> to vector<64x64xbf16>
    %get3A_390 = arith.constant 0 : index
    %get3A_391 = arith.constant 29 : index
    %get3A_392 = arith.constant 0 : index
    %get3A_393 = arith.constant 0 : index
    %get3A_394 = vector.load %arg2[%get3A_390, %get3A_391, %get3A_392, %get3A_393] : memref<1x64x64x64xbf16, #tpu.memory_space<vmem>>, vector<1x1x64x64xbf16>
    %get3A_395 = vector.shape_cast %get3A_394 : vector<1x1x64x64xbf16> to vector<64x64xbf16>
    %concatenate3A_396 = tpu.concatenate %get3A_389, %get3A_395 in 1 : vector<64x64xbf16>, vector<64x64xbf16> -> vector<64x128xbf16>
    %dot_general3A_397 = arith.constant dense<0.000000e+00> : vector<72x128xf32>
    %dot_general3A_398 = tpu.matmul %get3A_1, %concatenate3A_396, %dot_general3A_397 {dimension_numbers = #tpu.dot_dimension_numbers<[1], [0], [0], [1], [0, 0, 1, 1], [], []>, transpose_lhs_hint = false} : vector<72x64xbf16>, vector<64x128xbf16>, vector<72x128xf32> -> vector<72x128xf32>
    %swap3A_399 = arith.constant 1008 : index
    %swap3A_400 = arith.constant 0 : index
    %swap3A_401 = vector.load %arg6[%swap3A_399, %swap3A_400] : memref<2304x128xf32, #tpu.memory_space<vmem>>, vector<72x128xf32>
    tpu.vector_store %arg6[%swap3A_399, %swap3A_400], %dot_general3A_398 {strides = array<i32>} : memref<2304x128xf32, #tpu.memory_space<vmem>>, vector<72x128xf32>,
    %slice3A_402 = vector.extract_strided_slice %dot_general3A_7 {offsets = [0, 1920], sizes = [72, 128], strides = [1, 1]} : vector<72x4096xf32> to vector<72x128xf32>
    %swap3A_403 = arith.constant 1080 : index
    %swap3A_404 = arith.constant 0 : index
    %swap3A_405 = vector.load %arg5[%swap3A_403, %swap3A_404] : memref<2304x128xf32, #tpu.memory_space<vmem>>, vector<72x128xf32>
    tpu.vector_store %arg5[%swap3A_403, %swap3A_404], %slice3A_402 {strides = array<i32>} : memref<2304x128xf32, #tpu.memory_space<vmem>>, vector<72x128xf32>,
    %slice3A_406 = vector.extract_strided_slice %dot_general3A_14 {offsets = [0, 1920], sizes = [72, 128], strides = [1, 1]} : vector<72x4096xf32> to vector<72x128xf32>
    %swap3A_407 = arith.constant 1080 : index
    %swap3A_408 = arith.constant 0 : index
    %swap3A_409 = vector.load %arg7[%swap3A_407, %swap3A_408] : memref<2304x128xf32, #tpu.memory_space<vmem>>, vector<72x128xf32>
    tpu.vector_store %arg7[%swap3A_407, %swap3A_408], %slice3A_406 {strides = array<i32>} : memref<2304x128xf32, #tpu.memory_space<vmem>>, vector<72x128xf32>,
    %get3A_410 = arith.constant 0 : index
    %get3A_411 = arith.constant 30 : index
    %get3A_412 = arith.constant 0 : index
    %get3A_413 = arith.constant 0 : index
    %get3A_414 = vector.load %arg2[%get3A_410, %get3A_411, %get3A_412, %get3A_413] : memref<1x64x64x64xbf16, #tpu.memory_space<vmem>>, vector<1x1x64x64xbf16>
    %get3A_415 = vector.shape_cast %get3A_414 : vector<1x1x64x64xbf16> to vector<64x64xbf16>
    %get3A_416 = arith.constant 0 : index
    %get3A_417 = arith.constant 31 : index
    %get3A_418 = arith.constant 0 : index
    %get3A_419 = arith.constant 0 : index
    %get3A_420 = vector.load %arg2[%get3A_416, %get3A_417, %get3A_418, %get3A_419] : memref<1x64x64x64xbf16, #tpu.memory_space<vmem>>, vector<1x1x64x64xbf16>
    %get3A_421 = vector.shape_cast %get3A_420 : vector<1x1x64x64xbf16> to vector<64x64xbf16>
    %concatenate3A_422 = tpu.concatenate %get3A_415, %get3A_421 in 1 : vector<64x64xbf16>, vector<64x64xbf16> -> vector<64x128xbf16>
    %dot_general3A_423 = arith.constant dense<0.000000e+00> : vector<72x128xf32>
    %dot_general3A_424 = tpu.matmul %get3A_1, %concatenate3A_422, %dot_general3A_423 {dimension_numbers = #tpu.dot_dimension_numbers<[1], [0], [0], [1], [0, 0, 1, 1], [], []>, transpose_lhs_hint = false} : vector<72x64xbf16>, vector<64x128xbf16>, vector<72x128xf32> -> vector<72x128xf32>
    %swap3A_425 = arith.constant 1080 : index
    %swap3A_426 = arith.constant 0 : index
    %swap3A_427 = vector.load %arg6[%swap3A_425, %swap3A_426] : memref<2304x128xf32, #tpu.memory_space<vmem>>, vector<72x128xf32>
    tpu.vector_store %arg6[%swap3A_425, %swap3A_426], %dot_general3A_424 {strides = array<i32>} : memref<2304x128xf32, #tpu.memory_space<vmem>>, vector<72x128xf32>,
    %slice3A_428 = vector.extract_strided_slice %dot_general3A_7 {offsets = [0, 2048], sizes = [72, 128], strides = [1, 1]} : vector<72x4096xf32> to vector<72x128xf32>
    %swap3A_429 = arith.constant 1152 : index
    %swap3A_430 = arith.constant 0 : index
    %swap3A_431 = vector.load %arg5[%swap3A_429, %swap3A_430] : memref<2304x128xf32, #tpu.memory_space<vmem>>, vector<72x128xf32>
    tpu.vector_store %arg5[%swap3A_429, %swap3A_430], %slice3A_428 {strides = array<i32>} : memref<2304x128xf32, #tpu.memory_space<vmem>>, vector<72x128xf32>,
    %slice3A_432 = vector.extract_strided_slice %dot_general3A_14 {offsets = [0, 2048], sizes = [72, 128], strides = [1, 1]} : vector<72x4096xf32> to vector<72x128xf32>
    %swap3A_433 = arith.constant 1152 : index
    %swap3A_434 = arith.constant 0 : index
    %swap3A_435 = vector.load %arg7[%swap3A_433, %swap3A_434] : memref<2304x128xf32, #tpu.memory_space<vmem>>, vector<72x128xf32>
    tpu.vector_store %arg7[%swap3A_433, %swap3A_434], %slice3A_432 {strides = array<i32>} : memref<2304x128xf32, #tpu.memory_space<vmem>>, vector<72x128xf32>,
    %get3A_436 = arith.constant 0 : index
    %get3A_437 = arith.constant 32 : index
    %get3A_438 = arith.constant 0 : index
    %get3A_439 = arith.constant 0 : index
    %get3A_440 = vector.load %arg2[%get3A_436, %get3A_437, %get3A_438, %get3A_439] : memref<1x64x64x64xbf16, #tpu.memory_space<vmem>>, vector<1x1x64x64xbf16>
    %get3A_441 = vector.shape_cast %get3A_440 : vector<1x1x64x64xbf16> to vector<64x64xbf16>
    %get3A_442 = arith.constant 0 : index
    %get3A_443 = arith.constant 33 : index
    %get3A_444 = arith.constant 0 : index
    %get3A_445 = arith.constant 0 : index
    %get3A_446 = vector.load %arg2[%get3A_442, %get3A_443, %get3A_444, %get3A_445] : memref<1x64x64x64xbf16, #tpu.memory_space<vmem>>, vector<1x1x64x64xbf16>
    %get3A_447 = vector.shape_cast %get3A_446 : vector<1x1x64x64xbf16> to vector<64x64xbf16>
    %concatenate3A_448 = tpu.concatenate %get3A_441, %get3A_447 in 1 : vector<64x64xbf16>, vector<64x64xbf16> -> vector<64x128xbf16>
    %dot_general3A_449 = arith.constant dense<0.000000e+00> : vector<72x128xf32>
    %dot_general3A_450 = tpu.matmul %get3A_1, %concatenate3A_448, %dot_general3A_449 {dimension_numbers = #tpu.dot_dimension_numbers<[1], [0], [0], [1], [0, 0, 1, 1], [], []>, transpose_lhs_hint = false} : vector<72x64xbf16>, vector<64x128xbf16>, vector<72x128xf32> -> vector<72x128xf32>
    %swap3A_451 = arith.constant 1152 : index
    %swap3A_452 = arith.constant 0 : index
    %swap3A_453 = vector.load %arg6[%swap3A_451, %swap3A_452] : memref<2304x128xf32, #tpu.memory_space<vmem>>, vector<72x128xf32>
    tpu.vector_store %arg6[%swap3A_451, %swap3A_452], %dot_general3A_450 {strides = array<i32>} : memref<2304x128xf32, #tpu.memory_space<vmem>>, vector<72x128xf32>,
    %slice3A_454 = vector.extract_strided_slice %dot_general3A_7 {offsets = [0, 2176], sizes = [72, 128], strides = [1, 1]} : vector<72x4096xf32> to vector<72x128xf32>
    %swap3A_455 = arith.constant 1224 : index
    %swap3A_456 = arith.constant 0 : index
    %swap3A_457 = vector.load %arg5[%swap3A_455, %swap3A_456] : memref<2304x128xf32, #tpu.memory_space<vmem>>, vector<72x128xf32>
    tpu.vector_store %arg5[%swap3A_455, %swap3A_456], %slice3A_454 {strides = array<i32>} : memref<2304x128xf32, #tpu.memory_space<vmem>>, vector<72x128xf32>,
    %slice3A_458 = vector.extract_strided_slice %dot_general3A_14 {offsets = [0, 2176], sizes = [72, 128], strides = [1, 1]} : vector<72x4096xf32> to vector<72x128xf32>
    %swap3A_459 = arith.constant 1224 : index
    %swap3A_460 = arith.constant 0 : index
    %swap3A_461 = vector.load %arg7[%swap3A_459, %swap3A_460] : memref<2304x128xf32, #tpu.memory_space<vmem>>, vector<72x128xf32>
    tpu.vector_store %arg7[%swap3A_459, %swap3A_460], %slice3A_458 {strides = array<i32>} : memref<2304x128xf32, #tpu.memory_space<vmem>>, vector<72x128xf32>,
    %get3A_462 = arith.constant 0 : index
    %get3A_463 = arith.constant 34 : index
    %get3A_464 = arith.constant 0 : index
    %get3A_465 = arith.constant 0 : index
    %get3A_466 = vector.load %arg2[%get3A_462, %get3A_463, %get3A_464, %get3A_465] : memref<1x64x64x64xbf16, #tpu.memory_space<vmem>>, vector<1x1x64x64xbf16>
    %get3A_467 = vector.shape_cast %get3A_466 : vector<1x1x64x64xbf16> to vector<64x64xbf16>
    %get3A_468 = arith.constant 0 : index
    %get3A_469 = arith.constant 35 : index
    %get3A_470 = arith.constant 0 : index
    %get3A_471 = arith.constant 0 : index
    %get3A_472 = vector.load %arg2[%get3A_468, %get3A_469, %get3A_470, %get3A_471] : memref<1x64x64x64xbf16, #tpu.memory_space<vmem>>, vector<1x1x64x64xbf16>
    %get3A_473 = vector.shape_cast %get3A_472 : vector<1x1x64x64xbf16> to vector<64x64xbf16>
    %concatenate3A_474 = tpu.concatenate %get3A_467, %get3A_473 in 1 : vector<64x64xbf16>, vector<64x64xbf16> -> vector<64x128xbf16>
    %dot_general3A_475 = arith.constant dense<0.000000e+00> : vector<72x128xf32>
    %dot_general3A_476 = tpu.matmul %get3A_1, %concatenate3A_474, %dot_general3A_475 {dimension_numbers = #tpu.dot_dimension_numbers<[1], [0], [0], [1], [0, 0, 1, 1], [], []>, transpose_lhs_hint = false} : vector<72x64xbf16>, vector<64x128xbf16>, vector<72x128xf32> -> vector<72x128xf32>
    %swap3A_477 = arith.constant 1224 : index
    %swap3A_478 = arith.constant 0 : index
    %swap3A_479 = vector.load %arg6[%swap3A_477, %swap3A_478] : memref<2304x128xf32, #tpu.memory_space<vmem>>, vector<72x128xf32>
    tpu.vector_store %arg6[%swap3A_477, %swap3A_478], %dot_general3A_476 {strides = array<i32>} : memref<2304x128xf32, #tpu.memory_space<vmem>>, vector<72x128xf32>,
    %slice3A_480 = vector.extract_strided_slice %dot_general3A_7 {offsets = [0, 2304], sizes = [72, 128], strides = [1, 1]} : vector<72x4096xf32> to vector<72x128xf32>
    %swap3A_481 = arith.constant 1296 : index
    %swap3A_482 = arith.constant 0 : index
    %swap3A_483 = vector.load %arg5[%swap3A_481, %swap3A_482] : memref<2304x128xf32, #tpu.memory_space<vmem>>, vector<72x128xf32>
    tpu.vector_store %arg5[%swap3A_481, %swap3A_482], %slice3A_480 {strides = array<i32>} : memref<2304x128xf32, #tpu.memory_space<vmem>>, vector<72x128xf32>,
    %slice3A_484 = vector.extract_strided_slice %dot_general3A_14 {offsets = [0, 2304], sizes = [72, 128], strides = [1, 1]} : vector<72x4096xf32> to vector<72x128xf32>
    %swap3A_485 = arith.constant 1296 : index
    %swap3A_486 = arith.constant 0 : index
    %swap3A_487 = vector.load %arg7[%swap3A_485, %swap3A_486] : memref<2304x128xf32, #tpu.memory_space<vmem>>, vector<72x128xf32>
    tpu.vector_store %arg7[%swap3A_485, %swap3A_486], %slice3A_484 {strides = array<i32>} : memref<2304x128xf32, #tpu.memory_space<vmem>>, vector<72x128xf32>,
    %get3A_488 = arith.constant 0 : index
    %get3A_489 = arith.constant 36 : index
    %get3A_490 = arith.constant 0 : index
    %get3A_491 = arith.constant 0 : index
    %get3A_492 = vector.load %arg2[%get3A_488, %get3A_489, %get3A_490, %get3A_491] : memref<1x64x64x64xbf16, #tpu.memory_space<vmem>>, vector<1x1x64x64xbf16>
    %get3A_493 = vector.shape_cast %get3A_492 : vector<1x1x64x64xbf16> to vector<64x64xbf16>
    %get3A_494 = arith.constant 0 : index
    %get3A_495 = arith.constant 37 : index
    %get3A_496 = arith.constant 0 : index
    %get3A_497 = arith.constant 0 : index
    %get3A_498 = vector.load %arg2[%get3A_494, %get3A_495, %get3A_496, %get3A_497] : memref<1x64x64x64xbf16, #tpu.memory_space<vmem>>, vector<1x1x64x64xbf16>
    %get3A_499 = vector.shape_cast %get3A_498 : vector<1x1x64x64xbf16> to vector<64x64xbf16>
    %concatenate3A_500 = tpu.concatenate %get3A_493, %get3A_499 in 1 : vector<64x64xbf16>, vector<64x64xbf16> -> vector<64x128xbf16>
    %dot_general3A_501 = arith.constant dense<0.000000e+00> : vector<72x128xf32>
    %dot_general3A_502 = tpu.matmul %get3A_1, %concatenate3A_500, %dot_general3A_501 {dimension_numbers = #tpu.dot_dimension_numbers<[1], [0], [0], [1], [0, 0, 1, 1], [], []>, transpose_lhs_hint = false} : vector<72x64xbf16>, vector<64x128xbf16>, vector<72x128xf32> -> vector<72x128xf32>
    %swap3A_503 = arith.constant 1296 : index
    %swap3A_504 = arith.constant 0 : index
    %swap3A_505 = vector.load %arg6[%swap3A_503, %swap3A_504] : memref<2304x128xf32, #tpu.memory_space<vmem>>, vector<72x128xf32>
    tpu.vector_store %arg6[%swap3A_503, %swap3A_504], %dot_general3A_502 {strides = array<i32>} : memref<2304x128xf32, #tpu.memory_space<vmem>>, vector<72x128xf32>,
    %slice3A_506 = vector.extract_strided_slice %dot_general3A_7 {offsets = [0, 2432], sizes = [72, 128], strides = [1, 1]} : vector<72x4096xf32> to vector<72x128xf32>
    %swap3A_507 = arith.constant 1368 : index
    %swap3A_508 = arith.constant 0 : index
    %swap3A_509 = vector.load %arg5[%swap3A_507, %swap3A_508] : memref<2304x128xf32, #tpu.memory_space<vmem>>, vector<72x128xf32>
    tpu.vector_store %arg5[%swap3A_507, %swap3A_508], %slice3A_506 {strides = array<i32>} : memref<2304x128xf32, #tpu.memory_space<vmem>>, vector<72x128xf32>,
    %slice3A_510 = vector.extract_strided_slice %dot_general3A_14 {offsets = [0, 2432], sizes = [72, 128], strides = [1, 1]} : vector<72x4096xf32> to vector<72x128xf32>
    %swap3A_511 = arith.constant 1368 : index
    %swap3A_512 = arith.constant 0 : index
    %swap3A_513 = vector.load %arg7[%swap3A_511, %swap3A_512] : memref<2304x128xf32, #tpu.memory_space<vmem>>, vector<72x128xf32>
    tpu.vector_store %arg7[%swap3A_511, %swap3A_512], %slice3A_510 {strides = array<i32>} : memref<2304x128xf32, #tpu.memory_space<vmem>>, vector<72x128xf32>,
    %get3A_514 = arith.constant 0 : index
    %get3A_515 = arith.constant 38 : index
    %get3A_516 = arith.constant 0 : index
    %get3A_517 = arith.constant 0 : index
    %get3A_518 = vector.load %arg2[%get3A_514, %get3A_515, %get3A_516, %get3A_517] : memref<1x64x64x64xbf16, #tpu.memory_space<vmem>>, vector<1x1x64x64xbf16>
    %get3A_519 = vector.shape_cast %get3A_518 : vector<1x1x64x64xbf16> to vector<64x64xbf16>
    %get3A_520 = arith.constant 0 : index
    %get3A_521 = arith.constant 39 : index
    %get3A_522 = arith.constant 0 : index
    %get3A_523 = arith.constant 0 : index
    %get3A_524 = vector.load %arg2[%get3A_520, %get3A_521, %get3A_522, %get3A_523] : memref<1x64x64x64xbf16, #tpu.memory_space<vmem>>, vector<1x1x64x64xbf16>
    %get3A_525 = vector.shape_cast %get3A_524 : vector<1x1x64x64xbf16> to vector<64x64xbf16>
    %concatenate3A_526 = tpu.concatenate %get3A_519, %get3A_525 in 1 : vector<64x64xbf16>, vector<64x64xbf16> -> vector<64x128xbf16>
    %dot_general3A_527 = arith.constant dense<0.000000e+00> : vector<72x128xf32>
    %dot_general3A_528 = tpu.matmul %get3A_1, %concatenate3A_526, %dot_general3A_527 {dimension_numbers = #tpu.dot_dimension_numbers<[1], [0], [0], [1], [0, 0, 1, 1], [], []>, transpose_lhs_hint = false} : vector<72x64xbf16>, vector<64x128xbf16>, vector<72x128xf32> -> vector<72x128xf32>
    %swap3A_529 = arith.constant 1368 : index
    %swap3A_530 = arith.constant 0 : index
    %swap3A_531 = vector.load %arg6[%swap3A_529, %swap3A_530] : memref<2304x128xf32, #tpu.memory_space<vmem>>, vector<72x128xf32>
    tpu.vector_store %arg6[%swap3A_529, %swap3A_530], %dot_general3A_528 {strides = array<i32>} : memref<2304x128xf32, #tpu.memory_space<vmem>>, vector<72x128xf32>,
    %slice3A_532 = vector.extract_strided_slice %dot_general3A_7 {offsets = [0, 2560], sizes = [72, 128], strides = [1, 1]} : vector<72x4096xf32> to vector<72x128xf32>
    %swap3A_533 = arith.constant 1440 : index
    %swap3A_534 = arith.constant 0 : index
    %swap3A_535 = vector.load %arg5[%swap3A_533, %swap3A_534] : memref<2304x128xf32, #tpu.memory_space<vmem>>, vector<72x128xf32>
    tpu.vector_store %arg5[%swap3A_533, %swap3A_534], %slice3A_532 {strides = array<i32>} : memref<2304x128xf32, #tpu.memory_space<vmem>>, vector<72x128xf32>,
    %slice3A_536 = vector.extract_strided_slice %dot_general3A_14 {offsets = [0, 2560], sizes = [72, 128], strides = [1, 1]} : vector<72x4096xf32> to vector<72x128xf32>
    %swap3A_537 = arith.constant 1440 : index
    %swap3A_538 = arith.constant 0 : index
    %swap3A_539 = vector.load %arg7[%swap3A_537, %swap3A_538] : memref<2304x128xf32, #tpu.memory_space<vmem>>, vector<72x128xf32>
    tpu.vector_store %arg7[%swap3A_537, %swap3A_538], %slice3A_536 {strides = array<i32>} : memref<2304x128xf32, #tpu.memory_space<vmem>>, vector<72x128xf32>,
    %get3A_540 = arith.constant 0 : index
    %get3A_541 = arith.constant 40 : index
    %get3A_542 = arith.constant 0 : index
    %get3A_543 = arith.constant 0 : index
    %get3A_544 = vector.load %arg2[%get3A_540, %get3A_541, %get3A_542, %get3A_543] : memref<1x64x64x64xbf16, #tpu.memory_space<vmem>>, vector<1x1x64x64xbf16>
    %get3A_545 = vector.shape_cast %get3A_544 : vector<1x1x64x64xbf16> to vector<64x64xbf16>
    %get3A_546 = arith.constant 0 : index
    %get3A_547 = arith.constant 41 : index
    %get3A_548 = arith.constant 0 : index
    %get3A_549 = arith.constant 0 : index
    %get3A_550 = vector.load %arg2[%get3A_546, %get3A_547, %get3A_548, %get3A_549] : memref<1x64x64x64xbf16, #tpu.memory_space<vmem>>, vector<1x1x64x64xbf16>
    %get3A_551 = vector.shape_cast %get3A_550 : vector<1x1x64x64xbf16> to vector<64x64xbf16>
    %concatenate3A_552 = tpu.concatenate %get3A_545, %get3A_551 in 1 : vector<64x64xbf16>, vector<64x64xbf16> -> vector<64x128xbf16>
    %dot_general3A_553 = arith.constant dense<0.000000e+00> : vector<72x128xf32>
    %dot_general3A_554 = tpu.matmul %get3A_1, %concatenate3A_552, %dot_general3A_553 {dimension_numbers = #tpu.dot_dimension_numbers<[1], [0], [0], [1], [0, 0, 1, 1], [], []>, transpose_lhs_hint = false} : vector<72x64xbf16>, vector<64x128xbf16>, vector<72x128xf32> -> vector<72x128xf32>
    %swap3A_555 = arith.constant 1440 : index
    %swap3A_556 = arith.constant 0 : index
    %swap3A_557 = vector.load %arg6[%swap3A_555, %swap3A_556] : memref<2304x128xf32, #tpu.memory_space<vmem>>, vector<72x128xf32>
    tpu.vector_store %arg6[%swap3A_555, %swap3A_556], %dot_general3A_554 {strides = array<i32>} : memref<2304x128xf32, #tpu.memory_space<vmem>>, vector<72x128xf32>,
    %slice3A_558 = vector.extract_strided_slice %dot_general3A_7 {offsets = [0, 2688], sizes = [72, 128], strides = [1, 1]} : vector<72x4096xf32> to vector<72x128xf32>
    %swap3A_559 = arith.constant 1512 : index
    %swap3A_560 = arith.constant 0 : index
    %swap3A_561 = vector.load %arg5[%swap3A_559, %swap3A_560] : memref<2304x128xf32, #tpu.memory_space<vmem>>, vector<72x128xf32>
    tpu.vector_store %arg5[%swap3A_559, %swap3A_560], %slice3A_558 {strides = array<i32>} : memref<2304x128xf32, #tpu.memory_space<vmem>>, vector<72x128xf32>,
    %slice3A_562 = vector.extract_strided_slice %dot_general3A_14 {offsets = [0, 2688], sizes = [72, 128], strides = [1, 1]} : vector<72x4096xf32> to vector<72x128xf32>
    %swap3A_563 = arith.constant 1512 : index
    %swap3A_564 = arith.constant 0 : index
    %swap3A_565 = vector.load %arg7[%swap3A_563, %swap3A_564] : memref<2304x128xf32, #tpu.memory_space<vmem>>, vector<72x128xf32>
    tpu.vector_store %arg7[%swap3A_563, %swap3A_564], %slice3A_562 {strides = array<i32>} : memref<2304x128xf32, #tpu.memory_space<vmem>>, vector<72x128xf32>,
    %get3A_566 = arith.constant 0 : index
    %get3A_567 = arith.constant 42 : index
    %get3A_568 = arith.constant 0 : index
    %get3A_569 = arith.constant 0 : index
    %get3A_570 = vector.load %arg2[%get3A_566, %get3A_567, %get3A_568, %get3A_569] : memref<1x64x64x64xbf16, #tpu.memory_space<vmem>>, vector<1x1x64x64xbf16>
    %get3A_571 = vector.shape_cast %get3A_570 : vector<1x1x64x64xbf16> to vector<64x64xbf16>
    %get3A_572 = arith.constant 0 : index
    %get3A_573 = arith.constant 43 : index
    %get3A_574 = arith.constant 0 : index
    %get3A_575 = arith.constant 0 : index
    %get3A_576 = vector.load %arg2[%get3A_572, %get3A_573, %get3A_574, %get3A_575] : memref<1x64x64x64xbf16, #tpu.memory_space<vmem>>, vector<1x1x64x64xbf16>
    %get3A_577 = vector.shape_cast %get3A_576 : vector<1x1x64x64xbf16> to vector<64x64xbf16>
    %concatenate3A_578 = tpu.concatenate %get3A_571, %get3A_577 in 1 : vector<64x64xbf16>, vector<64x64xbf16> -> vector<64x128xbf16>
    %dot_general3A_579 = arith.constant dense<0.000000e+00> : vector<72x128xf32>
    %dot_general3A_580 = tpu.matmul %get3A_1, %concatenate3A_578, %dot_general3A_579 {dimension_numbers = #tpu.dot_dimension_numbers<[1], [0], [0], [1], [0, 0, 1, 1], [], []>, transpose_lhs_hint = false} : vector<72x64xbf16>, vector<64x128xbf16>, vector<72x128xf32> -> vector<72x128xf32>
    %swap3A_581 = arith.constant 1512 : index
    %swap3A_582 = arith.constant 0 : index
    %swap3A_583 = vector.load %arg6[%swap3A_581, %swap3A_582] : memref<2304x128xf32, #tpu.memory_space<vmem>>, vector<72x128xf32>
    tpu.vector_store %arg6[%swap3A_581, %swap3A_582], %dot_general3A_580 {strides = array<i32>} : memref<2304x128xf32, #tpu.memory_space<vmem>>, vector<72x128xf32>,
    %slice3A_584 = vector.extract_strided_slice %dot_general3A_7 {offsets = [0, 2816], sizes = [72, 128], strides = [1, 1]} : vector<72x4096xf32> to vector<72x128xf32>
    %swap3A_585 = arith.constant 1584 : index
    %swap3A_586 = arith.constant 0 : index
    %swap3A_587 = vector.load %arg5[%swap3A_585, %swap3A_586] : memref<2304x128xf32, #tpu.memory_space<vmem>>, vector<72x128xf32>
    tpu.vector_store %arg5[%swap3A_585, %swap3A_586], %slice3A_584 {strides = array<i32>} : memref<2304x128xf32, #tpu.memory_space<vmem>>, vector<72x128xf32>,
    %slice3A_588 = vector.extract_strided_slice %dot_general3A_14 {offsets = [0, 2816], sizes = [72, 128], strides = [1, 1]} : vector<72x4096xf32> to vector<72x128xf32>
    %swap3A_589 = arith.constant 1584 : index
    %swap3A_590 = arith.constant 0 : index
    %swap3A_591 = vector.load %arg7[%swap3A_589, %swap3A_590] : memref<2304x128xf32, #tpu.memory_space<vmem>>, vector<72x128xf32>
    tpu.vector_store %arg7[%swap3A_589, %swap3A_590], %slice3A_588 {strides = array<i32>} : memref<2304x128xf32, #tpu.memory_space<vmem>>, vector<72x128xf32>,
    %get3A_592 = arith.constant 0 : index
    %get3A_593 = arith.constant 44 : index
    %get3A_594 = arith.constant 0 : index
    %get3A_595 = arith.constant 0 : index
    %get3A_596 = vector.load %arg2[%get3A_592, %get3A_593, %get3A_594, %get3A_595] : memref<1x64x64x64xbf16, #tpu.memory_space<vmem>>, vector<1x1x64x64xbf16>
    %get3A_597 = vector.shape_cast %get3A_596 : vector<1x1x64x64xbf16> to vector<64x64xbf16>
    %get3A_598 = arith.constant 0 : index
    %get3A_599 = arith.constant 45 : index
    %get3A_600 = arith.constant 0 : index
    %get3A_601 = arith.constant 0 : index
    %get3A_602 = vector.load %arg2[%get3A_598, %get3A_599, %get3A_600, %get3A_601] : memref<1x64x64x64xbf16, #tpu.memory_space<vmem>>, vector<1x1x64x64xbf16>
    %get3A_603 = vector.shape_cast %get3A_602 : vector<1x1x64x64xbf16> to vector<64x64xbf16>
    %concatenate3A_604 = tpu.concatenate %get3A_597, %get3A_603 in 1 : vector<64x64xbf16>, vector<64x64xbf16> -> vector<64x128xbf16>
    %dot_general3A_605 = arith.constant dense<0.000000e+00> : vector<72x128xf32>
    %dot_general3A_606 = tpu.matmul %get3A_1, %concatenate3A_604, %dot_general3A_605 {dimension_numbers = #tpu.dot_dimension_numbers<[1], [0], [0], [1], [0, 0, 1, 1], [], []>, transpose_lhs_hint = false} : vector<72x64xbf16>, vector<64x128xbf16>, vector<72x128xf32> -> vector<72x128xf32>
    %swap3A_607 = arith.constant 1584 : index
    %swap3A_608 = arith.constant 0 : index
    %swap3A_609 = vector.load %arg6[%swap3A_607, %swap3A_608] : memref<2304x128xf32, #tpu.memory_space<vmem>>, vector<72x128xf32>
    tpu.vector_store %arg6[%swap3A_607, %swap3A_608], %dot_general3A_606 {strides = array<i32>} : memref<2304x128xf32, #tpu.memory_space<vmem>>, vector<72x128xf32>,
    %slice3A_610 = vector.extract_strided_slice %dot_general3A_7 {offsets = [0, 2944], sizes = [72, 128], strides = [1, 1]} : vector<72x4096xf32> to vector<72x128xf32>
    %swap3A_611 = arith.constant 1656 : index
    %swap3A_612 = arith.constant 0 : index
    %swap3A_613 = vector.load %arg5[%swap3A_611, %swap3A_612] : memref<2304x128xf32, #tpu.memory_space<vmem>>, vector<72x128xf32>
    tpu.vector_store %arg5[%swap3A_611, %swap3A_612], %slice3A_610 {strides = array<i32>} : memref<2304x128xf32, #tpu.memory_space<vmem>>, vector<72x128xf32>,
    %slice3A_614 = vector.extract_strided_slice %dot_general3A_14 {offsets = [0, 2944], sizes = [72, 128], strides = [1, 1]} : vector<72x4096xf32> to vector<72x128xf32>
    %swap3A_615 = arith.constant 1656 : index
    %swap3A_616 = arith.constant 0 : index
    %swap3A_617 = vector.load %arg7[%swap3A_615, %swap3A_616] : memref<2304x128xf32, #tpu.memory_space<vmem>>, vector<72x128xf32>
    tpu.vector_store %arg7[%swap3A_615, %swap3A_616], %slice3A_614 {strides = array<i32>} : memref<2304x128xf32, #tpu.memory_space<vmem>>, vector<72x128xf32>,
    %get3A_618 = arith.constant 0 : index
    %get3A_619 = arith.constant 46 : index
    %get3A_620 = arith.constant 0 : index
    %get3A_621 = arith.constant 0 : index
    %get3A_622 = vector.load %arg2[%get3A_618, %get3A_619, %get3A_620, %get3A_621] : memref<1x64x64x64xbf16, #tpu.memory_space<vmem>>, vector<1x1x64x64xbf16>
    %get3A_623 = vector.shape_cast %get3A_622 : vector<1x1x64x64xbf16> to vector<64x64xbf16>
    %get3A_624 = arith.constant 0 : index
    %get3A_625 = arith.constant 47 : index
    %get3A_626 = arith.constant 0 : index
    %get3A_627 = arith.constant 0 : index
    %get3A_628 = vector.load %arg2[%get3A_624, %get3A_625, %get3A_626, %get3A_627] : memref<1x64x64x64xbf16, #tpu.memory_space<vmem>>, vector<1x1x64x64xbf16>
    %get3A_629 = vector.shape_cast %get3A_628 : vector<1x1x64x64xbf16> to vector<64x64xbf16>
    %concatenate3A_630 = tpu.concatenate %get3A_623, %get3A_629 in 1 : vector<64x64xbf16>, vector<64x64xbf16> -> vector<64x128xbf16>
    %dot_general3A_631 = arith.constant dense<0.000000e+00> : vector<72x128xf32>
    %dot_general3A_632 = tpu.matmul %get3A_1, %concatenate3A_630, %dot_general3A_631 {dimension_numbers = #tpu.dot_dimension_numbers<[1], [0], [0], [1], [0, 0, 1, 1], [], []>, transpose_lhs_hint = false} : vector<72x64xbf16>, vector<64x128xbf16>, vector<72x128xf32> -> vector<72x128xf32>
    %swap3A_633 = arith.constant 1656 : index
    %swap3A_634 = arith.constant 0 : index
    %swap3A_635 = vector.load %arg6[%swap3A_633, %swap3A_634] : memref<2304x128xf32, #tpu.memory_space<vmem>>, vector<72x128xf32>
    tpu.vector_store %arg6[%swap3A_633, %swap3A_634], %dot_general3A_632 {strides = array<i32>} : memref<2304x128xf32, #tpu.memory_space<vmem>>, vector<72x128xf32>,
    %slice3A_636 = vector.extract_strided_slice %dot_general3A_7 {offsets = [0, 3072], sizes = [72, 128], strides = [1, 1]} : vector<72x4096xf32> to vector<72x128xf32>
    %swap3A_637 = arith.constant 1728 : index
    %swap3A_638 = arith.constant 0 : index
    %swap3A_639 = vector.load %arg5[%swap3A_637, %swap3A_638] : memref<2304x128xf32, #tpu.memory_space<vmem>>, vector<72x128xf32>
    tpu.vector_store %arg5[%swap3A_637, %swap3A_638], %slice3A_636 {strides = array<i32>} : memref<2304x128xf32, #tpu.memory_space<vmem>>, vector<72x128xf32>,
    %slice3A_640 = vector.extract_strided_slice %dot_general3A_14 {offsets = [0, 3072], sizes = [72, 128], strides = [1, 1]} : vector<72x4096xf32> to vector<72x128xf32>
    %swap3A_641 = arith.constant 1728 : index
    %swap3A_642 = arith.constant 0 : index
    %swap3A_643 = vector.load %arg7[%swap3A_641, %swap3A_642] : memref<2304x128xf32, #tpu.memory_space<vmem>>, vector<72x128xf32>
    tpu.vector_store %arg7[%swap3A_641, %swap3A_642], %slice3A_640 {strides = array<i32>} : memref<2304x128xf32, #tpu.memory_space<vmem>>, vector<72x128xf32>,
    %get3A_644 = arith.constant 0 : index
    %get3A_645 = arith.constant 48 : index
    %get3A_646 = arith.constant 0 : index
    %get3A_647 = arith.constant 0 : index
    %get3A_648 = vector.load %arg2[%get3A_644, %get3A_645, %get3A_646, %get3A_647] : memref<1x64x64x64xbf16, #tpu.memory_space<vmem>>, vector<1x1x64x64xbf16>
    %get3A_649 = vector.shape_cast %get3A_648 : vector<1x1x64x64xbf16> to vector<64x64xbf16>
    %get3A_650 = arith.constant 0 : index
    %get3A_651 = arith.constant 49 : index
    %get3A_652 = arith.constant 0 : index
    %get3A_653 = arith.constant 0 : index
    %get3A_654 = vector.load %arg2[%get3A_650, %get3A_651, %get3A_652, %get3A_653] : memref<1x64x64x64xbf16, #tpu.memory_space<vmem>>, vector<1x1x64x64xbf16>
    %get3A_655 = vector.shape_cast %get3A_654 : vector<1x1x64x64xbf16> to vector<64x64xbf16>
    %concatenate3A_656 = tpu.concatenate %get3A_649, %get3A_655 in 1 : vector<64x64xbf16>, vector<64x64xbf16> -> vector<64x128xbf16>
    %dot_general3A_657 = arith.constant dense<0.000000e+00> : vector<72x128xf32>
    %dot_general3A_658 = tpu.matmul %get3A_1, %concatenate3A_656, %dot_general3A_657 {dimension_numbers = #tpu.dot_dimension_numbers<[1], [0], [0], [1], [0, 0, 1, 1], [], []>, transpose_lhs_hint = false} : vector<72x64xbf16>, vector<64x128xbf16>, vector<72x128xf32> -> vector<72x128xf32>
    %swap3A_659 = arith.constant 1728 : index
    %swap3A_660 = arith.constant 0 : index
    %swap3A_661 = vector.load %arg6[%swap3A_659, %swap3A_660] : memref<2304x128xf32, #tpu.memory_space<vmem>>, vector<72x128xf32>
    tpu.vector_store %arg6[%swap3A_659, %swap3A_660], %dot_general3A_658 {strides = array<i32>} : memref<2304x128xf32, #tpu.memory_space<vmem>>, vector<72x128xf32>,
    %slice3A_662 = vector.extract_strided_slice %dot_general3A_7 {offsets = [0, 3200], sizes = [72, 128], strides = [1, 1]} : vector<72x4096xf32> to vector<72x128xf32>
    %swap3A_663 = arith.constant 1800 : index
    %swap3A_664 = arith.constant 0 : index
    %swap3A_665 = vector.load %arg5[%swap3A_663, %swap3A_664] : memref<2304x128xf32, #tpu.memory_space<vmem>>, vector<72x128xf32>
    tpu.vector_store %arg5[%swap3A_663, %swap3A_664], %slice3A_662 {strides = array<i32>} : memref<2304x128xf32, #tpu.memory_space<vmem>>, vector<72x128xf32>,
    %slice3A_666 = vector.extract_strided_slice %dot_general3A_14 {offsets = [0, 3200], sizes = [72, 128], strides = [1, 1]} : vector<72x4096xf32> to vector<72x128xf32>
    %swap3A_667 = arith.constant 1800 : index
    %swap3A_668 = arith.constant 0 : index
    %swap3A_669 = vector.load %arg7[%swap3A_667, %swap3A_668] : memref<2304x128xf32, #tpu.memory_space<vmem>>, vector<72x128xf32>
    tpu.vector_store %arg7[%swap3A_667, %swap3A_668], %slice3A_666 {strides = array<i32>} : memref<2304x128xf32, #tpu.memory_space<vmem>>, vector<72x128xf32>,
    %get3A_670 = arith.constant 0 : index
    %get3A_671 = arith.constant 50 : index
    %get3A_672 = arith.constant 0 : index
    %get3A_673 = arith.constant 0 : index
    %get3A_674 = vector.load %arg2[%get3A_670, %get3A_671, %get3A_672, %get3A_673] : memref<1x64x64x64xbf16, #tpu.memory_space<vmem>>, vector<1x1x64x64xbf16>
    %get3A_675 = vector.shape_cast %get3A_674 : vector<1x1x64x64xbf16> to vector<64x64xbf16>
    %get3A_676 = arith.constant 0 : index
    %get3A_677 = arith.constant 51 : index
    %get3A_678 = arith.constant 0 : index
    %get3A_679 = arith.constant 0 : index
    %get3A_680 = vector.load %arg2[%get3A_676, %get3A_677, %get3A_678, %get3A_679] : memref<1x64x64x64xbf16, #tpu.memory_space<vmem>>, vector<1x1x64x64xbf16>
    %get3A_681 = vector.shape_cast %get3A_680 : vector<1x1x64x64xbf16> to vector<64x64xbf16>
    %concatenate3A_682 = tpu.concatenate %get3A_675, %get3A_681 in 1 : vector<64x64xbf16>, vector<64x64xbf16> -> vector<64x128xbf16>
    %dot_general3A_683 = arith.constant dense<0.000000e+00> : vector<72x128xf32>
    %dot_general3A_684 = tpu.matmul %get3A_1, %concatenate3A_682, %dot_general3A_683 {dimension_numbers = #tpu.dot_dimension_numbers<[1], [0], [0], [1], [0, 0, 1, 1], [], []>, transpose_lhs_hint = false} : vector<72x64xbf16>, vector<64x128xbf16>, vector<72x128xf32> -> vector<72x128xf32>
    %swap3A_685 = arith.constant 1800 : index
    %swap3A_686 = arith.constant 0 : index
    %swap3A_687 = vector.load %arg6[%swap3A_685, %swap3A_686] : memref<2304x128xf32, #tpu.memory_space<vmem>>, vector<72x128xf32>
    tpu.vector_store %arg6[%swap3A_685, %swap3A_686], %dot_general3A_684 {strides = array<i32>} : memref<2304x128xf32, #tpu.memory_space<vmem>>, vector<72x128xf32>,
    %slice3A_688 = vector.extract_strided_slice %dot_general3A_7 {offsets = [0, 3328], sizes = [72, 128], strides = [1, 1]} : vector<72x4096xf32> to vector<72x128xf32>
    %swap3A_689 = arith.constant 1872 : index
    %swap3A_690 = arith.constant 0 : index
    %swap3A_691 = vector.load %arg5[%swap3A_689, %swap3A_690] : memref<2304x128xf32, #tpu.memory_space<vmem>>, vector<72x128xf32>
    tpu.vector_store %arg5[%swap3A_689, %swap3A_690], %slice3A_688 {strides = array<i32>} : memref<2304x128xf32, #tpu.memory_space<vmem>>, vector<72x128xf32>,
    %slice3A_692 = vector.extract_strided_slice %dot_general3A_14 {offsets = [0, 3328], sizes = [72, 128], strides = [1, 1]} : vector<72x4096xf32> to vector<72x128xf32>
    %swap3A_693 = arith.constant 1872 : index
    %swap3A_694 = arith.constant 0 : index
    %swap3A_695 = vector.load %arg7[%swap3A_693, %swap3A_694] : memref<2304x128xf32, #tpu.memory_space<vmem>>, vector<72x128xf32>
    tpu.vector_store %arg7[%swap3A_693, %swap3A_694], %slice3A_692 {strides = array<i32>} : memref<2304x128xf32, #tpu.memory_space<vmem>>, vector<72x128xf32>,
    %get3A_696 = arith.constant 0 : index
    %get3A_697 = arith.constant 52 : index
    %get3A_698 = arith.constant 0 : index
    %get3A_699 = arith.constant 0 : index
    %get3A_700 = vector.load %arg2[%get3A_696, %get3A_697, %get3A_698, %get3A_699] : memref<1x64x64x64xbf16, #tpu.memory_space<vmem>>, vector<1x1x64x64xbf16>
    %get3A_701 = vector.shape_cast %get3A_700 : vector<1x1x64x64xbf16> to vector<64x64xbf16>
    %get3A_702 = arith.constant 0 : index
    %get3A_703 = arith.constant 53 : index
    %get3A_704 = arith.constant 0 : index
    %get3A_705 = arith.constant 0 : index
    %get3A_706 = vector.load %arg2[%get3A_702, %get3A_703, %get3A_704, %get3A_705] : memref<1x64x64x64xbf16, #tpu.memory_space<vmem>>, vector<1x1x64x64xbf16>
    %get3A_707 = vector.shape_cast %get3A_706 : vector<1x1x64x64xbf16> to vector<64x64xbf16>
    %concatenate3A_708 = tpu.concatenate %get3A_701, %get3A_707 in 1 : vector<64x64xbf16>, vector<64x64xbf16> -> vector<64x128xbf16>
    %dot_general3A_709 = arith.constant dense<0.000000e+00> : vector<72x128xf32>
    %dot_general3A_710 = tpu.matmul %get3A_1, %concatenate3A_708, %dot_general3A_709 {dimension_numbers = #tpu.dot_dimension_numbers<[1], [0], [0], [1], [0, 0, 1, 1], [], []>, transpose_lhs_hint = false} : vector<72x64xbf16>, vector<64x128xbf16>, vector<72x128xf32> -> vector<72x128xf32>
    %swap3A_711 = arith.constant 1872 : index
    %swap3A_712 = arith.constant 0 : index
    %swap3A_713 = vector.load %arg6[%swap3A_711, %swap3A_712] : memref<2304x128xf32, #tpu.memory_space<vmem>>, vector<72x128xf32>
    tpu.vector_store %arg6[%swap3A_711, %swap3A_712], %dot_general3A_710 {strides = array<i32>} : memref<2304x128xf32, #tpu.memory_space<vmem>>, vector<72x128xf32>,
    %slice3A_714 = vector.extract_strided_slice %dot_general3A_7 {offsets = [0, 3456], sizes = [72, 128], strides = [1, 1]} : vector<72x4096xf32> to vector<72x128xf32>
    %swap3A_715 = arith.constant 1944 : index
    %swap3A_716 = arith.constant 0 : index
    %swap3A_717 = vector.load %arg5[%swap3A_715, %swap3A_716] : memref<2304x128xf32, #tpu.memory_space<vmem>>, vector<72x128xf32>
    tpu.vector_store %arg5[%swap3A_715, %swap3A_716], %slice3A_714 {strides = array<i32>} : memref<2304x128xf32, #tpu.memory_space<vmem>>, vector<72x128xf32>,
    %slice3A_718 = vector.extract_strided_slice %dot_general3A_14 {offsets = [0, 3456], sizes = [72, 128], strides = [1, 1]} : vector<72x4096xf32> to vector<72x128xf32>
    %swap3A_719 = arith.constant 1944 : index
    %swap3A_720 = arith.constant 0 : index
    %swap3A_721 = vector.load %arg7[%swap3A_719, %swap3A_720] : memref<2304x128xf32, #tpu.memory_space<vmem>>, vector<72x128xf32>
    tpu.vector_store %arg7[%swap3A_719, %swap3A_720], %slice3A_718 {strides = array<i32>} : memref<2304x128xf32, #tpu.memory_space<vmem>>, vector<72x128xf32>,
    %get3A_722 = arith.constant 0 : index
    %get3A_723 = arith.constant 54 : index
    %get3A_724 = arith.constant 0 : index
    %get3A_725 = arith.constant 0 : index
    %get3A_726 = vector.load %arg2[%get3A_722, %get3A_723, %get3A_724, %get3A_725] : memref<1x64x64x64xbf16, #tpu.memory_space<vmem>>, vector<1x1x64x64xbf16>
    %get3A_727 = vector.shape_cast %get3A_726 : vector<1x1x64x64xbf16> to vector<64x64xbf16>
    %get3A_728 = arith.constant 0 : index
    %get3A_729 = arith.constant 55 : index
    %get3A_730 = arith.constant 0 : index
    %get3A_731 = arith.constant 0 : index
    %get3A_732 = vector.load %arg2[%get3A_728, %get3A_729, %get3A_730, %get3A_731] : memref<1x64x64x64xbf16, #tpu.memory_space<vmem>>, vector<1x1x64x64xbf16>
    %get3A_733 = vector.shape_cast %get3A_732 : vector<1x1x64x64xbf16> to vector<64x64xbf16>
    %concatenate3A_734 = tpu.concatenate %get3A_727, %get3A_733 in 1 : vector<64x64xbf16>, vector<64x64xbf16> -> vector<64x128xbf16>
    %dot_general3A_735 = arith.constant dense<0.000000e+00> : vector<72x128xf32>
    %dot_general3A_736 = tpu.matmul %get3A_1, %concatenate3A_734, %dot_general3A_735 {dimension_numbers = #tpu.dot_dimension_numbers<[1], [0], [0], [1], [0, 0, 1, 1], [], []>, transpose_lhs_hint = false} : vector<72x64xbf16>, vector<64x128xbf16>, vector<72x128xf32> -> vector<72x128xf32>
    %swap3A_737 = arith.constant 1944 : index
    %swap3A_738 = arith.constant 0 : index
    %swap3A_739 = vector.load %arg6[%swap3A_737, %swap3A_738] : memref<2304x128xf32, #tpu.memory_space<vmem>>, vector<72x128xf32>
    tpu.vector_store %arg6[%swap3A_737, %swap3A_738], %dot_general3A_736 {strides = array<i32>} : memref<2304x128xf32, #tpu.memory_space<vmem>>, vector<72x128xf32>,
    %slice3A_740 = vector.extract_strided_slice %dot_general3A_7 {offsets = [0, 3584], sizes = [72, 128], strides = [1, 1]} : vector<72x4096xf32> to vector<72x128xf32>
    %swap3A_741 = arith.constant 2016 : index
    %swap3A_742 = arith.constant 0 : index
    %swap3A_743 = vector.load %arg5[%swap3A_741, %swap3A_742] : memref<2304x128xf32, #tpu.memory_space<vmem>>, vector<72x128xf32>
    tpu.vector_store %arg5[%swap3A_741, %swap3A_742], %slice3A_740 {strides = array<i32>} : memref<2304x128xf32, #tpu.memory_space<vmem>>, vector<72x128xf32>,
    %slice3A_744 = vector.extract_strided_slice %dot_general3A_14 {offsets = [0, 3584], sizes = [72, 128], strides = [1, 1]} : vector<72x4096xf32> to vector<72x128xf32>
    %swap3A_745 = arith.constant 2016 : index
    %swap3A_746 = arith.constant 0 : index
    %swap3A_747 = vector.load %arg7[%swap3A_745, %swap3A_746] : memref<2304x128xf32, #tpu.memory_space<vmem>>, vector<72x128xf32>
    tpu.vector_store %arg7[%swap3A_745, %swap3A_746], %slice3A_744 {strides = array<i32>} : memref<2304x128xf32, #tpu.memory_space<vmem>>, vector<72x128xf32>,
    %get3A_748 = arith.constant 0 : index
    %get3A_749 = arith.constant 56 : index
    %get3A_750 = arith.constant 0 : index
    %get3A_751 = arith.constant 0 : index
    %get3A_752 = vector.load %arg2[%get3A_748, %get3A_749, %get3A_750, %get3A_751] : memref<1x64x64x64xbf16, #tpu.memory_space<vmem>>, vector<1x1x64x64xbf16>
    %get3A_753 = vector.shape_cast %get3A_752 : vector<1x1x64x64xbf16> to vector<64x64xbf16>
    %get3A_754 = arith.constant 0 : index
    %get3A_755 = arith.constant 57 : index
    %get3A_756 = arith.constant 0 : index
    %get3A_757 = arith.constant 0 : index
    %get3A_758 = vector.load %arg2[%get3A_754, %get3A_755, %get3A_756, %get3A_757] : memref<1x64x64x64xbf16, #tpu.memory_space<vmem>>, vector<1x1x64x64xbf16>
    %get3A_759 = vector.shape_cast %get3A_758 : vector<1x1x64x64xbf16> to vector<64x64xbf16>
    %concatenate3A_760 = tpu.concatenate %get3A_753, %get3A_759 in 1 : vector<64x64xbf16>, vector<64x64xbf16> -> vector<64x128xbf16>
    %dot_general3A_761 = arith.constant dense<0.000000e+00> : vector<72x128xf32>
    %dot_general3A_762 = tpu.matmul %get3A_1, %concatenate3A_760, %dot_general3A_761 {dimension_numbers = #tpu.dot_dimension_numbers<[1], [0], [0], [1], [0, 0, 1, 1], [], []>, transpose_lhs_hint = false} : vector<72x64xbf16>, vector<64x128xbf16>, vector<72x128xf32> -> vector<72x128xf32>
    %swap3A_763 = arith.constant 2016 : index
    %swap3A_764 = arith.constant 0 : index
    %swap3A_765 = vector.load %arg6[%swap3A_763, %swap3A_764] : memref<2304x128xf32, #tpu.memory_space<vmem>>, vector<72x128xf32>
    tpu.vector_store %arg6[%swap3A_763, %swap3A_764], %dot_general3A_762 {strides = array<i32>} : memref<2304x128xf32, #tpu.memory_space<vmem>>, vector<72x128xf32>,
    %slice3A_766 = vector.extract_strided_slice %dot_general3A_7 {offsets = [0, 3712], sizes = [72, 128], strides = [1, 1]} : vector<72x4096xf32> to vector<72x128xf32>
    %swap3A_767 = arith.constant 2088 : index
    %swap3A_768 = arith.constant 0 : index
    %swap3A_769 = vector.load %arg5[%swap3A_767, %swap3A_768] : memref<2304x128xf32, #tpu.memory_space<vmem>>, vector<72x128xf32>
    tpu.vector_store %arg5[%swap3A_767, %swap3A_768], %slice3A_766 {strides = array<i32>} : memref<2304x128xf32, #tpu.memory_space<vmem>>, vector<72x128xf32>,
    %slice3A_770 = vector.extract_strided_slice %dot_general3A_14 {offsets = [0, 3712], sizes = [72, 128], strides = [1, 1]} : vector<72x4096xf32> to vector<72x128xf32>
    %swap3A_771 = arith.constant 2088 : index
    %swap3A_772 = arith.constant 0 : index
    %swap3A_773 = vector.load %arg7[%swap3A_771, %swap3A_772] : memref<2304x128xf32, #tpu.memory_space<vmem>>, vector<72x128xf32>
    tpu.vector_store %arg7[%swap3A_771, %swap3A_772], %slice3A_770 {strides = array<i32>} : memref<2304x128xf32, #tpu.memory_space<vmem>>, vector<72x128xf32>,
    %get3A_774 = arith.constant 0 : index
    %get3A_775 = arith.constant 58 : index
    %get3A_776 = arith.constant 0 : index
    %get3A_777 = arith.constant 0 : index
    %get3A_778 = vector.load %arg2[%get3A_774, %get3A_775, %get3A_776, %get3A_777] : memref<1x64x64x64xbf16, #tpu.memory_space<vmem>>, vector<1x1x64x64xbf16>
    %get3A_779 = vector.shape_cast %get3A_778 : vector<1x1x64x64xbf16> to vector<64x64xbf16>
    %get3A_780 = arith.constant 0 : index
    %get3A_781 = arith.constant 59 : index
    %get3A_782 = arith.constant 0 : index
    %get3A_783 = arith.constant 0 : index
    %get3A_784 = vector.load %arg2[%get3A_780, %get3A_781, %get3A_782, %get3A_783] : memref<1x64x64x64xbf16, #tpu.memory_space<vmem>>, vector<1x1x64x64xbf16>
    %get3A_785 = vector.shape_cast %get3A_784 : vector<1x1x64x64xbf16> to vector<64x64xbf16>
    %concatenate3A_786 = tpu.concatenate %get3A_779, %get3A_785 in 1 : vector<64x64xbf16>, vector<64x64xbf16> -> vector<64x128xbf16>
    %dot_general3A_787 = arith.constant dense<0.000000e+00> : vector<72x128xf32>
    %dot_general3A_788 = tpu.matmul %get3A_1, %concatenate3A_786, %dot_general3A_787 {dimension_numbers = #tpu.dot_dimension_numbers<[1], [0], [0], [1], [0, 0, 1, 1], [], []>, transpose_lhs_hint = false} : vector<72x64xbf16>, vector<64x128xbf16>, vector<72x128xf32> -> vector<72x128xf32>
    %swap3A_789 = arith.constant 2088 : index
    %swap3A_790 = arith.constant 0 : index
    %swap3A_791 = vector.load %arg6[%swap3A_789, %swap3A_790] : memref<2304x128xf32, #tpu.memory_space<vmem>>, vector<72x128xf32>
    tpu.vector_store %arg6[%swap3A_789, %swap3A_790], %dot_general3A_788 {strides = array<i32>} : memref<2304x128xf32, #tpu.memory_space<vmem>>, vector<72x128xf32>,
    %slice3A_792 = vector.extract_strided_slice %dot_general3A_7 {offsets = [0, 3840], sizes = [72, 128], strides = [1, 1]} : vector<72x4096xf32> to vector<72x128xf32>
    %swap3A_793 = arith.constant 2160 : index
    %swap3A_794 = arith.constant 0 : index
    %swap3A_795 = vector.load %arg5[%swap3A_793, %swap3A_794] : memref<2304x128xf32, #tpu.memory_space<vmem>>, vector<72x128xf32>
    tpu.vector_store %arg5[%swap3A_793, %swap3A_794], %slice3A_792 {strides = array<i32>} : memref<2304x128xf32, #tpu.memory_space<vmem>>, vector<72x128xf32>,
    %slice3A_796 = vector.extract_strided_slice %dot_general3A_14 {offsets = [0, 3840], sizes = [72, 128], strides = [1, 1]} : vector<72x4096xf32> to vector<72x128xf32>
    %swap3A_797 = arith.constant 2160 : index
    %swap3A_798 = arith.constant 0 : index
    %swap3A_799 = vector.load %arg7[%swap3A_797, %swap3A_798] : memref<2304x128xf32, #tpu.memory_space<vmem>>, vector<72x128xf32>
    tpu.vector_store %arg7[%swap3A_797, %swap3A_798], %slice3A_796 {strides = array<i32>} : memref<2304x128xf32, #tpu.memory_space<vmem>>, vector<72x128xf32>,
    %get3A_800 = arith.constant 0 : index
    %get3A_801 = arith.constant 60 : index
    %get3A_802 = arith.constant 0 : index
    %get3A_803 = arith.constant 0 : index
    %get3A_804 = vector.load %arg2[%get3A_800, %get3A_801, %get3A_802, %get3A_803] : memref<1x64x64x64xbf16, #tpu.memory_space<vmem>>, vector<1x1x64x64xbf16>
    %get3A_805 = vector.shape_cast %get3A_804 : vector<1x1x64x64xbf16> to vector<64x64xbf16>
    %get3A_806 = arith.constant 0 : index
    %get3A_807 = arith.constant 61 : index
    %get3A_808 = arith.constant 0 : index
    %get3A_809 = arith.constant 0 : index
    %get3A_810 = vector.load %arg2[%get3A_806, %get3A_807, %get3A_808, %get3A_809] : memref<1x64x64x64xbf16, #tpu.memory_space<vmem>>, vector<1x1x64x64xbf16>
    %get3A_811 = vector.shape_cast %get3A_810 : vector<1x1x64x64xbf16> to vector<64x64xbf16>
    %concatenate3A_812 = tpu.concatenate %get3A_805, %get3A_811 in 1 : vector<64x64xbf16>, vector<64x64xbf16> -> vector<64x128xbf16>
    %dot_general3A_813 = arith.constant dense<0.000000e+00> : vector<72x128xf32>
    %dot_general3A_814 = tpu.matmul %get3A_1, %concatenate3A_812, %dot_general3A_813 {dimension_numbers = #tpu.dot_dimension_numbers<[1], [0], [0], [1], [0, 0, 1, 1], [], []>, transpose_lhs_hint = false} : vector<72x64xbf16>, vector<64x128xbf16>, vector<72x128xf32> -> vector<72x128xf32>
    %swap3A_815 = arith.constant 2160 : index
    %swap3A_816 = arith.constant 0 : index
    %swap3A_817 = vector.load %arg6[%swap3A_815, %swap3A_816] : memref<2304x128xf32, #tpu.memory_space<vmem>>, vector<72x128xf32>
    tpu.vector_store %arg6[%swap3A_815, %swap3A_816], %dot_general3A_814 {strides = array<i32>} : memref<2304x128xf32, #tpu.memory_space<vmem>>, vector<72x128xf32>,
    %slice3A_818 = vector.extract_strided_slice %dot_general3A_7 {offsets = [0, 3968], sizes = [72, 128], strides = [1, 1]} : vector<72x4096xf32> to vector<72x128xf32>
    %swap3A_819 = arith.constant 2232 : index
    %swap3A_820 = arith.constant 0 : index
    %swap3A_821 = vector.load %arg5[%swap3A_819, %swap3A_820] : memref<2304x128xf32, #tpu.memory_space<vmem>>, vector<72x128xf32>
    tpu.vector_store %arg5[%swap3A_819, %swap3A_820], %slice3A_818 {strides = array<i32>} : memref<2304x128xf32, #tpu.memory_space<vmem>>, vector<72x128xf32>,
    %slice3A_822 = vector.extract_strided_slice %dot_general3A_14 {offsets = [0, 3968], sizes = [72, 128], strides = [1, 1]} : vector<72x4096xf32> to vector<72x128xf32>
    %swap3A_823 = arith.constant 2232 : index
    %swap3A_824 = arith.constant 0 : index
    %swap3A_825 = vector.load %arg7[%swap3A_823, %swap3A_824] : memref<2304x128xf32, #tpu.memory_space<vmem>>, vector<72x128xf32>
    tpu.vector_store %arg7[%swap3A_823, %swap3A_824], %slice3A_822 {strides = array<i32>} : memref<2304x128xf32, #tpu.memory_space<vmem>>, vector<72x128xf32>,
    %get3A_826 = arith.constant 0 : index
    %get3A_827 = arith.constant 62 : index
    %get3A_828 = arith.constant 0 : index
    %get3A_829 = arith.constant 0 : index
    %get3A_830 = vector.load %arg2[%get3A_826, %get3A_827, %get3A_828, %get3A_829] : memref<1x64x64x64xbf16, #tpu.memory_space<vmem>>, vector<1x1x64x64xbf16>
    %get3A_831 = vector.shape_cast %get3A_830 : vector<1x1x64x64xbf16> to vector<64x64xbf16>
    %get3A_832 = arith.constant 0 : index
    %get3A_833 = arith.constant 63 : index
    %get3A_834 = arith.constant 0 : index
    %get3A_835 = arith.constant 0 : index
    %get3A_836 = vector.load %arg2[%get3A_832, %get3A_833, %get3A_834, %get3A_835] : memref<1x64x64x64xbf16, #tpu.memory_space<vmem>>, vector<1x1x64x64xbf16>
    %get3A_837 = vector.shape_cast %get3A_836 : vector<1x1x64x64xbf16> to vector<64x64xbf16>
    %concatenate3A_838 = tpu.concatenate %get3A_831, %get3A_837 in 1 : vector<64x64xbf16>, vector<64x64xbf16> -> vector<64x128xbf16>
    %dot_general3A_839 = arith.constant dense<0.000000e+00> : vector<72x128xf32>
    %dot_general3A_840 = tpu.matmul %get3A_1, %concatenate3A_838, %dot_general3A_839 {dimension_numbers = #tpu.dot_dimension_numbers<[1], [0], [0], [1], [0, 0, 1, 1], [], []>, transpose_lhs_hint = false} : vector<72x64xbf16>, vector<64x128xbf16>, vector<72x128xf32> -> vector<72x128xf32>
    %swap3A_841 = arith.constant 2232 : index
    %swap3A_842 = arith.constant 0 : index
    %swap3A_843 = vector.load %arg6[%swap3A_841, %swap3A_842] : memref<2304x128xf32, #tpu.memory_space<vmem>>, vector<72x128xf32>
    tpu.vector_store %arg6[%swap3A_841, %swap3A_842], %dot_general3A_840 {strides = array<i32>} : memref<2304x128xf32, #tpu.memory_space<vmem>>, vector<72x128xf32>,
    return
  }
  func.func @transform_0(%arg0: i32) -> (i32, i32, i32) {
    %c0_i32 = arith.constant 0 : i32
    %c0_i32_0 = arith.constant 0 : i32
    %c0_i32_1 = arith.constant 0 : i32
    return %arg0, %c0_i32, %c0_i32_0 : i32, i32, i32
  }
  func.func @transform_1(%arg0: i32) -> (i32, i32, i32, i32) {
    %c0_i32 = arith.constant 0 : i32
    %c0_i32_0 = arith.constant 0 : i32
    %c0_i32_1 = arith.constant 0 : i32
    %c0_i32_2 = arith.constant 0 : i32
    return %arg0, %c0_i32, %c0_i32_0, %c0_i32_1 : i32, i32, i32, i32
  }
  func.func @transform_2(%arg0: i32) -> (i32, i32, i32) {
    %c0_i32 = arith.constant 0 : i32
    %c0_i32_0 = arith.constant 0 : i32
    %c0_i32_1 = arith.constant 0 : i32
    return %arg0, %c0_i32, %c0_i32_0 : i32, i32, i32
  }
  func.func @transform_3(%arg0: i32) -> (i32, i32) {
    %c0_i32 = arith.constant 0 : i32
    %c0_i32_0 = arith.constant 0 : i32
    %c0_i32_1 = arith.constant 0 : i32
    return %c0_i32, %c0_i32_0 : i32, i32
  }
  func.func @transform_4(%arg0: i32) -> (i32, i32) {
    %c0_i32 = arith.constant 0 : i32
    %c0_i32_0 = arith.constant 0 : i32
    return %arg0, %c0_i32 : i32, i32
  }
  func.func @transform_5(%arg0: i32) -> (i32, i32) {
    %c0_i32 = arith.constant 0 : i32
    %c0_i32_0 = arith.constant 0 : i32
    return %arg0, %c0_i32 : i32, i32
  }
  func.func @transform_6(%arg0: i32) -> (i32, i32) {
    %c0_i32 = arith.constant 0 : i32
    %c0_i32_0 = arith.constant 0 : i32
    return %arg0, %c0_i32 : i32, i32
  }
}

module attributes {stable_mosaic.version = 14 : i64} {
  func.func @_loss_kernel(%arg0: i32, %arg1: memref<32x394x64xf32, #tpu.memory_space<vmem>>, %arg2: memref<64x64xf32, #tpu.memory_space<vmem>>, %arg3: memref<8x128xf32, #tpu.memory_space<vmem>>) attributes {dimension_semantics = [#tpu.dimension_semantics<arbitrary>], iteration_bounds = array<i64: 1>, scalar_prefetch = 0 : i64, scratch_operands = 0 : i64, tpu.core_type = #tpu.core_type<tc>, window_params = [{pipeline_mode = #tpu.pipeline_mode<synchronous>, transform_indices = @transform_0, window_bounds = array<i64: 32, 394, 64>}, {pipeline_mode = #tpu.pipeline_mode<synchronous>, transform_indices = @transform_1, window_bounds = array<i64: 64, 64>}, {pipeline_mode = #tpu.pipeline_mode<synchronous>, transform_indices = @transform_2, window_bounds = array<i64: 8, 128>}]} {
    %get3A = arith.constant 0 : index
    %get3A_0 = arith.constant 0 : index
    %get3A_1 = arith.constant 0 : index
    %get3A_2 = vector.load %arg1[%get3A, %get3A_0, %get3A_1] : memref<32x394x64xf32, #tpu.memory_space<vmem>>, vector<32x394x64xf32>
    %reduce_sum3A = arith.constant dense<0.000000e+00> : vector<394x64xf32>
    %reduce_sum3A_3 = vector.multi_reduction <add>, %get3A_2, %reduce_sum3A [0] : vector<32x394x64xf32> to vector<394x64xf32>
    %get3A_4 = arith.constant 0 : index
    %get3A_5 = arith.constant 0 : index
    %get3A_6 = vector.load %arg2[%get3A_4, %get3A_5] : memref<64x64xf32, #tpu.memory_space<vmem>>, vector<64x64xf32>
    %dot_general3A = arith.constant dense<0.000000e+00> : vector<394x64xf32>
    %dot_general3A_7 = tpu.matmul %reduce_sum3A_3, %get3A_6, %dot_general3A {dimension_numbers = #tpu.dot_dimension_numbers<[1], [0], [0], [1], [0, 0, 1, 1], [], []>, transpose_lhs_hint = false} : vector<394x64xf32>, vector<64x64xf32>, vector<394x64xf32> -> vector<394x64xf32>
    %slice3A = vector.extract_strided_slice %dot_general3A_7 {offsets = [0, 0], sizes = [65, 64], strides = [1, 1]} : vector<394x64xf32> to vector<65x64xf32>
    %slice3A_8 = vector.extract_strided_slice %dot_general3A_7 {offsets = [65, 0], sizes = [65, 64], strides = [1, 1]} : vector<394x64xf32> to vector<65x64xf32>
    %add3A = arith.addf %slice3A, %slice3A_8 : vector<65x64xf32>
    %slice3A_9 = vector.extract_strided_slice %dot_general3A_7 {offsets = [130, 0], sizes = [65, 64], strides = [1, 1]} : vector<394x64xf32> to vector<65x64xf32>
    %add3A_10 = arith.addf %add3A, %slice3A_9 : vector<65x64xf32>
    %slice3A_11 = vector.extract_strided_slice %dot_general3A_7 {offsets = [195, 0], sizes = [65, 64], strides = [1, 1]} : vector<394x64xf32> to vector<65x64xf32>
    %slice3A_12 = vector.extract_strided_slice %dot_general3A_7 {offsets = [260, 0], sizes = [65, 64], strides = [1, 1]} : vector<394x64xf32> to vector<65x64xf32>
    %add3A_13 = arith.addf %slice3A_11, %slice3A_12 : vector<65x64xf32>
    %slice3A_14 = vector.extract_strided_slice %dot_general3A_7 {offsets = [325, 0], sizes = [65, 64], strides = [1, 1]} : vector<394x64xf32> to vector<65x64xf32>
    %add3A_15 = arith.addf %add3A_13, %slice3A_14 : vector<65x64xf32>
    %mul3A = arith.mulf %dot_general3A_7, %dot_general3A_7 : vector<394x64xf32>
    %reduce_sum3A_16 = vector.shape_cast %mul3A : vector<394x64xf32> to vector<1x394x64xf32>
    %reduce_sum3A_17 = arith.constant dense<0.000000e+00> : vector<1xf32>
    %reduce_sum3A_18 = vector.multi_reduction <add>, %reduce_sum3A_16, %reduce_sum3A_17 [1, 2] : vector<1x394x64xf32> to vector<1xf32>
    %reduce_sum3A_19 = vector.shape_cast %reduce_sum3A_18 : vector<1xf32> to vector<1x1x1xf32>
    %reduce_sum3A_20 = vector.extract %reduce_sum3A_19[0, 0, 0] : f32 from vector<1x1x1xf32>
    %mul3A_21 = arith.mulf %add3A_10, %add3A_10 : vector<65x64xf32>
    %reduce_sum3A_22 = vector.shape_cast %mul3A_21 : vector<65x64xf32> to vector<1x65x64xf32>
    %reduce_sum3A_23 = arith.constant dense<0.000000e+00> : vector<1xf32>
    %reduce_sum3A_24 = vector.multi_reduction <add>, %reduce_sum3A_22, %reduce_sum3A_23 [1, 2] : vector<1x65x64xf32> to vector<1xf32>
    %reduce_sum3A_25 = vector.shape_cast %reduce_sum3A_24 : vector<1xf32> to vector<1x1x1xf32>
    %reduce_sum3A_26 = vector.extract %reduce_sum3A_25[0, 0, 0] : f32 from vector<1x1x1xf32>
    %add3A_27 = arith.addf %reduce_sum3A_20, %reduce_sum3A_26 : f32
    %mul3A_28 = arith.mulf %add3A_15, %add3A_15 : vector<65x64xf32>
    %reduce_sum3A_29 = vector.shape_cast %mul3A_28 : vector<65x64xf32> to vector<1x65x64xf32>
    %reduce_sum3A_30 = arith.constant dense<0.000000e+00> : vector<1xf32>
    %reduce_sum3A_31 = vector.multi_reduction <add>, %reduce_sum3A_29, %reduce_sum3A_30 [1, 2] : vector<1x65x64xf32> to vector<1xf32>
    %reduce_sum3A_32 = vector.shape_cast %reduce_sum3A_31 : vector<1xf32> to vector<1x1x1xf32>
    %reduce_sum3A_33 = vector.extract %reduce_sum3A_32[0, 0, 0] : f32 from vector<1x1x1xf32>
    %add3A_34 = arith.addf %add3A_27, %reduce_sum3A_33 : f32
    %mul3A_35 = arith.constant 4.4408921E-16 : f32
    %mul3A_36 = arith.mulf %add3A_34, %mul3A_35 : f32
    %broadcast_in_dim3A = vector.broadcast %mul3A_36 : f32 to vector<8x128xf32>
    %swap3A = arith.constant 0 : index
    %swap3A_37 = arith.constant 0 : index
    %swap3A_38 = vector.load %arg3[%swap3A, %swap3A_37] : memref<8x128xf32, #tpu.memory_space<vmem>>, vector<8x128xf32>
    tpu.vector_store %arg3[%swap3A, %swap3A_37], %broadcast_in_dim3A {strides = array<i32>} : memref<8x128xf32, #tpu.memory_space<vmem>>, vector<8x128xf32>,
    return
  }
  func.func @transform_0(%arg0: i32) -> (i32, i32, i32) {
    %c0_i32 = arith.constant 0 : i32
    %c0_i32_0 = arith.constant 0 : i32
    %c0_i32_1 = arith.constant 0 : i32
    %c0_i32_2 = arith.constant 0 : i32
    return %c0_i32, %c0_i32_0, %c0_i32_1 : i32, i32, i32
  }
  func.func @transform_1(%arg0: i32) -> (i32, i32) {
    %c0_i32 = arith.constant 0 : i32
    %c0_i32_0 = arith.constant 0 : i32
    %c0_i32_1 = arith.constant 0 : i32
    return %c0_i32, %c0_i32_0 : i32, i32
  }
  func.func @transform_2(%arg0: i32) -> (i32, i32) {
    %c0_i32 = arith.constant 0 : i32
    %c0_i32_0 = arith.constant 0 : i32
    %c0_i32_1 = arith.constant 0 : i32
    return %c0_i32, %c0_i32_0 : i32, i32
  }
}

</mosaic_0001>

<sc_bundles>
// kernel: kernel.6.cloned.1.call-start
scs
__scs_entry_jumppad:
0x0: {  	(pc) =	sbr.rel $0x88, $3  }
0x1: {  	(tag) =	ssettag $0x0;
	lr =	simm.s32 $0x1  }
0x2: {  	[smem:$0x3F9F] =	sst lr;
	_ =	strace $0xD0000000  }
0x3: {  	_ = 	snop  }
0x4: {  	_ = 	snop  }
0x5: {  	_ = 	snop  }
0x6: {  	_ = 	snop  }
0x7: {  	_ = 	snop  }
__scs_overlays_trampoline_lowered:
0x8: {  	[smem:$0x3FAE] =	sst s0  }
0x9: {  	[smem:$0x3FAF] =	sst s1  }
0xa: {  	[smem:$0x3FB0] =	sst s2  }
0xb: {  	[smem:$0x3FB1] =	sst s3  }
0xc: {  	[smem:$0x3FB2] =	sst s4  }
0xd: {  	[smem:$0x3FB3] =	sst s5  }
0xe: {  	[smem:$0x3FB4] =	sst s6  }
0xf: {  	[smem:$0x3FB5] =	sst s7  }
0x10: {  	[smem:$0x3FB6] =	sst s8  }
0x11: {  	[smem:$0x3FB7] =	sst s9;
	s0 =	simm.s32 @!p0 $0x0  }
0x12: {  	s1 =	sld [smem:$0x3F9D];
	s0 =	simm.s32 @p0 $0x1  }
0x13: {  	[smem:$0x3FB8] =	sst s0;
	s0 =	simm.s32 @!p1 $0x0  }
0x14: {  	s2 =	sld [smem:$0x3F9C];
	s0 =	simm.s32 @p1 $0x1  }
0x15: {  	[smem:$0x3FB9] =	sst s0;
	s0 =	simm.s32 @!p2 $0x0  }
0x16: {  	s3 =	sld [smem:$0x3FDB];
	s0 =	simm.s32 @p2 $0x1  }
0x17: {  	s4 =	simm.s32 $0x1BF5;
	[smem:$0x3FBB] =	sst s0  }
0x18: {  	s0 =	sld [smem:$0x3F9E];
	_ =	swait.ge [sflag:s4], $0x0  }
0x19: {  	s7 =	sld [smem:$0x3F9F]  }
0x1a: {  	s8 =	sadd.s32 $0xFFFFE003, lr  }
0x1b: {  	s9 =	sadd.s32 $0xFFFFFEF7, lr;
	s5 =	simm.s32 $0xFFFFFFFF;
	p2 =	slt.u32 s8, $0xFFFFF086  }
0x1c: {  	p1 =	slt.u32 s9, $0xF7A;
	s5 =	simm.s32 @!p2 $0x0  }
0x1d: {  	s5 =	simm.s32 @p1 $0x1;
	p0 =	seq.s32 s7, s2  }
0x1e: {  	s7 =	smul.u32 @!p0 $0xF7A, s2;
	p2 =	seq.s32 @!p0 s5, $0x0  }
0x1f: {  	s9 =	smul.u32 $0xF7A, s1;
	s8 =	simm.s32 @!p0 $0x1BF5;
	p2 =	por !p2, p0  }
0x20: {  	[sflag:s8] =	ssyncset.s32 @!p0 $0xFFFFF086;
	s6 =	sadd.s32 @!p0 s3, s7;
	s7 =	simm.s32 @!p0 $0x108  }
0x21: {  	s3 =	sadd.s32 s3, s9;
	s6 =	sadd.s32 @!p0 $0x88, s6;
	s7 =	simm.s32 @p2 $0x1082  }
0x22: {  	[simem:s7], [sflag:s8] =	dma.local @!p0 [hbm:s6], $0xF7A  }
0x23: {  	s9 =	sor.u32 $0xD0000000, s2;
	s6 =	simm.s32 $0x108;
	_ =	swait.ge @!p0 [sflag:s8], $0x0  }
0x24: {  	s3 =	sadd.s32 $0x88, s3;
	s6 =	simm.s32 @!p1 $0x1082;
	[sflag:s4] =	ssyncset.s32 $0xFFFFF086  }
0x25: {  	[simem:s6], [sflag:s4] =	dma.local [hbm:s3], $0xF7A  }
0x26: {  	[smem:$0x3F9F] =	sst s1;
	(tag) =	ssettag s2;
	_ =	strace s9  }
0x27: {  	s1 =	sld [smem:$0x3FAF]  }
0x28: {  	s2 =	sld [smem:$0x3FB0]  }
0x29: {  	s4 =	sld [smem:$0x3FB2]  }
0x2a: {  	p0 =	seq.s32 s5, $0x0;
	s5 =	sld [smem:$0x3FB3]  }
0x2b: {  	s6 =	sld [smem:$0x3FB4]  }
0x2c: {  	s7 =	sld [smem:$0x3FB5]  }
0x2d: {  	s3 =	simm.s32 $0x108;
	s8 =	sld [smem:$0x3FB6]  }
0x2e: {  	s3 =	simm.s32 @!p0 $0x1082;
	s9 =	sld [smem:$0x3FB7]  }
0x2f: {  	lr =	sadd.s32 s0, s3;
	s0 =	sld [smem:$0x3FAE]  }
0x30: {  	s3 =	sld [smem:$0x3FB1]  }
0x31: {  	[smem:$0x3FBA] =	sst s10  }
0x32: {  	s10 =	sld [smem:$0x3FB8];
	_ =	sdelay $0x3  }
0x33: {  	p0 =	seq.s32 s10, $0x1;
	s10 =	sld [smem:$0x3FBA];
	_ =	sdelay $0x3  }
0x34: {  	[smem:$0x3FBA] =	sst s10  }
0x35: {  	s10 =	sld [smem:$0x3FB9];
	_ =	sdelay $0x3  }
0x36: {  	p1 =	seq.s32 s10, $0x1;
	s10 =	sld [smem:$0x3FBA];
	_ =	sdelay $0x3  }
0x37: {  	[smem:$0x3FBA] =	sst s10  }
0x38: {  	s10 =	sld [smem:$0x3FBB]  }
0x39: {  	_ = 	snop;
	(pc) =	sbr.ind lr, $3  }
0x3a: {  	_ = 	snop  }
0x3b: {  	_ = 	snop  }
0x3c: {  	p2 =	seq.s32 s10, $0x1;
	s10 =	sld [smem:$0x3FBA]  }
0x3d: {  	_ =	shalt  }
0x3e: {  	_ =	shalt  }
0x3f: {  	_ =	shalt  }
0x40: {  	_ =	shalt  }
0x41: {  	_ =	shalt  }
0x42: {  	_ =	shalt  }
0x43: {  	_ =	shalt  }
0x44: {  	_ =	shalt  }
0x45: {  	_ =	shalt  }
0x46: {  	_ =	shalt  }
0x47: {  	_ =	shalt  }
0x48: {  	_ =	shalt  }
0x49: {  	_ =	shalt  }
0x4a: {  	_ =	shalt  }
0x4b: {  	_ =	shalt  }
0x4c: {  	_ =	shalt  }
0x4d: {  	_ =	shalt  }
0x4e: {  	_ =	shalt  }
0x4f: {  	_ =	shalt  }
0x50: {  	_ =	shalt  }
0x51: {  	_ =	shalt  }
0x52: {  	_ =	shalt  }
0x53: {  	_ =	shalt  }
0x54: {  	_ =	shalt  }
0x55: {  	_ =	shalt  }
0x56: {  	_ =	shalt  }
0x57: {  	_ =	shalt  }
0x58: {  	_ =	shalt  }
0x59: {  	_ =	shalt  }
0x5a: {  	_ =	shalt  }
0x5b: {  	_ =	shalt  }
0x5c: {  	_ =	shalt  }
0x5d: {  	_ =	shalt  }
0x5e: {  	_ =	shalt  }
0x5f: {  	_ =	shalt  }
0x60: {  	_ =	shalt  }
0x61: {  	_ =	shalt  }
0x62: {  	_ =	shalt  }
0x63: {  	_ =	shalt  }
0x64: {  	_ =	shalt  }
0x65: {  	_ =	shalt  }
0x66: {  	_ =	shalt  }
0x67: {  	_ =	shalt  }
0x68: {  	_ =	shalt  }
0x69: {  	_ =	shalt  }
0x6a: {  	_ =	shalt  }
0x6b: {  	_ =	shalt  }
0x6c: {  	_ =	shalt  }
0x6d: {  	_ =	shalt  }
0x6e: {  	_ =	shalt  }
0x6f: {  	_ =	shalt  }
0x70: {  	_ =	shalt  }
0x71: {  	_ =	shalt  }
0x72: {  	_ =	shalt  }
0x73: {  	_ =	shalt  }
0x74: {  	_ =	shalt  }
0x75: {  	_ =	shalt  }
0x76: {  	_ =	shalt  }
0x77: {  	_ =	shalt  }
0x78: {  	_ =	shalt  }
0x79: {  	_ =	shalt  }
0x7a: {  	_ =	shalt  }
0x7b: {  	_ =	shalt  }
0x7c: {  	_ =	shalt  }
0x7d: {  	_ =	shalt  }
0x7e: {  	_ =	shalt  }
0x7f: {  	_ =	shalt  }
0x80: {  	_ =	shalt  }
0x81: {  	_ =	shalt  }
0x82: {  	_ =	shalt  }
0x83: {  	_ =	shalt  }
0x84: {  	_ =	shalt  }
0x85: {  	_ =	shalt  }
0x86: {  	_ =	shalt  }
0x87: {  	_ =	shalt  }
.Lfunc_end0:
.L_simem_size_0:
called_computation_lowered:
.L_overlay_start_0:
0x88: {  	s2 =	sld [smem:$0x3FD9]  }
0x89: {  	s3 =	sld [smem:$0x3FFE];
	_ =	sdelay $0x1  }
0x8a: {  	s1 =	srdreg.scid  }
0x8b: {  	s0 =	sand.u32 $0x1, s1  }
0x8c: {  	s16 =	sshll.u32 s0, $0xA;
	s2 =	sadd.s32 s3, s2  }
0x8d: {  	s2 =	sadd.s32 s2, s16  }
0x8e: {  	[smem:$0x3FC6] =	sst s2  }
0x8f: {  	_ = 	snop  }
0x90: {  	(tm) =	ssettm $0x1  }
0x91: {  	s17 =	sld [smem:$0x3FFB];
	_ =	sdelay $0x3  }
0x92: {  	_ =	strace s17  }
0x93: {  	s2 =	sld [smem:$0x3FFC];
	_ =	sdelay $0x3  }
0x94: {  	_ =	strace s2  }
0x95: {  	s2 =	sld [smem:$0x3FFD];
	_ =	sdelay $0x3  }
0x96: {  	_ =	strace s2  }
0x97: {  	_ =	strace $0x8FFFFFFF  }
0x98: {  	s18 =	sld [smem:$0x3FDB];
	_ =	sdelay $0x1  }
0x99: {  	s19 =	simm.s32 $_scs_section_size  }
0x9a: {  	s4 =	simm.s32 $_size__tile_overlayer_lowered;
	s5 =	simm.s32 $_tile_overlayer_lowered  }
0x9b: {  	s22 =	simm.s32 $0x1BFF;
	s21 =	sshll.u32 s5, $0x1;
	s2 =	sadd.s32 s19, s18  }
0x9c: {  	s6 =	simm.s32 $0x0;
	s20 =	sshll.u32 s4, $0x1;
	s4 =	sadd.s32 s21, s2  }
0x9d: {  	[timem:s6], [sflag:s22] =	dma.local [hbm:s4], s20  }
0x9e: {  	_ =	swait.ge [sflag:s22], s20  }
0x9f: {  	s3 =	ssub.s32 $0x0, s20;
	[sflag:s22] =	ssyncset.done $0x0  }
0xa0: {  	[sflag:s22] =	ssyncadd.s32 s3;
	_ =	sdelay $0x1  }
0xa1: {  	s23 =	simm.s32 $0x1B8B  }
0xa2: {  	_ =	swait.ge [sflag:s23], $0x1  }
0xa3: {  	[sflag:s23] =	ssyncset.done $0x0  }
0xa4: {  	s25 =	simm.s32 $0x1B8E;
	s24 =	sld [smem:$0x3FFE];
	[sflag:s23] =	ssyncadd.s32 $0xFFFFFFFF  }
0xa5: {  	s26 =	simm.s32 $execute0_lowered;
	[smem:$0x3FD2] =	sst s25  }
0xa6: {  	s4 =	sshll.u32 s26, $0x1;
	_ =	strace $0x80000046;
	[dreg:$0x1] =	wrdreg $0xFFFFFFFF  }
0xa7: {  	s28 =	simm.s32 $_size_execute0_lowered;
	s2 =	sadd.s32 s2, s4;
	[dreg:$0x0] =	wrdreg $0x0  }
0xa8: {  	s4 =	sshll.u32 s28, $0x1;
	[dreg:$0x2] =	wrdreg s2  }
0xa9: {  	[dreg:$0x3] =	wrdreg s4  }
0xaa: {  	[dreg:$0x4] =	wrdreg $0xC0  }
0xab: {  	_ =	task [dreg:s6], $0x5FFFF  }
0xac: {  	[dreg:$0x1] =	wrdreg $0xFFFFFFFF  }
0xad: {  	[dreg:$0x0] =	wrdreg $0x60  }
0xae: {  	[dreg:$0x2] =	wrdreg s24  }
0xaf: {  	[dreg:$0x3] =	wrdreg $0x9  }
0xb0: {  	_ =	task.clear_ibuf [dreg:s6], $0x4FFFF;
	_ =	strace $0x90000046  }
0xb1: {  	s29 =	simm.s32 $0x9;
	_ =	strace $0x80000048  }
0xb2: {  	_ =	swait.ge [sflag:s29], $0x1  }
0xb3: {  	[sflag:s29] =	ssyncadd.s32 $0xFFFFFFFF  }
0xb4: {  	_ =	strace $0x90000048  }
0xb5: {  	_ =	sfence  }
0xb6: {  	s30 =	sld [smem:$0x0];
	_ =	sdelay $0x2  }
0xb7: {  	s31 =	sshll.u32 s1, $0xD;
	s1 =	sshrl.u32 s1, $0x2  }
0xb8: {  	s3 =	sand.u32 $0x4000, s31;
	s1 =	sadd.s32 s1, s30  }
0xb9: {  	s0 =	sor.u32 s3, s0;
	s1 =	sshll.u32 s1, $0x11  }
0xba: {  	s0 =	sor.u32 s1, s0  }
0xbb: {  	s0 =	sadd.s32 $0x8F2B, s0  }
0xbc: {  	[sflag:s0] =	ssyncadd.remote.s32 $0x1  }
0xbd: {  	_ =	sfence.sel $0xFFFF  }
0xbe: {  	[dreg:$0x0] =	wrdreg $0xFFFFFFFF;
	(pc) =	sbr.abs _section_cstart, $3  }
0xbf: {  	[dreg:$0x1] =	wrdreg $0xFFFFFFFF  }
0xc0: {  	_ =	task.clear_ibuf [dreg:s6], $0x2FFFF;
	_ =	strace $0x9FFFFFFF  }
0xc1: {  	(tm) =	ssettm $0x7FFFFFFF  }
tec
execute0_lowered:
.L_overlay_start_1:
0x0: {  	(tag) =	ssettag $0x1  }
0x1: {  	s0 =	rddreg [dreg:$0x0]  }
0x2: {  	s1 =	srdreg.scid;
	s4 =	stileid.u32;
	s2 =	simm.s32 $0x0  }
0x3: {  	s28 =	simm.s32 $0x14780;
	s29 =	simm.s32 $0x1;
	s30 =	simm.s32 $0x2400  }
0x4: {  	s31 =	simm.s32 $0x4800;
	s1 =	sand.u32 $0x1, s1;
	s3 =	sshll.u32 s4, $0x1  }
0x5: {  	s4 =	sshrl.u32 s4, $0x2;
	[smem:$0x7FF] =	sst s2;
	s7 =	sadd.s32 $0x6D400, s0  }
0x6: {  	s8 =	sadd.s32 $0x1400, s0;
	s9 =	sadd.s32 $0x37400, s0;
	s10 =	sadd.s32 $0xF6E00, s0  }
0x7: {  	s3 =	sor.u32 s1, s3;
	s6 =	smul.u32 $0x37C00, s4;
	_ =	strace $0x80000047  }
0x8: {  	s4 =	smul.u32 $0x31400, s4;
	[dreg:$0x2] =	wrdreg s10;
	s1 =	ssub.s32 $0x2, s1  }
0x9: {  	s5 =	sshll.u32 s3, $0x7;
	s17 =	smul.u32 $0x2400, s3;
	s18 =	sshrl.u32 s1, $0x1  }
0xa: {  	s3 =	smul.u32 $0x480, s3;
	s5 =	sand.u32 $0x380, s5;
	s1 =	ssub.s32 s1, s18  }
0xb: {  	s6 =	sor.u32 s6, s5;
	s4 =	sor.u32 s4, s5;
	s5 =	sshrl.u32 s17, $0x3  }
0xc: {  	s20 =	sadd.s32 s7, s3;
	s25 =	sadd.s32 s8, s3;
	s16 =	sadd.s32 s9, s3  }
0xd: {  	s3 =	simm.s32 $0xB400;
	s6 =	sshrl.u32 s6, $0x3;
	s4 =	sshrl.u32 s4, $0x3  }
0xe: {  	s19 =	sadd.s32 $0x9000, s5;
	[dreg:$0x3] =	wrdreg s20;
	s22 =	sadd.s32 $0x12000, s5  }
0xf: {  	s23 =	sadd.s32 $0x1B000, s5;
	s20 =	sadd.s32 $0x24000, s5;
	s5 =	sadd.s32 $0x2D000, s5  }
0x10: {  	[dreg:$0x9] =	wrdreg s25;
	s6 =	sadd.s32 s6, s0;
	s0 =	sadd.s32 s4, s0  }
0x11: {  	s21 =	sadd.s32 s7, s19;
	s11 =	sadd.s32 s7, s22;
	s12 =	sadd.s32 s7, s23  }
0x12: {  	s24 =	sadd.s32 s7, s20;
	s7 =	sadd.s32 s7, s5;
	[dreg:$0x4] =	wrdreg s21  }
0x13: {  	s26 =	sadd.s32 s8, s19;
	s13 =	sadd.s32 s8, s23;
	[dreg:$0x5] =	wrdreg s11  }
0x14: {  	s14 =	sadd.s32 s8, s20;
	s15 =	sadd.s32 s8, s5;
	[dreg:$0x6] =	wrdreg s12  }
0x15: {  	s17 =	sadd.s32 s9, s19;
	s18 =	sadd.s32 s9, s22;
	[dreg:$0x7] =	wrdreg s24  }
0x16: {  	s19 =	sadd.s32 s9, s23;
	s20 =	sadd.s32 s9, s20;
	[dreg:$0x8] =	wrdreg s7  }
0x17: {  	s4 =	simm.s32 $0x80;
	[dreg:$0xa] =	wrdreg s26;
	s12 =	sadd.s32 s8, s22  }
0x18: {  	s21 =	sadd.s32 s9, s5;
	s22 =	sadd.s32 $0xBF200, s6;
	s23 =	sadd.s32 $0xDB000, s6  }
0x19: {  	s24 =	sadd.s32 $0xA3400, s6;
	s25 =	sadd.s32 $0xF7C00, s0;
	s26 =	smax.u32 s1, $0x1  }
0x1a: {  	s0 =	simm.s32 $0x6C00;
	s1 =	simm.s32 $0x9000;
	s5 =	simm.s32 $0x400  }
0x1b: {  	s6 =	simm.s32 $0xD800;
	s7 =	simm.s32 $0x2;
	s8 =	simm.s32 $0x0  }
.LBB2_1:
0x1c: {  	s9 =	rddreg [dreg:$0x2]  }
0x1d: {  	[tilespmem:s28], [sflag:$0x1] =	stream.linear.gather [hbm4b:s9+s2], $0x6280, $0x38;
	[tilespmem:$0x1AA00] =	vst v63  }
0x1e: {  	_ =	swait.ge [sflag:s29], $0x6280  }
0x1f: {  	[sflag:s29] =	ssyncset.done $0x0  }
0x20: {  	s10 =	rddreg [dreg:$0x3];
	[sflag:s29] =	ssyncadd.s32 $0xFFFF9D80  }
0x21: {  	[tilespmem:s2], [sflag:$0x1] =	stream.linear.gather [hbm4b:s10+s2], $0x2400, $0x38;
	[tilespmem:$0x1AA00] =	vst v63  }
0x22: {  	s11 =	rddreg [dreg:$0x4]  }
0x23: {  	[tilespmem:s30], [sflag:$0x1] =	stream.linear.gather [hbm4b:s11+s2], $0x2400, $0x38;
	[tilespmem:$0x1AA00] =	vst v63  }
0x24: {  	s10 =	rddreg [dreg:$0x5]  }
0x25: {  	[tilespmem:s31], [sflag:$0x1] =	stream.linear.gather [hbm4b:s10+s2], $0x2400, $0x38;
	[tilespmem:$0x1AA00] =	vst v63  }
0x26: {  	s11 =	rddreg [dreg:$0x6]  }
0x27: {  	[tilespmem:s0], [sflag:$0x1] =	stream.linear.gather [hbm4b:s11+s2], $0x2400, $0x38;
	[tilespmem:$0x1AA00] =	vst v63  }
0x28: {  	s10 =	rddreg [dreg:$0x7]  }
0x29: {  	[tilespmem:s1], [sflag:$0x1] =	stream.linear.gather [hbm4b:s10+s2], $0x2400, $0x38;
	[tilespmem:$0x1AA00] =	vst v63  }
0x2a: {  	s11 =	rddreg [dreg:$0x8]  }
0x2b: {  	[tilespmem:s3], [sflag:$0x1] =	stream.linear.gather [hbm4b:s11+s2], $0x2400, $0x38;
	[tilespmem:$0x1AA00] =	vst v63  }
0x2c: {  	_ = 	snop  }
0x2d: {  	[tilespmem:s6], [sflag:$0x1] =	stream.strided.gather [hbm4b:s22+s4], $0x6F80, s5, s4, $0x38;
	[tilespmem:$0x1AA00] =	vst v63  }
0x2e: {  	_ =	swait.ge [sflag:s29], $0x2400  }
0x2f: {  	[sflag:s29] =	ssyncset.done $0x0  }
0x30: {  	[sflag:s29] =	ssyncadd.s32 $0xFFFFDC00  }
0x31: {  	_ =	swait.ge [sflag:s29], $0x2400  }
0x32: {  	[sflag:s29] =	ssyncset.done $0x0  }
0x33: {  	[sflag:s29] =	ssyncadd.s32 $0xFFFFDC00  }
0x34: {  	_ =	swait.ge [sflag:s29], $0x2400  }
0x35: {  	[sflag:s29] =	ssyncset.done $0x0  }
0x36: {  	[sflag:s29] =	ssyncadd.s32 $0xFFFFDC00  }
0x37: {  	_ =	swait.ge [sflag:s29], $0x2400  }
0x38: {  	[sflag:s29] =	ssyncset.done $0x0  }
0x39: {  	[sflag:s29] =	ssyncadd.s32 $0xFFFFDC00  }
0x3a: {  	_ =	swait.ge [sflag:s29], $0x2400  }
0x3b: {  	[sflag:s29] =	ssyncset.done $0x0  }
0x3c: {  	[sflag:s29] =	ssyncadd.s32 $0xFFFFDC00  }
0x3d: {  	_ =	swait.ge [sflag:s29], $0x2400  }
0x3e: {  	[sflag:s29] =	ssyncset.done $0x0  }
0x3f: {  	[sflag:s29] =	ssyncadd.s32 $0xFFFFDC00  }
0x40: {  	_ =	swait.ge [sflag:s29], $0x6F80  }
0x41: {  	[sflag:s29] =	ssyncset.done $0x0  }
0x42: {  	s10 =	simm.s32 $0xD840;
	[sflag:s29] =	ssyncadd.s32 $0xFFFF9080  }
0x43: {  	v3 =	vld [tilespmem:s10+$0x30];
	_ =	sdelay $0x4  }
0x44: {  	v26 =	vld [tilespmem:s10+$0xFFFFFFD0];
	v0 =	vshrl.u32 v3, $0xB;
	v1 =	vshrl.u32 v3, $0x12  }
0x45: {  	v27 =	vld [tilespmem:s10+$0xFFFFFFC0];
	v2 =	vand.u32 $0x7F, v0;
	v1 =	vand.u32 $0x3F80, v1;
	v28 =	vand.u32 $0x3FFF, v0  }
0x46: {  	v24 =	vld [tilespmem:s10+$0xFFFFFFE0];
	v29 =	vor.u32 v2, v1  }
0x47: {  	v23 =	vld [tilespmem:s10+$0xFFFFFFF0]  }
0x48: {  	v25 =	vld [tilespmem:s10+$0x0]  }
0x49: {  	v22 =	vld [tilespmem:s10+$0x10];
	v0 =	vshrl.u32 v26, $0x12  }
0x4a: {  	v13 =	vshrl.u32 v27, $0xB;
	v12 =	vand.u32 $0x3F80, v0;
	v0 =	vshrl.u32 v27, $0x12;
	v1 =	vld.idx.msk [tilespmem:v28+s2+$0x0], $0xffff  }
0x4b: {  	v14 =	vand.u32 $0x7F, v13;
	v2 =	vshrl.u32 v26, $0xB;
	v0 =	vand.u32 $0x3F80, v0;
	v6 =	vld.idx.msk [tilespmem:v29+s2+$0x0], $0xffff  }
0x4c: {  	v4 =	vshrl.u32 v24, $0x12;
	v8 =	vand.u32 $0x7F, v2;
	v0 =	vor.u32 v14, v0  }
0x4d: {  	v14 =	vand.u32 $0x3F80, v4;
	v4 =	vor.u32 v8, v12  }
0x4e: {  	v21 =	vld [tilespmem:s10+$0x20];
	v9 =	vshrl.u32 v24, $0xB;
	v10 =	vshrl.u32 v23, $0xB;
	v30 =	vand.u32 $0x7FF, v3  }
0x4f: {  	v5 =	vshrl.u32 v23, $0x12;
	v15 =	vshrl.u32 v25, $0xB;
	v16 =	vshrl.u32 v22, $0xB  }
0x50: {  	v11 =	vshrl.u32 v22, $0x12;
	v1 =	vsub.f32 v6, v1;
	v6 =	vand.u32 $0x7F, v9  }
0x51: {  	v8 =	vand.u32 $0x7F, v10;
	v12 =	vand.u32 $0x3F80, v5;
	v31 =	vld.idx.msk [tilespmem:v0+s2+$0x0], $0xffff;
	v5 =	vor.u32 v6, v14  }
0x52: {  	v11 =	vand.u32 $0x3F80, v11;
	v32 =	vld.idx.msk [tilespmem:v4+s2+$0x0], $0xffff;
	v6 =	vor.u32 v8, v12;
	v8 =	vand.u32 $0x7F, v16  }
0x53: {  	v7 =	vshrl.u32 v25, $0x12;
	v17 =	vshrl.u32 v21, $0xB;
	[tilespmem:v30+s28+$0x0] =	vst.idx.add.f32.msk $0xffff, v1;
	v8 =	vor.u32 v8, v11  }
0x54: {  	v18 =	vshrl.u32 v21, $0x12;
	v11 =	vand.u32 $0x3FFF, v13;
	v13 =	vand.u32 $0x3FFF, v9;
	v12 =	vld.idx.msk [tilespmem:v29+s30+$0x0], $0xffff  }
0x55: {  	v7 =	vand.u32 $0x3F80, v7;
	v1 =	vand.u32 $0x7F, v15;
	v9 =	vand.u32 $0x3FFF, v15;
	v14 =	vld.idx.msk [tilespmem:v28+s30+$0x0], $0xffff  }
0x56: {  	v18 =	vand.u32 $0x3F80, v18;
	v7 =	vor.u32 v1, v7;
	v1 =	vand.u32 $0x7F, v17;
	v33 =	vld.idx.msk [tilespmem:v5+s2+$0x0], $0xffff  }
0x57: {  	v1 =	vor.u32 v1, v18;
	v34 =	vld.idx.msk [tilespmem:v6+s2+$0x0], $0xffff  }
0x58: {  	v18 =	vadd.s32 $0x1040, v30;
	v36 =	vld.idx.msk [tilespmem:v8+s2+$0x0], $0xffff  }
0x59: {  	v39 =	vand.u32 $0x7F, v3;
	v3 =	vld.idx.msk [tilespmem:v13+s2+$0x0], $0xffff  }
0x5a: {  	v42 =	vld.idx.msk [tilespmem:v9+s2+$0x0], $0xffff  }
0x5b: {  	v35 =	vld.idx.msk [tilespmem:v7+s2+$0x0], $0xffff;
	v14 =	vsub.f32 v12, v14  }
0x5c: {  	v19 =	vadd.s32 $0x2080, v30;
	v12 =	vand.u32 $0x3FFF, v2;
	v37 =	vld.idx.msk [tilespmem:v1+s2+$0x0], $0xffff  }
0x5d: {  	v2 =	vand.u32 $0x3FFF, v17;
	v17 =	vand.u32 $0x2F80, v19;
	[tilespmem:v18+s28+$0x0] =	vst.idx.add.f32.msk $0xffff, v14  }
0x5e: {  	v19 =	vand.u32 $0x7FF, v24;
	v14 =	vand.u32 $0x3FFF, v10;
	v10 =	vand.u32 $0x3FFF, v16;
	v16 =	vld.idx.msk [tilespmem:v11+s2+$0x0], $0xffff  }
0x5f: {  	v18 =	vld.idx.msk [tilespmem:v29+s31+$0x0], $0xffff  }
0x60: {  	v15 =	vld.idx.msk [tilespmem:v28+s31+$0x0], $0xffff  }
0x61: {  	v33 =	vsub.f32 v33, v3;
	v38 =	vld.idx.msk [tilespmem:v12+s2+$0x0], $0xffff  }
0x62: {  	v44 =	vld.idx.msk [tilespmem:v2+s2+$0x0], $0xffff  }
0x63: {  	v20 =	vand.u32 $0x7FF, v27;
	[tilespmem:v19+s28+$0x0] =	vst.idx.add.f32.msk $0xffff, v33  }
0x64: {  	v40 =	vor.u32 v39, v17;
	v41 =	vld.idx.msk [tilespmem:v14+s2+$0x0], $0xffff  }
0x65: {  	v43 =	vld.idx.msk [tilespmem:v10+s2+$0x0], $0xffff  }
0x66: {  	v31 =	vsub.f32 v31, v16;
	v63 =	vld.idx.msk [tilespmem:v5+s30+$0x0], $0xffff  }
0x67: {  	v48 =	vld.idx.msk [tilespmem:v13+s30+$0x0], $0xffff;
	v15 =	vsub.f32 v18, v15  }
0x68: {  	[tilespmem:v20+s28+$0x0] =	vst.idx.add.f32.msk $0xffff, v31  }
0x69: {  	v17 =	vand.u32 $0x7FF, v26;
	[tilespmem:v40+s28+$0x0] =	vst.idx.add.f32.msk $0xffff, v15  }
0x6a: {  	v16 =	vand.u32 $0x7FF, v25;
	v58 =	vld.idx.msk [tilespmem:v0+s30+$0x0], $0xffff  }
0x6b: {  	v3 =	vand.u32 $0x7FF, v21;
	v60 =	vld.idx.msk [tilespmem:v11+s30+$0x0], $0xffff  }
0x6c: {  	v32 =	vsub.f32 v32, v38;
	v40 =	vld.idx.msk [tilespmem:v29+s0+$0x0], $0xffff  }
0x6d: {  	v52 =	vsub.f32 v35, v42;
	v50 =	vld.idx.msk [tilespmem:v28+s0+$0x0], $0xffff  }
0x6e: {  	v55 =	vsub.f32 v37, v44;
	[tilespmem:v17+s28+$0x0] =	vst.idx.add.f32.msk $0xffff, v32  }
0x6f: {  	[tilespmem:v16+s28+$0x0] =	vst.idx.add.f32.msk $0xffff, v52  }
0x70: {  	v18 =	vand.u32 $0x7FF, v23;
	[tilespmem:v3+s28+$0x0] =	vst.idx.add.f32.msk $0xffff, v55  }
0x71: {  	v61 =	vld.idx.msk [tilespmem:v4+s30+$0x0], $0xffff  }
0x72: {  	v15 =	vand.u32 $0x7FF, v22;
	v62 =	vld.idx.msk [tilespmem:v12+s30+$0x0], $0xffff  }
0x73: {  	v51 =	vsub.f32 v34, v41;
	v52 =	vld.idx.msk [tilespmem:v9+s30+$0x0], $0xffff  }
0x74: {  	v46 =	vld.idx.msk [tilespmem:v1+s30+$0x0], $0xffff  }
0x75: {  	v53 =	vadd.s32 $0x30C0, v30;
	v54 =	vsub.f32 v36, v43;
	[tilespmem:v18+s28+$0x0] =	vst.idx.add.f32.msk $0xffff, v51  }
0x76: {  	v51 =	vld.idx.msk [tilespmem:v7+s30+$0x0], $0xffff  }
0x77: {  	[tilespmem:v15+s28+$0x0] =	vst.idx.add.f32.msk $0xffff, v54  }
0x78: {  	v49 =	vld.idx.msk [tilespmem:v6+s30+$0x0], $0xffff;
	v56 =	vsub.f32 v40, v50  }
0x79: {  	v45 =	vadd.s32 $0x1040, v19;
	v50 =	vld.idx.msk [tilespmem:v14+s30+$0x0], $0xffff  }
0x7a: {  	[tilespmem:v53+s28+$0x0] =	vst.idx.add.f32.msk $0xffff, v56  }
0x7b: {  	v59 =	vadd.s32 $0x4100, v30;
	v57 =	vld.idx.msk [tilespmem:v29+s1+$0x0], $0xffff  }
0x7c: {  	v55 =	vadd.s32 $0x1040, v17;
	v33 =	vsub.f32 v58, v60;
	v58 =	vsub.f32 v63, v48;
	v32 =	vld.idx.msk [tilespmem:v28+s1+$0x0], $0xffff  }
0x7d: {  	v47 =	vadd.s32 $0x1040, v16;
	v34 =	vand.u32 $0x4F80, v59;
	v54 =	vld.idx.msk [tilespmem:v8+s30+$0x0], $0xffff  }
0x7e: {  	v34 =	vor.u32 v39, v34;
	[tilespmem:v45+s28+$0x0] =	vst.idx.add.f32.msk $0xffff, v58  }
0x7f: {  	v56 =	vld.idx.msk [tilespmem:v10+s30+$0x0], $0xffff;
	v36 =	vsub.f32 v61, v62  }
0x80: {  	v48 =	vld.idx.msk [tilespmem:v5+s31+$0x0], $0xffff;
	v60 =	vsub.f32 v51, v52  }
0x81: {  	[tilespmem:v55+s28+$0x0] =	vst.idx.add.f32.msk $0xffff, v36;
	v31 =	vsub.f32 v57, v32  }
0x82: {  	[tilespmem:v47+s28+$0x0] =	vst.idx.add.f32.msk $0xffff, v60  }
0x83: {  	[tilespmem:v34+s28+$0x0] =	vst.idx.add.f32.msk $0xffff, v31  }
0x84: {  	v31 =	vsub.f32 v49, v50;
	v50 =	vld.idx.msk [tilespmem:v13+s31+$0x0], $0xffff  }
0x85: {  	v53 =	vadd.s32 $0x1040, v20;
	v52 =	vadd.s32 $0x2080, v19;
	v29 =	vld.idx.msk [tilespmem:v29+s3+$0x0], $0xffff  }
0x86: {  	v24 =	vand.u32 $0x7F, v24;
	v36 =	vand.u32 $0x2F80, v52;
	v28 =	vld.idx.msk [tilespmem:v28+s3+$0x0], $0xffff  }
0x87: {  	v62 =	vld.idx.msk [tilespmem:v4+s31+$0x0], $0xffff;
	v36 =	vor.u32 v24, v36  }
0x88: {  	v30 =	vadd.s32 $0x5140, v30;
	v63 =	vld.idx.msk [tilespmem:v12+s31+$0x0], $0xffff  }
0x89: {  	v51 =	vadd.s32 $0x2080, v17;
	v58 =	vld.idx.msk [tilespmem:v7+s31+$0x0], $0xffff  }
0x8a: {  	v26 =	vand.u32 $0x7F, v26;
	v35 =	vand.u32 $0x2F80, v51;
	[tilespmem:v53+s28+$0x0] =	vst.idx.add.f32.msk $0xffff, v33;
	v32 =	vsub.f32 v48, v50  }
0x8b: {  	v35 =	vor.u32 v26, v35;
	v57 =	vld.idx.msk [tilespmem:v2+s30+$0x0], $0xffff;
	v28 =	vsub.f32 v29, v28  }
0x8c: {  	[tilespmem:v36+s28+$0x0] =	vst.idx.add.f32.msk $0xffff, v32  }
0x8d: {  	v29 =	vadd.s32 $0x1040, v18;
	[tilespmem:v30+s28+$0x0] =	vst.idx.add.f32.msk $0xffff, v28  }
0x8e: {  	v53 =	vadd.s32 $0x2080, v18;
	v30 =	vsub.f32 v62, v63;
	v52 =	vld.idx.msk [tilespmem:v5+s0+$0x0], $0xffff  }
0x8f: {  	v37 =	vand.u32 $0x2F80, v53;
	v53 =	vld.idx.msk [tilespmem:v13+s0+$0x0], $0xffff  }
0x90: {  	s11 =	simm.s32 $0xD8C0;
	[tilespmem:v35+s28+$0x0] =	vst.idx.add.f32.msk $0xffff, v30  }
0x91: {  	v28 =	vadd.s32 $0x1040, v15;
	v30 =	vld [tilespmem:s11+$0xFFFFFFC0]  }
0x92: {  	v59 =	vadd.s32 $0x1040, v3;
	[tilespmem:v29+s28+$0x0] =	vst.idx.add.f32.msk $0xffff, v31  }
0x93: {  	v51 =	vld.idx.msk [tilespmem:v12+s0+$0x0], $0xffff  }
0x94: {  	v61 =	vsub.f32 v54, v56;
	v54 =	vld.idx.msk [tilespmem:v6+s31+$0x0], $0xffff  }
0x95: {  	v29 =	vsub.f32 v46, v57;
	v57 =	vld.idx.msk [tilespmem:v14+s31+$0x0], $0xffff  }
0x96: {  	[tilespmem:v28+s28+$0x0] =	vst.idx.add.f32.msk $0xffff, v61  }
0x97: {  	[tilespmem:v59+s28+$0x0] =	vst.idx.add.f32.msk $0xffff, v29  }
0x98: {  	v28 =	vld.idx.msk [tilespmem:v0+s31+$0x0], $0xffff  }
0x99: {  	v27 =	vand.u32 $0x7F, v27;
	v23 =	vand.u32 $0x7F, v23;
	v49 =	vadd.s32 $0x2080, v20;
	v29 =	vld.idx.msk [tilespmem:v11+s31+$0x0], $0xffff  }
0x9a: {  	v55 =	vadd.s32 $0x2080, v16;
	v37 =	vor.u32 v23, v37;
	v33 =	vand.u32 $0x2F80, v49;
	v59 =	vld.idx.msk [tilespmem:v9+s31+$0x0], $0xffff  }
0x9b: {  	v25 =	vand.u32 $0x7F, v25;
	v39 =	vand.u32 $0x2F80, v55;
	v33 =	vor.u32 v27, v33;
	v60 =	vld.idx.msk [tilespmem:v8+s31+$0x0], $0xffff  }
0x9c: {  	v39 =	vor.u32 v25, v39;
	v61 =	vld.idx.msk [tilespmem:v10+s31+$0x0], $0xffff  }
0x9d: {  	v56 =	vadd.s32 $0x2080, v15;
	v62 =	vld.idx.msk [tilespmem:v2+s31+$0x0], $0xffff;
	v47 =	vsub.f32 v54, v57  }
0x9e: {  	v22 =	vand.u32 $0x7F, v22;
	v40 =	vand.u32 $0x2F80, v56;
	v28 =	vsub.f32 v28, v29;
	v29 =	vld.idx.msk [tilespmem:v1+s31+$0x0], $0xffff  }
0x9f: {  	v40 =	vor.u32 v22, v40;
	v48 =	vsub.f32 v58, v59;
	[tilespmem:v37+s28+$0x0] =	vst.idx.add.f32.msk $0xffff, v47  }
0xa0: {  	[tilespmem:v33+s28+$0x0] =	vst.idx.add.f32.msk $0xffff, v28  }
0xa1: {  	[tilespmem:v39+s28+$0x0] =	vst.idx.add.f32.msk $0xffff, v48  }
0xa2: {  	v63 =	vadd.s32 $0x2080, v3;
	v49 =	vsub.f32 v60, v61;
	v54 =	vld.idx.msk [tilespmem:v6+s0+$0x0], $0xffff  }
0xa3: {  	v21 =	vand.u32 $0x7F, v21;
	v28 =	vand.u32 $0x2F80, v63;
	v55 =	vld.idx.msk [tilespmem:v14+s0+$0x0], $0xffff  }
0xa4: {  	v28 =	vor.u32 v21, v28;
	[tilespmem:v40+s28+$0x0] =	vst.idx.add.f32.msk $0xffff, v49  }
0xa5: {  	v50 =	vld.idx.msk [tilespmem:v0+s0+$0x0], $0xffff  }
0xa6: {  	v56 =	vld.idx.msk [tilespmem:v7+s0+$0x0], $0xffff  }
0xa7: {  	v58 =	vld.idx.msk [tilespmem:v9+s0+$0x0], $0xffff;
	v29 =	vsub.f32 v29, v62  }
0xa8: {  	v60 =	vadd.s32 $0x30C0, v19;
	v40 =	vld.idx.msk [tilespmem:v8+s0+$0x0], $0xffff  }
0xa9: {  	[tilespmem:v28+s28+$0x0] =	vst.idx.add.f32.msk $0xffff, v29  }
0xaa: {  	v28 =	vld.idx.msk [tilespmem:v11+s0+$0x0], $0xffff  }
0xab: {  	v32 =	vsub.f32 v52, v53;
	v29 =	vld.idx.msk [tilespmem:v4+s0+$0x0], $0xffff  }
0xac: {  	v57 =	vadd.s32 $0x30C0, v20;
	v61 =	vld.idx.msk [tilespmem:v10+s0+$0x0], $0xffff  }
0xad: {  	v59 =	vadd.s32 $0x30C0, v17;
	[tilespmem:v60+s28+$0x0] =	vst.idx.add.f32.msk $0xffff, v32  }
0xae: {  	v48 =	vadd.s32 $0x30C0, v16;
	v32 =	vld.idx.msk [tilespmem:v5+s1+$0x0], $0xffff  }
0xaf: {  	v63 =	vld.idx.msk [tilespmem:v1+s0+$0x0], $0xffff;
	v28 =	vsub.f32 v50, v28  }
0xb0: {  	v49 =	vld.idx.msk [tilespmem:v2+s0+$0x0], $0xffff;
	v29 =	vsub.f32 v29, v51  }
0xb1: {  	v51 =	vsub.f32 v56, v58;
	[tilespmem:v57+s28+$0x0] =	vst.idx.add.f32.msk $0xffff, v28  }
0xb2: {  	[tilespmem:v59+s28+$0x0] =	vst.idx.add.f32.msk $0xffff, v29  }
0xb3: {  	v62 =	vadd.s32 $0x30C0, v18;
	[tilespmem:v48+s28+$0x0] =	vst.idx.add.f32.msk $0xffff, v51  }
0xb4: {  	v28 =	vsub.f32 v54, v55;
	v54 =	vld.idx.msk [tilespmem:v13+s1+$0x0], $0xffff  }
0xb5: {  	v52 =	vld.idx.msk [tilespmem:v0+s1+$0x0], $0xffff  }
0xb6: {  	v53 =	vld.idx.msk [tilespmem:v12+s1+$0x0], $0xffff  }
0xb7: {  	v50 =	vadd.s32 $0x30C0, v15;
	v60 =	vld.idx.msk [tilespmem:v7+s1+$0x0], $0xffff  }
0xb8: {  	[tilespmem:v62+s28+$0x0] =	vst.idx.add.f32.msk $0xffff, v28  }
0xb9: {  	v62 =	vld.idx.msk [tilespmem:v9+s1+$0x0], $0xffff  }
0xba: {  	v29 =	vadd.s32 $0x30C0, v3;
	v28 =	vsub.f32 v40, v61;
	v55 =	vld.idx.msk [tilespmem:v6+s1+$0x0], $0xffff  }
0xbb: {  	v57 =	vld.idx.msk [tilespmem:v14+s1+$0x0], $0xffff  }
0xbc: {  	[tilespmem:v50+s28+$0x0] =	vst.idx.add.f32.msk $0xffff, v28  }
0xbd: {  	v59 =	vadd.s32 $0x4100, v19;
	v28 =	vsub.f32 v63, v49;
	v45 =	vld.idx.msk [tilespmem:v8+s1+$0x0], $0xffff  }
0xbe: {  	v38 =	vand.u32 $0x4F80, v59;
	v47 =	vld.idx.msk [tilespmem:v10+s1+$0x0], $0xffff  }
0xbf: {  	v24 =	vor.u32 v24, v38;
	[tilespmem:v29+s28+$0x0] =	vst.idx.add.f32.msk $0xffff, v28  }
0xc0: {  	v56 =	vadd.s32 $0x4100, v20;
	v28 =	vld.idx.msk [tilespmem:v11+s1+$0x0], $0xffff  }
0xc1: {  	v58 =	vadd.s32 $0x4100, v17;
	v35 =	vand.u32 $0x4F80, v56;
	v29 =	vld.idx.msk [tilespmem:v4+s1+$0x0], $0xffff  }
0xc2: {  	v37 =	vand.u32 $0x4F80, v58;
	v27 =	vor.u32 v27, v35;
	v32 =	vsub.f32 v32, v54;
	v48 =	vld.idx.msk [tilespmem:v1+s1+$0x0], $0xffff  }
0xc3: {  	v26 =	vor.u32 v26, v37;
	v50 =	vld.idx.msk [tilespmem:v2+s1+$0x0], $0xffff  }
0xc4: {  	[tilespmem:v24+s28+$0x0] =	vst.idx.add.f32.msk $0xffff, v32  }
0xc5: {  	v5 =	vld.idx.msk [tilespmem:v5+s3+$0x0], $0xffff;
	v28 =	vsub.f32 v52, v28  }
0xc6: {  	v13 =	vld.idx.msk [tilespmem:v13+s3+$0x0], $0xffff;
	v29 =	vsub.f32 v29, v53  }
0xc7: {  	[tilespmem:v27+s28+$0x0] =	vst.idx.add.f32.msk $0xffff, v28  }
0xc8: {  	v61 =	vadd.s32 $0x4100, v18;
	[tilespmem:v26+s28+$0x0] =	vst.idx.add.f32.msk $0xffff, v29  }
0xc9: {  	v40 =	vand.u32 $0x4F80, v61;
	v63 =	vadd.s32 $0x4100, v16;
	v29 =	vld [tilespmem:s11+$0x10]  }
0xca: {  	v23 =	vor.u32 v23, v40;
	v41 =	vand.u32 $0x4F80, v63;
	v0 =	vld.idx.msk [tilespmem:v0+s3+$0x0], $0xffff  }
0xcb: {  	v25 =	vor.u32 v25, v41;
	v11 =	vld.idx.msk [tilespmem:v11+s3+$0x0], $0xffff  }
0xcc: {  	v51 =	vadd.s32 $0x4100, v3;
	v4 =	vld.idx.msk [tilespmem:v4+s3+$0x0], $0xffff  }
0xcd: {  	v27 =	vand.u32 $0x4F80, v51;
	v28 =	vsub.f32 v55, v57;
	v12 =	vld.idx.msk [tilespmem:v12+s3+$0x0], $0xffff  }
0xce: {  	v19 =	vadd.s32 $0x5140, v19;
	v26 =	vsub.f32 v60, v62;
	v21 =	vor.u32 v21, v27;
	v27 =	vld [tilespmem:s11+$0x0]  }
0xcf: {  	[tilespmem:v23+s28+$0x0] =	vst.idx.add.f32.msk $0xffff, v28  }
0xd0: {  	[tilespmem:v25+s28+$0x0] =	vst.idx.add.f32.msk $0xffff, v26  }
0xd1: {  	v46 =	vadd.s32 $0x4100, v15;
	v5 =	vsub.f32 v5, v13;
	v28 =	vld [tilespmem:s11+$0xFFFFFFD0]  }
0xd2: {  	v49 =	vand.u32 $0x4F80, v46;
	v26 =	vld [tilespmem:s11+$0xFFFFFFE0]  }
0xd3: {  	v22 =	vor.u32 v22, v49;
	[tilespmem:v19+s28+$0x0] =	vst.idx.add.f32.msk $0xffff, v5  }
0xd4: {  	v6 =	vld.idx.msk [tilespmem:v6+s3+$0x0], $0xffff  }
0xd5: {  	v14 =	vld.idx.msk [tilespmem:v14+s3+$0x0], $0xffff  }
0xd6: {  	v23 =	vsub.f32 v45, v47;
	v7 =	vld.idx.msk [tilespmem:v7+s3+$0x0], $0xffff  }
0xd7: {  	v9 =	vld.idx.msk [tilespmem:v9+s3+$0x0], $0xffff  }
0xd8: {  	[tilespmem:v22+s28+$0x0] =	vst.idx.add.f32.msk $0xffff, v23  }
0xd9: {  	v23 =	vld [tilespmem:s11+$0x30]  }
0xda: {  	v22 =	vsub.f32 v48, v50;
	v8 =	vld.idx.msk [tilespmem:v8+s3+$0x0], $0xffff  }
0xdb: {  	v20 =	vadd.s32 $0x5140, v20;
	v10 =	vld.idx.msk [tilespmem:v10+s3+$0x0], $0xffff  }
0xdc: {  	v17 =	vadd.s32 $0x5140, v17;
	v18 =	vadd.s32 $0x5140, v18;
	[tilespmem:v21+s28+$0x0] =	vst.idx.add.f32.msk $0xffff, v22  }
0xdd: {  	v22 =	vld [tilespmem:s11+$0xFFFFFFF0];
	v0 =	vsub.f32 v0, v11;
	v4 =	vsub.f32 v4, v12;
	v11 =	vadd.s32 $0x5140, v16  }
0xde: {  	v1 =	vld.idx.msk [tilespmem:v1+s3+$0x0], $0xffff;
	v6 =	vsub.f32 v6, v14;
	v21 =	vshrl.u32 v23, $0xB;
	v24 =	vshrl.u32 v23, $0x12  }
0xdf: {  	v2 =	vld.idx.msk [tilespmem:v2+s3+$0x0], $0xffff;
	v25 =	vand.u32 $0x7F, v21;
	v24 =	vand.u32 $0x3F80, v24;
	v31 =	vand.u32 $0x3FFF, v21  }
0xe0: {  	v12 =	vadd.s32 $0x5140, v15;
	v7 =	vsub.f32 v7, v9;
	[tilespmem:v20+s28+$0x0] =	vst.idx.add.f32.msk $0xffff, v0;
	v32 =	vor.u32 v25, v24  }
0xe1: {  	v14 =	vshrl.u32 v28, $0xB;
	v9 =	vshrl.u32 v28, $0x12;
	[tilespmem:v17+s28+$0x0] =	vst.idx.add.f32.msk $0xffff, v4;
	v17 =	vshrl.u32 v30, $0xB  }
0xe2: {  	v0 =	vand.u32 $0x7F, v14;
	v4 =	vand.u32 $0x3F80, v9;
	v9 =	vshrl.u32 v30, $0x12;
	v21 =	vld [tilespmem:s11+$0x20]  }
0xe3: {  	v5 =	vand.u32 $0x7F, v17;
	v14 =	vand.u32 $0x3FFF, v14;
	v9 =	vand.u32 $0x3F80, v9;
	[tilespmem:v18+s28+$0x0] =	vst.idx.add.f32.msk $0xffff, v6  }
0xe4: {  	v8 =	vsub.f32 v8, v10;
	v16 =	vshrl.u32 v22, $0xB;
	v5 =	vor.u32 v5, v9;
	v10 =	vld.idx.msk [tilespmem:v31+s2+$0x0], $0xffff  }
0xe5: {  	v6 =	vor.u32 v0, v4;
	v0 =	vand.u32 $0x7F, v16;
	v16 =	vand.u32 $0x3FFF, v16;
	v25 =	vld.idx.msk [tilespmem:v32+s2+$0x0], $0xffff  }
0xe6: {  	v54 =	vshrl.u32 v29, $0x12;
	[tilespmem:v11+s28+$0x0] =	vst.idx.add.f32.msk $0xffff, v7  }
0xe7: {  	v52 =	vshrl.u32 v27, $0xB;
	v36 =	vand.u32 $0x7FF, v23;
	[tilespmem:v12+s28+$0x0] =	vst.idx.add.f32.msk $0xffff, v8;
	v19 =	vshrl.u32 v21, $0xB  }
0xe8: {  	v53 =	vshrl.u32 v27, $0x12;
	v24 =	vshrl.u32 v22, $0x12;
	v60 =	vld.idx.msk [tilespmem:v14+s2+$0x0], $0xffff;
	v47 =	vand.u32 $0x3FFF, v19  }
0xe9: {  	v15 =	vshrl.u32 v26, $0xB;
	v13 =	vshrl.u32 v26, $0x12;
	v4 =	vand.u32 $0x3F80, v24;
	v24 =	vld.idx.msk [tilespmem:v5+s2+$0x0], $0xffff  }
0xea: {  	v7 =	vand.u32 $0x7F, v15;
	v62 =	vld.idx.msk [tilespmem:v16+s2+$0x0], $0xffff;
	v9 =	vsub.f32 v25, v10;
	v10 =	vand.u32 $0x3F80, v13  }
0xeb: {  	v20 =	vshrl.u32 v29, $0xB;
	v11 =	vand.u32 $0x3F80, v54;
	v25 =	vld.idx.msk [tilespmem:v6+s2+$0x0], $0xffff;
	v7 =	vor.u32 v7, v10  }
0xec: {  	v8 =	vand.u32 $0x7F, v52;
	v10 =	vand.u32 $0x3F80, v53;
	[tilespmem:v36+s28+$0x0] =	vst.idx.add.f32.msk $0xffff, v9;
	v9 =	vor.u32 v0, v4  }
0xed: {  	v18 =	vshrl.u32 v21, $0x12;
	v53 =	vld.idx.msk [tilespmem:v47+s2+$0x0], $0xffff;
	v4 =	vand.u32 $0x7F, v20;
	v10 =	vor.u32 v8, v10  }
0xee: {  	v18 =	vand.u32 $0x3F80, v18;
	v13 =	vand.u32 $0x7F, v19;
	v0 =	vld.idx.msk [tilespmem:v32+s30+$0x0], $0xffff;
	v8 =	vor.u32 v4, v11  }
0xef: {  	v12 =	vld.idx.msk [tilespmem:v31+s30+$0x0], $0xffff;
	v4 =	vor.u32 v13, v18  }
0xf0: {  	v13 =	vand.u32 $0x3FFF, v17;
	v34 =	vld.idx.msk [tilespmem:v7+s2+$0x0], $0xffff  }
0xf1: {  	v11 =	vadd.s32 $0x1040, v36;
	v35 =	vld.idx.msk [tilespmem:v9+s2+$0x0], $0xffff  }
0xf2: {  	v15 =	vand.u32 $0x3FFF, v15;
	v55 =	vld.idx.msk [tilespmem:v10+s2+$0x0], $0xffff  }
0xf3: {  	v56 =	vld.idx.msk [tilespmem:v8+s2+$0x0], $0xffff  }
0xf4: {  	v0 =	vsub.f32 v0, v12;
	v57 =	vld.idx.msk [tilespmem:v4+s2+$0x0], $0xffff  }
0xf5: {  	v17 =	vadd.s32 $0x2080, v36;
	v12 =	vand.u32 $0x3FFF, v52;
	v59 =	vld.idx.msk [tilespmem:v13+s2+$0x0], $0xffff  }
0xf6: {  	v61 =	vand.u32 $0x7F, v23;
	v17 =	vand.u32 $0x2F80, v17;
	[tilespmem:v11+s28+$0x0] =	vst.idx.add.f32.msk $0xffff, v0;
	v11 =	vand.u32 $0x3FFF, v20  }
0xf7: {  	v0 =	vld.idx.msk [tilespmem:v15+s2+$0x0], $0xffff;
	v20 =	vor.u32 v61, v17;
	v17 =	vand.u32 $0x7FF, v30  }
0xf8: {  	v41 =	vsub.f32 v25, v60;
	v25 =	vand.u32 $0x7FF, v21;
	v18 =	vld.idx.msk [tilespmem:v32+s31+$0x0], $0xffff  }
0xf9: {  	v58 =	vld.idx.msk [tilespmem:v31+s31+$0x0], $0xffff  }
0xfa: {  	v63 =	vld.idx.msk [tilespmem:v12+s2+$0x0], $0xffff;
	v40 =	vsub.f32 v24, v59  }
0xfb: {  	v19 =	vand.u32 $0x7FF, v26;
	v33 =	vsub.f32 v57, v53;
	v52 =	vld.idx.msk [tilespmem:v11+s2+$0x0], $0xffff  }
0xfc: {  	[tilespmem:v17+s28+$0x0] =	vst.idx.add.f32.msk $0xffff, v40  }
0xfd: {  	[tilespmem:v25+s28+$0x0] =	vst.idx.add.f32.msk $0xffff, v33  }
0xfe: {  	v34 =	vsub.f32 v34, v0;
	v59 =	vld.idx.msk [tilespmem:v5+s30+$0x0], $0xffff  }
0xff: {  	v23 =	vsub.f32 v18, v58;
	v60 =	vld.idx.msk [tilespmem:v13+s30+$0x0], $0xffff  }
0x100: {  	v18 =	vand.u32 $0x7FF, v28;
	[tilespmem:v19+s28+$0x0] =	vst.idx.add.f32.msk $0xffff, v34  }
0x101: {  	v24 =	vand.u32 $0x7FF, v29;
	[tilespmem:v20+s28+$0x0] =	vst.idx.add.f32.msk $0xffff, v23  }
0x102: {  	v37 =	vsub.f32 v55, v63;
	v63 =	vld.idx.msk [tilespmem:v7+s30+$0x0], $0xffff  }
0x103: {  	v20 =	vand.u32 $0x7FF, v22;
	v54 =	vld.idx.msk [tilespmem:v32+s0+$0x0], $0xffff  }
0x104: {  	v23 =	vand.u32 $0x7FF, v27;
	v48 =	vld.idx.msk [tilespmem:v31+s0+$0x0], $0xffff;
	v38 =	vsub.f32 v56, v52  }
0x105: {  	[tilespmem:v18+s28+$0x0] =	vst.idx.add.f32.msk $0xffff, v41  }
0x106: {  	v35 =	vsub.f32 v35, v62;
	[tilespmem:v24+s28+$0x0] =	vst.idx.add.f32.msk $0xffff, v38  }
0x107: {  	v62 =	vld.idx.msk [tilespmem:v14+s30+$0x0], $0xffff  }
0x108: {  	[tilespmem:v20+s28+$0x0] =	vst.idx.add.f32.msk $0xffff, v35  }
0x109: {  	[tilespmem:v23+s28+$0x0] =	vst.idx.add.f32.msk $0xffff, v37  }
0x10a: {  	v58 =	vadd.s32 $0x4100, v36;
	v53 =	vld.idx.msk [tilespmem:v8+s30+$0x0], $0xffff  }
0x10b: {  	v35 =	vand.u32 $0x4F80, v58;
	v58 =	vsub.f32 v59, v60;
	v59 =	vld.idx.msk [tilespmem:v4+s30+$0x0], $0xffff  }
0x10c: {  	v35 =	vor.u32 v61, v35;
	v61 =	vld.idx.msk [tilespmem:v6+s30+$0x0], $0xffff  }
0x10d: {  	v52 =	vadd.s32 $0x1040, v17;
	v56 =	vsub.f32 v54, v48;
	v48 =	vld.idx.msk [tilespmem:v15+s30+$0x0], $0xffff  }
0x10e: {  	v55 =	vadd.s32 $0x30C0, v36;
	v49 =	vld.idx.msk [tilespmem:v9+s30+$0x0], $0xffff  }
0x10f: {  	v50 =	vld.idx.msk [tilespmem:v16+s30+$0x0], $0xffff  }
0x110: {  	v51 =	vld.idx.msk [tilespmem:v10+s30+$0x0], $0xffff  }
0x111: {  	v0 =	vld.idx.msk [tilespmem:v12+s30+$0x0], $0xffff  }
0x112: {  	[tilespmem:v52+s28+$0x0] =	vst.idx.add.f32.msk $0xffff, v58  }
0x113: {  	v54 =	vadd.s32 $0x1040, v18;
	[tilespmem:v55+s28+$0x0] =	vst.idx.add.f32.msk $0xffff, v56  }
0x114: {  	v60 =	vadd.s32 $0x1040, v23;
	v57 =	vld.idx.msk [tilespmem:v32+s1+$0x0], $0xffff  }
0x115: {  	v34 =	vld.idx.msk [tilespmem:v31+s1+$0x0], $0xffff  }
0x116: {  	v55 =	vld.idx.msk [tilespmem:v11+s30+$0x0], $0xffff;
	v39 =	vsub.f32 v61, v62  }
0x117: {  	v61 =	vld.idx.msk [tilespmem:v47+s30+$0x0], $0xffff;
	v43 =	vsub.f32 v51, v0  }
0x118: {  	v56 =	vadd.s32 $0x1040, v19;
	[tilespmem:v54+s28+$0x0] =	vst.idx.add.f32.msk $0xffff, v39  }
0x119: {  	v62 =	vadd.s32 $0x1040, v24;
	[tilespmem:v60+s28+$0x0] =	vst.idx.add.f32.msk $0xffff, v43  }
0x11a: {  	v33 =	vsub.f32 v57, v34;
	v34 =	vsub.f32 v63, v48;
	v48 =	vld.idx.msk [tilespmem:v5+s31+$0x0], $0xffff  }
0x11b: {  	v51 =	vld.idx.msk [tilespmem:v14+s31+$0x0], $0xffff  }
0x11c: {  	v45 =	vsub.f32 v53, v55;
	[tilespmem:v35+s28+$0x0] =	vst.idx.add.f32.msk $0xffff, v33  }
0x11d: {  	[tilespmem:v56+s28+$0x0] =	vst.idx.add.f32.msk $0xffff, v34  }
0x11e: {  	[tilespmem:v62+s28+$0x0] =	vst.idx.add.f32.msk $0xffff, v45  }
0x11f: {  	v33 =	vsub.f32 v49, v50;
	v49 =	vld.idx.msk [tilespmem:v13+s31+$0x0], $0xffff  }
0x120: {  	v50 =	vld.idx.msk [tilespmem:v6+s31+$0x0], $0xffff  }
0x121: {  	v46 =	vsub.f32 v59, v61;
	v61 =	vld.idx.msk [tilespmem:v10+s31+$0x0], $0xffff  }
0x122: {  	v57 =	vadd.s32 $0x1040, v20;
	v62 =	vld.idx.msk [tilespmem:v12+s31+$0x0], $0xffff  }
0x123: {  	v63 =	vadd.s32 $0x1040, v25;
	v32 =	vld.idx.msk [tilespmem:v32+s3+$0x0], $0xffff  }
0x124: {  	v31 =	vld.idx.msk [tilespmem:v31+s3+$0x0], $0xffff  }
0x125: {  	v53 =	vld.idx.msk [tilespmem:v7+s31+$0x0], $0xffff  }
0x126: {  	v54 =	vld.idx.msk [tilespmem:v15+s31+$0x0], $0xffff  }
0x127: {  	v56 =	vadd.s32 $0x2080, v18;
	[tilespmem:v57+s28+$0x0] =	vst.idx.add.f32.msk $0xffff, v33  }
0x128: {  	v28 =	vand.u32 $0x7F, v28;
	v39 =	vand.u32 $0x2F80, v56;
	[tilespmem:v63+s28+$0x0] =	vst.idx.add.f32.msk $0xffff, v46  }
0x129: {  	v39 =	vor.u32 v28, v39;
	v63 =	vld.idx.msk [tilespmem:v8+s31+$0x0], $0xffff  }
0x12a: {  	v36 =	vadd.s32 $0x5140, v36;
	v0 =	vadd.s32 $0x2080, v23;
	v55 =	vld.idx.msk [tilespmem:v9+s31+$0x0], $0xffff  }
0x12b: {  	v27 =	vand.u32 $0x7F, v27;
	v52 =	vadd.s32 $0x2080, v17;
	v0 =	vand.u32 $0x2F80, v0;
	v59 =	vld.idx.msk [tilespmem:v16+s31+$0x0], $0xffff  }
0x12c: {  	v0 =	vor.u32 v27, v0;
	v35 =	vand.u32 $0x2F80, v52;
	v52 =	vld.idx.msk [tilespmem:v47+s31+$0x0], $0xffff;
	v33 =	vsub.f32 v50, v51  }
0x12d: {  	v50 =	vld.idx.msk [tilespmem:v4+s31+$0x0], $0xffff;
	v31 =	vsub.f32 v32, v31  }
0x12e: {  	v26 =	vand.u32 $0x7F, v26;
	v30 =	vand.u32 $0x7F, v30;
	v57 =	vadd.s32 $0x2080, v19;
	[tilespmem:v39+s28+$0x0] =	vst.idx.add.f32.msk $0xffff, v33  }
0x12f: {  	v35 =	vor.u32 v30, v35;
	v40 =	vand.u32 $0x2F80, v57;
	v32 =	vsub.f32 v61, v62;
	[tilespmem:v36+s28+$0x0] =	vst.idx.add.f32.msk $0xffff, v31  }
0x130: {  	v40 =	vor.u32 v26, v40;
	v31 =	vsub.f32 v48, v49;
	v49 =	vld.idx.msk [tilespmem:v11+s31+$0x0], $0xffff  }
0x131: {  	v60 =	vadd.s32 $0x2080, v24;
	[tilespmem:v0+s28+$0x0] =	vst.idx.add.f32.msk $0xffff, v32  }
0x132: {  	v46 =	vand.u32 $0x2F80, v60;
	v60 =	vld.idx.msk [tilespmem:v14+s0+$0x0], $0xffff  }
0x133: {  	v36 =	vsub.f32 v53, v54;
	v38 =	vsub.f32 v55, v59;
	v59 =	vld.idx.msk [tilespmem:v6+s0+$0x0], $0xffff  }
0x134: {  	v58 =	vadd.s32 $0x2080, v20;
	[tilespmem:v35+s28+$0x0] =	vst.idx.add.f32.msk $0xffff, v31  }
0x135: {  	v22 =	vand.u32 $0x7F, v22;
	v41 =	vand.u32 $0x2F80, v58;
	[tilespmem:v40+s28+$0x0] =	vst.idx.add.f32.msk $0xffff, v36  }
0x136: {  	v51 =	vadd.s32 $0x2080, v25;
	v48 =	vor.u32 v22, v41;
	v56 =	vsub.f32 v50, v52;
	v50 =	vld.idx.msk [tilespmem:v12+s0+$0x0], $0xffff  }
0x137: {  	v21 =	vand.u32 $0x7F, v21;
	v53 =	vand.u32 $0x2F80, v51;
	v57 =	vld.idx.msk [tilespmem:v5+s0+$0x0], $0xffff  }
0x138: {  	v54 =	vor.u32 v21, v53;
	v58 =	vld.idx.msk [tilespmem:v13+s0+$0x0], $0xffff  }
0x139: {  	v61 =	vld.idx.msk [tilespmem:v7+s0+$0x0], $0xffff  }
0x13a: {  	v29 =	vand.u32 $0x7F, v29;
	v36 =	vld.idx.msk [tilespmem:v15+s0+$0x0], $0xffff  }
0x13b: {  	v31 =	vor.u32 v29, v46;
	[tilespmem:v48+s28+$0x0] =	vst.idx.add.f32.msk $0xffff, v38  }
0x13c: {  	v55 =	vsub.f32 v63, v49;
	v49 =	vld.idx.msk [tilespmem:v10+s0+$0x0], $0xffff  }
0x13d: {  	[tilespmem:v54+s28+$0x0] =	vst.idx.add.f32.msk $0xffff, v56  }
0x13e: {  	v62 =	vld.idx.msk [tilespmem:v9+s0+$0x0], $0xffff  }
0x13f: {  	v48 =	vld.idx.msk [tilespmem:v16+s0+$0x0], $0xffff  }
0x140: {  	v51 =	vadd.s32 $0x30C0, v18;
	[tilespmem:v31+s28+$0x0] =	vst.idx.add.f32.msk $0xffff, v55  }
0x141: {  	v56 =	vld.idx.msk [tilespmem:v4+s0+$0x0], $0xffff  }
0x142: {  	v52 =	vld.idx.msk [tilespmem:v8+s0+$0x0], $0xffff  }
0x143: {  	v63 =	vadd.s32 $0x30C0, v17;
	v33 =	vsub.f32 v59, v60;
	v53 =	vld.idx.msk [tilespmem:v11+s0+$0x0], $0xffff  }
0x144: {  	v0 =	vadd.s32 $0x30C0, v19;
	v31 =	vsub.f32 v57, v58;
	v58 =	vld.idx.msk [tilespmem:v47+s0+$0x0], $0xffff  }
0x145: {  	[tilespmem:v51+s28+$0x0] =	vst.idx.add.f32.msk $0xffff, v33  }
0x146: {  	v45 =	vld.idx.msk [tilespmem:v6+s1+$0x0], $0xffff  }
0x147: {  	v35 =	vsub.f32 v61, v36;
	v46 =	vld.idx.msk [tilespmem:v14+s1+$0x0], $0xffff  }
0x148: {  	[tilespmem:v63+s28+$0x0] =	vst.idx.add.f32.msk $0xffff, v31  }
0x149: {  	v55 =	vadd.s32 $0x30C0, v23;
	[tilespmem:v0+s28+$0x0] =	vst.idx.add.f32.msk $0xffff, v35  }
0x14a: {  	v54 =	vadd.s32 $0x30C0, v20;
	v37 =	vsub.f32 v62, v48;
	v62 =	vld.idx.msk [tilespmem:v5+s1+$0x0], $0xffff  }
0x14b: {  	v63 =	vld.idx.msk [tilespmem:v13+s1+$0x0], $0xffff  }
0x14c: {  	v60 =	vsub.f32 v49, v50;
	v35 =	vld.idx.msk [tilespmem:v7+s1+$0x0], $0xffff  }
0x14d: {  	v48 =	vld.idx.msk [tilespmem:v15+s1+$0x0], $0xffff  }
0x14e: {  	[tilespmem:v55+s28+$0x0] =	vst.idx.add.f32.msk $0xffff, v60  }
0x14f: {  	v57 =	vadd.s32 $0x30C0, v24;
	[tilespmem:v54+s28+$0x0] =	vst.idx.add.f32.msk $0xffff, v37  }
0x150: {  	v59 =	vadd.s32 $0x30C0, v25;
	v0 =	vld.idx.msk [tilespmem:v10+s1+$0x0], $0xffff  }
0x151: {  	v55 =	vld.idx.msk [tilespmem:v12+s1+$0x0], $0xffff  }
0x152: {  	v32 =	vsub.f32 v52, v53;
	v37 =	vld.idx.msk [tilespmem:v9+s1+$0x0], $0xffff  }
0x153: {  	v50 =	vadd.s32 $0x4100, v18;
	v61 =	vsub.f32 v56, v58;
	v51 =	vld.idx.msk [tilespmem:v16+s1+$0x0], $0xffff  }
0x154: {  	v49 =	vadd.s32 $0x4100, v17;
	v39 =	vand.u32 $0x4F80, v50;
	[tilespmem:v57+s28+$0x0] =	vst.idx.add.f32.msk $0xffff, v32  }
0x155: {  	v38 =	vand.u32 $0x4F80, v49;
	v28 =	vor.u32 v28, v39;
	[tilespmem:v59+s28+$0x0] =	vst.idx.add.f32.msk $0xffff, v61  }
0x156: {  	v30 =	vor.u32 v30, v38;
	v56 =	vld.idx.msk [tilespmem:v8+s1+$0x0], $0xffff  }
0x157: {  	v57 =	vld.idx.msk [tilespmem:v11+s1+$0x0], $0xffff  }
0x158: {  	v52 =	vadd.s32 $0x4100, v19;
	v33 =	vsub.f32 v45, v46;
	v59 =	vld.idx.msk [tilespmem:v4+s1+$0x0], $0xffff  }
0x159: {  	v53 =	vadd.s32 $0x4100, v20;
	v41 =	vand.u32 $0x4F80, v52;
	v31 =	vsub.f32 v62, v63;
	v61 =	vld.idx.msk [tilespmem:v47+s1+$0x0], $0xffff  }
0x15a: {  	v42 =	vand.u32 $0x4F80, v53;
	v26 =	vor.u32 v26, v41;
	[tilespmem:v28+s28+$0x0] =	vst.idx.add.f32.msk $0xffff, v33  }
0x15b: {  	v54 =	vadd.s32 $0x4100, v23;
	v22 =	vor.u32 v22, v42;
	[tilespmem:v30+s28+$0x0] =	vst.idx.add.f32.msk $0xffff, v31  }
0x15c: {  	v43 =	vand.u32 $0x4F80, v54;
	v6 =	vld.idx.msk [tilespmem:v6+s3+$0x0], $0xffff  }
0x15d: {  	v58 =	vadd.s32 $0x4100, v24;
	v27 =	vor.u32 v27, v43;
	v62 =	vsub.f32 v35, v48;
	v5 =	vld.idx.msk [tilespmem:v5+s3+$0x0], $0xffff  }
0x15e: {  	v42 =	vand.u32 $0x4F80, v58;
	v28 =	vsub.f32 v37, v51;
	v13 =	vld.idx.msk [tilespmem:v13+s3+$0x0], $0xffff  }
0x15f: {  	v60 =	vadd.s32 $0x4100, v25;
	v29 =	vor.u32 v29, v42;
	[tilespmem:v26+s28+$0x0] =	vst.idx.add.f32.msk $0xffff, v62  }
0x160: {  	v63 =	vand.u32 $0x4F80, v60;
	v26 =	vsub.f32 v0, v55;
	[tilespmem:v22+s28+$0x0] =	vst.idx.add.f32.msk $0xffff, v28  }
0x161: {  	v21 =	vor.u32 v21, v63;
	v7 =	vld.idx.msk [tilespmem:v7+s3+$0x0], $0xffff  }
0x162: {  	v22 =	vsub.f32 v56, v57;
	[tilespmem:v27+s28+$0x0] =	vst.idx.add.f32.msk $0xffff, v26  }
0x163: {  	v27 =	vld.idx.msk [tilespmem:v16+s3+$0x0], $0xffff  }
0x164: {  	v26 =	vsub.f32 v59, v61;
	[tilespmem:v29+s28+$0x0] =	vst.idx.add.f32.msk $0xffff, v22  }
0x165: {  	v22 =	vld.idx.msk [tilespmem:v15+s3+$0x0], $0xffff  }
0x166: {  	[tilespmem:v21+s28+$0x0] =	vst.idx.add.f32.msk $0xffff, v26  }
0x167: {  	v21 =	vld.idx.msk [tilespmem:v14+s3+$0x0], $0xffff  }
0x168: {  	v10 =	vld.idx.msk [tilespmem:v10+s3+$0x0], $0xffff  }
0x169: {  	v14 =	vld.idx.msk [tilespmem:v9+s3+$0x0], $0xffff  }
0x16a: {  	v20 =	vadd.s32 $0x5140, v20;
	v41 =	vadd.s32 $0x5140, v3;
	v15 =	vsub.f32 v1, v2;
	v9 =	vld.idx.msk [tilespmem:v12+s3+$0x0], $0xffff  }
0x16b: {  	v16 =	vadd.s32 $0x5140, v25;
	v13 =	vsub.f32 v5, v13;
	v3 =	vld.idx.msk [tilespmem:v8+s3+$0x0], $0xffff;
	v5 =	vsub.f32 v7, v22  }
0x16c: {  	v22 =	vadd.s32 $0x5140, v17;
	v7 =	vld.idx.msk [tilespmem:v11+s3+$0x0], $0xffff;
	v17 =	vadd.s32 $0x5140, v24;
	v6 =	vsub.f32 v6, v21  }
0x16d: {  	s10 =	simm.s32 $0x8;
	s11 =	simm.s32 $0xD940;
	v21 =	vadd.s32 $0x5140, v18;
	v18 =	vadd.s32 $0x5140, v19;
	v19 =	vadd.s32 $0x5140, v23;
	v23 =	vld.idx.msk [tilespmem:v4+s3+$0x0], $0xffff  }
.LBB2_2:
0x16e: {  	v26 =	vld [tilespmem:s11+$0x30]  }
0x16f: {  	v28 =	vld [tilespmem:s11+$0xFFFFFFD0]  }
0x170: {  	v29 =	vld [tilespmem:s11+$0xFFFFFFF0]  }
0x171: {  	v33 =	vld [tilespmem:s11+$0x0]  }
0x172: {  	v0 =	vld.idx.msk [tilespmem:v47+s3+$0x0], $0xffff  }
0x173: {  	v30 =	vld [tilespmem:s11+$0x10];
	v4 =	vsub.f32 v10, v9  }
0x174: {  	v34 =	vld [tilespmem:s11+$0xFFFFFFC0];
	v3 =	vsub.f32 v3, v7;
	v7 =	vshrl.u32 v26, $0xB;
	v8 =	vshrl.u32 v26, $0x12  }
0x175: {  	[tilespmem:v22+s28+$0x0] =	vst.idx.add.f32.msk $0xffff, v13;
	v9 =	vand.u32 $0x7F, v7;
	v8 =	vand.u32 $0x3F80, v8;
	v24 =	vand.u32 $0x3FFF, v7  }
0x176: {  	[tilespmem:v21+s28+$0x0] =	vst.idx.add.f32.msk $0xffff, v6;
	v2 =	vsub.f32 v14, v27;
	v10 =	vshrl.u32 v28, $0x12;
	v25 =	vor.u32 v9, v8  }
0x177: {  	v31 =	vld [tilespmem:s11+$0xFFFFFFE0];
	v35 =	vshrl.u32 v29, $0xB;
	[tilespmem:$0x1FF90] =	vst v0;
	v0 =	vshrl.u32 v29, $0x12;
	v36 =	vshrl.u32 v33, $0xB  }
0x178: {  	[tilespmem:v18+s28+$0x0] =	vst.idx.add.f32.msk $0xffff, v5;
	v11 =	vshrl.u32 v33, $0x12;
	v22 =	vshrl.u32 v30, $0xB;
	v13 =	vshrl.u32 v30, $0x12  }
0x179: {  	s9 =	simm.s32 $0x0;
	v37 =	vshrl.u32 v34, $0xB;
	v32 =	vshrl.u32 v34, $0x12;
	v62 =	vand.u32 $0x7F, v34;
	[tilespmem:v19+s28+$0x0] =	vst.idx.add.f32.msk $0xffff, v4  }
0x17a: {  	v7 =	vshrl.u32 v28, $0xB;
	v6 =	vand.u32 $0x3F80, v10;
	v5 =	vand.u32 $0x7F, v35;
	v14 =	vld.idx.msk [tilespmem:v24+s9+$0x0], $0xffff  }
0x17b: {  	v0 =	vand.u32 $0x3F80, v0;
	v19 =	vand.u32 $0x3F80, v13;
	v13 =	vand.u32 $0x3FFF, v37;
	v39 =	vld.idx.msk [tilespmem:v25+s9+$0x0], $0xffff  }
0x17c: {  	v27 =	vld [tilespmem:s11+$0x20];
	v42 =	vand.u32 $0x3F80, v32;
	v18 =	vand.u32 $0x7F, v36;
	v5 =	vor.u32 v5, v0  }
0x17d: {  	[tilespmem:v20+s28+$0x0] =	vst.idx.add.f32.msk $0xffff, v2;
	v2 =	vand.u32 $0x3F80, v11;
	v20 =	vand.u32 $0x7F, v22;
	v32 =	vand.u32 $0x7FF, v26  }
0x17e: {  	[tilespmem:v41+s28+$0x0] =	vst.idx.add.f32.msk $0xffff, v15;
	v9 =	vshrl.u32 v31, $0xB;
	v8 =	vshrl.u32 v31, $0x12;
	v12 =	vand.u32 $0x7F, v7  }
0x17f: {  	[tilespmem:v17+s28+$0x0] =	vst.idx.add.f32.msk $0xffff, v3;
	v4 =	vor.u32 v18, v2;
	v3 =	vor.u32 v20, v19;
	v19 =	vand.u32 $0x7FF, v34  }
0x180: {  	v38 =	vand.u32 $0x7F, v9;
	v43 =	vand.u32 $0x3F80, v8;
	v34 =	vld.idx.msk [tilespmem:v13+s9+$0x0], $0xffff;
	v1 =	vsub.f32 v39, v14  }
0x181: {  	v8 =	vor.u32 v12, v6;
	v6 =	vor.u32 v38, v43;
	v38 =	vld.idx.msk [tilespmem:v5+s9+$0x0], $0xffff  }
0x182: {  	v21 =	vshrl.u32 v27, $0xB;
	v10 =	vshrl.u32 v27, $0x12;
	[tilespmem:v32+s28+$0x0] =	vst.idx.add.f32.msk $0xffff, v1  }
0x183: {  	v44 =	vand.u32 $0x7F, v21;
	v10 =	vand.u32 $0x3F80, v10;
	v20 =	vld.idx.msk [tilespmem:v25+s30+$0x0], $0xffff  }
0x184: {  	v40 =	vand.u32 $0x7F, v37;
	v47 =	vand.u32 $0x3FFF, v21;
	v2 =	vor.u32 v44, v10;
	v21 =	vld.idx.msk [tilespmem:v24+s30+$0x0], $0xffff  }
0x185: {  	v15 =	vand.u32 $0x7FF, v31;
	v11 =	vor.u32 v40, v42;
	v58 =	vld.idx.msk [tilespmem:v4+s9+$0x0], $0xffff  }
0x186: {  	v56 =	vand.u32 $0x7FF, v30;
	v63 =	vand.u32 $0x7F, v28;
	v37 =	vadd.s32 $0x1040, v32;
	v59 =	vld.idx.msk [tilespmem:v3+s9+$0x0], $0xffff  }
0x187: {  	v17 =	vand.u32 $0x7FF, v33;
	v18 =	vand.u32 $0x7FF, v28;
	v10 =	vand.u32 $0x3FFF, v35;
	v35 =	vld.idx.msk [tilespmem:v8+s9+$0x0], $0xffff  }
0x188: {  	v12 =	vand.u32 $0x3FFF, v9;
	v9 =	vand.u32 $0x3FFF, v36;
	v45 =	vadd.s32 $0x2080, v19;
	v0 =	vmovc v16;
	v36 =	vld.idx.msk [tilespmem:v6+s9+$0x0], $0xffff  }
0x189: {  	v46 =	vadd.s32 $0x2080, v18;
	[tilespmem:$0x1FFF0] =	vst v0;
	v0 =	vadd.s32 $0x1040, v18;
	v60 =	vld.idx.msk [tilespmem:v2+s9+$0x0], $0xffff;
	v20 =	vsub.f32 v20, v21  }
0x18a: {  	v16 =	vand.u32 $0x7FF, v29;
	[tilespmem:$0x1FFA0] =	vst v0;
	v14 =	vand.u32 $0x3FFF, v7;
	v7 =	vand.u32 $0x3FFF, v22;
	v22 =	vld.idx.msk [tilespmem:v11+s9+$0x0], $0xffff  }
0x18b: {  	v57 =	vand.u32 $0x7FF, v27;
	v40 =	vand.u32 $0x2F80, v46;
	v0 =	vadd.s32 $0x1040, v16;
	[tilespmem:v37+s28+$0x0] =	vst.idx.add.f32.msk $0xffff, v20  }
0x18c: {  	v43 =	vand.u32 $0x7F, v26;
	v55 =	vor.u32 v63, v40;
	[tilespmem:$0x1FFB0] =	vst v0;
	v0 =	vadd.s32 $0x1040, v56;
	v61 =	vld.idx.msk [tilespmem:v25+s31+$0x0], $0xffff  }
0x18d: {  	[tilespmem:$0x1FFC0] =	vst v0;
	v0 =	vadd.s32 $0x1040, v57;
	v21 =	vand.u32 $0x2F80, v45;
	v45 =	vadd.s32 $0x2080, v32;
	v28 =	vld.idx.msk [tilespmem:v24+s31+$0x0], $0xffff  }
0x18e: {  	v40 =	vld.idx.msk [tilespmem:v10+s9+$0x0], $0xffff;
	v1 =	vand.u32 $0x7F, v29;
	v29 =	vand.u32 $0x7F, v33;
	v33 =	vand.u32 $0x2F80, v45  }
0x18f: {  	v50 =	vadd.s32 $0x2080, v16;
	[tilespmem:$0x1FFD0] =	vst v0;
	v0 =	vld.idx.msk [tilespmem:v14+s9+$0x0], $0xffff;
	v22 =	vsub.f32 v22, v34;
	v33 =	vor.u32 v43, v33  }
0x190: {  	v51 =	vadd.s32 $0x2080, v17;
	v53 =	vand.u32 $0x2F80, v50;
	v50 =	vor.u32 v62, v21;
	v21 =	vld.idx.msk [tilespmem:v12+s9+$0x0], $0xffff  }
0x191: {  	v49 =	vadd.s32 $0x2080, v15;
	[tilespmem:v19+s28+$0x0] =	vst.idx.add.f32.msk $0xffff, v22;
	v20 =	vand.u32 $0x2F80, v51  }
0x192: {  	v45 =	vld.idx.msk [tilespmem:v9+s9+$0x0], $0xffff;
	v54 =	vor.u32 v29, v20;
	v20 =	vadd.s32 $0x30C0, v18;
	v46 =	vsub.f32 v61, v28  }
0x193: {  	v30 =	vand.u32 $0x7F, v30;
	v49 =	vand.u32 $0x2F80, v49;
	[tilespmem:$0x1FFE0] =	vst v20;
	v20 =	vld.idx.msk [tilespmem:v7+s9+$0x0], $0xffff  }
0x194: {  	v31 =	vand.u32 $0x7F, v31;
	v52 =	vadd.s32 $0x2080, v57;
	v44 =	vadd.s32 $0x2080, v56;
	[tilespmem:v33+s28+$0x0] =	vst.idx.add.f32.msk $0xffff, v46  }
0x195: {  	v39 =	vand.u32 $0x2F80, v52;
	v38 =	vsub.f32 v38, v40;
	v21 =	vsub.f32 v36, v21;
	v36 =	vld.idx.msk [tilespmem:v25+s0+$0x0], $0xffff  }
0x196: {  	v37 =	vand.u32 $0x2F80, v44;
	v44 =	vand.u32 $0x7F, v27;
	v0 =	vsub.f32 v35, v0;
	v40 =	vld.idx.msk [tilespmem:v24+s0+$0x0], $0xffff  }
0x197: {  	v41 =	vadd.s32 $0x1040, v15;
	v52 =	vor.u32 v31, v49;
	v49 =	vor.u32 v44, v39;
	v39 =	vld.idx.msk [tilespmem:v47+s9+$0x0], $0xffff  }
0x198: {  	v26 =	vadd.s32 $0x30C0, v57;
	v22 =	vadd.s32 $0x4100, v16;
	[tilespmem:v18+s28+$0x0] =	vst.idx.add.f32.msk $0xffff, v0;
	v0 =	vsub.f32 v59, v20  }
0x199: {  	v51 =	vor.u32 v30, v37;
	v37 =	vadd.s32 $0x4100, v18;
	[tilespmem:v15+s28+$0x0] =	vst.idx.add.f32.msk $0xffff, v21;
	v46 =	vadd.s32 $0x4100, v15  }
0x19a: {  	v21 =	vand.u32 $0x4F80, v37;
	v37 =	vand.u32 $0x4F80, v46;
	v46 =	vand.u32 $0x4F80, v22;
	[tilespmem:v56+s28+$0x0] =	vst.idx.add.f32.msk $0xffff, v0  }
0x19b: {  	v53 =	vor.u32 v1, v53;
	v0 =	vsub.f32 v36, v40;
	v40 =	vor.u32 v1, v46;
	v1 =	vld [tilespmem:$0x1FF90]  }
0x19c: {  	v34 =	vadd.s32 $0x30C0, v15;
	v45 =	vsub.f32 v58, v45;
	v39 =	vsub.f32 v60, v39  }
0x19d: {  	[tilespmem:v16+s28+$0x0] =	vst.idx.add.f32.msk $0xffff, v38;
	v28 =	vadd.s32 $0x30C0, v16;
	v60 =	vadd.s32 $0x30C0, v32;
	v20 =	vadd.s32 $0x4100, v56  }
0x19e: {  	v59 =	vadd.s32 $0x4100, v57;
	v38 =	vor.u32 v63, v21;
	v20 =	vand.u32 $0x4F80, v20;
	[tilespmem:v57+s28+$0x0] =	vst.idx.add.f32.msk $0xffff, v39  }
0x19f: {  	v39 =	vor.u32 v30, v20;
	v20 =	vadd.s32 $0x5140, v16;
	v16 =	vadd.s32 $0x5140, v57;
	v57 =	vld.idx.msk [tilespmem:v13+s30+$0x0], $0xffff  }
0x1a0: {  	v21 =	vadd.s32 $0x5140, v18;
	v18 =	vadd.s32 $0x5140, v15;
	v15 =	vsub.f32 v23, v1;
	v23 =	vld.idx.msk [tilespmem:v11+s30+$0x0], $0xffff;
	_ =	sdelay $0x1  }
0x1a1: {  	v42 =	vadd.s32 $0x1040, v19;
	v58 =	vadd.s32 $0x4100, v17;
	[tilespmem:v17+s28+$0x0] =	vst.idx.add.f32.msk $0xffff, v45  }
0x1a2: {  	v45 =	vand.u32 $0x4F80, v58;
	v58 =	vand.u32 $0x4F80, v59;
	v59 =	vld.idx.msk [tilespmem:v14+s30+$0x0], $0xffff  }
0x1a3: {  	[tilespmem:v60+s28+$0x0] =	vst.idx.add.f32.msk $0xffff, v0  }
0x1a4: {  	v0 =	vld.idx.msk [tilespmem:v25+s1+$0x0], $0xffff;
	v23 =	vsub.f32 v23, v57  }
0x1a5: {  	v36 =	vor.u32 v31, v37;
	v37 =	vor.u32 v29, v45;
	v29 =	vadd.s32 $0x4100, v32;
	v1 =	vld.idx.msk [tilespmem:v24+s1+$0x0], $0xffff  }
0x1a6: {  	v29 =	vand.u32 $0x4F80, v29;
	[tilespmem:v42+s28+$0x0] =	vst.idx.add.f32.msk $0xffff, v23  }
0x1a7: {  	v33 =	vadd.s32 $0x4100, v19;
	v29 =	vor.u32 v43, v29;
	v23 =	vld [tilespmem:$0x1FFA0]  }
0x1a8: {  	v33 =	vand.u32 $0x4F80, v33;
	v31 =	vor.u32 v44, v58;
	v58 =	vld.idx.msk [tilespmem:v8+s30+$0x0], $0xffff  }
0x1a9: {  	v33 =	vor.u32 v62, v33;
	v62 =	vld.idx.msk [tilespmem:v12+s30+$0x0], $0xffff  }
0x1aa: {  	v63 =	vld.idx.msk [tilespmem:v3+s30+$0x0], $0xffff;
	v0 =	vsub.f32 v0, v1  }
0x1ab: {  	v60 =	vld.idx.msk [tilespmem:v6+s30+$0x0], $0xffff  }
0x1ac: {  	[tilespmem:v29+s28+$0x0] =	vst.idx.add.f32.msk $0xffff, v0  }
0x1ad: {  	v0 =	vld.idx.msk [tilespmem:v25+s3+$0x0], $0xffff;
	v25 =	vsub.f32 v58, v59  }
0x1ae: {  	v1 =	vld.idx.msk [tilespmem:v5+s30+$0x0], $0xffff  }
0x1af: {  	[tilespmem:v23+s28+$0x0] =	vst.idx.add.f32.msk $0xffff, v25  }
0x1b0: {  	v25 =	vld [tilespmem:$0x1FFB0]  }
0x1b1: {  	v29 =	vld.idx.msk [tilespmem:v10+s30+$0x0], $0xffff  }
0x1b2: {  	v44 =	vld.idx.msk [tilespmem:v9+s30+$0x0], $0xffff  }
0x1b3: {  	v43 =	vld.idx.msk [tilespmem:v4+s30+$0x0], $0xffff  }
0x1b4: {  	v30 =	vsub.f32 v60, v62;
	v60 =	vld.idx.msk [tilespmem:v7+s30+$0x0], $0xffff  }
0x1b5: {  	v62 =	vld.idx.msk [tilespmem:v2+s30+$0x0], $0xffff  }
0x1b6: {  	v24 =	vld.idx.msk [tilespmem:v24+s3+$0x0], $0xffff;
	v1 =	vsub.f32 v1, v29  }
0x1b7: {  	[tilespmem:v41+s28+$0x0] =	vst.idx.add.f32.msk $0xffff, v30  }
0x1b8: {  	v32 =	vadd.s32 $0x5140, v32;
	[tilespmem:v25+s28+$0x0] =	vst.idx.add.f32.msk $0xffff, v1  }
0x1b9: {  	v1 =	vld [tilespmem:$0x1FFC0]  }
0x1ba: {  	v48 =	vadd.s32 $0x1040, v17;
	v41 =	vld [tilespmem:$0x1FFF0]  }
0x1bb: {  	v0 =	vsub.f32 v0, v24;
	v24 =	vld.idx.msk [tilespmem:v47+s30+$0x0], $0xffff  }
0x1bc: {  	v29 =	vld.idx.msk [tilespmem:v12+s31+$0x0], $0xffff  }
0x1bd: {  	[tilespmem:v32+s28+$0x0] =	vst.idx.add.f32.msk $0xffff, v0;
	v0 =	vsub.f32 v43, v44  }
0x1be: {  	v25 =	vld.idx.msk [tilespmem:v6+s31+$0x0], $0xffff  }
0x1bf: {  	v23 =	vsub.f32 v63, v60;
	[tilespmem:v48+s28+$0x0] =	vst.idx.add.f32.msk $0xffff, v0  }
0x1c0: {  	v0 =	vsub.f32 v62, v24;
	v24 =	vld.idx.msk [tilespmem:v14+s31+$0x0], $0xffff  }
0x1c1: {  	[tilespmem:v1+s28+$0x0] =	vst.idx.add.f32.msk $0xffff, v23  }
0x1c2: {  	v1 =	vld [tilespmem:$0x1FFD0]  }
0x1c3: {  	v45 =	vld.idx.msk [tilespmem:v4+s31+$0x0], $0xffff;
	v25 =	vsub.f32 v25, v29  }
0x1c4: {  	v63 =	vld.idx.msk [tilespmem:v5+s31+$0x0], $0xffff  }
0x1c5: {  	[tilespmem:v52+s28+$0x0] =	vst.idx.add.f32.msk $0xffff, v25  }
0x1c6: {  	v23 =	vld.idx.msk [tilespmem:v8+s31+$0x0], $0xffff  }
0x1c7: {  	v25 =	vld.idx.msk [tilespmem:v6+s0+$0x0], $0xffff  }
0x1c8: {  	v46 =	vld.idx.msk [tilespmem:v3+s31+$0x0], $0xffff  }
0x1c9: {  	v29 =	vld.idx.msk [tilespmem:v7+s31+$0x0], $0xffff  }
0x1ca: {  	[tilespmem:v1+s28+$0x0] =	vst.idx.add.f32.msk $0xffff, v0  }
0x1cb: {  	v0 =	vld.idx.msk [tilespmem:v11+s31+$0x0], $0xffff  }
0x1cc: {  	v23 =	vsub.f32 v23, v24;
	v1 =	vld.idx.msk [tilespmem:v13+s31+$0x0], $0xffff  }
0x1cd: {  	v24 =	vld.idx.msk [tilespmem:v9+s31+$0x0], $0xffff  }
0x1ce: {  	[tilespmem:v55+s28+$0x0] =	vst.idx.add.f32.msk $0xffff, v23  }
0x1cf: {  	v27 =	vadd.s32 $0x30C0, v19;
	v35 =	vadd.s32 $0x30C0, v17;
	v61 =	vadd.s32 $0x30C0, v56;
	v48 =	vld.idx.msk [tilespmem:v2+s31+$0x0], $0xffff  }
0x1d0: {  	v22 =	vadd.s32 $0x5140, v19;
	v19 =	vadd.s32 $0x5140, v17;
	v17 =	vadd.s32 $0x5140, v56;
	v56 =	vld.idx.msk [tilespmem:v47+s31+$0x0], $0xffff  }
0x1d1: {  	v23 =	vld.idx.msk [tilespmem:v8+s0+$0x0], $0xffff;
	v0 =	vsub.f32 v0, v1  }
0x1d2: {  	v1 =	vld.idx.msk [tilespmem:v10+s31+$0x0], $0xffff  }
0x1d3: {  	[tilespmem:v50+s28+$0x0] =	vst.idx.add.f32.msk $0xffff, v0;
	v0 =	vsub.f32 v45, v24  }
0x1d4: {  	v24 =	vld.idx.msk [tilespmem:v14+s0+$0x0], $0xffff  }
0x1d5: {  	[tilespmem:v54+s28+$0x0] =	vst.idx.add.f32.msk $0xffff, v0;
	v0 =	vsub.f32 v48, v56  }
0x1d6: {  	v58 =	vld.idx.msk [tilespmem:v4+s0+$0x0], $0xffff  }
0x1d7: {  	v1 =	vsub.f32 v63, v1;
	[tilespmem:v49+s28+$0x0] =	vst.idx.add.f32.msk $0xffff, v0  }
0x1d8: {  	v0 =	vld.idx.msk [tilespmem:v13+s0+$0x0], $0xffff  }
0x1d9: {  	[tilespmem:v53+s28+$0x0] =	vst.idx.add.f32.msk $0xffff, v1;
	v1 =	vsub.f32 v46, v29  }
0x1da: {  	v29 =	vld.idx.msk [tilespmem:v12+s0+$0x0], $0xffff  }
0x1db: {  	[tilespmem:v51+s28+$0x0] =	vst.idx.add.f32.msk $0xffff, v1  }
0x1dc: {  	v1 =	vld.idx.msk [tilespmem:v11+s0+$0x0], $0xffff  }
0x1dd: {  	v23 =	vsub.f32 v23, v24;
	v24 =	vld.idx.msk [tilespmem:v9+s0+$0x0], $0xffff  }
0x1de: {  	v60 =	vld.idx.msk [tilespmem:v2+s0+$0x0], $0xffff  }
0x1df: {  	v57 =	vld.idx.msk [tilespmem:v5+s0+$0x0], $0xffff  }
0x1e0: {  	v59 =	vld.idx.msk [tilespmem:v3+s0+$0x0], $0xffff  }
0x1e1: {  	v0 =	vsub.f32 v1, v0;
	v1 =	vld.idx.msk [tilespmem:v10+s0+$0x0], $0xffff  }
0x1e2: {  	v25 =	vsub.f32 v25, v29;
	v29 =	vld.idx.msk [tilespmem:v7+s0+$0x0], $0xffff  }
0x1e3: {  	[tilespmem:v27+s28+$0x0] =	vst.idx.add.f32.msk $0xffff, v0  }
0x1e4: {  	v0 =	vld [tilespmem:$0x1FFE0]  }
0x1e5: {  	v62 =	vld.idx.msk [tilespmem:v47+s0+$0x0], $0xffff  }
0x1e6: {  	[tilespmem:v34+s28+$0x0] =	vst.idx.add.f32.msk $0xffff, v25;
	v1 =	vsub.f32 v57, v1  }
0x1e7: {  	v25 =	vld.idx.msk [tilespmem:v6+s1+$0x0], $0xffff  }
0x1e8: {  	[tilespmem:v28+s28+$0x0] =	vst.idx.add.f32.msk $0xffff, v1;
	v1 =	vsub.f32 v59, v29  }
0x1e9: {  	v27 =	vld.idx.msk [tilespmem:v5+s1+$0x0], $0xffff  }
0x1ea: {  	[tilespmem:v61+s28+$0x0] =	vst.idx.add.f32.msk $0xffff, v1  }
0x1eb: {  	v1 =	vld.idx.msk [tilespmem:v11+s1+$0x0], $0xffff  }
0x1ec: {  	[tilespmem:v0+s28+$0x0] =	vst.idx.add.f32.msk $0xffff, v23  }
0x1ed: {  	v29 =	vld.idx.msk [tilespmem:v3+s1+$0x0], $0xffff  }
0x1ee: {  	v0 =	vsub.f32 v58, v24;
	v23 =	vld.idx.msk [tilespmem:v8+s1+$0x0], $0xffff  }
0x1ef: {  	v24 =	vld.idx.msk [tilespmem:v14+s1+$0x0], $0xffff  }
0x1f0: {  	[tilespmem:v35+s28+$0x0] =	vst.idx.add.f32.msk $0xffff, v0;
	v0 =	vsub.f32 v60, v62  }
0x1f1: {  	v28 =	vld.idx.msk [tilespmem:v4+s1+$0x0], $0xffff  }
0x1f2: {  	[tilespmem:v26+s28+$0x0] =	vst.idx.add.f32.msk $0xffff, v0  }
0x1f3: {  	v0 =	vld.idx.msk [tilespmem:v13+s1+$0x0], $0xffff  }
0x1f4: {  	v26 =	vld.idx.msk [tilespmem:v12+s1+$0x0], $0xffff  }
0x1f5: {  	v63 =	vld.idx.msk [tilespmem:v2+s1+$0x0], $0xffff;
	v23 =	vsub.f32 v23, v24  }
0x1f6: {  	v24 =	vld.idx.msk [tilespmem:v9+s1+$0x0], $0xffff  }
0x1f7: {  	[tilespmem:v38+s28+$0x0] =	vst.idx.add.f32.msk $0xffff, v23  }
0x1f8: {  	v0 =	vsub.f32 v1, v0;
	v1 =	vld.idx.msk [tilespmem:v10+s1+$0x0], $0xffff  }
0x1f9: {  	v25 =	vsub.f32 v25, v26;
	v26 =	vld.idx.msk [tilespmem:v7+s1+$0x0], $0xffff  }
0x1fa: {  	v8 =	vld.idx.msk [tilespmem:v8+s3+$0x0], $0xffff  }
0x1fb: {  	[tilespmem:v33+s28+$0x0] =	vst.idx.add.f32.msk $0xffff, v0  }
0x1fc: {  	[tilespmem:v36+s28+$0x0] =	vst.idx.add.f32.msk $0xffff, v25  }
0x1fd: {  	v0 =	vsub.f32 v28, v24;
	v23 =	vld.idx.msk [tilespmem:v6+s3+$0x0], $0xffff  }
0x1fe: {  	v12 =	vld.idx.msk [tilespmem:v12+s3+$0x0], $0xffff  }
0x1ff: {  	[tilespmem:v37+s28+$0x0] =	vst.idx.add.f32.msk $0xffff, v0;
	v1 =	vsub.f32 v27, v1  }
0x200: {  	v27 =	vld.idx.msk [tilespmem:v47+s1+$0x0], $0xffff  }
0x201: {  	[tilespmem:v40+s28+$0x0] =	vst.idx.add.f32.msk $0xffff, v1;
	v1 =	vsub.f32 v29, v26  }
0x202: {  	v9 =	vld.idx.msk [tilespmem:v9+s3+$0x0], $0xffff  }
0x203: {  	[tilespmem:v39+s28+$0x0] =	vst.idx.add.f32.msk $0xffff, v1  }
0x204: {  	v1 =	vld.idx.msk [tilespmem:v11+s3+$0x0], $0xffff  }
0x205: {  	v11 =	vld.idx.msk [tilespmem:v14+s3+$0x0], $0xffff;
	v0 =	vsub.f32 v63, v27  }
0x206: {  	v14 =	vld.idx.msk [tilespmem:v5+s3+$0x0], $0xffff  }
0x207: {  	s10 =	sadd.s32 $0x8, s10;
	[tilespmem:v31+s28+$0x0] =	vst.idx.add.f32.msk $0xffff, v0  }
0x208: {  	p0 =	slt.u32 s10, $0x6E8;
	v0 =	vld.idx.msk [tilespmem:v13+s3+$0x0], $0xffff  }
.Ltmp0:
0x209: {  	v27 =	vld.idx.msk [tilespmem:v10+s3+$0x0], $0xffff;
	(pc) =	sbr.rel @p0 .LBB2_2-.Ltmp0, $4  }
0x20a: {  	v10 =	vld.idx.msk [tilespmem:v4+s3+$0x0], $0xffff  }
0x20b: {  	v3 =	vld.idx.msk [tilespmem:v3+s3+$0x0], $0xffff  }
0x20c: {  	v5 =	vsub.f32 v23, v12;
	v7 =	vld.idx.msk [tilespmem:v7+s3+$0x0], $0xffff  }
0x20d: {  	s11 =	sadd.s32 $0x80, s11;
	v23 =	vld.idx.msk [tilespmem:v2+s3+$0x0], $0xffff;
	v6 =	vsub.f32 v8, v11;
	v13 =	vsub.f32 v1, v0  }
0x20e: {  	_ =	sdelay $0x3  }
0x20f: {  	v0 =	vld.idx.msk [tilespmem:v47+s3+$0x0], $0xffff  }
0x210: {  	[tilespmem:v18+s28+$0x0] =	vst.idx.add.f32.msk $0xffff, v5  }
0x211: {  	[tilespmem:v41+s28+$0x0] =	vst.idx.add.f32.msk $0xffff, v15  }
0x212: {  	v1 =	vsub.f32 v14, v27;
	[tilespmem:v22+s28+$0x0] =	vst.idx.add.f32.msk $0xffff, v13  }
0x213: {  	[tilespmem:v21+s28+$0x0] =	vst.idx.add.f32.msk $0xffff, v6;
	v2 =	vsub.f32 v10, v9  }
0x214: {  	[tilespmem:v20+s28+$0x0] =	vst.idx.add.f32.msk $0xffff, v1;
	v3 =	vsub.f32 v3, v7  }
0x215: {  	[tilespmem:v19+s28+$0x0] =	vst.idx.add.f32.msk $0xffff, v2;
	v0 =	vsub.f32 v23, v0  }
0x216: {  	[tilespmem:v17+s28+$0x0] =	vst.idx.add.f32.msk $0xffff, v3  }
0x217: {  	[tilespmem:v16+s28+$0x0] =	vst.idx.add.f32.msk $0xffff, v0  }
.LBB2_4:
0x218: {  	s10 =	sshra.s32 s9, $0x2  }
0x219: {  	v0 =	vld [tilespmem:s10+$0x14700];
	_ =	sdelay $0x4  }
0x21a: {  	v1 =	vshrl.u32 v0, $0xB;
	v2 =	vshrl.u32 v0, $0x12  }
0x21b: {  	v3 =	vand.u32 $0x7F, v1;
	v2 =	vand.u32 $0x3F80, v2;
	v1 =	vand.u32 $0x3FFF, v1  }
0x21c: {  	v2 =	vor.u32 v3, v2;
	_ =	sdelay $0x3  }
0x21d: {  	v4 =	vld.idx.msk [tilespmem:v1+s2+$0x0], $0xffff  }
0x21e: {  	v3 =	vld.idx.msk [tilespmem:v2+s2+$0x0], $0xffff;
	_ =	sdelay $0x1  }
0x21f: {  	v5 =	vand.u32 $0x7FF, v0;
	_ =	sdelay $0x2  }
0x220: {  	v3 =	vsub.f32 v3, v4;
	_ =	sdelay $0x1  }
0x221: {  	[tilespmem:v5+s28+$0x0] =	vst.idx.add.f32.msk $0xffff, v3  }
0x222: {  	v3 =	vld.idx.msk [tilespmem:v2+s30+$0x0], $0xffff  }
0x223: {  	v56 =	vld.idx.msk [tilespmem:v1+s30+$0x0], $0xffff;
	_ =	sdelay $0x1  }
0x224: {  	v6 =	vadd.s32 $0x1040, v5;
	_ =	sdelay $0x2  }
0x225: {  	v3 =	vsub.f32 v3, v56;
	_ =	sdelay $0x1  }
0x226: {  	[tilespmem:v6+s28+$0x0] =	vst.idx.add.f32.msk $0xffff, v3  }
0x227: {  	v3 =	vld.idx.msk [tilespmem:v2+s31+$0x0], $0xffff  }
0x228: {  	v58 =	vadd.s32 $0x2080, v5;
	v57 =	vld.idx.msk [tilespmem:v1+s31+$0x0], $0xffff  }
0x229: {  	v0 =	vand.u32 $0x7F, v0;
	v6 =	vand.u32 $0x2F80, v58  }
0x22a: {  	v6 =	vor.u32 v0, v6;
	_ =	sdelay $0x2  }
0x22b: {  	v3 =	vsub.f32 v3, v57;
	_ =	sdelay $0x1  }
0x22c: {  	[tilespmem:v6+s28+$0x0] =	vst.idx.add.f32.msk $0xffff, v3  }
0x22d: {  	v3 =	vld.idx.msk [tilespmem:v2+s0+$0x0], $0xffff  }
0x22e: {  	v59 =	vld.idx.msk [tilespmem:v1+s0+$0x0], $0xffff;
	_ =	sdelay $0x1  }
0x22f: {  	v60 =	vadd.s32 $0x30C0, v5;
	_ =	sdelay $0x2  }
0x230: {  	v3 =	vsub.f32 v3, v59;
	_ =	sdelay $0x1  }
0x231: {  	[tilespmem:v60+s28+$0x0] =	vst.idx.add.f32.msk $0xffff, v3  }
0x232: {  	v3 =	vld.idx.msk [tilespmem:v2+s1+$0x0], $0xffff  }
0x233: {  	v62 =	vadd.s32 $0x4100, v5;
	v61 =	vld.idx.msk [tilespmem:v1+s1+$0x0], $0xffff  }
0x234: {  	v6 =	vand.u32 $0x4F80, v62  }
0x235: {  	v0 =	vor.u32 v0, v6;
	_ =	sdelay $0x2  }
0x236: {  	v3 =	vsub.f32 v3, v61;
	_ =	sdelay $0x1  }
0x237: {  	[tilespmem:v0+s28+$0x0] =	vst.idx.add.f32.msk $0xffff, v3  }
0x238: {  	v0 =	vld.idx.msk [tilespmem:v2+s3+$0x0], $0xffff  }
0x239: {  	v1 =	vld.idx.msk [tilespmem:v1+s3+$0x0], $0xffff;
	_ =	sdelay $0x1  }
0x23a: {  	p0 =	sne.s32 s9, $0xC0;
	v63 =	vadd.s32 $0x5140, v5  }
.Ltmp1:
0x23b: {  	_ = 	snop;
	(pc) =	sbr.rel @p0 .LBB2_4-.Ltmp1, $3  }
0x23c: {  	_ = 	snop  }
0x23d: {  	v0 =	vsub.f32 v0, v1;
	_ =	sdelay $0x1  }
0x23e: {  	s9 =	sadd.s32 $0x40, s9;
	[tilespmem:v63+s28+$0x0] =	vst.idx.add.f32.msk $0xffff, v0  }
0x23f: {  	s9 =	rddreg [dreg:$0x9]  }
0x240: {  	[tilespmem:s2], [sflag:$0x1] =	stream.linear.gather [hbm4b:s9+s2], $0x2400, $0x38;
	[tilespmem:$0x1AA00] =	vst v63  }
0x241: {  	s10 =	rddreg [dreg:$0xa]  }
0x242: {  	[tilespmem:s30], [sflag:$0x1] =	stream.linear.gather [hbm4b:s10+s2], $0x2400, $0x38;
	[tilespmem:$0x1AA00] =	vst v63  }
0x243: {  	_ = 	snop  }
0x244: {  	[tilespmem:s31], [sflag:$0x1] =	stream.linear.gather [hbm4b:s12+s2], $0x2400, $0x38;
	[tilespmem:$0x1AA00] =	vst v63  }
0x245: {  	_ = 	snop  }
0x246: {  	[tilespmem:s0], [sflag:$0x1] =	stream.linear.gather [hbm4b:s13+s2], $0x2400, $0x38;
	[tilespmem:$0x1AA00] =	vst v63  }
0x247: {  	_ = 	snop  }
0x248: {  	[tilespmem:s1], [sflag:$0x1] =	stream.linear.gather [hbm4b:s14+s2], $0x2400, $0x38;
	[tilespmem:$0x1AA00] =	vst v63  }
0x249: {  	_ = 	snop  }
0x24a: {  	[tilespmem:s3], [sflag:$0x1] =	stream.linear.gather [hbm4b:s15+s2], $0x2400, $0x38;
	[tilespmem:$0x1AA00] =	vst v63  }
0x24b: {  	_ = 	snop  }
0x24c: {  	[tilespmem:s6], [sflag:$0x1] =	stream.strided.gather [hbm4b:s23+s4], $0x6F80, s5, s4, $0x38;
	[tilespmem:$0x1AA00] =	vst v63  }
0x24d: {  	_ =	swait.ge [sflag:s29], $0x2400  }
0x24e: {  	[sflag:s29] =	ssyncset.done $0x0  }
0x24f: {  	[sflag:s29] =	ssyncadd.s32 $0xFFFFDC00  }
0x250: {  	_ =	swait.ge [sflag:s29], $0x2400  }
0x251: {  	[sflag:s29] =	ssyncset.done $0x0  }
0x252: {  	[sflag:s29] =	ssyncadd.s32 $0xFFFFDC00  }
0x253: {  	_ =	swait.ge [sflag:s29], $0x2400  }
0x254: {  	[sflag:s29] =	ssyncset.done $0x0  }
0x255: {  	[sflag:s29] =	ssyncadd.s32 $0xFFFFDC00  }
0x256: {  	_ =	swait.ge [sflag:s29], $0x2400  }
0x257: {  	[sflag:s29] =	ssyncset.done $0x0  }
0x258: {  	[sflag:s29] =	ssyncadd.s32 $0xFFFFDC00  }
0x259: {  	_ =	swait.ge [sflag:s29], $0x2400  }
0x25a: {  	[sflag:s29] =	ssyncset.done $0x0  }
0x25b: {  	[sflag:s29] =	ssyncadd.s32 $0xFFFFDC00  }
0x25c: {  	_ =	swait.ge [sflag:s29], $0x2400  }
0x25d: {  	[sflag:s29] =	ssyncset.done $0x0  }
0x25e: {  	[sflag:s29] =	ssyncadd.s32 $0xFFFFDC00  }
0x25f: {  	_ =	swait.ge [sflag:s29], $0x6F80  }
0x260: {  	[sflag:s29] =	ssyncset.done $0x0  }
0x261: {  	s11 =	simm.s32 $0xD840;
	[sflag:s29] =	ssyncadd.s32 $0xFFFF9080  }
0x262: {  	v2 =	vld [tilespmem:s11+$0x30];
	_ =	sdelay $0x2  }
0x263: {  	v23 =	vld [tilespmem:s11+$0xFFFFFFD0]  }
0x264: {  	v24 =	vld [tilespmem:s11+$0xFFFFFFE0]  }
0x265: {  	v25 =	vld [tilespmem:s11+$0xFFFFFFF0];
	v0 =	vshrl.u32 v2, $0xB;
	v1 =	vshrl.u32 v2, $0x12  }
0x266: {  	v22 =	vld [tilespmem:s11+$0xFFFFFFC0];
	v3 =	vand.u32 $0x7F, v0;
	v1 =	vand.u32 $0x3F80, v1;
	v28 =	vand.u32 $0x3FFF, v0  }
0x267: {  	v26 =	vld [tilespmem:s11+$0x0];
	v29 =	vor.u32 v3, v1;
	_ =	sdelay $0x1  }
0x268: {  	v27 =	vld [tilespmem:s11+$0x10];
	v10 =	vshrl.u32 v24, $0xB  }
0x269: {  	s9 =	simm.s32 $0x0;
	v4 =	vld [tilespmem:s11+$0x20];
	v11 =	vshrl.u32 v25, $0xB;
	v6 =	vshrl.u32 v25, $0x12;
	v0 =	vshrl.u32 v23, $0x12  }
0x26a: {  	v15 =	vshrl.u32 v22, $0xB;
	v13 =	vand.u32 $0x3F80, v0;
	v0 =	vshrl.u32 v22, $0x12;
	v5 =	vld.idx.msk [tilespmem:v28+s9+$0x0], $0xffff  }
0x26b: {  	v16 =	vshrl.u32 v26, $0xB;
	v20 =	vand.u32 $0x7F, v15;
	v0 =	vand.u32 $0x3F80, v0;
	v7 =	vld.idx.msk [tilespmem:v29+s9+$0x0], $0xffff  }
0x26c: {  	v8 =	vshrl.u32 v26, $0x12;
	v30 =	vand.u32 $0x7FF, v2;
	v0 =	vor.u32 v20, v0  }
0x26d: {  	v17 =	vshrl.u32 v27, $0xB;
	v12 =	vshrl.u32 v27, $0x12;
	v14 =	vadd.s32 $0x5C0, v30  }
0x26e: {  	v18 =	vshrl.u32 v4, $0xB;
	v19 =	vshrl.u32 v4, $0x12;
	v3 =	vshrl.u32 v23, $0xB  }
0x26f: {  	v21 =	vand.u32 $0x7F, v10;
	v1 =	vshrl.u32 v24, $0x12;
	v9 =	vand.u32 $0x7F, v3  }
0x270: {  	v1 =	vand.u32 $0x3F80, v1;
	v20 =	vsub.f32 v7, v5;
	v5 =	vor.u32 v9, v13  }
0x271: {  	v31 =	vand.u32 $0x7F, v11;
	v6 =	vand.u32 $0x3F80, v6;
	v7 =	vor.u32 v21, v1;
	v21 =	vld.idx.msk [tilespmem:v0+s9+$0x0], $0xffff  }
0x272: {  	v9 =	vand.u32 $0x7F, v16;
	v1 =	vand.u32 $0x3F80, v8;
	v8 =	vor.u32 v31, v6;
	[tilespmem:v14+s28+$0x0] =	vst.idx.add.f32.msk $0xffff, v20  }
0x273: {  	v13 =	vand.u32 $0x7F, v17;
	v6 =	vand.u32 $0x3F80, v12;
	v9 =	vor.u32 v9, v1;
	v14 =	vld.idx.msk [tilespmem:v29+s30+$0x0], $0xffff  }
0x274: {  	v12 =	vand.u32 $0x7F, v18;
	v1 =	vand.u32 $0x3F80, v19;
	v6 =	vor.u32 v13, v6;
	v20 =	vld.idx.msk [tilespmem:v28+s30+$0x0], $0xffff  }
0x275: {  	v13 =	vadd.s32 $0x1600, v30;
	v1 =	vor.u32 v12, v1;
	v57 =	vld.idx.msk [tilespmem:v5+s9+$0x0], $0xffff  }
0x276: {  	v32 =	vand.u32 $0x7F, v2;
	v12 =	vand.u32 $0x1F80, v13;
	v13 =	vand.u32 $0x3FFF, v3;
	v33 =	vld.idx.msk [tilespmem:v7+s9+$0x0], $0xffff  }
0x277: {  	v2 =	vor.u32 v32, v12;
	v12 =	vand.u32 $0x3FFF, v15;
	v34 =	vld.idx.msk [tilespmem:v8+s9+$0x0], $0xffff  }
0x278: {  	v35 =	vld.idx.msk [tilespmem:v9+s9+$0x0], $0xffff  }
0x279: {  	v36 =	vld.idx.msk [tilespmem:v6+s9+$0x0], $0xffff  }
0x27a: {  	v37 =	vld.idx.msk [tilespmem:v1+s9+$0x0], $0xffff  }
0x27b: {  	v38 =	vld.idx.msk [tilespmem:v13+s9+$0x0], $0xffff;
	v15 =	vsub.f32 v14, v20;
	v14 =	vand.u32 $0x3FFF, v10  }
0x27c: {  	v10 =	vand.u32 $0x3FFF, v17;
	v20 =	vld.idx.msk [tilespmem:v12+s9+$0x0], $0xffff;
	v17 =	vand.u32 $0x7FF, v23  }
0x27d: {  	v45 =	vadd.s32 $0x5C0, v17;
	[tilespmem:v2+s28+$0x0] =	vst.idx.add.f32.msk $0xffff, v15  }
0x27e: {  	v15 =	vand.u32 $0x3FFF, v11;
	v3 =	vld.idx.msk [tilespmem:v29+s31+$0x0], $0xffff  }
0x27f: {  	v11 =	vand.u32 $0x3FFF, v16;
	v19 =	vld.idx.msk [tilespmem:v28+s31+$0x0], $0xffff  }
0x280: {  	v2 =	vand.u32 $0x3FFF, v18;
	v31 =	vsub.f32 v57, v38;
	v39 =	vld.idx.msk [tilespmem:v14+s9+$0x0], $0xffff  }
0x281: {  	v16 =	vand.u32 $0x7FF, v22;
	v44 =	vld.idx.msk [tilespmem:v10+s9+$0x0], $0xffff  }
0x282: {  	v42 =	vadd.s32 $0x5C0, v16;
	[tilespmem:v45+s28+$0x0] =	vst.idx.add.f32.msk $0xffff, v31  }
0x283: {  	v40 =	vadd.s32 $0x2640, v30;
	v41 =	vld.idx.msk [tilespmem:v15+s9+$0x0], $0xffff  }
0x284: {  	v43 =	vld.idx.msk [tilespmem:v11+s9+$0x0], $0xffff  }
0x285: {  	v18 =	vand.u32 $0x7FF, v24;
	v48 =	vsub.f32 v21, v20;
	v46 =	vld.idx.msk [tilespmem:v2+s9+$0x0], $0xffff  }
0x286: {  	v47 =	vadd.s32 $0x5C0, v18;
	v38 =	vld.idx.msk [tilespmem:v13+s30+$0x0], $0xffff;
	v3 =	vsub.f32 v3, v19  }
0x287: {  	[tilespmem:v42+s28+$0x0] =	vst.idx.add.f32.msk $0xffff, v48  }
0x288: {  	[tilespmem:v40+s28+$0x0] =	vst.idx.add.f32.msk $0xffff, v3  }
0x289: {  	v19 =	vand.u32 $0x7FF, v25;
	v33 =	vsub.f32 v33, v39;
	v49 =	vld.idx.msk [tilespmem:v29+s0+$0x0], $0xffff  }
0x28a: {  	v20 =	vand.u32 $0x7FF, v26;
	v58 =	vadd.s32 $0x5C0, v19;
	v61 =	vld.idx.msk [tilespmem:v28+s0+$0x0], $0xffff  }
0x28b: {  	v21 =	vand.u32 $0x7FF, v27;
	v59 =	vadd.s32 $0x5C0, v20;
	[tilespmem:v47+s28+$0x0] =	vst.idx.add.f32.msk $0xffff, v33  }
0x28c: {  	v60 =	vadd.s32 $0x5C0, v21;
	v47 =	vsub.f32 v36, v44;
	v36 =	vld.idx.msk [tilespmem:v5+s30+$0x0], $0xffff  }
0x28d: {  	v34 =	vsub.f32 v34, v41;
	v39 =	vld.idx.msk [tilespmem:v7+s30+$0x0], $0xffff  }
0x28e: {  	v35 =	vsub.f32 v35, v43;
	v40 =	vld.idx.msk [tilespmem:v14+s30+$0x0], $0xffff  }
0x28f: {  	[tilespmem:v58+s28+$0x0] =	vst.idx.add.f32.msk $0xffff, v34  }
0x290: {  	[tilespmem:v59+s28+$0x0] =	vst.idx.add.f32.msk $0xffff, v35  }
0x291: {  	v3 =	vand.u32 $0x7FF, v4;
	[tilespmem:v60+s28+$0x0] =	vst.idx.add.f32.msk $0xffff, v47  }
0x292: {  	v63 =	vadd.s32 $0x5C0, v3;
	v34 =	vld.idx.msk [tilespmem:v0+s30+$0x0], $0xffff  }
0x293: {  	v35 =	vld.idx.msk [tilespmem:v12+s30+$0x0], $0xffff  }
0x294: {  	v62 =	vadd.s32 $0x3680, v30;
	v59 =	vld.idx.msk [tilespmem:v15+s30+$0x0], $0xffff  }
0x295: {  	v52 =	vadd.s32 $0x1600, v16;
	v45 =	vand.u32 $0x3F80, v62;
	v48 =	vsub.f32 v37, v46;
	v60 =	vld.idx.msk [tilespmem:v9+s30+$0x0], $0xffff  }
0x296: {  	v31 =	vor.u32 v32, v45;
	v41 =	vand.u32 $0x1F80, v52;
	v52 =	vld.idx.msk [tilespmem:v10+s30+$0x0], $0xffff  }
0x297: {  	v54 =	vadd.s32 $0x1600, v18;
	[tilespmem:v63+s28+$0x0] =	vst.idx.add.f32.msk $0xffff, v48  }
0x298: {  	v24 =	vand.u32 $0x7F, v24;
	v37 =	vand.u32 $0x1F80, v54;
	v50 =	vsub.f32 v49, v61;
	v61 =	vld.idx.msk [tilespmem:v11+s30+$0x0], $0xffff  }
0x299: {  	v22 =	vand.u32 $0x7F, v22;
	v37 =	vor.u32 v24, v37;
	v63 =	vld.idx.msk [tilespmem:v6+s30+$0x0], $0xffff  }
0x29a: {  	v41 =	vor.u32 v22, v41;
	v54 =	vld.idx.msk [tilespmem:v2+s30+$0x0], $0xffff  }
0x29b: {  	v56 =	vadd.s32 $0x1600, v20;
	[tilespmem:v31+s28+$0x0] =	vst.idx.add.f32.msk $0xffff, v50  }
0x29c: {  	v43 =	vand.u32 $0x1F80, v56;
	v56 =	vsub.f32 v39, v40;
	v31 =	vld.idx.msk [tilespmem:v29+s1+$0x0], $0xffff  }
0x29d: {  	v33 =	vld.idx.msk [tilespmem:v28+s1+$0x0], $0xffff;
	v34 =	vsub.f32 v34, v35  }
0x29e: {  	[tilespmem:v37+s28+$0x0] =	vst.idx.add.f32.msk $0xffff, v56  }
0x29f: {  	v26 =	vand.u32 $0x7F, v26;
	[tilespmem:v41+s28+$0x0] =	vst.idx.add.f32.msk $0xffff, v34  }
0x2a0: {  	v43 =	vor.u32 v26, v43;
	v48 =	vld.idx.msk [tilespmem:v7+s31+$0x0], $0xffff  }
0x2a1: {  	v51 =	vadd.s32 $0x46C0, v30;
	v58 =	vadd.s32 $0x1600, v3;
	v49 =	vld.idx.msk [tilespmem:v14+s31+$0x0], $0xffff  }
0x2a2: {  	v45 =	vand.u32 $0x1F80, v58;
	v58 =	vsub.f32 v60, v61;
	v60 =	vld.idx.msk [tilespmem:v0+s31+$0x0], $0xffff  }
0x2a3: {  	v61 =	vld.idx.msk [tilespmem:v12+s31+$0x0], $0xffff  }
0x2a4: {  	v53 =	vadd.s32 $0x1600, v17;
	v55 =	vadd.s32 $0x1600, v19;
	v31 =	vsub.f32 v31, v33;
	v33 =	vld.idx.msk [tilespmem:v8+s30+$0x0], $0xffff  }
0x2a5: {  	v57 =	vadd.s32 $0x1600, v21;
	v25 =	vand.u32 $0x7F, v25;
	v42 =	vand.u32 $0x1F80, v55;
	[tilespmem:v43+s28+$0x0] =	vst.idx.add.f32.msk $0xffff, v58  }
0x2a6: {  	v27 =	vand.u32 $0x7F, v27;
	v62 =	vand.u32 $0x1F80, v57;
	v42 =	vor.u32 v25, v42;
	[tilespmem:v51+s28+$0x0] =	vst.idx.add.f32.msk $0xffff, v31  }
0x2a7: {  	v23 =	vand.u32 $0x7F, v23;
	v55 =	vor.u32 v27, v62;
	v31 =	vand.u32 $0x1F80, v53;
	v53 =	vld.idx.msk [tilespmem:v1+s30+$0x0], $0xffff  }
0x2a8: {  	v29 =	vld.idx.msk [tilespmem:v29+s3+$0x0], $0xffff;
	v31 =	vor.u32 v23, v31  }
0x2a9: {  	v28 =	vld.idx.msk [tilespmem:v28+s3+$0x0], $0xffff;
	v33 =	vsub.f32 v33, v59  }
0x2aa: {  	v59 =	vsub.f32 v63, v52;
	v52 =	vld.idx.msk [tilespmem:v9+s31+$0x0], $0xffff  }
0x2ab: {  	v36 =	vsub.f32 v36, v38;
	[tilespmem:v42+s28+$0x0] =	vst.idx.add.f32.msk $0xffff, v33  }
0x2ac: {  	[tilespmem:v55+s28+$0x0] =	vst.idx.add.f32.msk $0xffff, v59  }
0x2ad: {  	v30 =	vadd.s32 $0x5700, v30;
	[tilespmem:v31+s28+$0x0] =	vst.idx.add.f32.msk $0xffff, v36  }
0x2ae: {  	v30 =	vand.u32 $0x5F80, v30;
	v50 =	vld.idx.msk [tilespmem:v8+s31+$0x0], $0xffff  }
0x2af: {  	v30 =	vor.u32 v32, v30;
	v51 =	vld.idx.msk [tilespmem:v15+s31+$0x0], $0xffff  }
0x2b0: {  	v4 =	vand.u32 $0x7F, v4;
	v28 =	vsub.f32 v29, v28;
	v29 =	vsub.f32 v53, v54;
	v54 =	vld.idx.msk [tilespmem:v11+s31+$0x0], $0xffff  }
0x2b1: {  	v57 =	vor.u32 v4, v45;
	v56 =	vld.idx.msk [tilespmem:v6+s31+$0x0], $0xffff  }
0x2b2: {  	v58 =	vld.idx.msk [tilespmem:v10+s31+$0x0], $0xffff  }
0x2b3: {  	v53 =	vadd.s32 $0x2640, v16;
	v62 =	vld.idx.msk [tilespmem:v5+s31+$0x0], $0xffff  }
0x2b4: {  	v63 =	vld.idx.msk [tilespmem:v13+s31+$0x0], $0xffff  }
0x2b5: {  	[tilespmem:v30+s28+$0x0] =	vst.idx.add.f32.msk $0xffff, v28  }
0x2b6: {  	[tilespmem:v57+s28+$0x0] =	vst.idx.add.f32.msk $0xffff, v29;
	v28 =	vsub.f32 v60, v61  }
0x2b7: {  	v57 =	vadd.s32 $0x2640, v18;
	v60 =	vld.idx.msk [tilespmem:v1+s31+$0x0], $0xffff  }
0x2b8: {  	v59 =	vadd.s32 $0x2640, v19;
	[tilespmem:v53+s28+$0x0] =	vst.idx.add.f32.msk $0xffff, v28  }
0x2b9: {  	v61 =	vadd.s32 $0x2640, v20;
	v30 =	vsub.f32 v62, v63;
	v62 =	vld.idx.msk [tilespmem:v2+s31+$0x0], $0xffff  }
0x2ba: {  	v32 =	vsub.f32 v48, v49;
	v55 =	vadd.s32 $0x2640, v17;
	v53 =	vld.idx.msk [tilespmem:v0+s0+$0x0], $0xffff  }
0x2bb: {  	v48 =	vsub.f32 v50, v51;
	v50 =	vsub.f32 v52, v54;
	v54 =	vld.idx.msk [tilespmem:v12+s0+$0x0], $0xffff  }
0x2bc: {  	[tilespmem:v57+s28+$0x0] =	vst.idx.add.f32.msk $0xffff, v32  }
0x2bd: {  	[tilespmem:v59+s28+$0x0] =	vst.idx.add.f32.msk $0xffff, v48  }
0x2be: {  	[tilespmem:v61+s28+$0x0] =	vst.idx.add.f32.msk $0xffff, v50  }
0x2bf: {  	[tilespmem:v55+s28+$0x0] =	vst.idx.add.f32.msk $0xffff, v30  }
0x2c0: {  	v63 =	vadd.s32 $0x2640, v21;
	v32 =	vld.idx.msk [tilespmem:v7+s0+$0x0], $0xffff  }
0x2c1: {  	v57 =	vld.idx.msk [tilespmem:v14+s0+$0x0], $0xffff  }
0x2c2: {  	v51 =	vsub.f32 v56, v58;
	v58 =	vld.idx.msk [tilespmem:v8+s0+$0x0], $0xffff  }
0x2c3: {  	v55 =	vld.idx.msk [tilespmem:v5+s0+$0x0], $0xffff  }
0x2c4: {  	v56 =	vld.idx.msk [tilespmem:v13+s0+$0x0], $0xffff  }
0x2c5: {  	v49 =	vadd.s32 $0x2640, v3;
	[tilespmem:v63+s28+$0x0] =	vst.idx.add.f32.msk $0xffff, v51  }
0x2c6: {  	v52 =	vsub.f32 v60, v62;
	v60 =	vld.idx.msk [tilespmem:v15+s0+$0x0], $0xffff  }
0x2c7: {  	v59 =	vadd.s32 $0x3680, v16;
	v63 =	vld.idx.msk [tilespmem:v9+s0+$0x0], $0xffff  }
0x2c8: {  	v35 =	vand.u32 $0x3F80, v59;
	v51 =	vld.idx.msk [tilespmem:v6+s0+$0x0], $0xffff  }
0x2c9: {  	v35 =	vor.u32 v22, v35;
	v45 =	vld.idx.msk [tilespmem:v10+s0+$0x0], $0xffff  }
0x2ca: {  	v61 =	vadd.s32 $0x3680, v17;
	[tilespmem:v49+s28+$0x0] =	vst.idx.add.f32.msk $0xffff, v52  }
0x2cb: {  	v37 =	vand.u32 $0x3F80, v61;
	v49 =	vld.idx.msk [tilespmem:v11+s0+$0x0], $0xffff  }
0x2cc: {  	v37 =	vor.u32 v23, v37;
	v28 =	vsub.f32 v53, v54;
	v53 =	vld.idx.msk [tilespmem:v1+s0+$0x0], $0xffff  }
0x2cd: {  	v54 =	vld.idx.msk [tilespmem:v2+s0+$0x0], $0xffff  }
0x2ce: {  	s10 =	simm.s32 $0xD8C0;
	v62 =	vadd.s32 $0x3680, v18;
	[tilespmem:v35+s28+$0x0] =	vst.idx.add.f32.msk $0xffff, v28  }
0x2cf: {  	v48 =	vadd.s32 $0x3680, v19;
	v38 =	vand.u32 $0x3F80, v62;
	v30 =	vsub.f32 v55, v56;
	v35 =	vld [tilespmem:s10+$0x20]  }
0x2d0: {  	v40 =	vand.u32 $0x3F80, v48;
	v38 =	vor.u32 v24, v38;
	v61 =	vld.idx.msk [tilespmem:v12+s1+$0x0], $0xffff  }
0x2d1: {  	v40 =	vor.u32 v25, v40;
	[tilespmem:v37+s28+$0x0] =	vst.idx.add.f32.msk $0xffff, v30  }
0x2d2: {  	v32 =	vsub.f32 v32, v57;
	v57 =	vsub.f32 v58, v60;
	v60 =	vld.idx.msk [tilespmem:v0+s1+$0x0], $0xffff  }
0x2d3: {  	v30 =	vld [tilespmem:s10+$0x0]  }
0x2d4: {  	v50 =	vadd.s32 $0x3680, v20;
	v62 =	vld.idx.msk [tilespmem:v5+s1+$0x0], $0xffff  }
0x2d5: {  	v42 =	vand.u32 $0x3F80, v50;
	[tilespmem:v38+s28+$0x0] =	vst.idx.add.f32.msk $0xffff, v32  }
0x2d6: {  	v42 =	vor.u32 v26, v42;
	v52 =	vadd.s32 $0x3680, v21;
	[tilespmem:v40+s28+$0x0] =	vst.idx.add.f32.msk $0xffff, v57  }
0x2d7: {  	v44 =	vand.u32 $0x3F80, v52;
	v55 =	vadd.s32 $0x3680, v3;
	v58 =	vsub.f32 v63, v49;
	v63 =	vld.idx.msk [tilespmem:v13+s1+$0x0], $0xffff  }
0x2d8: {  	v44 =	vor.u32 v27, v44;
	v56 =	vand.u32 $0x3F80, v55;
	v48 =	vld.idx.msk [tilespmem:v7+s1+$0x0], $0xffff  }
0x2d9: {  	v28 =	vor.u32 v4, v56;
	v49 =	vld.idx.msk [tilespmem:v14+s1+$0x0], $0xffff  }
0x2da: {  	v50 =	vld.idx.msk [tilespmem:v8+s1+$0x0], $0xffff  }
0x2db: {  	v59 =	vsub.f32 v51, v45;
	v51 =	vld.idx.msk [tilespmem:v15+s1+$0x0], $0xffff  }
0x2dc: {  	v29 =	vsub.f32 v53, v54;
	[tilespmem:v42+s28+$0x0] =	vst.idx.add.f32.msk $0xffff, v58  }
0x2dd: {  	[tilespmem:v44+s28+$0x0] =	vst.idx.add.f32.msk $0xffff, v59  }
0x2de: {  	[tilespmem:v28+s28+$0x0] =	vst.idx.add.f32.msk $0xffff, v29  }
0x2df: {  	v52 =	vld.idx.msk [tilespmem:v9+s1+$0x0], $0xffff  }
0x2e0: {  	v54 =	vld.idx.msk [tilespmem:v11+s1+$0x0], $0xffff  }
0x2e1: {  	v53 =	vadd.s32 $0x46C0, v16;
	v56 =	vld.idx.msk [tilespmem:v6+s1+$0x0], $0xffff  }
0x2e2: {  	v58 =	vld.idx.msk [tilespmem:v10+s1+$0x0], $0xffff  }
0x2e3: {  	v28 =	vsub.f32 v60, v61;
	v61 =	vadd.s32 $0x46C0, v20;
	v20 =	vadd.s32 $0x5700, v20;
	v60 =	vld.idx.msk [tilespmem:v1+s1+$0x0], $0xffff  }
0x2e4: {  	v55 =	vadd.s32 $0x46C0, v17;
	v20 =	vand.u32 $0x5F80, v20;
	v29 =	vsub.f32 v62, v63;
	v62 =	vld.idx.msk [tilespmem:v2+s1+$0x0], $0xffff  }
0x2e5: {  	v20 =	vor.u32 v26, v20;
	v26 =	vld [tilespmem:s10+$0xFFFFFFC0]  }
0x2e6: {  	[tilespmem:v53+s28+$0x0] =	vst.idx.add.f32.msk $0xffff, v28  }
0x2e7: {  	v28 =	vld [tilespmem:s10+$0xFFFFFFD0]  }
0x2e8: {  	v57 =	vadd.s32 $0x46C0, v18;
	v63 =	vadd.s32 $0x46C0, v21;
	v53 =	vadd.s32 $0x5700, v21;
	v21 =	vld [tilespmem:s10+$0xFFFFFFE0]  }
0x2e9: {  	v59 =	vadd.s32 $0x46C0, v19;
	[tilespmem:v55+s28+$0x0] =	vst.idx.add.f32.msk $0xffff, v29  }
0x2ea: {  	v0 =	vld.idx.msk [tilespmem:v0+s3+$0x0], $0xffff  }
0x2eb: {  	v32 =	vsub.f32 v48, v49;
	v12 =	vld.idx.msk [tilespmem:v12+s3+$0x0], $0xffff  }
0x2ec: {  	v47 =	vsub.f32 v50, v51;
	v29 =	vld [tilespmem:s10+$0xFFFFFFF0]  }
0x2ed: {  	[tilespmem:v57+s28+$0x0] =	vst.idx.add.f32.msk $0xffff, v32  }
0x2ee: {  	[tilespmem:v59+s28+$0x0] =	vst.idx.add.f32.msk $0xffff, v47  }
0x2ef: {  	v5 =	vld.idx.msk [tilespmem:v5+s3+$0x0], $0xffff  }
0x2f0: {  	v13 =	vld.idx.msk [tilespmem:v13+s3+$0x0], $0xffff  }
0x2f1: {  	v49 =	vsub.f32 v52, v54;
	v52 =	vld [tilespmem:s10+$0x30]  }
0x2f2: {  	v7 =	vld.idx.msk [tilespmem:v7+s3+$0x0], $0xffff  }
0x2f3: {  	v14 =	vld.idx.msk [tilespmem:v14+s3+$0x0], $0xffff  }
0x2f4: {  	v8 =	vld.idx.msk [tilespmem:v8+s3+$0x0], $0xffff  }
0x2f5: {  	v50 =	vsub.f32 v56, v58;
	v15 =	vld.idx.msk [tilespmem:v15+s3+$0x0], $0xffff  }
0x2f6: {  	v17 =	vadd.s32 $0x5700, v17;
	[tilespmem:v61+s28+$0x0] =	vst.idx.add.f32.msk $0xffff, v49  }
0x2f7: {  	v17 =	vand.u32 $0x5F80, v17;
	v16 =	vadd.s32 $0x5700, v16;
	v48 =	vadd.s32 $0x46C0, v3;
	[tilespmem:v63+s28+$0x0] =	vst.idx.add.f32.msk $0xffff, v50  }
0x2f8: {  	v17 =	vor.u32 v23, v17;
	v18 =	vadd.s32 $0x5700, v18;
	v16 =	vand.u32 $0x5F80, v16;
	v9 =	vld.idx.msk [tilespmem:v9+s3+$0x0], $0xffff  }
0x2f9: {  	v18 =	vand.u32 $0x5F80, v18;
	v19 =	vadd.s32 $0x5700, v19;
	v16 =	vor.u32 v22, v16;
	v11 =	vld.idx.msk [tilespmem:v11+s3+$0x0], $0xffff  }
0x2fa: {  	v51 =	vsub.f32 v60, v62;
	v6 =	vld.idx.msk [tilespmem:v6+s3+$0x0], $0xffff;
	v54 =	vshrl.u32 v52, $0xB;
	v55 =	vshrl.u32 v52, $0x12  }
0x2fb: {  	v10 =	vld.idx.msk [tilespmem:v10+s3+$0x0], $0xffff;
	v56 =	vand.u32 $0x7F, v54;
	v31 =	vand.u32 $0x3F80, v55;
	v32 =	vand.u32 $0x3FFF, v54  }
0x2fc: {  	v19 =	vand.u32 $0x5F80, v19;
	[tilespmem:v48+s28+$0x0] =	vst.idx.add.f32.msk $0xffff, v51;
	v0 =	vsub.f32 v0, v12;
	v33 =	vor.u32 v56, v31  }
0x2fd: {  	v18 =	vor.u32 v24, v18;
	v19 =	vor.u32 v25, v19;
	v22 =	vand.u32 $0x5F80, v53;
	v2 =	vld.idx.msk [tilespmem:v2+s3+$0x0], $0xffff  }
0x2fe: {  	v57 =	vshrl.u32 v30, $0xB;
	v58 =	vshrl.u32 v30, $0x12;
	v60 =	vshrl.u32 v35, $0xB;
	[tilespmem:v16+s28+$0x0] =	vst.idx.add.f32.msk $0xffff, v0  }
0x2ff: {  	v59 =	vshrl.u32 v26, $0x12;
	v12 =	vor.u32 v27, v22;
	v51 =	vand.u32 $0x3FFF, v60;
	v31 =	vld [tilespmem:s10+$0x10]  }
0x300: {  	v5 =	vsub.f32 v5, v13;
	v7 =	vsub.f32 v7, v14;
	v14 =	vshrl.u32 v28, $0xB;
	v13 =	vld.idx.msk [tilespmem:v32+s9+$0x0], $0xffff  }
0x301: {  	v9 =	vsub.f32 v9, v11;
	v6 =	vsub.f32 v6, v10;
	v11 =	vshrl.u32 v28, $0x12;
	v10 =	vld.idx.msk [tilespmem:v33+s9+$0x0], $0xffff  }
0x302: {  	v8 =	vsub.f32 v8, v15;
	[tilespmem:v17+s28+$0x0] =	vst.idx.add.f32.msk $0xffff, v5;
	v5 =	vand.u32 $0x7F, v14;
	v11 =	vand.u32 $0x3F80, v11  }
0x303: {  	v22 =	vshrl.u32 v21, $0xB;
	v42 =	vand.u32 $0x7FF, v52;
	[tilespmem:v18+s28+$0x0] =	vst.idx.add.f32.msk $0xffff, v7;
	v11 =	vor.u32 v5, v11  }
0x304: {  	v23 =	vshrl.u32 v29, $0xB;
	v34 =	vand.u32 $0x7F, v52;
	v0 =	vadd.s32 $0x5C0, v42;
	[tilespmem:v19+s28+$0x0] =	vst.idx.add.f32.msk $0xffff, v8  }
0x305: {  	v15 =	vshrl.u32 v21, $0x12;
	v16 =	vshrl.u32 v29, $0x12;
	v17 =	vshrl.u32 v26, $0xB;
	v50 =	vld.idx.msk [tilespmem:v51+s9+$0x0], $0xffff  }
0x306: {  	v7 =	vand.u32 $0x7F, v17;
	v18 =	vand.u32 $0x3F80, v59;
	[tilespmem:v20+s28+$0x0] =	vst.idx.add.f32.msk $0xffff, v9;
	v8 =	vsub.f32 v10, v13  }
0x307: {  	[tilespmem:v12+s28+$0x0] =	vst.idx.add.f32.msk $0xffff, v6;
	v13 =	vand.u32 $0x7F, v22;
	v10 =	vor.u32 v7, v18;
	v7 =	vand.u32 $0x3F80, v15  }
0x308: {  	v17 =	vand.u32 $0x3FFF, v17;
	v12 =	vshrl.u32 v31, $0xB;
	v36 =	vld.idx.msk [tilespmem:v11+s9+$0x0], $0xffff;
	v9 =	vor.u32 v13, v7  }
0x309: {  	v15 =	vand.u32 $0x7F, v23;
	[tilespmem:v0+s28+$0x0] =	vst.idx.add.f32.msk $0xffff, v8;
	v0 =	vand.u32 $0x3F80, v16;
	v16 =	vand.u32 $0x7F, v12  }
0x30a: {  	v12 =	vand.u32 $0x3FFF, v12;
	v13 =	vld.idx.msk [tilespmem:v33+s30+$0x0], $0xffff;
	v7 =	vor.u32 v15, v0;
	v15 =	vadd.s32 $0x1600, v42  }
0x30b: {  	v5 =	vand.u32 $0x7F, v57;
	v8 =	vand.u32 $0x3F80, v58;
	v0 =	vld.idx.msk [tilespmem:v32+s30+$0x0], $0xffff;
	v6 =	vand.u32 $0x1F80, v15  }
0x30c: {  	v5 =	vor.u32 v5, v8;
	v19 =	vld.idx.msk [tilespmem:v10+s9+$0x0], $0xffff;
	v15 =	vor.u32 v34, v6;
	v6 =	vshrl.u32 v31, $0x12  }
0x30d: {  	v8 =	vshrl.u32 v35, $0x12;
	v6 =	vand.u32 $0x3F80, v6;
	v37 =	vld.idx.msk [tilespmem:v9+s9+$0x0], $0xffff  }
0x30e: {  	v20 =	vand.u32 $0x3F80, v8;
	v8 =	vor.u32 v16, v6;
	v16 =	vand.u32 $0x3FFF, v22;
	v22 =	vld.idx.msk [tilespmem:v17+s9+$0x0], $0xffff  }
0x30f: {  	v18 =	vand.u32 $0x7F, v60;
	v60 =	vld.idx.msk [tilespmem:v12+s9+$0x0], $0xffff  }
0x310: {  	v38 =	vld.idx.msk [tilespmem:v7+s9+$0x0], $0xffff;
	v0 =	vsub.f32 v13, v0  }
0x311: {  	v6 =	vor.u32 v18, v20;
	v39 =	vld.idx.msk [tilespmem:v5+s9+$0x0], $0xffff  }
0x312: {  	[tilespmem:v15+s28+$0x0] =	vst.idx.add.f32.msk $0xffff, v0  }
0x313: {  	v18 =	vand.u32 $0x7FF, v26;
	v13 =	vand.u32 $0x3FFF, v23;
	v0 =	vld.idx.msk [tilespmem:v33+s31+$0x0], $0xffff  }
0x314: {  	v61 =	vadd.s32 $0x5C0, v18;
	v15 =	vand.u32 $0x3FFF, v14;
	v14 =	vld.idx.msk [tilespmem:v32+s31+$0x0], $0xffff  }
0x315: {  	v40 =	vld.idx.msk [tilespmem:v8+s9+$0x0], $0xffff  }
0x316: {  	v20 =	vadd.s32 $0x2640, v42;
	v41 =	vld.idx.msk [tilespmem:v6+s9+$0x0], $0xffff  }
0x317: {  	v62 =	vld.idx.msk [tilespmem:v16+s9+$0x0], $0xffff;
	v53 =	vsub.f32 v19, v22  }
0x318: {  	v24 =	vand.u32 $0x7FF, v35;
	v63 =	vld.idx.msk [tilespmem:v13+s9+$0x0], $0xffff  }
0x319: {  	v47 =	vadd.s32 $0x5C0, v24;
	[tilespmem:v61+s28+$0x0] =	vst.idx.add.f32.msk $0xffff, v53;
	v0 =	vsub.f32 v0, v14  }
0x31a: {  	v23 =	vld.idx.msk [tilespmem:v15+s9+$0x0], $0xffff  }
0x31b: {  	v22 =	vand.u32 $0x7FF, v21;
	v14 =	vand.u32 $0x3FFF, v57;
	[tilespmem:v20+s28+$0x0] =	vst.idx.add.f32.msk $0xffff, v0  }
0x31c: {  	v57 =	vadd.s32 $0x5C0, v22;
	v41 =	vsub.f32 v41, v50;
	v54 =	vld.idx.msk [tilespmem:v33+s0+$0x0], $0xffff  }
0x31d: {  	v58 =	vadd.s32 $0x3680, v42;
	v19 =	vand.u32 $0x7FF, v29;
	v56 =	vld.idx.msk [tilespmem:v32+s0+$0x0], $0xffff  }
0x31e: {  	v25 =	vand.u32 $0x3F80, v58;
	v58 =	vadd.s32 $0x1600, v19;
	v0 =	vadd.s32 $0x5C0, v19;
	[tilespmem:v47+s28+$0x0] =	vst.idx.add.f32.msk $0xffff, v41  }
0x31f: {  	v44 =	vand.u32 $0x1F80, v58;
	v37 =	vsub.f32 v37, v62;
	v20 =	vand.u32 $0x7FF, v28;
	v58 =	vld.idx.msk [tilespmem:v6+s30+$0x0], $0xffff  }
0x320: {  	v55 =	vadd.s32 $0x5C0, v20;
	v59 =	vld.idx.msk [tilespmem:v14+s9+$0x0], $0xffff  }
0x321: {  	v38 =	vsub.f32 v38, v63;
	[tilespmem:v57+s28+$0x0] =	vst.idx.add.f32.msk $0xffff, v37  }
0x322: {  	v41 =	vld.idx.msk [tilespmem:v16+s30+$0x0], $0xffff  }
0x323: {  	v61 =	vor.u32 v34, v25;
	v23 =	vsub.f32 v36, v23;
	[tilespmem:v0+s28+$0x0] =	vst.idx.add.f32.msk $0xffff, v38  }
0x324: {  	v38 =	vld.idx.msk [tilespmem:v10+s30+$0x0], $0xffff  }
0x325: {  	[tilespmem:v55+s28+$0x0] =	vst.idx.add.f32.msk $0xffff, v23  }
0x326: {  	v63 =	vsub.f32 v54, v56;
	v45 =	vld.idx.msk [tilespmem:v7+s30+$0x0], $0xffff  }
0x327: {  	v52 =	vsub.f32 v40, v60;
	v40 =	vld.idx.msk [tilespmem:v11+s30+$0x0], $0xffff  }
0x328: {  	v25 =	vand.u32 $0x7FF, v30;
	[tilespmem:v61+s28+$0x0] =	vst.idx.add.f32.msk $0xffff, v63  }
0x329: {  	v62 =	vadd.s32 $0x5C0, v25;
	v37 =	vld.idx.msk [tilespmem:v33+s1+$0x0], $0xffff  }
0x32a: {  	v53 =	vld.idx.msk [tilespmem:v32+s1+$0x0], $0xffff  }
0x32b: {  	v23 =	vand.u32 $0x7FF, v31;
	v36 =	vld.idx.msk [tilespmem:v15+s30+$0x0], $0xffff  }
0x32c: {  	v54 =	vadd.s32 $0x46C0, v42;
	v60 =	vadd.s32 $0x1600, v23;
	v48 =	vsub.f32 v39, v59;
	v39 =	vld.idx.msk [tilespmem:v17+s30+$0x0], $0xffff  }
0x32d: {  	v47 =	vand.u32 $0x1F80, v60;
	v60 =	vld.idx.msk [tilespmem:v51+s30+$0x0], $0xffff  }
0x32e: {  	[tilespmem:v62+s28+$0x0] =	vst.idx.add.f32.msk $0xffff, v48  }
0x32f: {  	v27 =	vadd.s32 $0x5C0, v23;
	v48 =	vld.idx.msk [tilespmem:v13+s30+$0x0], $0xffff;
	v37 =	vsub.f32 v37, v53  }
0x330: {  	v50 =	vld.idx.msk [tilespmem:v5+s30+$0x0], $0xffff  }
0x331: {  	v0 =	vadd.s32 $0x5700, v42;
	[tilespmem:v54+s28+$0x0] =	vst.idx.add.f32.msk $0xffff, v37  }
0x332: {  	v0 =	vand.u32 $0x5F80, v0;
	v55 =	vadd.s32 $0x1600, v18;
	v33 =	vld.idx.msk [tilespmem:v33+s3+$0x0], $0xffff  }
0x333: {  	v0 =	vor.u32 v34, v0;
	v34 =	vand.u32 $0x7F, v26;
	v62 =	vand.u32 $0x1F80, v55;
	v32 =	vld.idx.msk [tilespmem:v32+s3+$0x0], $0xffff  }
0x334: {  	v63 =	vor.u32 v34, v62;
	[tilespmem:v27+s28+$0x0] =	vst.idx.add.f32.msk $0xffff, v52  }
0x335: {  	v57 =	vadd.s32 $0x1600, v22;
	v26 =	vand.u32 $0x7F, v29;
	v52 =	vld.idx.msk [tilespmem:v14+s30+$0x0], $0xffff  }
0x336: {  	v43 =	vand.u32 $0x1F80, v57;
	v57 =	vor.u32 v26, v44;
	v55 =	vld.idx.msk [tilespmem:v8+s30+$0x0], $0xffff  }
0x337: {  	v56 =	vadd.s32 $0x1600, v20;
	v38 =	vsub.f32 v38, v39;
	v37 =	vld.idx.msk [tilespmem:v9+s30+$0x0], $0xffff  }
0x338: {  	v27 =	vand.u32 $0x1F80, v56;
	v56 =	vld.idx.msk [tilespmem:v12+s30+$0x0], $0xffff;
	v32 =	vsub.f32 v33, v32;
	v33 =	vand.u32 $0x7F, v21  }
0x339: {  	v48 =	vsub.f32 v45, v48;
	[tilespmem:v63+s28+$0x0] =	vst.idx.add.f32.msk $0xffff, v38;
	v43 =	vor.u32 v33, v43  }
0x33a: {  	[tilespmem:v0+s28+$0x0] =	vst.idx.add.f32.msk $0xffff, v32;
	v32 =	vand.u32 $0x7F, v28  }
0x33b: {  	[tilespmem:v57+s28+$0x0] =	vst.idx.add.f32.msk $0xffff, v48;
	v28 =	vand.u32 $0x7F, v31;
	v21 =	vor.u32 v32, v27  }
0x33c: {  	v38 =	vld.idx.msk [tilespmem:v7+s31+$0x0], $0xffff;
	v37 =	vsub.f32 v37, v41;
	v62 =	vor.u32 v28, v47  }
0x33d: {  	v54 =	vld.idx.msk [tilespmem:v13+s31+$0x0], $0xffff  }
0x33e: {  	v36 =	vsub.f32 v40, v36;
	[tilespmem:v43+s28+$0x0] =	vst.idx.add.f32.msk $0xffff, v37  }
0x33f: {  	v49 =	vsub.f32 v55, v56;
	v37 =	vld.idx.msk [tilespmem:v16+s31+$0x0], $0xffff  }
0x340: {  	v59 =	vadd.s32 $0x1600, v25;
	[tilespmem:v21+s28+$0x0] =	vst.idx.add.f32.msk $0xffff, v36  }
0x341: {  	v46 =	vand.u32 $0x1F80, v59;
	v0 =	vand.u32 $0x7F, v30;
	[tilespmem:v62+s28+$0x0] =	vst.idx.add.f32.msk $0xffff, v49  }
0x342: {  	v59 =	vor.u32 v0, v46;
	v21 =	vsub.f32 v50, v52;
	v50 =	vld.idx.msk [tilespmem:v17+s31+$0x0], $0xffff  }
0x343: {  	v36 =	vld.idx.msk [tilespmem:v9+s31+$0x0], $0xffff  }
0x344: {  	v61 =	vadd.s32 $0x1600, v24;
	v52 =	vld.idx.msk [tilespmem:v11+s31+$0x0], $0xffff  }
0x345: {  	v29 =	vand.u32 $0x7F, v35;
	v61 =	vand.u32 $0x1F80, v61;
	v53 =	vld.idx.msk [tilespmem:v15+s31+$0x0], $0xffff  }
0x346: {  	v63 =	vor.u32 v29, v61;
	v61 =	vld.idx.msk [tilespmem:v12+s31+$0x0], $0xffff  }
0x347: {  	[tilespmem:v59+s28+$0x0] =	vst.idx.add.f32.msk $0xffff, v21  }
0x348: {  	v59 =	vld.idx.msk [tilespmem:v8+s31+$0x0], $0xffff  }
0x349: {  	v21 =	vsub.f32 v58, v60;
	v55 =	vld.idx.msk [tilespmem:v5+s31+$0x0], $0xffff  }
0x34a: {  	v60 =	vadd.s32 $0x2640, v22;
	v57 =	vld.idx.msk [tilespmem:v14+s31+$0x0], $0xffff  }
0x34b: {  	v58 =	vadd.s32 $0x2640, v20;
	[tilespmem:v63+s28+$0x0] =	vst.idx.add.f32.msk $0xffff, v21  }
0x34c: {  	v21 =	vld.idx.msk [tilespmem:v10+s31+$0x0], $0xffff  }
0x34d: {  	v63 =	vld.idx.msk [tilespmem:v6+s31+$0x0], $0xffff;
	v36 =	vsub.f32 v36, v37  }
0x34e: {  	v31 =	vsub.f32 v52, v53;
	v52 =	vld.idx.msk [tilespmem:v51+s31+$0x0], $0xffff  }
0x34f: {  	[tilespmem:v60+s28+$0x0] =	vst.idx.add.f32.msk $0xffff, v36  }
0x350: {  	v42 =	vadd.s32 $0x2640, v25;
	[tilespmem:v58+s28+$0x0] =	vst.idx.add.f32.msk $0xffff, v31  }
0x351: {  	v56 =	vadd.s32 $0x2640, v18;
	v36 =	vld.idx.msk [tilespmem:v9+s0+$0x0], $0xffff  }
0x352: {  	v37 =	vld.idx.msk [tilespmem:v16+s0+$0x0], $0xffff  }
0x353: {  	v55 =	vsub.f32 v55, v57;
	v31 =	vld.idx.msk [tilespmem:v11+s0+$0x0], $0xffff  }
0x354: {  	v62 =	vadd.s32 $0x2640, v19;
	v21 =	vsub.f32 v21, v50;
	v57 =	vld.idx.msk [tilespmem:v15+s0+$0x0], $0xffff  }
0x355: {  	[tilespmem:v42+s28+$0x0] =	vst.idx.add.f32.msk $0xffff, v55  }
0x356: {  	[tilespmem:v56+s28+$0x0] =	vst.idx.add.f32.msk $0xffff, v21  }
0x357: {  	v53 =	vadd.s32 $0x2640, v23;
	v21 =	vsub.f32 v38, v54;
	v60 =	vld.idx.msk [tilespmem:v5+s0+$0x0], $0xffff  }
0x358: {  	v56 =	vld.idx.msk [tilespmem:v10+s0+$0x0], $0xffff  }
0x359: {  	[tilespmem:v62+s28+$0x0] =	vst.idx.add.f32.msk $0xffff, v21  }
0x35a: {  	v54 =	vadd.s32 $0x2640, v24;
	v21 =	vsub.f32 v59, v61;
	v39 =	vld.idx.msk [tilespmem:v7+s0+$0x0], $0xffff  }
0x35b: {  	v40 =	vld.idx.msk [tilespmem:v13+s0+$0x0], $0xffff  }
0x35c: {  	v59 =	vadd.s32 $0x3680, v20;
	[tilespmem:v53+s28+$0x0] =	vst.idx.add.f32.msk $0xffff, v21  }
0x35d: {  	v61 =	vadd.s32 $0x3680, v22;
	v41 =	vand.u32 $0x3F80, v59;
	v21 =	vsub.f32 v63, v52;
	v63 =	vld.idx.msk [tilespmem:v14+s0+$0x0], $0xffff  }
0x35e: {  	v62 =	vadd.s32 $0x3680, v19;
	v43 =	vand.u32 $0x3F80, v61;
	v41 =	vor.u32 v32, v41;
	v53 =	vld.idx.msk [tilespmem:v8+s0+$0x0], $0xffff  }
0x35f: {  	v44 =	vand.u32 $0x3F80, v62;
	v43 =	vor.u32 v33, v43;
	[tilespmem:v54+s28+$0x0] =	vst.idx.add.f32.msk $0xffff, v21  }
0x360: {  	v44 =	vor.u32 v26, v44;
	v21 =	vld.idx.msk [tilespmem:v17+s0+$0x0], $0xffff  }
0x361: {  	v58 =	vadd.s32 $0x3680, v18;
	v31 =	vsub.f32 v31, v57;
	v54 =	vld.idx.msk [tilespmem:v12+s0+$0x0], $0xffff  }
0x362: {  	v38 =	vand.u32 $0x3F80, v58;
	v36 =	vsub.f32 v36, v37;
	v58 =	vld.idx.msk [tilespmem:v51+s0+$0x0], $0xffff  }
0x363: {  	v52 =	vadd.s32 $0x3680, v25;
	v59 =	vsub.f32 v39, v40;
	[tilespmem:v41+s28+$0x0] =	vst.idx.add.f32.msk $0xffff, v31  }
0x364: {  	v46 =	vand.u32 $0x3F80, v52;
	[tilespmem:v43+s28+$0x0] =	vst.idx.add.f32.msk $0xffff, v36  }
0x365: {  	v46 =	vor.u32 v0, v46;
	[tilespmem:v44+s28+$0x0] =	vst.idx.add.f32.msk $0xffff, v59  }
0x366: {  	v38 =	vor.u32 v34, v38;
	v60 =	vsub.f32 v60, v63;
	v63 =	vld.idx.msk [tilespmem:v15+s1+$0x0], $0xffff  }
0x367: {  	v36 =	vld.idx.msk [tilespmem:v9+s1+$0x0], $0xffff  }
0x368: {  	v55 =	vadd.s32 $0x3680, v23;
	v37 =	vld.idx.msk [tilespmem:v16+s1+$0x0], $0xffff  }
0x369: {  	v57 =	vand.u32 $0x3F80, v55;
	v21 =	vsub.f32 v56, v21;
	v56 =	vld.idx.msk [tilespmem:v6+s0+$0x0], $0xffff  }
0x36a: {  	v35 =	vor.u32 v28, v57;
	[tilespmem:v46+s28+$0x0] =	vst.idx.add.f32.msk $0xffff, v60  }
0x36b: {  	[tilespmem:v38+s28+$0x0] =	vst.idx.add.f32.msk $0xffff, v21;
	v21 =	vadd.s32 $0x3680, v24  }
0x36c: {  	v52 =	vld.idx.msk [tilespmem:v13+s1+$0x0], $0xffff;
	v21 =	vand.u32 $0x3F80, v21  }
0x36d: {  	v30 =	vsub.f32 v53, v54;
	v53 =	vld.idx.msk [tilespmem:v5+s1+$0x0], $0xffff;
	v21 =	vor.u32 v29, v21  }
0x36e: {  	v55 =	vld.idx.msk [tilespmem:v14+s1+$0x0], $0xffff  }
0x36f: {  	[tilespmem:v35+s28+$0x0] =	vst.idx.add.f32.msk $0xffff, v30  }
0x370: {  	v38 =	vld.idx.msk [tilespmem:v7+s1+$0x0], $0xffff;
	v61 =	vsub.f32 v56, v58  }
0x371: {  	v62 =	vld.idx.msk [tilespmem:v10+s1+$0x0], $0xffff  }
0x372: {  	v60 =	vadd.s32 $0x46C0, v19;
	[tilespmem:v21+s28+$0x0] =	vst.idx.add.f32.msk $0xffff, v61  }
0x373: {  	v21 =	vld.idx.msk [tilespmem:v17+s1+$0x0], $0xffff  }
0x374: {  	v30 =	vld.idx.msk [tilespmem:v11+s1+$0x0], $0xffff  }
0x375: {  	v54 =	vadd.s32 $0x46C0, v18;
	v57 =	vld.idx.msk [tilespmem:v8+s1+$0x0], $0xffff;
	v49 =	vsub.f32 v38, v52  }
0x376: {  	v59 =	vld.idx.msk [tilespmem:v12+s1+$0x0], $0xffff;
	v56 =	vadd.s32 $0x46C0, v20  }
0x377: {  	v58 =	vadd.s32 $0x46C0, v22;
	[tilespmem:v60+s28+$0x0] =	vst.idx.add.f32.msk $0xffff, v49  }
0x378: {  	v42 =	vadd.s32 $0x46C0, v23;
	v61 =	vld.idx.msk [tilespmem:v6+s1+$0x0], $0xffff;
	v21 =	vsub.f32 v62, v21  }
0x379: {  	v30 =	vsub.f32 v30, v63;
	v63 =	vld.idx.msk [tilespmem:v51+s1+$0x0], $0xffff;
	v62 =	vadd.s32 $0x46C0, v25  }
0x37a: {  	[tilespmem:v54+s28+$0x0] =	vst.idx.add.f32.msk $0xffff, v21;
	v21 =	vsub.f32 v36, v37  }
0x37b: {  	v50 =	vadd.s32 $0x46C0, v24;
	v52 =	vsub.f32 v57, v59;
	[tilespmem:v56+s28+$0x0] =	vst.idx.add.f32.msk $0xffff, v30  }
0x37c: {  	[tilespmem:v58+s28+$0x0] =	vst.idx.add.f32.msk $0xffff, v21;
	v21 =	vsub.f32 v53, v55  }
0x37d: {  	[tilespmem:v42+s28+$0x0] =	vst.idx.add.f32.msk $0xffff, v52  }
0x37e: {  	[tilespmem:v62+s28+$0x0] =	vst.idx.add.f32.msk $0xffff, v21;
	v21 =	vsub.f32 v61, v63  }
0x37f: {  	v7 =	vld.idx.msk [tilespmem:v7+s3+$0x0], $0xffff  }
0x380: {  	[tilespmem:v50+s28+$0x0] =	vst.idx.add.f32.msk $0xffff, v21  }
0x381: {  	v21 =	vld.idx.msk [tilespmem:v1+s3+$0x0], $0xffff  }
0x382: {  	v8 =	vld.idx.msk [tilespmem:v8+s3+$0x0], $0xffff  }
0x383: {  	v60 =	vld.idx.msk [tilespmem:v17+s3+$0x0], $0xffff;
	v1 =	vadd.s32 $0x5700, v3  }
0x384: {  	v53 =	vld.idx.msk [tilespmem:v10+s3+$0x0], $0xffff;
	v1 =	vand.u32 $0x5F80, v1  }
0x385: {  	v61 =	vld.idx.msk [tilespmem:v15+s3+$0x0], $0xffff;
	v15 =	vor.u32 v4, v1;
	v4 =	vadd.s32 $0x5700, v18  }
0x386: {  	v62 =	vld.idx.msk [tilespmem:v9+s3+$0x0], $0xffff;
	v4 =	vand.u32 $0x5F80, v4;
	v56 =	vsub.f32 v21, v2;
	v2 =	vadd.s32 $0x5700, v20  }
0x387: {  	v63 =	vld.idx.msk [tilespmem:v16+s3+$0x0], $0xffff;
	v21 =	vor.u32 v34, v4;
	v4 =	vadd.s32 $0x5700, v22;
	v2 =	vand.u32 $0x5F80, v2  }
0x388: {  	v3 =	vld.idx.msk [tilespmem:v11+s3+$0x0], $0xffff;
	v4 =	vand.u32 $0x5F80, v4;
	v22 =	vor.u32 v32, v2;
	v2 =	vadd.s32 $0x5700, v19  }
0x389: {  	v12 =	vld.idx.msk [tilespmem:v12+s3+$0x0], $0xffff;
	v20 =	vor.u32 v33, v4;
	v4 =	vadd.s32 $0x5700, v25;
	v2 =	vand.u32 $0x5F80, v2  }
0x38a: {  	v10 =	vld.idx.msk [tilespmem:v5+s3+$0x0], $0xffff;
	v4 =	vand.u32 $0x5F80, v4;
	v18 =	vor.u32 v26, v2;
	v2 =	vadd.s32 $0x5700, v23  }
0x38b: {  	v9 =	vld.idx.msk [tilespmem:v14+s3+$0x0], $0xffff;
	v17 =	vor.u32 v0, v4;
	v4 =	vadd.s32 $0x5700, v24;
	v2 =	vand.u32 $0x5F80, v2  }
0x38c: {  	v11 =	vld.idx.msk [tilespmem:v13+s3+$0x0], $0xffff;
	v5 =	vsub.f32 v53, v60;
	v19 =	vor.u32 v28, v2;
	v2 =	vand.u32 $0x5F80, v4  }
0x38d: {  	s11 =	simm.s32 $0xD940;
	s10 =	simm.s32 $0x8;
	v6 =	vld.idx.msk [tilespmem:v6+s3+$0x0], $0xffff;
	v4 =	vsub.f32 v3, v61;
	v3 =	vsub.f32 v62, v63;
	v16 =	vor.u32 v29, v2  }
.LBB2_6:
0x38e: {  	v35 =	vld [tilespmem:s11+$0x30]  }
0x38f: {  	v29 =	vld [tilespmem:s11+$0xFFFFFFD0]  }
0x390: {  	v30 =	vld [tilespmem:s11+$0xFFFFFFF0]  }
0x391: {  	v31 =	vld [tilespmem:s11+$0x0]  }
0x392: {  	v0 =	vld.idx.msk [tilespmem:v51+s3+$0x0], $0xffff  }
0x393: {  	v32 =	vld [tilespmem:s11+$0x10]  }
0x394: {  	v34 =	vld [tilespmem:s11+$0xFFFFFFC0];
	v2 =	vsub.f32 v7, v11  }
0x395: {  	[tilespmem:$0x1FF00] =	vst v6;
	v6 =	vsub.f32 v10, v9;
	v7 =	vsub.f32 v8, v12  }
0x396: {  	v8 =	vshrl.u32 v35, $0xB;
	v9 =	vshrl.u32 v35, $0x12;
	v11 =	vshrl.u32 v29, $0xB  }
0x397: {  	v28 =	vld [tilespmem:s11+$0xFFFFFFE0];
	v36 =	vshrl.u32 v30, $0xB;
	[tilespmem:$0x1FF10] =	vst v0;
	v0 =	vshrl.u32 v30, $0x12;
	v37 =	vshrl.u32 v31, $0xB  }
0x398: {  	[tilespmem:v21+s28+$0x0] =	vst.idx.add.f32.msk $0xffff, v5;
	v12 =	vshrl.u32 v31, $0x12;
	v21 =	vshrl.u32 v32, $0xB;
	v13 =	vshrl.u32 v32, $0x12  }
0x399: {  	v33 =	vld [tilespmem:s11+$0x20];
	v38 =	vshrl.u32 v34, $0xB;
	v26 =	vshrl.u32 v34, $0x12;
	v10 =	vand.u32 $0x7F, v8  }
0x39a: {  	[tilespmem:v22+s28+$0x0] =	vst.idx.add.f32.msk $0xffff, v4;
	v9 =	vand.u32 $0x3F80, v9;
	v24 =	vand.u32 $0x3FFF, v8;
	v8 =	vshrl.u32 v29, $0x12  }
0x39b: {  	[tilespmem:v20+s28+$0x0] =	vst.idx.add.f32.msk $0xffff, v3;
	v5 =	vand.u32 $0x7F, v11;
	v41 =	vand.u32 $0x7F, v38;
	v42 =	vand.u32 $0x3F80, v26  }
0x39c: {  	v3 =	vand.u32 $0x7F, v36;
	v0 =	vand.u32 $0x3F80, v0;
	[tilespmem:v18+s28+$0x0] =	vst.idx.add.f32.msk $0xffff, v2;
	v25 =	vor.u32 v10, v9  }
0x39d: {  	v1 =	vmovc v16;
	v2 =	vand.u32 $0x7F, v37;
	[tilespmem:v17+s28+$0x0] =	vst.idx.add.f32.msk $0xffff, v6;
	v6 =	vand.u32 $0x7F, v21;
	v13 =	vand.u32 $0x3F80, v13  }
0x39e: {  	[tilespmem:$0x1FF70] =	vst v1;
	v12 =	vand.u32 $0x3F80, v12;
	v10 =	vshrl.u32 v28, $0x12;
	v1 =	vor.u32 v6, v13  }
0x39f: {  	[tilespmem:v19+s28+$0x0] =	vst.idx.add.f32.msk $0xffff, v7;
	v4 =	vand.u32 $0x3F80, v8;
	v43 =	vand.u32 $0x3F80, v10;
	v10 =	vor.u32 v41, v42  }
0x3a0: {  	v9 =	vshrl.u32 v28, $0xB;
	v7 =	vor.u32 v5, v4;
	v5 =	vor.u32 v3, v0;
	v14 =	vld.idx.msk [tilespmem:v24+s9+$0x0], $0xffff  }
0x3a1: {  	v8 =	vshrl.u32 v33, $0x12;
	v39 =	vand.u32 $0x7F, v9;
	v4 =	vor.u32 v2, v12;
	v40 =	vld.idx.msk [tilespmem:v25+s9+$0x0], $0xffff  }
0x3a2: {  	[tilespmem:v15+s28+$0x0] =	vst.idx.add.f32.msk $0xffff, v56;
	v26 =	vand.u32 $0x7FF, v35;
	v19 =	vand.u32 $0x3F80, v8;
	v8 =	vor.u32 v39, v43  }
0x3a3: {  	v18 =	vadd.s32 $0x5C0, v26;
	v2 =	vld.idx.msk [tilespmem:v1+s9+$0x0], $0xffff  }
0x3a4: {  	v22 =	vshrl.u32 v33, $0xB;
	v12 =	vand.u32 $0x3FFF, v9;
	v9 =	vand.u32 $0x3FFF, v37;
	v37 =	vld.idx.msk [tilespmem:v10+s9+$0x0], $0xffff  }
0x3a5: {  	v17 =	vand.u32 $0x7F, v22;
	v47 =	vld.idx.msk [tilespmem:v5+s9+$0x0], $0xffff  }
0x3a6: {  	v15 =	vand.u32 $0x7FF, v34;
	v23 =	vor.u32 v17, v19;
	v63 =	vld.idx.msk [tilespmem:v4+s9+$0x0], $0xffff;
	v0 =	vsub.f32 v40, v14  }
0x3a7: {  	v16 =	vand.u32 $0x7FF, v29;
	v57 =	vand.u32 $0x7F, v32;
	v27 =	vand.u32 $0x3FFF, v22;
	v43 =	vld.idx.msk [tilespmem:v8+s9+$0x0], $0xffff  }
0x3a8: {  	v35 =	vand.u32 $0x7F, v35;
	v44 =	vadd.s32 $0x5C0, v15;
	v45 =	vadd.s32 $0x5C0, v16;
	[tilespmem:v18+s28+$0x0] =	vst.idx.add.f32.msk $0xffff, v0  }
0x3a9: {  	v60 =	vadd.s32 $0x1600, v15;
	v61 =	vadd.s32 $0x1600, v16;
	v13 =	vand.u32 $0x3FFF, v11;
	v58 =	vld.idx.msk [tilespmem:v25+s30+$0x0], $0xffff  }
0x3aa: {  	v11 =	vand.u32 $0x3FFF, v36;
	v20 =	vadd.s32 $0x1600, v26;
	v14 =	vand.u32 $0x3FFF, v38;
	v22 =	vld.idx.msk [tilespmem:v24+s30+$0x0], $0xffff  }
0x3ab: {  	v6 =	vand.u32 $0x3FFF, v21;
	v21 =	vand.u32 $0x7FF, v33;
	v59 =	vand.u32 $0x1F80, v20;
	v42 =	vld.idx.msk [tilespmem:v23+s9+$0x0], $0xffff  }
0x3ac: {  	v36 =	vand.u32 $0x1F80, v61;
	v39 =	vor.u32 v35, v59;
	[tilespmem:$0x1FF30] =	vst v23;
	v23 =	vld.idx.msk [tilespmem:v27+s9+$0x0], $0xffff;
	v18 =	vand.u32 $0x7FF, v28  }
0x3ad: {  	v61 =	vand.u32 $0x7F, v31;
	v54 =	vadd.s32 $0x1600, v21;
	v38 =	vld.idx.msk [tilespmem:v7+s9+$0x0], $0xffff;
	v62 =	vadd.s32 $0x1600, v18  }
0x3ae: {  	v40 =	vand.u32 $0x1F80, v62;
	v62 =	vand.u32 $0x7F, v34;
	v34 =	vand.u32 $0x1F80, v54;
	v54 =	vld.idx.msk [tilespmem:v13+s9+$0x0], $0xffff  }
0x3af: {  	v20 =	vand.u32 $0x7FF, v32;
	v32 =	vadd.s32 $0x2640, v26;
	v56 =	vld.idx.msk [tilespmem:v14+s9+$0x0], $0xffff;
	v22 =	vsub.f32 v58, v22  }
0x3b0: {  	v17 =	vand.u32 $0x7FF, v30;
	v19 =	vand.u32 $0x7FF, v31;
	v58 =	vand.u32 $0x7F, v33;
	v33 =	vld.idx.msk [tilespmem:v11+s9+$0x0], $0xffff  }
0x3b1: {  	v53 =	vadd.s32 $0x1600, v20;
	v59 =	vand.u32 $0x7F, v28;
	v48 =	vadd.s32 $0x5C0, v17;
	[tilespmem:v39+s28+$0x0] =	vst.idx.add.f32.msk $0xffff, v22  }
0x3b2: {  	v50 =	vadd.s32 $0x1600, v17;
	v52 =	vadd.s32 $0x1600, v19;
	v53 =	vand.u32 $0x1F80, v53;
	v41 =	vld.idx.msk [tilespmem:v25+s31+$0x0], $0xffff  }
0x3b3: {  	v50 =	vand.u32 $0x1F80, v50;
	v51 =	vand.u32 $0x1F80, v52;
	v0 =	vadd.s32 $0x5C0, v21;
	v55 =	vld.idx.msk [tilespmem:v24+s31+$0x0], $0xffff  }
0x3b4: {  	[tilespmem:$0x1FF20] =	vst v1;
	v28 =	vld.idx.msk [tilespmem:v12+s9+$0x0], $0xffff;
	v46 =	vadd.s32 $0x5C0, v18;
	v38 =	vsub.f32 v38, v54;
	v39 =	vand.u32 $0x1F80, v60  }
0x3b5: {  	[tilespmem:$0x1FEF0] =	vst v0;
	v22 =	vand.u32 $0x7F, v29;
	v60 =	vand.u32 $0x7F, v30;
	v31 =	vor.u32 v62, v39;
	v39 =	vld.idx.msk [tilespmem:v9+s9+$0x0], $0xffff  }
0x3b6: {  	v29 =	vor.u32 v59, v40;
	v40 =	vld.idx.msk [tilespmem:v6+s9+$0x0], $0xffff;
	v37 =	vsub.f32 v37, v56;
	v52 =	vor.u32 v60, v50  }
0x3b7: {  	v49 =	vadd.s32 $0x5C0, v19;
	v50 =	vor.u32 v57, v53;
	[tilespmem:v45+s28+$0x0] =	vst.idx.add.f32.msk $0xffff, v38;
	v33 =	vsub.f32 v47, v33  }
0x3b8: {  	v53 =	vor.u32 v58, v34;
	[tilespmem:v44+s28+$0x0] =	vst.idx.add.f32.msk $0xffff, v37;
	v34 =	vsub.f32 v41, v55  }
0x3b9: {  	[tilespmem:v48+s28+$0x0] =	vst.idx.add.f32.msk $0xffff, v33;
	v55 =	vsub.f32 v43, v28  }
0x3ba: {  	v39 =	vsub.f32 v63, v39;
	[tilespmem:v32+s28+$0x0] =	vst.idx.add.f32.msk $0xffff, v34  }
0x3bb: {  	v37 =	vadd.s32 $0x3680, v18;
	[tilespmem:v46+s28+$0x0] =	vst.idx.add.f32.msk $0xffff, v55  }
0x3bc: {  	v0 =	vadd.s32 $0x2640, v15;
	v37 =	vand.u32 $0x3F80, v37;
	[tilespmem:v49+s28+$0x0] =	vst.idx.add.f32.msk $0xffff, v39  }
0x3bd: {  	v3 =	vadd.s32 $0x5C0, v20;
	[tilespmem:$0x1FF40] =	vst v0;
	v0 =	vadd.s32 $0x2640, v19;
	v49 =	vor.u32 v59, v37;
	v37 =	vld.idx.msk [tilespmem:v10+s30+$0x0], $0xffff  }
0x3be: {  	v1 =	vadd.s32 $0x3680, v16;
	[tilespmem:$0x1FF50] =	vst v0;
	v0 =	vadd.s32 $0x3680, v15;
	v39 =	vld.idx.msk [tilespmem:v14+s30+$0x0], $0xffff  }
0x3bf: {  	v1 =	vand.u32 $0x3F80, v1;
	v0 =	vand.u32 $0x3F80, v0;
	v34 =	vld.idx.msk [tilespmem:v25+s0+$0x0], $0xffff  }
0x3c0: {  	v56 =	vadd.s32 $0x3680, v26;
	v2 =	vsub.f32 v2, v40;
	v46 =	vadd.s32 $0x3680, v19;
	v47 =	vld.idx.msk [tilespmem:v24+s0+$0x0], $0xffff  }
0x3c1: {  	v45 =	vand.u32 $0x3F80, v56;
	v32 =	vand.u32 $0x3F80, v46;
	v46 =	vor.u32 v62, v0;
	v0 =	vld [tilespmem:$0x1FEF0]  }
0x3c2: {  	v56 =	vadd.s32 $0x3680, v21;
	v44 =	vor.u32 v22, v1;
	v63 =	vadd.s32 $0x3680, v17;
	[tilespmem:v3+s28+$0x0] =	vst.idx.add.f32.msk $0xffff, v2  }
0x3c3: {  	v40 =	vor.u32 v35, v45;
	v38 =	vand.u32 $0x3F80, v63;
	v63 =	vld.idx.msk [tilespmem:v7+s30+$0x0], $0xffff;
	v55 =	vadd.s32 $0x3680, v20  }
0x3c4: {  	v1 =	vand.u32 $0x3F80, v56;
	v2 =	vand.u32 $0x3F80, v55;
	v55 =	vld [tilespmem:$0x1FF10];
	v37 =	vsub.f32 v37, v39  }
0x3c5: {  	v3 =	vsub.f32 v34, v47;
	v47 =	vor.u32 v60, v38;
	v38 =	vor.u32 v58, v1;
	v1 =	vld.idx.msk [tilespmem:v13+s30+$0x0], $0xffff  }
0x3c6: {  	[tilespmem:v31+s28+$0x0] =	vst.idx.add.f32.msk $0xffff, v37  }
0x3c7: {  	v23 =	vsub.f32 v42, v23;
	v31 =	vld [tilespmem:$0x1FF40]  }
0x3c8: {  	[tilespmem:v40+s28+$0x0] =	vst.idx.add.f32.msk $0xffff, v3  }
0x3c9: {  	v30 =	vor.u32 v22, v36;
	v41 =	vadd.s32 $0x2640, v16;
	[tilespmem:v0+s28+$0x0] =	vst.idx.add.f32.msk $0xffff, v23  }
0x3ca: {  	v28 =	vadd.s32 $0x2640, v21;
	v34 =	vadd.s32 $0x46C0, v16;
	v16 =	vadd.s32 $0x5700, v16;
	v3 =	vld.idx.msk [tilespmem:v25+s1+$0x0], $0xffff  }
0x3cb: {  	v40 =	vadd.s32 $0x5700, v15;
	v0 =	vadd.s32 $0x46C0, v15;
	v23 =	vld.idx.msk [tilespmem:v24+s1+$0x0], $0xffff;
	v15 =	vadd.s32 $0x5700, v21  }
0x3cc: {  	v16 =	vand.u32 $0x5F80, v16;
	[tilespmem:$0x1FF60] =	vst v0;
	v0 =	vadd.s32 $0x46C0, v21;
	v21 =	vld [tilespmem:$0x1FF00];
	v15 =	vand.u32 $0x5F80, v15  }
0x3cd: {  	v22 =	vor.u32 v22, v16;
	v1 =	vsub.f32 v63, v1;
	v16 =	vor.u32 v58, v15;
	v15 =	vld.idx.msk [tilespmem:v11+s30+$0x0], $0xffff  }
0x3ce: {  	[tilespmem:$0x1FF80] =	vst v0;
	v0 =	vadd.s32 $0x46C0, v26;
	v58 =	vld [tilespmem:$0x1FF20]  }
0x3cf: {  	v42 =	vadd.s32 $0x46C0, v20;
	[tilespmem:v30+s28+$0x0] =	vst.idx.add.f32.msk $0xffff, v1  }
0x3d0: {  	v54 =	vadd.s32 $0x2640, v17;
	v36 =	vadd.s32 $0x2640, v18;
	v3 =	vsub.f32 v3, v23;
	v23 =	vld.idx.msk [tilespmem:v5+s30+$0x0], $0xffff  }
0x3d1: {  	v43 =	vadd.s32 $0x2640, v20;
	v56 =	vsub.f32 v21, v55;
	v21 =	vand.u32 $0x5F80, v40;
	v40 =	vld.idx.msk [tilespmem:v8+s30+$0x0], $0xffff  }
0x3d2: {  	v48 =	vor.u32 v61, v32;
	v32 =	vadd.s32 $0x46C0, v18;
	v18 =	vadd.s32 $0x5700, v18;
	v55 =	vld.idx.msk [tilespmem:v12+s30+$0x0], $0xffff  }
0x3d3: {  	v20 =	vadd.s32 $0x5700, v20;
	v18 =	vand.u32 $0x5F80, v18;
	v21 =	vor.u32 v62, v21;
	[tilespmem:v0+s28+$0x0] =	vst.idx.add.f32.msk $0xffff, v3  }
0x3d4: {  	v62 =	vand.u32 $0x5F80, v20;
	v20 =	vor.u32 v59, v18;
	v59 =	vadd.s32 $0x5700, v26;
	v26 =	vld.idx.msk [tilespmem:v4+s30+$0x0], $0xffff  }
0x3d5: {  	v45 =	vor.u32 v57, v2;
	v2 =	vadd.s32 $0x46C0, v17;
	v17 =	vadd.s32 $0x5700, v17;
	v0 =	vld.idx.msk [tilespmem:v25+s3+$0x0], $0xffff  }
0x3d6: {  	v33 =	vadd.s32 $0x46C0, v19;
	v19 =	vadd.s32 $0x5700, v19;
	v17 =	vand.u32 $0x5F80, v17;
	v3 =	vld.idx.msk [tilespmem:v24+s3+$0x0], $0xffff  }
0x3d7: {  	v19 =	vand.u32 $0x5F80, v19;
	v18 =	vor.u32 v60, v17;
	v60 =	vld.idx.msk [tilespmem:v9+s30+$0x0], $0xffff  }
0x3d8: {  	v17 =	vor.u32 v61, v19;
	v19 =	vor.u32 v57, v62;
	v24 =	vand.u32 $0x5F80, v59;
	v62 =	vld.idx.msk [tilespmem:v6+s30+$0x0], $0xffff  }
0x3d9: {  	v57 =	vld [tilespmem:$0x1FF30];
	v24 =	vor.u32 v35, v24  }
0x3da: {  	v51 =	vor.u32 v61, v51;
	v61 =	vld.idx.msk [tilespmem:v58+s30+$0x0], $0xffff;
	v25 =	vsub.f32 v40, v55  }
0x3db: {  	v0 =	vsub.f32 v0, v3;
	v3 =	vsub.f32 v23, v15;
	v15 =	vld.idx.msk [tilespmem:v27+s30+$0x0], $0xffff  }
0x3dc: {  	[tilespmem:v29+s28+$0x0] =	vst.idx.add.f32.msk $0xffff, v25  }
0x3dd: {  	v23 =	vld.idx.msk [tilespmem:v8+s31+$0x0], $0xffff  }
0x3de: {  	[tilespmem:v24+s28+$0x0] =	vst.idx.add.f32.msk $0xffff, v0  }
0x3df: {  	[tilespmem:v52+s28+$0x0] =	vst.idx.add.f32.msk $0xffff, v3  }
0x3e0: {  	v3 =	vld.idx.msk [tilespmem:v7+s31+$0x0], $0xffff  }
0x3e1: {  	v0 =	vsub.f32 v26, v60;
	v63 =	vld.idx.msk [tilespmem:v57+s30+$0x0], $0xffff  }
0x3e2: {  	v1 =	vsub.f32 v61, v62;
	v55 =	vld.idx.msk [tilespmem:v5+s31+$0x0], $0xffff  }
0x3e3: {  	[tilespmem:v51+s28+$0x0] =	vst.idx.add.f32.msk $0xffff, v0  }
0x3e4: {  	[tilespmem:v50+s28+$0x0] =	vst.idx.add.f32.msk $0xffff, v1  }
0x3e5: {  	v1 =	vld.idx.msk [tilespmem:v14+s31+$0x0], $0xffff  }
0x3e6: {  	v59 =	vld.idx.msk [tilespmem:v4+s31+$0x0], $0xffff  }
0x3e7: {  	v60 =	vld.idx.msk [tilespmem:v58+s31+$0x0], $0xffff;
	v0 =	vsub.f32 v63, v15  }
0x3e8: {  	v15 =	vld.idx.msk [tilespmem:v13+s31+$0x0], $0xffff  }
0x3e9: {  	[tilespmem:v53+s28+$0x0] =	vst.idx.add.f32.msk $0xffff, v0  }
0x3ea: {  	v0 =	vld.idx.msk [tilespmem:v10+s31+$0x0], $0xffff  }
0x3eb: {  	v61 =	vld.idx.msk [tilespmem:v6+s31+$0x0], $0xffff  }
0x3ec: {  	v53 =	vld.idx.msk [tilespmem:v12+s31+$0x0], $0xffff  }
0x3ed: {  	v62 =	vld.idx.msk [tilespmem:v57+s31+$0x0], $0xffff  }
0x3ee: {  	v3 =	vsub.f32 v3, v15;
	v15 =	vld.idx.msk [tilespmem:v9+s31+$0x0], $0xffff  }
0x3ef: {  	v0 =	vsub.f32 v0, v1;
	v1 =	vld.idx.msk [tilespmem:v11+s31+$0x0], $0xffff  }
0x3f0: {  	[tilespmem:v41+s28+$0x0] =	vst.idx.add.f32.msk $0xffff, v3  }
0x3f1: {  	v3 =	vld [tilespmem:$0x1FF50]  }
0x3f2: {  	v63 =	vld.idx.msk [tilespmem:v27+s31+$0x0], $0xffff;
	v23 =	vsub.f32 v23, v53  }
0x3f3: {  	[tilespmem:v31+s28+$0x0] =	vst.idx.add.f32.msk $0xffff, v0  }
0x3f4: {  	[tilespmem:v36+s28+$0x0] =	vst.idx.add.f32.msk $0xffff, v23  }
0x3f5: {  	v0 =	vsub.f32 v59, v15;
	v15 =	vld.idx.msk [tilespmem:v13+s0+$0x0], $0xffff  }
0x3f6: {  	v23 =	vld.idx.msk [tilespmem:v8+s0+$0x0], $0xffff;
	v1 =	vsub.f32 v55, v1  }
0x3f7: {  	v37 =	vld.idx.msk [tilespmem:v12+s0+$0x0], $0xffff  }
0x3f8: {  	[tilespmem:v54+s28+$0x0] =	vst.idx.add.f32.msk $0xffff, v1  }
0x3f9: {  	[tilespmem:v3+s28+$0x0] =	vst.idx.add.f32.msk $0xffff, v0  }
0x3fa: {  	v3 =	vld.idx.msk [tilespmem:v7+s0+$0x0], $0xffff  }
0x3fb: {  	v1 =	vsub.f32 v60, v61;
	v39 =	vld.idx.msk [tilespmem:v5+s0+$0x0], $0xffff  }
0x3fc: {  	v0 =	vsub.f32 v62, v63;
	v63 =	vld [tilespmem:$0x1FF60]  }
0x3fd: {  	[tilespmem:v43+s28+$0x0] =	vst.idx.add.f32.msk $0xffff, v1  }
0x3fe: {  	v1 =	vld.idx.msk [tilespmem:v10+s0+$0x0], $0xffff  }
0x3ff: {  	v40 =	vld.idx.msk [tilespmem:v4+s0+$0x0], $0xffff  }
0x400: {  	[tilespmem:v28+s28+$0x0] =	vst.idx.add.f32.msk $0xffff, v0  }
0x401: {  	v0 =	vld.idx.msk [tilespmem:v14+s0+$0x0], $0xffff  }
0x402: {  	v23 =	vsub.f32 v23, v37;
	v41 =	vld.idx.msk [tilespmem:v58+s0+$0x0], $0xffff  }
0x403: {  	v43 =	vld.idx.msk [tilespmem:v6+s0+$0x0], $0xffff  }
0x404: {  	[tilespmem:v49+s28+$0x0] =	vst.idx.add.f32.msk $0xffff, v23  }
0x405: {  	v50 =	vld.idx.msk [tilespmem:v57+s0+$0x0], $0xffff  }
0x406: {  	v52 =	vld.idx.msk [tilespmem:v27+s0+$0x0], $0xffff  }
0x407: {  	v23 =	vld.idx.msk [tilespmem:v8+s1+$0x0], $0xffff  }
0x408: {  	v53 =	vld.idx.msk [tilespmem:v12+s1+$0x0], $0xffff  }
0x409: {  	v3 =	vsub.f32 v3, v15;
	v15 =	vld.idx.msk [tilespmem:v9+s0+$0x0], $0xffff  }
0x40a: {  	v0 =	vsub.f32 v1, v0;
	v1 =	vld.idx.msk [tilespmem:v11+s0+$0x0], $0xffff  }
0x40b: {  	[tilespmem:v44+s28+$0x0] =	vst.idx.add.f32.msk $0xffff, v3  }
0x40c: {  	v3 =	vld.idx.msk [tilespmem:v7+s1+$0x0], $0xffff  }
0x40d: {  	v23 =	vsub.f32 v23, v53;
	[tilespmem:v46+s28+$0x0] =	vst.idx.add.f32.msk $0xffff, v0  }
0x40e: {  	v0 =	vsub.f32 v40, v15;
	v15 =	vld.idx.msk [tilespmem:v13+s1+$0x0], $0xffff  }
0x40f: {  	[tilespmem:v32+s28+$0x0] =	vst.idx.add.f32.msk $0xffff, v23  }
0x410: {  	v12 =	vld.idx.msk [tilespmem:v12+s3+$0x0], $0xffff;
	v1 =	vsub.f32 v39, v1  }
0x411: {  	[tilespmem:v48+s28+$0x0] =	vst.idx.add.f32.msk $0xffff, v0;
	v0 =	vsub.f32 v50, v52  }
0x412: {  	[tilespmem:v47+s28+$0x0] =	vst.idx.add.f32.msk $0xffff, v1  }
0x413: {  	v1 =	vsub.f32 v41, v43;
	[tilespmem:v38+s28+$0x0] =	vst.idx.add.f32.msk $0xffff, v0  }
0x414: {  	v0 =	vld.idx.msk [tilespmem:v14+s1+$0x0], $0xffff  }
0x415: {  	[tilespmem:v45+s28+$0x0] =	vst.idx.add.f32.msk $0xffff, v1  }
0x416: {  	v1 =	vld.idx.msk [tilespmem:v10+s1+$0x0], $0xffff  }
0x417: {  	v55 =	vld.idx.msk [tilespmem:v4+s1+$0x0], $0xffff  }
0x418: {  	v54 =	vld.idx.msk [tilespmem:v5+s1+$0x0], $0xffff  }
0x419: {  	v3 =	vsub.f32 v3, v15;
	v15 =	vld.idx.msk [tilespmem:v9+s1+$0x0], $0xffff  }
0x41a: {  	v61 =	vld.idx.msk [tilespmem:v57+s1+$0x0], $0xffff  }
0x41b: {  	v0 =	vsub.f32 v1, v0;
	v1 =	vld.idx.msk [tilespmem:v11+s1+$0x0], $0xffff  }
0x41c: {  	v62 =	vld.idx.msk [tilespmem:v27+s1+$0x0], $0xffff  }
0x41d: {  	v59 =	vld.idx.msk [tilespmem:v58+s1+$0x0], $0xffff  }
0x41e: {  	v60 =	vld.idx.msk [tilespmem:v6+s1+$0x0], $0xffff  }
0x41f: {  	[tilespmem:v34+s28+$0x0] =	vst.idx.add.f32.msk $0xffff, v3  }
0x420: {  	v3 =	vld.idx.msk [tilespmem:v13+s3+$0x0], $0xffff;
	v1 =	vsub.f32 v54, v1  }
0x421: {  	v13 =	vld.idx.msk [tilespmem:v8+s3+$0x0], $0xffff  }
0x422: {  	[tilespmem:v2+s28+$0x0] =	vst.idx.add.f32.msk $0xffff, v1  }
0x423: {  	v2 =	vld [tilespmem:$0x1FF80]  }
0x424: {  	[tilespmem:v63+s28+$0x0] =	vst.idx.add.f32.msk $0xffff, v0;
	v0 =	vsub.f32 v55, v15  }
0x425: {  	v15 =	vld [tilespmem:$0x1FF70]  }
0x426: {  	[tilespmem:v33+s28+$0x0] =	vst.idx.add.f32.msk $0xffff, v0  }
0x427: {  	v9 =	vld.idx.msk [tilespmem:v9+s3+$0x0], $0xffff;
	v1 =	vsub.f32 v59, v60  }
0x428: {  	v11 =	vld.idx.msk [tilespmem:v11+s3+$0x0], $0xffff  }
0x429: {  	v0 =	vsub.f32 v61, v62;
	[tilespmem:v42+s28+$0x0] =	vst.idx.add.f32.msk $0xffff, v1  }
0x42a: {  	v1 =	vld.idx.msk [tilespmem:v10+s3+$0x0], $0xffff  }
0x42b: {  	[tilespmem:v2+s28+$0x0] =	vst.idx.add.f32.msk $0xffff, v0  }
0x42c: {  	s10 =	sadd.s32 $0x8, s10;
	v2 =	vld.idx.msk [tilespmem:v7+s3+$0x0], $0xffff  }
0x42d: {  	p0 =	slt.u32 s10, $0x5A8;
	v0 =	vld.idx.msk [tilespmem:v14+s3+$0x0], $0xffff  }
.Ltmp2:
0x42e: {  	v10 =	vld.idx.msk [tilespmem:v4+s3+$0x0], $0xffff;
	(pc) =	sbr.rel @p0 .LBB2_6-.Ltmp2, $4  }
0x42f: {  	v8 =	vld.idx.msk [tilespmem:v58+s3+$0x0], $0xffff  }
0x430: {  	v7 =	vld.idx.msk [tilespmem:v5+s3+$0x0], $0xffff  }
0x431: {  	v4 =	vsub.f32 v2, v3;
	v3 =	vsub.f32 v13, v12;
	v12 =	vld.idx.msk [tilespmem:v6+s3+$0x0], $0xffff  }
0x432: {  	s11 =	sadd.s32 $0x80, s11;
	v51 =	vmov v27;
	v5 =	vsub.f32 v1, v0;
	v6 =	vld.idx.msk [tilespmem:v57+s3+$0x0], $0xffff  }
0x433: {  	_ =	sdelay $0x3  }
0x434: {  	v0 =	vld.idx.msk [tilespmem:v51+s3+$0x0], $0xffff  }
0x435: {  	[tilespmem:v22+s28+$0x0] =	vst.idx.add.f32.msk $0xffff, v4  }
0x436: {  	[tilespmem:v20+s28+$0x0] =	vst.idx.add.f32.msk $0xffff, v3  }
0x437: {  	v2 =	vsub.f32 v10, v9;
	[tilespmem:v15+s28+$0x0] =	vst.idx.add.f32.msk $0xffff, v56  }
0x438: {  	[tilespmem:v21+s28+$0x0] =	vst.idx.add.f32.msk $0xffff, v5;
	v1 =	vsub.f32 v7, v11  }
0x439: {  	[tilespmem:v17+s28+$0x0] =	vst.idx.add.f32.msk $0xffff, v2;
	v63 =	vsub.f32 v8, v12  }
0x43a: {  	[tilespmem:v18+s28+$0x0] =	vst.idx.add.f32.msk $0xffff, v1;
	v0 =	vsub.f32 v6, v0  }
0x43b: {  	[tilespmem:v19+s28+$0x0] =	vst.idx.add.f32.msk $0xffff, v63  }
0x43c: {  	[tilespmem:v16+s28+$0x0] =	vst.idx.add.f32.msk $0xffff, v0  }
.LBB2_8:
0x43d: {  	s10 =	sshra.s32 s9, $0x2  }
0x43e: {  	v0 =	vld [tilespmem:s10+$0x13300];
	_ =	sdelay $0x4  }
0x43f: {  	v1 =	vshrl.u32 v0, $0xB;
	v2 =	vshrl.u32 v0, $0x12  }
0x440: {  	v3 =	vand.u32 $0x7F, v1;
	v2 =	vand.u32 $0x3F80, v2;
	v1 =	vand.u32 $0x3FFF, v1  }
0x441: {  	v2 =	vor.u32 v3, v2;
	_ =	sdelay $0x3  }
0x442: {  	v4 =	vld.idx.msk [tilespmem:v1+s2+$0x0], $0xffff  }
0x443: {  	v3 =	vld.idx.msk [tilespmem:v2+s2+$0x0], $0xffff  }
0x444: {  	v5 =	vand.u32 $0x7FF, v0  }
0x445: {  	v6 =	vadd.s32 $0x5C0, v5;
	_ =	sdelay $0x2  }
0x446: {  	v3 =	vsub.f32 v3, v4;
	_ =	sdelay $0x1  }
0x447: {  	[tilespmem:v6+s28+$0x0] =	vst.idx.add.f32.msk $0xffff, v3  }
0x448: {  	v3 =	vld.idx.msk [tilespmem:v2+s30+$0x0], $0xffff  }
0x449: {  	v56 =	vadd.s32 $0x1600, v5;
	v55 =	vld.idx.msk [tilespmem:v1+s30+$0x0], $0xffff  }
0x44a: {  	v0 =	vand.u32 $0x7F, v0;
	v6 =	vand.u32 $0x1F80, v56  }
0x44b: {  	v6 =	vor.u32 v0, v6;
	_ =	sdelay $0x2  }
0x44c: {  	v3 =	vsub.f32 v3, v55;
	_ =	sdelay $0x1  }
0x44d: {  	[tilespmem:v6+s28+$0x0] =	vst.idx.add.f32.msk $0xffff, v3  }
0x44e: {  	v3 =	vld.idx.msk [tilespmem:v2+s31+$0x0], $0xffff  }
0x44f: {  	v57 =	vld.idx.msk [tilespmem:v1+s31+$0x0], $0xffff;
	_ =	sdelay $0x1  }
0x450: {  	v58 =	vadd.s32 $0x2640, v5;
	_ =	sdelay $0x2  }
0x451: {  	v3 =	vsub.f32 v3, v57;
	_ =	sdelay $0x1  }
0x452: {  	[tilespmem:v58+s28+$0x0] =	vst.idx.add.f32.msk $0xffff, v3  }
0x453: {  	v3 =	vld.idx.msk [tilespmem:v2+s0+$0x0], $0xffff  }
0x454: {  	v60 =	vadd.s32 $0x3680, v5;
	v59 =	vld.idx.msk [tilespmem:v1+s0+$0x0], $0xffff  }
0x455: {  	v6 =	vand.u32 $0x3F80, v60  }
0x456: {  	v6 =	vor.u32 v0, v6;
	_ =	sdelay $0x2  }
0x457: {  	v3 =	vsub.f32 v3, v59;
	_ =	sdelay $0x1  }
0x458: {  	[tilespmem:v6+s28+$0x0] =	vst.idx.add.f32.msk $0xffff, v3  }
0x459: {  	v3 =	vld.idx.msk [tilespmem:v2+s1+$0x0], $0xffff  }
0x45a: {  	v61 =	vld.idx.msk [tilespmem:v1+s1+$0x0], $0xffff;
	_ =	sdelay $0x1  }
0x45b: {  	v62 =	vadd.s32 $0x46C0, v5;
	_ =	sdelay $0x2  }
0x45c: {  	v3 =	vsub.f32 v3, v61;
	_ =	sdelay $0x1  }
0x45d: {  	[tilespmem:v62+s28+$0x0] =	vst.idx.add.f32.msk $0xffff, v3  }
0x45e: {  	v2 =	vld.idx.msk [tilespmem:v2+s3+$0x0], $0xffff  }
0x45f: {  	v63 =	vadd.s32 $0x5700, v5;
	v1 =	vld.idx.msk [tilespmem:v1+s3+$0x0], $0xffff  }
0x460: {  	v3 =	vand.u32 $0x5F80, v63  }
0x461: {  	p0 =	sne.s32 s9, $0xC0;
	v0 =	vor.u32 v0, v3  }
.Ltmp3:
0x462: {  	_ = 	snop;
	(pc) =	sbr.rel @p0 .LBB2_8-.Ltmp3, $3  }
0x463: {  	_ = 	snop  }
0x464: {  	v1 =	vsub.f32 v2, v1;
	_ =	sdelay $0x1  }
0x465: {  	s9 =	sadd.s32 $0x40, s9;
	[tilespmem:v0+s28+$0x0] =	vst.idx.add.f32.msk $0xffff, v1  }
0x466: {  	[tilespmem:s2], [sflag:$0x1] =	stream.linear.gather [hbm4b:s16+s2], $0x2400, $0x38;
	[tilespmem:$0x1AA00] =	vst v63  }
0x467: {  	_ = 	snop  }
0x468: {  	[tilespmem:s30], [sflag:$0x1] =	stream.linear.gather [hbm4b:s17+s2], $0x2400, $0x38;
	[tilespmem:$0x1AA00] =	vst v63  }
0x469: {  	_ = 	snop  }
0x46a: {  	[tilespmem:s31], [sflag:$0x1] =	stream.linear.gather [hbm4b:s18+s2], $0x2400, $0x38;
	[tilespmem:$0x1AA00] =	vst v63  }
0x46b: {  	_ = 	snop  }
0x46c: {  	[tilespmem:s0], [sflag:$0x1] =	stream.linear.gather [hbm4b:s19+s2], $0x2400, $0x38;
	[tilespmem:$0x1AA00] =	vst v63  }
0x46d: {  	_ = 	snop  }
0x46e: {  	[tilespmem:s1], [sflag:$0x1] =	stream.linear.gather [hbm4b:s20+s2], $0x2400, $0x38;
	[tilespmem:$0x1AA00] =	vst v63  }
0x46f: {  	_ = 	snop  }
0x470: {  	[tilespmem:s3], [sflag:$0x1] =	stream.linear.gather [hbm4b:s21+s2], $0x2400, $0x38;
	[tilespmem:$0x1AA00] =	vst v63  }
0x471: {  	_ = 	snop  }
0x472: {  	[tilespmem:s6], [sflag:$0x1] =	stream.strided.gather [hbm4b:s24+s4], $0x6F80, s5, s4, $0x38;
	[tilespmem:$0x1AA00] =	vst v63  }
0x473: {  	_ =	swait.ge [sflag:s29], $0x2400  }
0x474: {  	[sflag:s29] =	ssyncset.done $0x0  }
0x475: {  	[sflag:s29] =	ssyncadd.s32 $0xFFFFDC00  }
0x476: {  	_ =	swait.ge [sflag:s29], $0x2400  }
0x477: {  	[sflag:s29] =	ssyncset.done $0x0  }
0x478: {  	[sflag:s29] =	ssyncadd.s32 $0xFFFFDC00  }
0x479: {  	_ =	swait.ge [sflag:s29], $0x2400  }
0x47a: {  	[sflag:s29] =	ssyncset.done $0x0  }
0x47b: {  	[sflag:s29] =	ssyncadd.s32 $0xFFFFDC00  }
0x47c: {  	_ =	swait.ge [sflag:s29], $0x2400  }
0x47d: {  	[sflag:s29] =	ssyncset.done $0x0  }
0x47e: {  	[sflag:s29] =	ssyncadd.s32 $0xFFFFDC00  }
0x47f: {  	_ =	swait.ge [sflag:s29], $0x2400  }
0x480: {  	[sflag:s29] =	ssyncset.done $0x0  }
0x481: {  	[sflag:s29] =	ssyncadd.s32 $0xFFFFDC00  }
0x482: {  	_ =	swait.ge [sflag:s29], $0x2400  }
0x483: {  	[sflag:s29] =	ssyncset.done $0x0  }
0x484: {  	[sflag:s29] =	ssyncadd.s32 $0xFFFFDC00  }
0x485: {  	_ =	swait.ge [sflag:s29], $0x6F80  }
0x486: {  	[sflag:s29] =	ssyncset.done $0x0  }
0x487: {  	s10 =	simm.s32 $0xD840;
	[sflag:s29] =	ssyncadd.s32 $0xFFFF9080  }
0x488: {  	v0 =	vld [tilespmem:s10+$0x30];
	_ =	sdelay $0x4  }
0x489: {  	v21 =	vld [tilespmem:s10+$0xFFFFFFD0];
	v1 =	vshrl.u32 v0, $0xB;
	v2 =	vshrl.u32 v0, $0x12  }
0x48a: {  	v22 =	vld [tilespmem:s10+$0xFFFFFFC0];
	v3 =	vand.u32 $0x7F, v1;
	v2 =	vand.u32 $0x3F80, v2;
	v28 =	vand.u32 $0x3FFF, v1  }
0x48b: {  	v23 =	vld [tilespmem:s10+$0xFFFFFFE0];
	v29 =	vor.u32 v3, v2  }
0x48c: {  	v24 =	vld [tilespmem:s10+$0xFFFFFFF0]  }
0x48d: {  	v25 =	vld [tilespmem:s10+$0x0]  }
0x48e: {  	s9 =	simm.s32 $0x0;
	v31 =	vld [tilespmem:s10+$0x10]  }
0x48f: {  	v30 =	vand.u32 $0x7FF, v0;
	v14 =	vshrl.u32 v22, $0xB;
	v5 =	vld.idx.msk [tilespmem:v28+s9+$0x0], $0xffff  }
0x490: {  	v4 =	vshrl.u32 v23, $0xB;
	v8 =	vadd.s32 $0xB00, v30;
	v20 =	vand.u32 $0x3FFF, v14;
	v7 =	vld.idx.msk [tilespmem:v29+s9+$0x0], $0xffff  }
0x491: {  	v32 =	vand.u32 $0x7F, v0;
	v18 =	vand.u32 $0x3FFF, v4;
	v8 =	vand.u32 $0x1F80, v8  }
0x492: {  	v9 =	vshrl.u32 v24, $0xB;
	v6 =	vshrl.u32 v24, $0x12;
	v8 =	vor.u32 v32, v8  }
0x493: {  	v11 =	vshrl.u32 v25, $0x12;
	v13 =	vshrl.u32 v31, $0xB;
	v0 =	vshrl.u32 v22, $0x12  }
0x494: {  	v33 =	vld [tilespmem:s10+$0x20];
	v15 =	vshrl.u32 v31, $0x12;
	v1 =	vshrl.u32 v21, $0x12;
	v16 =	vand.u32 $0x7F, v14  }
0x495: {  	v0 =	vand.u32 $0x3F80, v0;
	v17 =	vand.u32 $0x3FFF, v9;
	v43 =	vld.idx.msk [tilespmem:v20+s9+$0x0], $0xffff;
	v7 =	vsub.f32 v7, v5  }
0x496: {  	v6 =	vand.u32 $0x3F80, v6;
	v2 =	vshrl.u32 v21, $0xB;
	v0 =	vor.u32 v16, v0;
	v50 =	vld.idx.msk [tilespmem:v18+s9+$0x0], $0xffff  }
0x497: {  	v1 =	vand.u32 $0x3F80, v1;
	v12 =	vand.u32 $0x7F, v2;
	v19 =	vand.u32 $0x3FFF, v2;
	[tilespmem:v8+s28+$0x0] =	vst.idx.add.f32.msk $0xffff, v7  }
0x498: {  	v1 =	vor.u32 v12, v1;
	v12 =	vand.u32 $0x7F, v9;
	v7 =	vand.u32 $0x3F80, v11;
	v11 =	vld.idx.msk [tilespmem:v29+s30+$0x0], $0xffff  }
0x499: {  	v26 =	vshrl.u32 v33, $0xB;
	v6 =	vor.u32 v12, v6;
	v12 =	vand.u32 $0x3F80, v15;
	v15 =	vld.idx.msk [tilespmem:v28+s30+$0x0], $0xffff  }
0x49a: {  	v52 =	vld.idx.msk [tilespmem:v17+s9+$0x0], $0xffff;
	v5 =	vand.u32 $0x7F, v4;
	v4 =	vand.u32 $0x3FFF, v26;
	v8 =	vand.u32 $0x7F, v13  }
0x49b: {  	v34 =	vld.idx.msk [tilespmem:v0+s9+$0x0], $0xffff;
	v8 =	vor.u32 v8, v12;
	v12 =	vadd.s32 $0x1B40, v30  }
0x49c: {  	v3 =	vshrl.u32 v23, $0x12;
	v47 =	vld.idx.msk [tilespmem:v19+s9+$0x0], $0xffff  }
0x49d: {  	v10 =	vshrl.u32 v25, $0xB;
	v3 =	vand.u32 $0x3F80, v3;
	v35 =	vld.idx.msk [tilespmem:v1+s9+$0x0], $0xffff  }
0x49e: {  	v37 =	vld.idx.msk [tilespmem:v6+s9+$0x0], $0xffff;
	v5 =	vor.u32 v5, v3;
	v3 =	vand.u32 $0x7F, v10;
	v11 =	vsub.f32 v11, v15  }
0x49f: {  	v7 =	vor.u32 v3, v7;
	v3 =	vshrl.u32 v33, $0x12;
	v54 =	vld.idx.msk [tilespmem:v4+s9+$0x0], $0xffff  }
0x4a0: {  	v16 =	vand.u32 $0x7F, v26;
	v3 =	vand.u32 $0x3F80, v3;
	[tilespmem:v12+s28+$0x0] =	vst.idx.add.f32.msk $0xffff, v11  }
0x4a1: {  	v3 =	vor.u32 v16, v3;
	v26 =	vld.idx.msk [tilespmem:v29+s31+$0x0], $0xffff  }
0x4a2: {  	v2 =	vadd.s32 $0x2B80, v30;
	v16 =	vand.u32 $0x3FFF, v10;
	v11 =	vand.u32 $0x7FF, v23;
	v27 =	vld.idx.msk [tilespmem:v28+s31+$0x0], $0xffff  }
0x4a3: {  	v41 =	vand.u32 $0x3F80, v2;
	v36 =	vld.idx.msk [tilespmem:v5+s9+$0x0], $0xffff;
	v15 =	vand.u32 $0x3FFF, v13;
	v45 =	vadd.s32 $0xB00, v11  }
0x4a4: {  	v41 =	vor.u32 v32, v41;
	v38 =	vld.idx.msk [tilespmem:v7+s9+$0x0], $0xffff;
	v23 =	vand.u32 $0x7F, v23;
	v45 =	vand.u32 $0x1F80, v45  }
0x4a5: {  	v39 =	vld.idx.msk [tilespmem:v8+s9+$0x0], $0xffff;
	v45 =	vor.u32 v23, v45  }
0x4a6: {  	v40 =	vld.idx.msk [tilespmem:v3+s9+$0x0], $0xffff  }
0x4a7: {  	v53 =	vld.idx.msk [tilespmem:v16+s9+$0x0], $0xffff;
	v27 =	vsub.f32 v26, v27  }
0x4a8: {  	v10 =	vand.u32 $0x7FF, v22;
	v36 =	vsub.f32 v36, v50;
	v60 =	vld.idx.msk [tilespmem:v15+s9+$0x0], $0xffff  }
0x4a9: {  	v9 =	vand.u32 $0x7FF, v21;
	v42 =	vadd.s32 $0xB00, v10;
	[tilespmem:v41+s28+$0x0] =	vst.idx.add.f32.msk $0xffff, v27  }
0x4aa: {  	s11 =	simm.s32 $0xD8C0;
	v44 =	vadd.s32 $0xB00, v9;
	v42 =	vand.u32 $0x1F80, v42;
	v26 =	vand.u32 $0x7F, v22;
	[tilespmem:v45+s28+$0x0] =	vst.idx.add.f32.msk $0xffff, v36  }
0x4ab: {  	v44 =	vand.u32 $0x1F80, v44;
	v22 =	vand.u32 $0x7F, v21;
	v42 =	vor.u32 v26, v42;
	v36 =	vld [tilespmem:s11+$0x10]  }
0x4ac: {  	v14 =	vand.u32 $0x7FF, v31;
	v44 =	vor.u32 v22, v44;
	v61 =	vld.idx.msk [tilespmem:v29+s0+$0x0], $0xffff  }
0x4ad: {  	v49 =	vadd.s32 $0xB00, v14;
	v34 =	vsub.f32 v34, v43;
	v12 =	vand.u32 $0x7FF, v24;
	v63 =	vld.idx.msk [tilespmem:v28+s0+$0x0], $0xffff  }
0x4ae: {  	v35 =	vsub.f32 v35, v47;
	v13 =	vand.u32 $0x7FF, v25;
	v46 =	vadd.s32 $0xB00, v12;
	v56 =	vld.idx.msk [tilespmem:v5+s30+$0x0], $0xffff  }
0x4af: {  	v48 =	vadd.s32 $0xB00, v13;
	v46 =	vand.u32 $0x1F80, v46;
	v27 =	vand.u32 $0x7F, v24;
	v57 =	vld.idx.msk [tilespmem:v18+s30+$0x0], $0xffff  }
0x4b0: {  	v48 =	vand.u32 $0x1F80, v48;
	v24 =	vand.u32 $0x7F, v25;
	v46 =	vor.u32 v27, v46;
	[tilespmem:v42+s28+$0x0] =	vst.idx.add.f32.msk $0xffff, v34  }
0x4b1: {  	v59 =	vand.u32 $0x1F80, v49;
	v25 =	vand.u32 $0x7F, v31;
	v62 =	vor.u32 v24, v48;
	[tilespmem:v44+s28+$0x0] =	vst.idx.add.f32.msk $0xffff, v35  }
0x4b2: {  	v41 =	vor.u32 v25, v59;
	v34 =	vld.idx.msk [tilespmem:v0+s30+$0x0], $0xffff  }
0x4b3: {  	v37 =	vsub.f32 v37, v52;
	v50 =	vsub.f32 v40, v54;
	v54 =	vld.idx.msk [tilespmem:v20+s30+$0x0], $0xffff  }
0x4b4: {  	v44 =	vsub.f32 v38, v53;
	v55 =	vld.idx.msk [tilespmem:v19+s30+$0x0], $0xffff  }
0x4b5: {  	v49 =	vsub.f32 v39, v60;
	[tilespmem:v46+s28+$0x0] =	vst.idx.add.f32.msk $0xffff, v37  }
0x4b6: {  	[tilespmem:v62+s28+$0x0] =	vst.idx.add.f32.msk $0xffff, v44  }
0x4b7: {  	[tilespmem:v41+s28+$0x0] =	vst.idx.add.f32.msk $0xffff, v49  }
0x4b8: {  	v2 =	vand.u32 $0x7FF, v33;
	v37 =	vld.idx.msk [tilespmem:v1+s30+$0x0], $0xffff  }
0x4b9: {  	v51 =	vadd.s32 $0xB00, v2;
	v58 =	vld.idx.msk [tilespmem:v6+s30+$0x0], $0xffff  }
0x4ba: {  	v51 =	vand.u32 $0x1F80, v51;
	v21 =	vand.u32 $0x7F, v33;
	v48 =	vadd.s32 $0x3BC0, v30;
	v59 =	vld.idx.msk [tilespmem:v17+s30+$0x0], $0xffff  }
0x4bb: {  	v42 =	vor.u32 v21, v51;
	v60 =	vld.idx.msk [tilespmem:v7+s30+$0x0], $0xffff  }
0x4bc: {  	v51 =	vsub.f32 v61, v63;
	v61 =	vld.idx.msk [tilespmem:v16+s30+$0x0], $0xffff  }
0x4bd: {  	v63 =	vld.idx.msk [tilespmem:v8+s30+$0x0], $0xffff  }
0x4be: {  	v49 =	vld.idx.msk [tilespmem:v15+s30+$0x0], $0xffff  }
0x4bf: {  	[tilespmem:v48+s28+$0x0] =	vst.idx.add.f32.msk $0xffff, v51  }
0x4c0: {  	v62 =	vadd.s32 $0x1B40, v10;
	[tilespmem:v42+s28+$0x0] =	vst.idx.add.f32.msk $0xffff, v50  }
0x4c1: {  	v48 =	vadd.s32 $0x1B40, v9;
	v31 =	vld.idx.msk [tilespmem:v29+s1+$0x0], $0xffff  }
0x4c2: {  	v53 =	vadd.s32 $0x4C00, v30;
	v52 =	vld.idx.msk [tilespmem:v28+s1+$0x0], $0xffff;
	v50 =	vadd.s32 $0x1B40, v11  }
0x4c3: {  	v35 =	vand.u32 $0x5F80, v53;
	v51 =	vld.idx.msk [tilespmem:v3+s30+$0x0], $0xffff;
	v34 =	vsub.f32 v34, v54  }
0x4c4: {  	v32 =	vor.u32 v32, v35;
	v53 =	vld.idx.msk [tilespmem:v4+s30+$0x0], $0xffff;
	v35 =	vsub.f32 v37, v55  }
0x4c5: {  	v56 =	vsub.f32 v56, v57;
	[tilespmem:v62+s28+$0x0] =	vst.idx.add.f32.msk $0xffff, v34  }
0x4c6: {  	[tilespmem:v48+s28+$0x0] =	vst.idx.add.f32.msk $0xffff, v35  }
0x4c7: {  	v31 =	vsub.f32 v31, v52;
	[tilespmem:v50+s28+$0x0] =	vst.idx.add.f32.msk $0xffff, v56  }
0x4c8: {  	v62 =	vld.idx.msk [tilespmem:v19+s31+$0x0], $0xffff  }
0x4c9: {  	[tilespmem:v32+s28+$0x0] =	vst.idx.add.f32.msk $0xffff, v31  }
0x4ca: {  	v54 =	vadd.s32 $0x1B40, v13;
	v32 =	vsub.f32 v60, v61;
	v60 =	vld.idx.msk [tilespmem:v20+s31+$0x0], $0xffff  }
0x4cb: {  	v55 =	vadd.s32 $0x1B40, v14;
	v61 =	vld.idx.msk [tilespmem:v1+s31+$0x0], $0xffff  }
0x4cc: {  	v57 =	vadd.s32 $0x1B40, v2;
	v31 =	vsub.f32 v58, v59;
	v58 =	vsub.f32 v63, v49;
	v63 =	vld.idx.msk [tilespmem:v18+s31+$0x0], $0xffff  }
0x4cd: {  	v29 =	vld.idx.msk [tilespmem:v29+s3+$0x0], $0xffff  }
0x4ce: {  	v52 =	vadd.s32 $0x1B40, v12;
	v28 =	vld.idx.msk [tilespmem:v28+s3+$0x0], $0xffff  }
0x4cf: {  	v59 =	vsub.f32 v51, v53;
	[tilespmem:v54+s28+$0x0] =	vst.idx.add.f32.msk $0xffff, v32  }
0x4d0: {  	[tilespmem:v55+s28+$0x0] =	vst.idx.add.f32.msk $0xffff, v58  }
0x4d1: {  	[tilespmem:v57+s28+$0x0] =	vst.idx.add.f32.msk $0xffff, v59  }
0x4d2: {  	v32 =	vld.idx.msk [tilespmem:v5+s31+$0x0], $0xffff  }
0x4d3: {  	[tilespmem:v52+s28+$0x0] =	vst.idx.add.f32.msk $0xffff, v31  }
0x4d4: {  	v53 =	vld.idx.msk [tilespmem:v7+s31+$0x0], $0xffff  }
0x4d5: {  	v30 =	vadd.s32 $0x5C40, v30;
	v55 =	vld.idx.msk [tilespmem:v16+s31+$0x0], $0xffff  }
0x4d6: {  	v51 =	vadd.s32 $0x2B80, v9;
	v57 =	vld.idx.msk [tilespmem:v8+s31+$0x0], $0xffff  }
0x4d7: {  	v56 =	vadd.s32 $0x2B80, v13;
	v37 =	vand.u32 $0x3F80, v51;
	v52 =	vadd.s32 $0x2B80, v11;
	v59 =	vld.idx.msk [tilespmem:v15+s31+$0x0], $0xffff  }
0x4d8: {  	v37 =	vor.u32 v22, v37;
	v48 =	vld.idx.msk [tilespmem:v6+s31+$0x0], $0xffff;
	v38 =	vand.u32 $0x3F80, v52;
	v28 =	vsub.f32 v29, v28  }
0x4d9: {  	v42 =	vand.u32 $0x3F80, v56;
	v54 =	vadd.s32 $0x2B80, v12;
	v50 =	vld.idx.msk [tilespmem:v17+s31+$0x0], $0xffff;
	v38 =	vor.u32 v23, v38  }
0x4da: {  	v42 =	vor.u32 v24, v42;
	v58 =	vadd.s32 $0x2B80, v14;
	v40 =	vand.u32 $0x3F80, v54;
	[tilespmem:v30+s28+$0x0] =	vst.idx.add.f32.msk $0xffff, v28  }
0x4db: {  	v44 =	vand.u32 $0x3F80, v58;
	v40 =	vor.u32 v27, v40;
	v28 =	vld.idx.msk [tilespmem:v0+s31+$0x0], $0xffff;
	v30 =	vsub.f32 v61, v62  }
0x4dc: {  	v44 =	vor.u32 v25, v44;
	v32 =	vsub.f32 v32, v63;
	v61 =	vld.idx.msk [tilespmem:v4+s31+$0x0], $0xffff  }
0x4dd: {  	v47 =	vsub.f32 v53, v55;
	[tilespmem:v37+s28+$0x0] =	vst.idx.add.f32.msk $0xffff, v30  }
0x4de: {  	v46 =	vsub.f32 v48, v50;
	[tilespmem:v38+s28+$0x0] =	vst.idx.add.f32.msk $0xffff, v32  }
0x4df: {  	v48 =	vsub.f32 v57, v59;
	[tilespmem:v42+s28+$0x0] =	vst.idx.add.f32.msk $0xffff, v47  }
0x4e0: {  	[tilespmem:v40+s28+$0x0] =	vst.idx.add.f32.msk $0xffff, v46  }
0x4e1: {  	[tilespmem:v44+s28+$0x0] =	vst.idx.add.f32.msk $0xffff, v48  }
0x4e2: {  	v51 =	vld.idx.msk [tilespmem:v1+s0+$0x0], $0xffff  }
0x4e3: {  	v52 =	vld.idx.msk [tilespmem:v19+s0+$0x0], $0xffff  }
0x4e4: {  	v49 =	vadd.s32 $0x2B80, v10;
	v53 =	vld.idx.msk [tilespmem:v5+s0+$0x0], $0xffff  }
0x4e5: {  	v35 =	vand.u32 $0x3F80, v49;
	v54 =	vld.idx.msk [tilespmem:v18+s0+$0x0], $0xffff  }
0x4e6: {  	v35 =	vor.u32 v26, v35;
	v57 =	vld.idx.msk [tilespmem:v7+s0+$0x0], $0xffff  }
0x4e7: {  	v59 =	vld.idx.msk [tilespmem:v16+s0+$0x0], $0xffff  }
0x4e8: {  	v55 =	vld.idx.msk [tilespmem:v6+s0+$0x0], $0xffff  }
0x4e9: {  	v56 =	vld.idx.msk [tilespmem:v17+s0+$0x0], $0xffff;
	v28 =	vsub.f32 v28, v60  }
0x4ea: {  	v62 =	vadd.s32 $0x2B80, v2;
	v60 =	vld.idx.msk [tilespmem:v3+s31+$0x0], $0xffff  }
0x4eb: {  	v63 =	vand.u32 $0x3F80, v62;
	[tilespmem:v35+s28+$0x0] =	vst.idx.add.f32.msk $0xffff, v28  }
0x4ec: {  	v62 =	vadd.s32 $0x3BC0, v11;
	v28 =	vor.u32 v21, v63;
	v63 =	vld.idx.msk [tilespmem:v15+s0+$0x0], $0xffff  }
0x4ed: {  	v45 =	vadd.s32 $0x4C00, v10;
	v48 =	vadd.s32 $0x3BC0, v12;
	v49 =	vld.idx.msk [tilespmem:v0+s0+$0x0], $0xffff  }
0x4ee: {  	v35 =	vand.u32 $0x5F80, v45;
	v50 =	vld.idx.msk [tilespmem:v20+s0+$0x0], $0xffff  }
0x4ef: {  	v32 =	vsub.f32 v53, v54;
	v26 =	vor.u32 v26, v35;
	v35 =	vld [tilespmem:s11+$0x0]  }
0x4f0: {  	v53 =	vsub.f32 v55, v56;
	v29 =	vsub.f32 v60, v61;
	v61 =	vld.idx.msk [tilespmem:v8+s0+$0x0], $0xffff  }
0x4f1: {  	[tilespmem:v62+s28+$0x0] =	vst.idx.add.f32.msk $0xffff, v32  }
0x4f2: {  	[tilespmem:v48+s28+$0x0] =	vst.idx.add.f32.msk $0xffff, v53  }
0x4f3: {  	v32 =	vld.idx.msk [tilespmem:v5+s1+$0x0], $0xffff  }
0x4f4: {  	v58 =	vadd.s32 $0x3BC0, v10;
	v62 =	vld.idx.msk [tilespmem:v18+s1+$0x0], $0xffff  }
0x4f5: {  	v60 =	vadd.s32 $0x3BC0, v9;
	[tilespmem:v28+s28+$0x0] =	vst.idx.add.f32.msk $0xffff, v29  }
0x4f6: {  	v46 =	vld.idx.msk [tilespmem:v17+s1+$0x0], $0xffff  }
0x4f7: {  	v28 =	vsub.f32 v49, v50;
	v49 =	vld.idx.msk [tilespmem:v3+s0+$0x0], $0xffff  }
0x4f8: {  	v29 =	vsub.f32 v51, v52;
	v51 =	vld.idx.msk [tilespmem:v4+s0+$0x0], $0xffff  }
0x4f9: {  	[tilespmem:v58+s28+$0x0] =	vst.idx.add.f32.msk $0xffff, v28  }
0x4fa: {  	[tilespmem:v60+s28+$0x0] =	vst.idx.add.f32.msk $0xffff, v29  }
0x4fb: {  	v52 =	vadd.s32 $0x3BC0, v14;
	v56 =	vsub.f32 v61, v63;
	v63 =	vld.idx.msk [tilespmem:v6+s1+$0x0], $0xffff  }
0x4fc: {  	v50 =	vadd.s32 $0x3BC0, v13;
	v58 =	vld.idx.msk [tilespmem:v0+s1+$0x0], $0xffff  }
0x4fd: {  	v55 =	vsub.f32 v57, v59;
	v48 =	vadd.s32 $0x4C00, v11;
	v59 =	vld.idx.msk [tilespmem:v20+s1+$0x0], $0xffff  }
0x4fe: {  	v38 =	vand.u32 $0x5F80, v48;
	v60 =	vld.idx.msk [tilespmem:v1+s1+$0x0], $0xffff  }
0x4ff: {  	v23 =	vor.u32 v23, v38;
	v61 =	vld.idx.msk [tilespmem:v19+s1+$0x0], $0xffff  }
0x500: {  	[tilespmem:v52+s28+$0x0] =	vst.idx.add.f32.msk $0xffff, v56  }
0x501: {  	[tilespmem:v50+s28+$0x0] =	vst.idx.add.f32.msk $0xffff, v55  }
0x502: {  	v32 =	vsub.f32 v32, v62;
	v53 =	vld.idx.msk [tilespmem:v8+s1+$0x0], $0xffff  }
0x503: {  	v55 =	vld.idx.msk [tilespmem:v15+s1+$0x0], $0xffff  }
0x504: {  	v54 =	vadd.s32 $0x3BC0, v2;
	[tilespmem:v23+s28+$0x0] =	vst.idx.add.f32.msk $0xffff, v32  }
0x505: {  	v57 =	vsub.f32 v49, v51;
	v49 =	vld.idx.msk [tilespmem:v7+s1+$0x0], $0xffff  }
0x506: {  	v51 =	vld.idx.msk [tilespmem:v16+s1+$0x0], $0xffff  }
0x507: {  	v47 =	vadd.s32 $0x4C00, v9;
	v5 =	vld.idx.msk [tilespmem:v5+s3+$0x0], $0xffff  }
0x508: {  	v37 =	vand.u32 $0x5F80, v47;
	v18 =	vld.idx.msk [tilespmem:v18+s3+$0x0], $0xffff  }
0x509: {  	v22 =	vor.u32 v22, v37;
	[tilespmem:v54+s28+$0x0] =	vst.idx.add.f32.msk $0xffff, v57  }
0x50a: {  	v56 =	vld.idx.msk [tilespmem:v3+s1+$0x0], $0xffff  }
0x50b: {  	v54 =	vadd.s32 $0x4C00, v14;
	v28 =	vsub.f32 v58, v59;
	v58 =	vld.idx.msk [tilespmem:v4+s1+$0x0], $0xffff  }
0x50c: {  	v57 =	vand.u32 $0x5F80, v54;
	v29 =	vsub.f32 v60, v61;
	v54 =	vld [tilespmem:s11+$0xFFFFFFD0]  }
0x50d: {  	v50 =	vadd.s32 $0x4C00, v12;
	[tilespmem:v26+s28+$0x0] =	vst.idx.add.f32.msk $0xffff, v28  }
0x50e: {  	v52 =	vadd.s32 $0x4C00, v13;
	v40 =	vand.u32 $0x5F80, v50;
	[tilespmem:v22+s28+$0x0] =	vst.idx.add.f32.msk $0xffff, v29  }
0x50f: {  	v41 =	vand.u32 $0x5F80, v52;
	v27 =	vor.u32 v27, v40;
	v28 =	vld [tilespmem:s11+$0xFFFFFFF0]  }
0x510: {  	v24 =	vor.u32 v24, v41;
	v0 =	vld.idx.msk [tilespmem:v0+s3+$0x0], $0xffff  }
0x511: {  	v59 =	vadd.s32 $0x4C00, v2;
	v20 =	vld.idx.msk [tilespmem:v20+s3+$0x0], $0xffff  }
0x512: {  	v60 =	vsub.f32 v63, v46;
	v26 =	vand.u32 $0x5F80, v59;
	v1 =	vld.idx.msk [tilespmem:v1+s3+$0x0], $0xffff  }
0x513: {  	v21 =	vor.u32 v21, v26;
	v22 =	vsub.f32 v49, v51;
	v19 =	vld.idx.msk [tilespmem:v19+s3+$0x0], $0xffff  }
0x514: {  	[tilespmem:v27+s28+$0x0] =	vst.idx.add.f32.msk $0xffff, v60  }
0x515: {  	v11 =	vadd.s32 $0x5C40, v11;
	[tilespmem:v24+s28+$0x0] =	vst.idx.add.f32.msk $0xffff, v22  }
0x516: {  	v25 =	vor.u32 v25, v57;
	v22 =	vsub.f32 v56, v58;
	v6 =	vld.idx.msk [tilespmem:v6+s3+$0x0], $0xffff  }
0x517: {  	v17 =	vld.idx.msk [tilespmem:v17+s3+$0x0], $0xffff  }
0x518: {  	v5 =	vsub.f32 v5, v18;
	[tilespmem:v21+s28+$0x0] =	vst.idx.add.f32.msk $0xffff, v22  }
0x519: {  	v23 =	vsub.f32 v53, v55;
	v21 =	vld [tilespmem:s11+$0x30]  }
0x51a: {  	[tilespmem:v11+s28+$0x0] =	vst.idx.add.f32.msk $0xffff, v5  }
0x51b: {  	[tilespmem:v25+s28+$0x0] =	vst.idx.add.f32.msk $0xffff, v23  }
0x51c: {  	v7 =	vld.idx.msk [tilespmem:v7+s3+$0x0], $0xffff  }
0x51d: {  	v9 =	vadd.s32 $0x5C40, v9;
	v16 =	vld.idx.msk [tilespmem:v16+s3+$0x0], $0xffff  }
0x51e: {  	v25 =	vld [tilespmem:s11+$0xFFFFFFC0];
	v22 =	vshrl.u32 v21, $0xB;
	v23 =	vshrl.u32 v21, $0x12  }
0x51f: {  	v8 =	vld.idx.msk [tilespmem:v8+s3+$0x0], $0xffff;
	v24 =	vand.u32 $0x7F, v22;
	v23 =	vand.u32 $0x3F80, v23;
	v31 =	vand.u32 $0x3FFF, v22  }
0x520: {  	v15 =	vld.idx.msk [tilespmem:v15+s3+$0x0], $0xffff;
	v1 =	vsub.f32 v1, v19;
	v32 =	vor.u32 v24, v23  }
0x521: {  	v10 =	vadd.s32 $0x5C40, v10;
	v13 =	vadd.s32 $0x5C40, v13;
	v3 =	vld.idx.msk [tilespmem:v3+s3+$0x0], $0xffff  }
0x522: {  	v12 =	vadd.s32 $0x5C40, v12;
	v14 =	vadd.s32 $0x5C40, v14;
	v0 =	vsub.f32 v0, v20;
	[tilespmem:v9+s28+$0x0] =	vst.idx.add.f32.msk $0xffff, v1  }
0x523: {  	v6 =	vsub.f32 v6, v17;
	v17 =	vshrl.u32 v28, $0x12;
	v16 =	vsub.f32 v7, v16;
	v22 =	vld [tilespmem:s11+$0xFFFFFFE0]  }
0x524: {  	v1 =	vshrl.u32 v25, $0xB;
	v9 =	vshrl.u32 v25, $0x12;
	v33 =	vand.u32 $0x7FF, v21;
	v23 =	vld.idx.msk [tilespmem:v31+s9+$0x0], $0xffff  }
0x525: {  	v15 =	vsub.f32 v8, v15;
	v8 =	vshrl.u32 v54, $0x12;
	v20 =	vadd.s32 $0xB00, v33;
	v19 =	vld.idx.msk [tilespmem:v32+s9+$0x0], $0xffff  }
0x526: {  	v4 =	vld.idx.msk [tilespmem:v4+s3+$0x0], $0xffff;
	v5 =	vand.u32 $0x7F, v1;
	v34 =	vand.u32 $0x7F, v21;
	v18 =	vand.u32 $0x1F80, v20  }
0x527: {  	v9 =	vand.u32 $0x3F80, v9;
	[tilespmem:v12+s28+$0x0] =	vst.idx.add.f32.msk $0xffff, v6;
	v12 =	vshrl.u32 v35, $0xB;
	v7 =	vor.u32 v34, v18  }
0x528: {  	[tilespmem:v10+s28+$0x0] =	vst.idx.add.f32.msk $0xffff, v0;
	v21 =	vshrl.u32 v28, $0xB;
	v8 =	vand.u32 $0x3F80, v8;
	v18 =	vshrl.u32 v54, $0xB  }
0x529: {  	v5 =	vor.u32 v5, v9;
	v20 =	vld [tilespmem:s11+$0x20];
	v6 =	vand.u32 $0x7F, v18;
	v18 =	vand.u32 $0x3FFF, v18  }
0x52a: {  	[tilespmem:v13+s28+$0x0] =	vst.idx.add.f32.msk $0xffff, v16;
	v6 =	vor.u32 v6, v8;
	v10 =	vshrl.u32 v22, $0x12;
	v11 =	vsub.f32 v19, v23  }
0x52b: {  	[tilespmem:v14+s28+$0x0] =	vst.idx.add.f32.msk $0xffff, v15;
	v8 =	vand.u32 $0x7F, v21;
	v9 =	vand.u32 $0x3F80, v10;
	v10 =	vand.u32 $0x3F80, v17  }
0x52c: {  	v0 =	vshrl.u32 v22, $0xB;
	v8 =	vor.u32 v8, v10;
	v10 =	vshrl.u32 v35, $0x12;
	[tilespmem:v7+s28+$0x0] =	vst.idx.add.f32.msk $0xffff, v11  }
0x52d: {  	v15 =	vand.u32 $0x7F, v12;
	v10 =	vand.u32 $0x3F80, v10;
	v7 =	vand.u32 $0x7F, v0;
	v11 =	vld.idx.msk [tilespmem:v32+s30+$0x0], $0xffff  }
0x52e: {  	v10 =	vor.u32 v15, v10;
	v15 =	vshrl.u32 v20, $0x12;
	v7 =	vor.u32 v7, v9;
	v9 =	vld.idx.msk [tilespmem:v31+s30+$0x0], $0xffff  }
0x52f: {  	v29 =	vld.idx.msk [tilespmem:v5+s9+$0x0], $0xffff;
	v23 =	vand.u32 $0x3F80, v15;
	v15 =	vand.u32 $0x3FFF, v0  }
0x530: {  	v13 =	vadd.s32 $0x1B40, v33;
	v46 =	vld.idx.msk [tilespmem:v18+s9+$0x0], $0xffff  }
0x531: {  	v37 =	vld.idx.msk [tilespmem:v6+s9+$0x0], $0xffff  }
0x532: {  	v16 =	vshrl.u32 v36, $0xB;
	v14 =	vshrl.u32 v36, $0x12;
	v39 =	vld.idx.msk [tilespmem:v8+s9+$0x0], $0xffff  }
0x533: {  	v14 =	vand.u32 $0x3F80, v14;
	v17 =	vand.u32 $0x7F, v16;
	v40 =	vld.idx.msk [tilespmem:v10+s9+$0x0], $0xffff;
	v11 =	vsub.f32 v11, v9  }
0x534: {  	v19 =	vshrl.u32 v20, $0xB;
	v49 =	vld.idx.msk [tilespmem:v15+s9+$0x0], $0xffff;
	v9 =	vor.u32 v17, v14  }
0x535: {  	v14 =	vand.u32 $0x7F, v19;
	v17 =	vand.u32 $0x3FFF, v1;
	[tilespmem:v13+s28+$0x0] =	vst.idx.add.f32.msk $0xffff, v11  }
0x536: {  	v1 =	vadd.s32 $0x2B80, v33;
	v50 =	vor.u32 v14, v23;
	v26 =	vld.idx.msk [tilespmem:v32+s31+$0x0], $0xffff  }
0x537: {  	v14 =	vand.u32 $0x3FFF, v21;
	v21 =	vand.u32 $0x3F80, v1;
	v1 =	vand.u32 $0x3FFF, v19;
	v61 =	vld.idx.msk [tilespmem:v31+s31+$0x0], $0xffff  }
0x538: {  	v38 =	vld.idx.msk [tilespmem:v7+s9+$0x0], $0xffff;
	v11 =	vand.u32 $0x3FFF, v16;
	v13 =	vand.u32 $0x7FF, v25  }
0x539: {  	v23 =	vand.u32 $0x7FF, v28;
	v62 =	vor.u32 v34, v21;
	v21 =	vadd.s32 $0xB00, v13;
	v41 =	vld.idx.msk [tilespmem:v9+s9+$0x0], $0xffff  }
0x53a: {  	v12 =	vand.u32 $0x3FFF, v12;
	v0 =	vadd.s32 $0xB00, v23;
	v57 =	vand.u32 $0x1F80, v21;
	v63 =	vld.idx.msk [tilespmem:v17+s9+$0x0], $0xffff  }
0x53b: {  	v21 =	vand.u32 $0x7F, v25;
	v25 =	vand.u32 $0x1F80, v0;
	v0 =	vand.u32 $0x7F, v28;
	v45 =	vld.idx.msk [tilespmem:v50+s9+$0x0], $0xffff  }
0x53c: {  	v44 =	vor.u32 v21, v57;
	v57 =	vor.u32 v0, v25;
	v25 =	vld.idx.msk [tilespmem:v1+s9+$0x0], $0xffff;
	v30 =	vsub.f32 v26, v61  }
0x53d: {  	v55 =	vand.u32 $0x7FF, v36;
	v24 =	vand.u32 $0x7FF, v35;
	v56 =	vld.idx.msk [tilespmem:v11+s9+$0x0], $0xffff  }
0x53e: {  	v60 =	vadd.s32 $0xB00, v24;
	v19 =	vand.u32 $0x7FF, v22;
	v16 =	vand.u32 $0x7FF, v54;
	[tilespmem:v62+s28+$0x0] =	vst.idx.add.f32.msk $0xffff, v30  }
0x53f: {  	v51 =	vand.u32 $0x1F80, v60;
	v59 =	vadd.s32 $0xB00, v19;
	v58 =	vadd.s32 $0xB00, v16;
	v62 =	vld.idx.msk [tilespmem:v14+s9+$0x0], $0xffff  }
0x540: {  	v48 =	vand.u32 $0x1F80, v59;
	v47 =	vand.u32 $0x1F80, v58;
	v30 =	vand.u32 $0x7F, v54;
	v54 =	vld.idx.msk [tilespmem:v12+s9+$0x0], $0xffff  }
0x541: {  	v43 =	vsub.f32 v29, v63;
	v29 =	vand.u32 $0x7F, v22;
	v47 =	vor.u32 v30, v47;
	v59 =	vld.idx.msk [tilespmem:v32+s0+$0x0], $0xffff  }
0x542: {  	v37 =	vsub.f32 v37, v46;
	v28 =	vand.u32 $0x7F, v35;
	v52 =	vor.u32 v29, v48;
	v60 =	vld.idx.msk [tilespmem:v31+s0+$0x0], $0xffff  }
0x543: {  	v27 =	vadd.s32 $0xB00, v55;
	v58 =	vor.u32 v28, v51;
	v38 =	vsub.f32 v38, v49;
	[tilespmem:v44+s28+$0x0] =	vst.idx.add.f32.msk $0xffff, v43  }
0x544: {  	v26 =	vand.u32 $0x7FF, v20;
	v63 =	vand.u32 $0x1F80, v27;
	v22 =	vand.u32 $0x7F, v36;
	v49 =	vld.idx.msk [tilespmem:v5+s30+$0x0], $0xffff  }
0x545: {  	v61 =	vadd.s32 $0xB00, v26;
	v43 =	vor.u32 v22, v63;
	v51 =	vld.idx.msk [tilespmem:v17+s30+$0x0], $0xffff  }
0x546: {  	v42 =	vand.u32 $0x1F80, v61;
	v61 =	vsub.f32 v39, v62;
	[tilespmem:v47+s28+$0x0] =	vst.idx.add.f32.msk $0xffff, v37  }
0x547: {  	v63 =	vsub.f32 v40, v54;
	[tilespmem:v52+s28+$0x0] =	vst.idx.add.f32.msk $0xffff, v38  }
0x548: {  	v41 =	vsub.f32 v41, v56;
	[tilespmem:v57+s28+$0x0] =	vst.idx.add.f32.msk $0xffff, v61  }
0x549: {  	[tilespmem:v58+s28+$0x0] =	vst.idx.add.f32.msk $0xffff, v63  }
0x54a: {  	v44 =	vadd.s32 $0x3BC0, v33;
	[tilespmem:v43+s28+$0x0] =	vst.idx.add.f32.msk $0xffff, v41  }
0x54b: {  	v52 =	vld.idx.msk [tilespmem:v6+s30+$0x0], $0xffff  }
0x54c: {  	v53 =	vld.idx.msk [tilespmem:v18+s30+$0x0], $0xffff  }
0x54d: {  	v46 =	vsub.f32 v59, v60;
	v41 =	vld.idx.msk [tilespmem:v7+s30+$0x0], $0xffff  }
0x54e: {  	v54 =	vld.idx.msk [tilespmem:v15+s30+$0x0], $0xffff  }
0x54f: {  	[tilespmem:v44+s28+$0x0] =	vst.idx.add.f32.msk $0xffff, v46  }
0x550: {  	v20 =	vand.u32 $0x7F, v20;
	v56 =	vld.idx.msk [tilespmem:v10+s30+$0x0], $0xffff  }
0x551: {  	v62 =	vor.u32 v20, v42;
	v57 =	vld.idx.msk [tilespmem:v12+s30+$0x0], $0xffff  }
0x552: {  	v59 =	vld.idx.msk [tilespmem:v9+s30+$0x0], $0xffff  }
0x553: {  	v61 =	vld.idx.msk [tilespmem:v11+s30+$0x0], $0xffff  }
0x554: {  	v45 =	vsub.f32 v45, v25;
	v58 =	vadd.s32 $0x1B40, v13;
	v47 =	vld.idx.msk [tilespmem:v32+s1+$0x0], $0xffff  }
0x555: {  	v36 =	vld.idx.msk [tilespmem:v31+s1+$0x0], $0xffff  }
0x556: {  	v48 =	vadd.s32 $0x4C00, v33;
	v60 =	vadd.s32 $0x1B40, v16;
	[tilespmem:v62+s28+$0x0] =	vst.idx.add.f32.msk $0xffff, v45  }
0x557: {  	v37 =	vand.u32 $0x5F80, v48;
	v48 =	vsub.f32 v49, v51;
	v49 =	vld.idx.msk [tilespmem:v50+s30+$0x0], $0xffff  }
0x558: {  	v34 =	vor.u32 v34, v37;
	v51 =	vadd.s32 $0x1B40, v24;
	v37 =	vsub.f32 v52, v53;
	v52 =	vld.idx.msk [tilespmem:v1+s30+$0x0], $0xffff  }
0x559: {  	[tilespmem:v58+s28+$0x0] =	vst.idx.add.f32.msk $0xffff, v48  }
0x55a: {  	v56 =	vsub.f32 v56, v57;
	v57 =	vsub.f32 v59, v61;
	v59 =	vld.idx.msk [tilespmem:v5+s31+$0x0], $0xffff  }
0x55b: {  	[tilespmem:v60+s28+$0x0] =	vst.idx.add.f32.msk $0xffff, v37  }
0x55c: {  	v60 =	vld.idx.msk [tilespmem:v17+s31+$0x0], $0xffff  }
0x55d: {  	v62 =	vadd.s32 $0x1B40, v19;
	v35 =	vsub.f32 v47, v36;
	[tilespmem:v51+s28+$0x0] =	vst.idx.add.f32.msk $0xffff, v56  }
0x55e: {  	v61 =	vld.idx.msk [tilespmem:v18+s31+$0x0], $0xffff  }
0x55f: {  	[tilespmem:v34+s28+$0x0] =	vst.idx.add.f32.msk $0xffff, v35  }
0x560: {  	v36 =	vsub.f32 v41, v54;
	v34 =	vld.idx.msk [tilespmem:v8+s30+$0x0], $0xffff  }
0x561: {  	v53 =	vadd.s32 $0x1B40, v55;
	v35 =	vld.idx.msk [tilespmem:v14+s30+$0x0], $0xffff  }
0x562: {  	[tilespmem:v62+s28+$0x0] =	vst.idx.add.f32.msk $0xffff, v36  }
0x563: {  	v51 =	vld.idx.msk [tilespmem:v10+s31+$0x0], $0xffff  }
0x564: {  	v32 =	vld.idx.msk [tilespmem:v32+s3+$0x0], $0xffff  }
0x565: {  	v54 =	vadd.s32 $0x1B40, v26;
	v31 =	vld.idx.msk [tilespmem:v31+s3+$0x0], $0xffff  }
0x566: {  	v63 =	vadd.s32 $0x1B40, v23;
	[tilespmem:v53+s28+$0x0] =	vst.idx.add.f32.msk $0xffff, v57  }
0x567: {  	v36 =	vld.idx.msk [tilespmem:v7+s31+$0x0], $0xffff  }
0x568: {  	v33 =	vadd.s32 $0x5C40, v33;
	v58 =	vsub.f32 v49, v52;
	v53 =	vld.idx.msk [tilespmem:v12+s31+$0x0], $0xffff  }
0x569: {  	v56 =	vld.idx.msk [tilespmem:v9+s31+$0x0], $0xffff;
	v34 =	vsub.f32 v34, v35  }
0x56a: {  	[tilespmem:v54+s28+$0x0] =	vst.idx.add.f32.msk $0xffff, v58  }
0x56b: {  	v62 =	vadd.s32 $0x2B80, v13;
	v31 =	vsub.f32 v32, v31;
	[tilespmem:v63+s28+$0x0] =	vst.idx.add.f32.msk $0xffff, v34  }
0x56c: {  	v35 =	vand.u32 $0x3F80, v62;
	v63 =	vld.idx.msk [tilespmem:v15+s31+$0x0], $0xffff  }
0x56d: {  	v35 =	vor.u32 v21, v35;
	[tilespmem:v33+s28+$0x0] =	vst.idx.add.f32.msk $0xffff, v31  }
0x56e: {  	v33 =	vld.idx.msk [tilespmem:v6+s31+$0x0], $0xffff  }
0x56f: {  	v38 =	vld.idx.msk [tilespmem:v8+s31+$0x0], $0xffff  }
0x570: {  	v52 =	vadd.s32 $0x2B80, v19;
	v48 =	vld.idx.msk [tilespmem:v14+s31+$0x0], $0xffff;
	v31 =	vsub.f32 v59, v60  }
0x571: {  	v49 =	vadd.s32 $0x2B80, v16;
	v42 =	vand.u32 $0x3F80, v52;
	v60 =	vld.idx.msk [tilespmem:v11+s31+$0x0], $0xffff  }
0x572: {  	v40 =	vand.u32 $0x3F80, v49;
	v54 =	vadd.s32 $0x2B80, v23;
	v42 =	vor.u32 v29, v42;
	[tilespmem:v35+s28+$0x0] =	vst.idx.add.f32.msk $0xffff, v31  }
0x573: {  	v40 =	vor.u32 v30, v40;
	v43 =	vand.u32 $0x3F80, v54;
	v36 =	vsub.f32 v36, v63;
	v63 =	vld.idx.msk [tilespmem:v1+s31+$0x0], $0xffff  }
0x574: {  	v57 =	vadd.s32 $0x2B80, v24;
	v43 =	vor.u32 v0, v43;
	v32 =	vsub.f32 v51, v53;
	v51 =	vld.idx.msk [tilespmem:v5+s0+$0x0], $0xffff  }
0x575: {  	v59 =	vand.u32 $0x3F80, v57;
	v52 =	vld.idx.msk [tilespmem:v17+s0+$0x0], $0xffff  }
0x576: {  	v35 =	vor.u32 v28, v59;
	v33 =	vsub.f32 v33, v61;
	v61 =	vld.idx.msk [tilespmem:v50+s31+$0x0], $0xffff  }
0x577: {  	v38 =	vsub.f32 v38, v48;
	[tilespmem:v42+s28+$0x0] =	vst.idx.add.f32.msk $0xffff, v36  }
0x578: {  	[tilespmem:v40+s28+$0x0] =	vst.idx.add.f32.msk $0xffff, v33  }
0x579: {  	[tilespmem:v43+s28+$0x0] =	vst.idx.add.f32.msk $0xffff, v38  }
0x57a: {  	v58 =	vadd.s32 $0x2B80, v55;
	v48 =	vsub.f32 v56, v60;
	v56 =	vld.idx.msk [tilespmem:v15+s0+$0x0], $0xffff  }
0x57b: {  	v31 =	vand.u32 $0x3F80, v58;
	[tilespmem:v35+s28+$0x0] =	vst.idx.add.f32.msk $0xffff, v32  }
0x57c: {  	v31 =	vor.u32 v22, v31;
	v53 =	vld.idx.msk [tilespmem:v6+s0+$0x0], $0xffff  }
0x57d: {  	v54 =	vld.idx.msk [tilespmem:v18+s0+$0x0], $0xffff  }
0x57e: {  	v35 =	vld.idx.msk [tilespmem:v7+s0+$0x0], $0xffff  }
0x57f: {  	v62 =	vadd.s32 $0x2B80, v26;
	v57 =	vld.idx.msk [tilespmem:v8+s0+$0x0], $0xffff  }
0x580: {  	v46 =	vand.u32 $0x3F80, v62;
	v58 =	vadd.s32 $0x3BC0, v13;
	v59 =	vld.idx.msk [tilespmem:v14+s0+$0x0], $0xffff  }
0x581: {  	v47 =	vor.u32 v20, v46;
	[tilespmem:v31+s28+$0x0] =	vst.idx.add.f32.msk $0xffff, v48  }
0x582: {  	v60 =	vld.idx.msk [tilespmem:v10+s0+$0x0], $0xffff  }
0x583: {  	v31 =	vsub.f32 v51, v52;
	v49 =	vsub.f32 v61, v63;
	v61 =	vld.idx.msk [tilespmem:v12+s0+$0x0], $0xffff  }
0x584: {  	v63 =	vld.idx.msk [tilespmem:v9+s0+$0x0], $0xffff  }
0x585: {  	v62 =	vadd.s32 $0x3BC0, v16;
	[tilespmem:v58+s28+$0x0] =	vst.idx.add.f32.msk $0xffff, v31  }
0x586: {  	v48 =	vadd.s32 $0x3BC0, v19;
	[tilespmem:v47+s28+$0x0] =	vst.idx.add.f32.msk $0xffff, v49  }
0x587: {  	v51 =	vadd.s32 $0x3BC0, v23;
	v49 =	vld.idx.msk [tilespmem:v11+s0+$0x0], $0xffff  }
0x588: {  	v33 =	vsub.f32 v53, v54;
	v53 =	vld.idx.msk [tilespmem:v50+s0+$0x0], $0xffff  }
0x589: {  	v35 =	vsub.f32 v35, v56;
	v56 =	vld.idx.msk [tilespmem:v1+s0+$0x0], $0xffff  }
0x58a: {  	v57 =	vsub.f32 v57, v59;
	[tilespmem:v62+s28+$0x0] =	vst.idx.add.f32.msk $0xffff, v33  }
0x58b: {  	[tilespmem:v48+s28+$0x0] =	vst.idx.add.f32.msk $0xffff, v35  }
0x58c: {  	[tilespmem:v51+s28+$0x0] =	vst.idx.add.f32.msk $0xffff, v57  }
0x58d: {  	v58 =	vsub.f32 v60, v61;
	v61 =	vld.idx.msk [tilespmem:v5+s1+$0x0], $0xffff  }
0x58e: {  	v52 =	vadd.s32 $0x3BC0, v24;
	v62 =	vld.idx.msk [tilespmem:v17+s1+$0x0], $0xffff  }
0x58f: {  	v44 =	vld.idx.msk [tilespmem:v18+s1+$0x0], $0xffff  }
0x590: {  	v46 =	vld.idx.msk [tilespmem:v7+s1+$0x0], $0xffff  }
0x591: {  	v47 =	vld.idx.msk [tilespmem:v15+s1+$0x0], $0xffff  }
0x592: {  	v51 =	vld.idx.msk [tilespmem:v14+s1+$0x0], $0xffff  }
0x593: {  	v43 =	vadd.s32 $0x4C00, v13;
	v54 =	vadd.s32 $0x3BC0, v55;
	[tilespmem:v52+s28+$0x0] =	vst.idx.add.f32.msk $0xffff, v58  }
0x594: {  	v34 =	vand.u32 $0x5F80, v43;
	v59 =	vadd.s32 $0x3BC0, v26;
	v32 =	vsub.f32 v63, v49;
	v63 =	vld.idx.msk [tilespmem:v6+s1+$0x0], $0xffff  }
0x595: {  	v21 =	vor.u32 v21, v34;
	v49 =	vld.idx.msk [tilespmem:v8+s1+$0x0], $0xffff  }
0x596: {  	v48 =	vadd.s32 $0x4C00, v19;
	v60 =	vsub.f32 v53, v56;
	v53 =	vld.idx.msk [tilespmem:v10+s1+$0x0], $0xffff  }
0x597: {  	v38 =	vand.u32 $0x5F80, v48;
	v56 =	vld.idx.msk [tilespmem:v12+s1+$0x0], $0xffff  }
0x598: {  	v52 =	vadd.s32 $0x4C00, v23;
	v29 =	vor.u32 v29, v38;
	[tilespmem:v54+s28+$0x0] =	vst.idx.add.f32.msk $0xffff, v32;
	v31 =	vsub.f32 v61, v62  }
0x599: {  	v40 =	vand.u32 $0x5F80, v52;
	[tilespmem:v59+s28+$0x0] =	vst.idx.add.f32.msk $0xffff, v60  }
0x59a: {  	v45 =	vadd.s32 $0x4C00, v16;
	[tilespmem:v21+s28+$0x0] =	vst.idx.add.f32.msk $0xffff, v31;
	v21 =	vor.u32 v0, v40  }
0x59b: {  	v36 =	vand.u32 $0x5F80, v45;
	v54 =	vadd.s32 $0x4C00, v24;
	v57 =	vld.idx.msk [tilespmem:v9+s1+$0x0], $0xffff;
	v58 =	vsub.f32 v46, v47  }
0x59c: {  	v30 =	vor.u32 v30, v36;
	v61 =	vld.idx.msk [tilespmem:v11+s1+$0x0], $0xffff;
	v0 =	vand.u32 $0x5F80, v54  }
0x59d: {  	v59 =	vadd.s32 $0x4C00, v55;
	v60 =	vsub.f32 v49, v51;
	v0 =	vor.u32 v28, v0;
	[tilespmem:v29+s28+$0x0] =	vst.idx.add.f32.msk $0xffff, v58  }
0x59e: {  	v33 =	vsub.f32 v63, v44;
	v63 =	vand.u32 $0x5F80, v59;
	v5 =	vld.idx.msk [tilespmem:v5+s3+$0x0], $0xffff  }
0x59f: {  	[tilespmem:v21+s28+$0x0] =	vst.idx.add.f32.msk $0xffff, v60;
	v21 =	vor.u32 v22, v63  }
0x5a0: {  	v62 =	vsub.f32 v53, v56;
	v17 =	vld.idx.msk [tilespmem:v17+s3+$0x0], $0xffff  }
0x5a1: {  	[tilespmem:v30+s28+$0x0] =	vst.idx.add.f32.msk $0xffff, v33  }
0x5a2: {  	v22 =	vsub.f32 v57, v61;
	[tilespmem:v0+s28+$0x0] =	vst.idx.add.f32.msk $0xffff, v62  }
0x5a3: {  	v0 =	vld.idx.msk [tilespmem:v50+s1+$0x0], $0xffff  }
0x5a4: {  	[tilespmem:v21+s28+$0x0] =	vst.idx.add.f32.msk $0xffff, v22  }
0x5a5: {  	v22 =	vld.idx.msk [tilespmem:v1+s1+$0x0], $0xffff  }
0x5a6: {  	v6 =	vld.idx.msk [tilespmem:v6+s3+$0x0], $0xffff  }
0x5a7: {  	v18 =	vld.idx.msk [tilespmem:v18+s3+$0x0], $0xffff  }
0x5a8: {  	v14 =	vld.idx.msk [tilespmem:v14+s3+$0x0], $0xffff;
	v21 =	vadd.s32 $0x4C00, v26  }
0x5a9: {  	v21 =	vand.u32 $0x5F80, v21;
	v9 =	vld.idx.msk [tilespmem:v9+s3+$0x0], $0xffff  }
0x5aa: {  	v20 =	vor.u32 v20, v21;
	v21 =	vsub.f32 v0, v22;
	v22 =	vld.idx.msk [tilespmem:v7+s3+$0x0], $0xffff  }
0x5ab: {  	v0 =	vld.idx.msk [tilespmem:v15+s3+$0x0], $0xffff  }
0x5ac: {  	v7 =	vld.idx.msk [tilespmem:v8+s3+$0x0], $0xffff  }
0x5ad: {  	v25 =	vadd.s32 $0x5C40, v2;
	v5 =	vsub.f32 v5, v17;
	v17 =	vadd.s32 $0x5C40, v55;
	v8 =	vld.idx.msk [tilespmem:v10+s3+$0x0], $0xffff  }
0x5ae: {  	v15 =	vsub.f32 v3, v4;
	v4 =	vsub.f32 v6, v18;
	v10 =	vld.idx.msk [tilespmem:v12+s3+$0x0], $0xffff;
	v18 =	vadd.s32 $0x5C40, v23  }
0x5af: {  	[tilespmem:v20+s28+$0x0] =	vst.idx.add.f32.msk $0xffff, v21;
	v21 =	vadd.s32 $0x5C40, v16;
	v20 =	vadd.s32 $0x5C40, v19;
	v19 =	vadd.s32 $0x5C40, v24  }
0x5b0: {  	s10 =	simm.s32 $0x8;
	s11 =	simm.s32 $0xD940;
	v6 =	vld.idx.msk [tilespmem:v11+s3+$0x0], $0xffff;
	v16 =	vadd.s32 $0x5C40, v26;
	v3 =	vsub.f32 v22, v0;
	v22 =	vadd.s32 $0x5C40, v13  }
.LBB2_10:
0x5b1: {  	v11 =	vld [tilespmem:s11+$0x30]  }
0x5b2: {  	v28 =	vld [tilespmem:s11+$0xFFFFFFD0]  }
0x5b3: {  	v29 =	vld [tilespmem:s11+$0xFFFFFFF0]  }
0x5b4: {  	v31 =	vld [tilespmem:s11+$0x0]  }
0x5b5: {  	v32 =	vld [tilespmem:s11+$0x10]  }
0x5b6: {  	v0 =	vld.idx.msk [tilespmem:v50+s3+$0x0], $0xffff  }
0x5b7: {  	v33 =	vld [tilespmem:s11+$0x20];
	v7 =	vsub.f32 v7, v14;
	v8 =	vsub.f32 v8, v10  }
0x5b8: {  	v34 =	vld [tilespmem:s11+$0xFFFFFFC0];
	v6 =	vsub.f32 v9, v6;
	v10 =	vshrl.u32 v11, $0xB;
	v12 =	vshrl.u32 v11, $0x12  }
0x5b9: {  	v1 =	vld.idx.msk [tilespmem:v1+s3+$0x0], $0xffff;
	v9 =	vand.u32 $0x7F, v10;
	v12 =	vand.u32 $0x3F80, v12;
	v23 =	vand.u32 $0x3FFF, v10  }
0x5ba: {  	[tilespmem:v22+s28+$0x0] =	vst.idx.add.f32.msk $0xffff, v5;
	v14 =	vshrl.u32 v28, $0xB;
	v35 =	vshrl.u32 v29, $0xB;
	v24 =	vor.u32 v9, v12  }
0x5bb: {  	v30 =	vld [tilespmem:s11+$0xFFFFFFE0];
	[tilespmem:$0x1FE80] =	vst v0;
	v0 =	vshrl.u32 v29, $0x12;
	v36 =	vshrl.u32 v31, $0xB;
	v13 =	vshrl.u32 v31, $0x12  }
0x5bc: {  	[tilespmem:v21+s28+$0x0] =	vst.idx.add.f32.msk $0xffff, v4;
	v37 =	vshrl.u32 v32, $0xB;
	v38 =	vshrl.u32 v32, $0x12;
	v22 =	vshrl.u32 v33, $0xB  }
0x5bd: {  	v26 =	vand.u32 $0x7FF, v11;
	v21 =	vand.u32 $0x7F, v11;
	v10 =	vshrl.u32 v28, $0x12;
	[tilespmem:v19+s28+$0x0] =	vst.idx.add.f32.msk $0xffff, v8  }
0x5be: {  	[tilespmem:$0x1FE90] =	vst v1;
	v1 =	vand.u32 $0x7F, v14;
	v44 =	vadd.s32 $0xB00, v26;
	v5 =	vand.u32 $0x3F80, v10;
	v40 =	vld.idx.msk [tilespmem:v23+s9+$0x0], $0xffff  }
0x5bf: {  	v11 =	vand.u32 $0x7F, v35;
	v0 =	vand.u32 $0x3F80, v0;
	v8 =	vor.u32 v1, v5;
	v42 =	vld.idx.msk [tilespmem:v24+s9+$0x0], $0xffff  }
0x5c0: {  	[tilespmem:v20+s28+$0x0] =	vst.idx.add.f32.msk $0xffff, v3;
	v12 =	vshrl.u32 v30, $0x12;
	v44 =	vand.u32 $0x1F80, v44;
	v5 =	vor.u32 v11, v0  }
0x5c1: {  	[tilespmem:v25+s28+$0x0] =	vst.idx.add.f32.msk $0xffff, v15;
	v39 =	vshrl.u32 v33, $0x12;
	v3 =	vand.u32 $0x3F80, v12;
	v12 =	vor.u32 v21, v44  }
0x5c2: {  	[tilespmem:v18+s28+$0x0] =	vst.idx.add.f32.msk $0xffff, v7;
	v19 =	vand.u32 $0x7F, v37;
	v58 =	vand.u32 $0x7F, v22;
	v9 =	vshrl.u32 v30, $0xB  }
0x5c3: {  	[tilespmem:v17+s28+$0x0] =	vst.idx.add.f32.msk $0xffff, v6;
	v6 =	vand.u32 $0x3F80, v39;
	v4 =	vand.u32 $0x7F, v9;
	v11 =	vand.u32 $0x3FFF, v35;
	v0 =	vmovc v16  }
0x5c4: {  	[tilespmem:$0x1FEE0] =	vst v0;
	v0 =	vor.u32 v58, v6;
	v6 =	vand.u32 $0x3FFF, v37;
	v37 =	vld.idx.msk [tilespmem:v8+s9+$0x0], $0xffff;
	v17 =	vsub.f32 v42, v40  }
0x5c5: {  	v18 =	vand.u32 $0x7F, v36;
	v20 =	vand.u32 $0x3F80, v13;
	v7 =	vor.u32 v4, v3;
	v48 =	vld.idx.msk [tilespmem:v5+s9+$0x0], $0xffff  }
0x5c6: {  	v41 =	vshrl.u32 v34, $0xB;
	v38 =	vand.u32 $0x3F80, v38;
	v4 =	vor.u32 v18, v20;
	[tilespmem:v12+s28+$0x0] =	vst.idx.add.f32.msk $0xffff, v17  }
0x5c7: {  	v15 =	vand.u32 $0x7FF, v34;
	v10 =	vshrl.u32 v34, $0x12;
	v3 =	vor.u32 v19, v38;
	v20 =	vld.idx.msk [tilespmem:v24+s30+$0x0], $0xffff  }
0x5c8: {  	v43 =	vand.u32 $0x7F, v41;
	v60 =	vadd.s32 $0xB00, v15;
	v10 =	vand.u32 $0x3F80, v10;
	v59 =	vld.idx.msk [tilespmem:v23+s30+$0x0], $0xffff  }
0x5c9: {  	v39 =	vand.u32 $0x1F80, v60;
	v10 =	vor.u32 v43, v10;
	v60 =	vld.idx.msk [tilespmem:v11+s9+$0x0], $0xffff  }
0x5ca: {  	v1 =	vand.u32 $0x3FFF, v22;
	v22 =	vadd.s32 $0x1B40, v26;
	v38 =	vld.idx.msk [tilespmem:v7+s9+$0x0], $0xffff  }
0x5cb: {  	v13 =	vand.u32 $0x3FFF, v41;
	v14 =	vand.u32 $0x3FFF, v14;
	v34 =	vand.u32 $0x7F, v34;
	v51 =	vld.idx.msk [tilespmem:v4+s9+$0x0], $0xffff  }
0x5cc: {  	v35 =	vand.u32 $0x7F, v29;
	v18 =	vand.u32 $0x7FF, v30;
	v43 =	vand.u32 $0x7FF, v29;
	v53 =	vld.idx.msk [tilespmem:v3+s9+$0x0], $0xffff  }
0x5cd: {  	v19 =	vand.u32 $0x7FF, v31;
	v63 =	vadd.s32 $0xB00, v43;
	v54 =	vld.idx.msk [tilespmem:v0+s9+$0x0], $0xffff;
	v20 =	vsub.f32 v20, v59  }
0x5ce: {  	v44 =	vand.u32 $0x1F80, v63;
	v12 =	vand.u32 $0x3FFF, v9;
	v9 =	vand.u32 $0x3FFF, v36;
	v36 =	vld.idx.msk [tilespmem:v10+s9+$0x0], $0xffff  }
0x5cf: {  	v16 =	vand.u32 $0x7FF, v33;
	v56 =	vor.u32 v35, v44;
	v42 =	vand.u32 $0x7FF, v32;
	[tilespmem:v22+s28+$0x0] =	vst.idx.add.f32.msk $0xffff, v20  }
0x5d0: {  	v46 =	vadd.s32 $0xB00, v42;
	v60 =	vsub.f32 v48, v60;
	v20 =	vand.u32 $0x7F, v31;
	v31 =	vld.idx.msk [tilespmem:v13+s9+$0x0], $0xffff  }
0x5d1: {  	v17 =	vand.u32 $0x7FF, v28;
	v22 =	vand.u32 $0x7F, v32;
	v32 =	vor.u32 v34, v39;
	v39 =	vld.idx.msk [tilespmem:v14+s9+$0x0], $0xffff  }
0x5d2: {  	v61 =	vadd.s32 $0xB00, v17;
	v59 =	vand.u32 $0x7F, v28;
	v28 =	vand.u32 $0x7F, v30;
	v30 =	vld.idx.msk [tilespmem:v24+s31+$0x0], $0xffff  }
0x5d3: {  	v49 =	vand.u32 $0x1F80, v46;
	v46 =	vadd.s32 $0x2B80, v26;
	v40 =	vand.u32 $0x1F80, v61;
	v29 =	vld.idx.msk [tilespmem:v23+s31+$0x0], $0xffff  }
0x5d4: {  	v58 =	vand.u32 $0x7F, v33;
	v2 =	vld.idx.msk [tilespmem:v6+s9+$0x0], $0xffff;
	v33 =	vand.u32 $0x3F80, v46;
	v40 =	vor.u32 v59, v40  }
0x5d5: {  	v62 =	vadd.s32 $0xB00, v18;
	[tilespmem:v56+s28+$0x0] =	vst.idx.add.f32.msk $0xffff, v60;
	v33 =	vor.u32 v21, v33  }
0x5d6: {  	v45 =	vadd.s32 $0xB00, v19;
	v47 =	vadd.s32 $0xB00, v16;
	[tilespmem:$0x1FEA0] =	vst v0;
	v0 =	vadd.s32 $0x1B40, v43;
	v55 =	vld.idx.msk [tilespmem:v12+s9+$0x0], $0xffff  }
0x5d7: {  	v25 =	vadd.s32 $0x2B80, v18;
	[tilespmem:$0x1FEB0] =	vst v0;
	v0 =	vadd.s32 $0x1B40, v42;
	v63 =	vld.idx.msk [tilespmem:v9+s9+$0x0], $0xffff;
	v37 =	vsub.f32 v37, v39  }
0x5d8: {  	v41 =	vand.u32 $0x1F80, v62;
	[tilespmem:$0x1FEC0] =	vst v0;
	v29 =	vsub.f32 v30, v29;
	v30 =	vsub.f32 v36, v31;
	v36 =	vld.idx.msk [tilespmem:v1+s9+$0x0], $0xffff  }
0x5d9: {  	v45 =	vand.u32 $0x1F80, v45;
	v47 =	vand.u32 $0x1F80, v47;
	v25 =	vand.u32 $0x3F80, v25;
	[tilespmem:v40+s28+$0x0] =	vst.idx.add.f32.msk $0xffff, v37  }
0x5da: {  	v62 =	vor.u32 v58, v47;
	v61 =	vor.u32 v22, v49;
	v31 =	vadd.s32 $0x2B80, v15;
	[tilespmem:v33+s28+$0x0] =	vst.idx.add.f32.msk $0xffff, v29  }
0x5db: {  	v48 =	vadd.s32 $0x2B80, v42;
	v0 =	vadd.s32 $0x2B80, v16;
	v50 =	vand.u32 $0x3F80, v31;
	[tilespmem:v32+s28+$0x0] =	vst.idx.add.f32.msk $0xffff, v30  }
0x5dc: {  	v41 =	vor.u32 v28, v41;
	v37 =	vsub.f32 v53, v2;
	v2 =	vor.u32 v34, v50;
	v50 =	vld.idx.msk [tilespmem:v8+s30+$0x0], $0xffff  }
0x5dd: {  	v0 =	vand.u32 $0x3F80, v0;
	v57 =	vor.u32 v20, v45;
	v29 =	vsub.f32 v38, v55;
	v55 =	vld.idx.msk [tilespmem:v24+s0+$0x0], $0xffff  }
0x5de: {  	v56 =	vor.u32 v58, v0;
	v0 =	vadd.s32 $0x4C00, v15;
	v39 =	vadd.s32 $0x2B80, v17;
	v27 =	vld.idx.msk [tilespmem:v23+s0+$0x0], $0xffff  }
0x5df: {  	v60 =	vadd.s32 $0x4C00, v42;
	v0 =	vand.u32 $0x5F80, v0;
	v52 =	vand.u32 $0x3F80, v39;
	[tilespmem:v61+s28+$0x0] =	vst.idx.add.f32.msk $0xffff, v37  }
0x5e0: {  	v40 =	vand.u32 $0x3F80, v48;
	v53 =	vor.u32 v59, v52;
	v32 =	vsub.f32 v51, v63;
	v48 =	vld.idx.msk [tilespmem:v10+s30+$0x0], $0xffff  }
0x5e1: {  	v31 =	vadd.s32 $0x4C00, v43;
	v52 =	vadd.s32 $0x4C00, v26;
	v33 =	vadd.s32 $0x2B80, v43;
	[tilespmem:v41+s28+$0x0] =	vst.idx.add.f32.msk $0xffff, v29  }
0x5e2: {  	v63 =	vadd.s32 $0x3BC0, v26;
	v30 =	vadd.s32 $0x4C00, v18;
	v61 =	vand.u32 $0x5F80, v52;
	[tilespmem:v57+s28+$0x0] =	vst.idx.add.f32.msk $0xffff, v32  }
0x5e3: {  	v30 =	vand.u32 $0x5F80, v30;
	v21 =	vor.u32 v21, v61;
	v61 =	vld.idx.msk [tilespmem:v14+s30+$0x0], $0xffff;
	v39 =	vsub.f32 v54, v36  }
0x5e4: {  	v52 =	vand.u32 $0x5F80, v60;
	v60 =	vor.u32 v34, v0;
	v34 =	vor.u32 v28, v30;
	v30 =	vld.idx.msk [tilespmem:v5+s30+$0x0], $0xffff  }
0x5e5: {  	v38 =	vadd.s32 $0x2B80, v19;
	v51 =	vor.u32 v28, v25;
	[tilespmem:v62+s28+$0x0] =	vst.idx.add.f32.msk $0xffff, v39;
	v25 =	vsub.f32 v55, v27  }
0x5e6: {  	v31 =	vand.u32 $0x5F80, v31;
	v33 =	vand.u32 $0x3F80, v33;
	v62 =	vld.idx.msk [tilespmem:v13+s30+$0x0], $0xffff;
	v27 =	vadd.s32 $0x4C00, v17  }
0x5e7: {  	v38 =	vand.u32 $0x3F80, v38;
	v32 =	vadd.s32 $0x4C00, v19;
	v27 =	vand.u32 $0x5F80, v27;
	[tilespmem:v63+s28+$0x0] =	vst.idx.add.f32.msk $0xffff, v25  }
0x5e8: {  	v57 =	vor.u32 v20, v38;
	v32 =	vand.u32 $0x5F80, v32;
	v0 =	vor.u32 v59, v27;
	v59 =	vld.idx.msk [tilespmem:v7+s30+$0x0], $0xffff  }
0x5e9: {  	v54 =	vor.u32 v35, v33;
	v27 =	vor.u32 v35, v31;
	v35 =	vor.u32 v20, v32;
	v20 =	vld [tilespmem:$0x1FE90]  }
0x5ea: {  	v25 =	vld.idx.msk [tilespmem:v24+s1+$0x0], $0xffff  }
0x5eb: {  	v46 =	vadd.s32 $0x1B40, v15;
	v33 =	vld.idx.msk [tilespmem:v23+s1+$0x0], $0xffff  }
0x5ec: {  	v63 =	vadd.s32 $0x4C00, v16;
	[tilespmem:$0x1FED0] =	vst v0;
	v0 =	vld.idx.msk [tilespmem:v12+s30+$0x0], $0xffff  }
0x5ed: {  	v63 =	vand.u32 $0x5F80, v63;
	v31 =	vsub.f32 v48, v62;
	v62 =	vld.idx.msk [tilespmem:v3+s30+$0x0], $0xffff  }
0x5ee: {  	v28 =	vor.u32 v58, v63;
	v63 =	vld.idx.msk [tilespmem:v6+s30+$0x0], $0xffff  }
0x5ef: {  	v58 =	vld [tilespmem:$0x1FEA0]  }
0x5f0: {  	v29 =	vadd.s32 $0x3BC0, v15;
	[tilespmem:v46+s28+$0x0] =	vst.idx.add.f32.msk $0xffff, v31;
	v25 =	vsub.f32 v25, v33  }
0x5f1: {  	v55 =	vor.u32 v22, v40;
	v33 =	vor.u32 v22, v52;
	v22 =	vadd.s32 $0x5C40, v15;
	v15 =	vld [tilespmem:$0x1FE80]  }
0x5f2: {  	v45 =	vadd.s32 $0x1B40, v17;
	[tilespmem:v21+s28+$0x0] =	vst.idx.add.f32.msk $0xffff, v25  }
0x5f3: {  	v49 =	vadd.s32 $0x1B40, v18;
	v41 =	vadd.s32 $0x3BC0, v42;
	v25 =	vsub.f32 v50, v61;
	v61 =	vld.idx.msk [tilespmem:v11+s30+$0x0], $0xffff  }
0x5f4: {  	v36 =	vadd.s32 $0x3BC0, v17;
	v21 =	vadd.s32 $0x5C40, v17;
	v17 =	vadd.s32 $0x5C40, v42;
	v42 =	vld.idx.msk [tilespmem:v4+s30+$0x0], $0xffff  }
0x5f5: {  	v24 =	vld.idx.msk [tilespmem:v24+s3+$0x0], $0xffff  }
0x5f6: {  	v23 =	vld.idx.msk [tilespmem:v23+s3+$0x0], $0xffff  }
0x5f7: {  	v0 =	vsub.f32 v59, v0;
	[tilespmem:v45+s28+$0x0] =	vst.idx.add.f32.msk $0xffff, v25  }
0x5f8: {  	v25 =	vld [tilespmem:$0x1FEB0]  }
0x5f9: {  	v26 =	vadd.s32 $0x5C40, v26;
	v37 =	vadd.s32 $0x3BC0, v18;
	v40 =	vadd.s32 $0x3BC0, v43;
	[tilespmem:v49+s28+$0x0] =	vst.idx.add.f32.msk $0xffff, v0  }
0x5fa: {  	v15 =	vsub.f32 v15, v20;
	v20 =	vadd.s32 $0x5C40, v18;
	v18 =	vadd.s32 $0x5C40, v43;
	v43 =	vld.idx.msk [tilespmem:v9+s30+$0x0], $0xffff  }
0x5fb: {  	v0 =	vsub.f32 v62, v63;
	v62 =	vld.idx.msk [tilespmem:v12+s31+$0x0], $0xffff  }
0x5fc: {  	v47 =	vadd.s32 $0x1B40, v19;
	v59 =	vld.idx.msk [tilespmem:v58+s30+$0x0], $0xffff;
	v23 =	vsub.f32 v24, v23  }
0x5fd: {  	v24 =	vsub.f32 v30, v61;
	v61 =	vld.idx.msk [tilespmem:v1+s30+$0x0], $0xffff  }
0x5fe: {  	[tilespmem:v26+s28+$0x0] =	vst.idx.add.f32.msk $0xffff, v23  }
0x5ff: {  	v23 =	vsub.f32 v42, v43;
	v26 =	vld.idx.msk [tilespmem:v7+s31+$0x0], $0xffff  }
0x600: {  	[tilespmem:v25+s28+$0x0] =	vst.idx.add.f32.msk $0xffff, v24  }
0x601: {  	v44 =	vadd.s32 $0x1B40, v16;
	[tilespmem:v47+s28+$0x0] =	vst.idx.add.f32.msk $0xffff, v23  }
0x602: {  	v24 =	vld [tilespmem:$0x1FEC0]  }
0x603: {  	v25 =	vld.idx.msk [tilespmem:v14+s31+$0x0], $0xffff  }
0x604: {  	v23 =	vsub.f32 v59, v61;
	v63 =	vld.idx.msk [tilespmem:v5+s31+$0x0], $0xffff  }
0x605: {  	v45 =	vld.idx.msk [tilespmem:v4+s31+$0x0], $0xffff  }
0x606: {  	[tilespmem:v44+s28+$0x0] =	vst.idx.add.f32.msk $0xffff, v23  }
0x607: {  	v23 =	vld.idx.msk [tilespmem:v13+s31+$0x0], $0xffff  }
0x608: {  	v26 =	vsub.f32 v26, v62;
	v48 =	vld.idx.msk [tilespmem:v58+s31+$0x0], $0xffff  }
0x609: {  	v49 =	vld.idx.msk [tilespmem:v1+s31+$0x0], $0xffff  }
0x60a: {  	[tilespmem:v51+s28+$0x0] =	vst.idx.add.f32.msk $0xffff, v26  }
0x60b: {  	[tilespmem:v24+s28+$0x0] =	vst.idx.add.f32.msk $0xffff, v0  }
0x60c: {  	v0 =	vld.idx.msk [tilespmem:v10+s31+$0x0], $0xffff  }
0x60d: {  	v24 =	vld.idx.msk [tilespmem:v8+s31+$0x0], $0xffff  }
0x60e: {  	v46 =	vld.idx.msk [tilespmem:v3+s31+$0x0], $0xffff  }
0x60f: {  	v47 =	vld.idx.msk [tilespmem:v6+s31+$0x0], $0xffff  }
0x610: {  	v26 =	vld.idx.msk [tilespmem:v12+s0+$0x0], $0xffff  }
0x611: {  	v0 =	vsub.f32 v0, v23;
	v23 =	vld.idx.msk [tilespmem:v11+s31+$0x0], $0xffff  }
0x612: {  	v24 =	vsub.f32 v24, v25;
	v25 =	vld.idx.msk [tilespmem:v9+s31+$0x0], $0xffff  }
0x613: {  	[tilespmem:v2+s28+$0x0] =	vst.idx.add.f32.msk $0xffff, v0  }
0x614: {  	[tilespmem:v53+s28+$0x0] =	vst.idx.add.f32.msk $0xffff, v24;
	v2 =	vsub.f32 v46, v47  }
0x615: {  	v24 =	vld.idx.msk [tilespmem:v14+s0+$0x0], $0xffff  }
0x616: {  	[tilespmem:v55+s28+$0x0] =	vst.idx.add.f32.msk $0xffff, v2  }
0x617: {  	v2 =	vld.idx.msk [tilespmem:v10+s0+$0x0], $0xffff;
	v23 =	vsub.f32 v63, v23  }
0x618: {  	v0 =	vsub.f32 v45, v25;
	v25 =	vld.idx.msk [tilespmem:v7+s0+$0x0], $0xffff  }
0x619: {  	[tilespmem:v54+s28+$0x0] =	vst.idx.add.f32.msk $0xffff, v23  }
0x61a: {  	[tilespmem:v57+s28+$0x0] =	vst.idx.add.f32.msk $0xffff, v0  }
0x61b: {  	v23 =	vld.idx.msk [tilespmem:v8+s0+$0x0], $0xffff  }
0x61c: {  	v54 =	vld.idx.msk [tilespmem:v3+s0+$0x0], $0xffff  }
0x61d: {  	v0 =	vsub.f32 v48, v49;
	v52 =	vld.idx.msk [tilespmem:v5+s0+$0x0], $0xffff  }
0x61e: {  	v53 =	vld.idx.msk [tilespmem:v4+s0+$0x0], $0xffff  }
0x61f: {  	[tilespmem:v56+s28+$0x0] =	vst.idx.add.f32.msk $0xffff, v0  }
0x620: {  	v0 =	vld.idx.msk [tilespmem:v13+s0+$0x0], $0xffff  }
0x621: {  	v25 =	vsub.f32 v25, v26;
	v26 =	vld.idx.msk [tilespmem:v6+s0+$0x0], $0xffff  }
0x622: {  	v55 =	vld.idx.msk [tilespmem:v58+s0+$0x0], $0xffff  }
0x623: {  	v56 =	vld.idx.msk [tilespmem:v1+s0+$0x0], $0xffff  }
0x624: {  	v23 =	vsub.f32 v23, v24;
	v24 =	vld.idx.msk [tilespmem:v9+s0+$0x0], $0xffff  }
0x625: {  	[tilespmem:v37+s28+$0x0] =	vst.idx.add.f32.msk $0xffff, v25  }
0x626: {  	v25 =	vld.idx.msk [tilespmem:v7+s1+$0x0], $0xffff  }
0x627: {  	v39 =	vadd.s32 $0x3BC0, v19;
	v0 =	vsub.f32 v2, v0;
	v2 =	vld.idx.msk [tilespmem:v11+s0+$0x0], $0xffff  }
0x628: {  	[tilespmem:v36+s28+$0x0] =	vst.idx.add.f32.msk $0xffff, v23  }
0x629: {  	v23 =	vld.idx.msk [tilespmem:v8+s1+$0x0], $0xffff  }
0x62a: {  	v38 =	vadd.s32 $0x3BC0, v16;
	[tilespmem:v29+s28+$0x0] =	vst.idx.add.f32.msk $0xffff, v0;
	v0 =	vsub.f32 v53, v24  }
0x62b: {  	v24 =	vld.idx.msk [tilespmem:v14+s1+$0x0], $0xffff  }
0x62c: {  	v2 =	vsub.f32 v52, v2;
	[tilespmem:v39+s28+$0x0] =	vst.idx.add.f32.msk $0xffff, v0  }
0x62d: {  	v0 =	vsub.f32 v55, v56;
	v59 =	vld.idx.msk [tilespmem:v4+s1+$0x0], $0xffff  }
0x62e: {  	[tilespmem:v40+s28+$0x0] =	vst.idx.add.f32.msk $0xffff, v2  }
0x62f: {  	[tilespmem:v38+s28+$0x0] =	vst.idx.add.f32.msk $0xffff, v0  }
0x630: {  	v2 =	vsub.f32 v54, v26;
	v0 =	vld.idx.msk [tilespmem:v13+s1+$0x0], $0xffff  }
0x631: {  	v26 =	vld.idx.msk [tilespmem:v12+s1+$0x0], $0xffff  }
0x632: {  	[tilespmem:v41+s28+$0x0] =	vst.idx.add.f32.msk $0xffff, v2  }
0x633: {  	v2 =	vld.idx.msk [tilespmem:v10+s1+$0x0], $0xffff  }
0x634: {  	v57 =	vld.idx.msk [tilespmem:v5+s1+$0x0], $0xffff  }
0x635: {  	v23 =	vsub.f32 v23, v24;
	v24 =	vld.idx.msk [tilespmem:v9+s1+$0x0], $0xffff  }
0x636: {  	v62 =	vld.idx.msk [tilespmem:v58+s1+$0x0], $0xffff  }
0x637: {  	v61 =	vld.idx.msk [tilespmem:v3+s1+$0x0], $0xffff  }
0x638: {  	v0 =	vsub.f32 v2, v0;
	v2 =	vld.idx.msk [tilespmem:v11+s1+$0x0], $0xffff  }
0x639: {  	v25 =	vsub.f32 v25, v26;
	v26 =	vld.idx.msk [tilespmem:v6+s1+$0x0], $0xffff  }
0x63a: {  	[tilespmem:v60+s28+$0x0] =	vst.idx.add.f32.msk $0xffff, v0  }
0x63b: {  	v0 =	vld [tilespmem:$0x1FED0]  }
0x63c: {  	v63 =	vld.idx.msk [tilespmem:v1+s1+$0x0], $0xffff  }
0x63d: {  	[tilespmem:v34+s28+$0x0] =	vst.idx.add.f32.msk $0xffff, v25;
	v2 =	vsub.f32 v57, v2  }
0x63e: {  	v25 =	vld [tilespmem:$0x1FEE0]  }
0x63f: {  	[tilespmem:v27+s28+$0x0] =	vst.idx.add.f32.msk $0xffff, v2;
	v2 =	vsub.f32 v61, v26  }
0x640: {  	v12 =	vld.idx.msk [tilespmem:v12+s3+$0x0], $0xffff  }
0x641: {  	[tilespmem:v33+s28+$0x0] =	vst.idx.add.f32.msk $0xffff, v2  }
0x642: {  	v2 =	vld.idx.msk [tilespmem:v10+s3+$0x0], $0xffff  }
0x643: {  	[tilespmem:v0+s28+$0x0] =	vst.idx.add.f32.msk $0xffff, v23;
	v0 =	vsub.f32 v59, v24  }
0x644: {  	v23 =	vld.idx.msk [tilespmem:v7+s3+$0x0], $0xffff  }
0x645: {  	[tilespmem:v35+s28+$0x0] =	vst.idx.add.f32.msk $0xffff, v0;
	v0 =	vsub.f32 v62, v63  }
0x646: {  	v10 =	vld.idx.msk [tilespmem:v8+s3+$0x0], $0xffff  }
0x647: {  	[tilespmem:v28+s28+$0x0] =	vst.idx.add.f32.msk $0xffff, v0  }
0x648: {  	v0 =	vld.idx.msk [tilespmem:v13+s3+$0x0], $0xffff  }
0x649: {  	s10 =	sadd.s32 $0x8, s10;
	v13 =	vld.idx.msk [tilespmem:v14+s3+$0x0], $0xffff  }
0x64a: {  	p0 =	slt.u32 s10, $0x540;
	v7 =	vld.idx.msk [tilespmem:v5+s3+$0x0], $0xffff  }
.Ltmp4:
0x64b: {  	v6 =	vld.idx.msk [tilespmem:v6+s3+$0x0], $0xffff;
	(pc) =	sbr.rel @p0 .LBB2_10-.Ltmp4, $4  }
0x64c: {  	v8 =	vld.idx.msk [tilespmem:v4+s3+$0x0], $0xffff  }
0x64d: {  	v14 =	vld.idx.msk [tilespmem:v11+s3+$0x0], $0xffff  }
0x64e: {  	v19 =	vadd.s32 $0x5C40, v19;
	v4 =	vsub.f32 v10, v13;
	v10 =	vld.idx.msk [tilespmem:v9+s3+$0x0], $0xffff  }
0x64f: {  	s11 =	sadd.s32 $0x80, s11;
	v16 =	vadd.s32 $0x5C40, v16;
	v50 =	vmovc v58;
	v5 =	vsub.f32 v2, v0;
	v9 =	vld.idx.msk [tilespmem:v3+s3+$0x0], $0xffff;
	v3 =	vsub.f32 v23, v12  }
0x650: {  	_ =	sdelay $0x3  }
0x651: {  	v0 =	vld.idx.msk [tilespmem:v50+s3+$0x0], $0xffff  }
0x652: {  	v1 =	vld.idx.msk [tilespmem:v1+s3+$0x0], $0xffff  }
0x653: {  	[tilespmem:v21+s28+$0x0] =	vst.idx.add.f32.msk $0xffff, v4  }
0x654: {  	[tilespmem:v25+s28+$0x0] =	vst.idx.add.f32.msk $0xffff, v15  }
0x655: {  	[tilespmem:v22+s28+$0x0] =	vst.idx.add.f32.msk $0xffff, v5;
	v2 =	vsub.f32 v7, v14  }
0x656: {  	[tilespmem:v20+s28+$0x0] =	vst.idx.add.f32.msk $0xffff, v3;
	v62 =	vsub.f32 v8, v10  }
0x657: {  	v63 =	vsub.f32 v9, v6;
	[tilespmem:v18+s28+$0x0] =	vst.idx.add.f32.msk $0xffff, v2  }
0x658: {  	[tilespmem:v19+s28+$0x0] =	vst.idx.add.f32.msk $0xffff, v62;
	v0 =	vsub.f32 v0, v1  }
0x659: {  	[tilespmem:v17+s28+$0x0] =	vst.idx.add.f32.msk $0xffff, v63  }
0x65a: {  	[tilespmem:v16+s28+$0x0] =	vst.idx.add.f32.msk $0xffff, v0  }
.LBB2_12:
0x65b: {  	s10 =	sshra.s32 s9, $0x2  }
0x65c: {  	v0 =	vld [tilespmem:s10+$0x12C80];
	_ =	sdelay $0x4  }
0x65d: {  	v1 =	vshrl.u32 v0, $0xB;
	v2 =	vshrl.u32 v0, $0x12  }
0x65e: {  	v3 =	vand.u32 $0x7F, v1;
	v2 =	vand.u32 $0x3F80, v2;
	v1 =	vand.u32 $0x3FFF, v1  }
0x65f: {  	v2 =	vor.u32 v3, v2;
	_ =	sdelay $0x3  }
0x660: {  	v55 =	vand.u32 $0x7FF, v0;
	v6 =	vld.idx.msk [tilespmem:v1+s2+$0x0], $0xffff  }
0x661: {  	v5 =	vadd.s32 $0xB00, v55;
	v4 =	vld.idx.msk [tilespmem:v2+s2+$0x0], $0xffff  }
0x662: {  	v0 =	vand.u32 $0x7F, v0;
	v5 =	vand.u32 $0x1F80, v5  }
0x663: {  	v5 =	vor.u32 v0, v5;
	_ =	sdelay $0x2  }
0x664: {  	v4 =	vsub.f32 v4, v6;
	_ =	sdelay $0x1  }
0x665: {  	[tilespmem:v5+s28+$0x0] =	vst.idx.add.f32.msk $0xffff, v4  }
0x666: {  	v4 =	vld.idx.msk [tilespmem:v2+s30+$0x0], $0xffff  }
0x667: {  	v5 =	vld.idx.msk [tilespmem:v1+s30+$0x0], $0xffff;
	_ =	sdelay $0x1  }
0x668: {  	v56 =	vadd.s32 $0x1B40, v55;
	_ =	sdelay $0x2  }
0x669: {  	v4 =	vsub.f32 v4, v5;
	_ =	sdelay $0x1  }
0x66a: {  	[tilespmem:v56+s28+$0x0] =	vst.idx.add.f32.msk $0xffff, v4  }
0x66b: {  	v4 =	vld.idx.msk [tilespmem:v2+s31+$0x0], $0xffff  }
0x66c: {  	v58 =	vadd.s32 $0x2B80, v55;
	v57 =	vld.idx.msk [tilespmem:v1+s31+$0x0], $0xffff  }
0x66d: {  	v6 =	vand.u32 $0x3F80, v58  }
0x66e: {  	v6 =	vor.u32 v0, v6;
	_ =	sdelay $0x2  }
0x66f: {  	v4 =	vsub.f32 v4, v57;
	_ =	sdelay $0x1  }
0x670: {  	[tilespmem:v6+s28+$0x0] =	vst.idx.add.f32.msk $0xffff, v4  }
0x671: {  	v4 =	vld.idx.msk [tilespmem:v2+s0+$0x0], $0xffff  }
0x672: {  	v59 =	vld.idx.msk [tilespmem:v1+s0+$0x0], $0xffff;
	_ =	sdelay $0x1  }
0x673: {  	v60 =	vadd.s32 $0x3BC0, v55;
	_ =	sdelay $0x2  }
0x674: {  	v4 =	vsub.f32 v4, v59;
	_ =	sdelay $0x1  }
0x675: {  	[tilespmem:v60+s28+$0x0] =	vst.idx.add.f32.msk $0xffff, v4  }
0x676: {  	v4 =	vld.idx.msk [tilespmem:v2+s1+$0x0], $0xffff  }
0x677: {  	v62 =	vadd.s32 $0x4C00, v55;
	v61 =	vld.idx.msk [tilespmem:v1+s1+$0x0], $0xffff  }
0x678: {  	v6 =	vand.u32 $0x5F80, v62  }
0x679: {  	v0 =	vor.u32 v0, v6;
	_ =	sdelay $0x2  }
0x67a: {  	v4 =	vsub.f32 v4, v61;
	_ =	sdelay $0x1  }
0x67b: {  	[tilespmem:v0+s28+$0x0] =	vst.idx.add.f32.msk $0xffff, v4  }
0x67c: {  	v0 =	vld.idx.msk [tilespmem:v2+s3+$0x0], $0xffff  }
0x67d: {  	v1 =	vld.idx.msk [tilespmem:v1+s3+$0x0], $0xffff;
	_ =	sdelay $0x1  }
0x67e: {  	p0 =	sne.s32 s9, $0xC0;
	v63 =	vadd.s32 $0x5C40, v55  }
.Ltmp5:
0x67f: {  	_ = 	snop;
	(pc) =	sbr.rel @p0 .LBB2_12-.Ltmp5, $3  }
0x680: {  	_ = 	snop  }
0x681: {  	v0 =	vsub.f32 v0, v1;
	_ =	sdelay $0x1  }
0x682: {  	s9 =	sadd.s32 $0x40, s9;
	[tilespmem:v63+s28+$0x0] =	vst.idx.add.f32.msk $0xffff, v0  }
0x683: {  	s8 =	sadd.s32 $0x1, s8  }
0x684: {  	p0 =	sne.s32 s8, s26  }
.Ltmp6:
0x685: {  	_ = 	snop;
	(pc) =	sbr.rel @p0 .LBB2_1-.Ltmp6, $4  }
0x686: {  	[hbm4b:s25+s4] =	stream.strided.scatter [tilespmem:s28], [sflag:$0x2], $0x6280, s5, s4, $0x38;
	[tilespmem:$0x1AA00] =	vst v63  }
0x687: {  	_ =	swait.ge [sflag:s7], $0x6280  }
0x688: {  	[sflag:s7] =	ssyncset.done $0x0  }
0x689: {  	[sflag:s7] =	ssyncadd.s32 $0xFFFF9D80  }
0x68a: {  	_ =	sfence.sel $0x180000  }
0x68b: {  	[bflag:$0x0] =	sbarrier.arrive $0xFFFF  }
0x68c: {  	_ =	strace $0x90000047  }
0x68d: {  	s0 =	stileid.u32;
	[bflag:$0x2] =	sbarrier.arrive $0xFFFF  }
0x68e: {  	p0 =	sne.s32 s0, $0x0;
	s0 =	rddreg [dreg:$0x1]  }
0x68f: {  	s0 =	sadd.s32 @!p0 $0x100000, s0  }
0x690: {  	[sflag:s0] =	ssyncadd.tile.s32 @!p0 $0x1;
	_ =	shalt  }
.Lfunc_end2:
_tile_overlayer_lowered:
.L_overlay_start_2:
0x691: {  	(tag) =	ssettag $0x2  }
0x692: {  	s0 =	rddreg [dreg:$0x0];
	s2 =	stileid.u32  }
0x693: {  	s1 =	rddreg [dreg:$0x1];
	p0 =	sne.s32 s2, $0x0  }
0x694: {  	s3 =	rddreg [dreg:$0x2];
	[bflag:$0x3] =	sbarrier.arrive $0xFFFF;
	s2 =	simm.s32 @!p0 $0x1C02  }
0x695: {  	[timem:s3], [sflag:s2] =	dma.local @!p0 [hbm:s0], s1  }
0x696: {  	s0 =	simm.s32 @!p0 $0x2  }
0x697: {  	_ =	swait.ge @!p0 [sflag:s0], s1  }
0x698: {  	s1 =	ssub.s32 @!p0 $0x0, s1;
	[sflag:s0] =	ssyncset.done @!p0 $0x0  }
0x699: {  	[sflag:s0] =	ssyncadd.s32 @!p0 s1  }
0x69a: {  	[bflag:$0x3] =	sbarrier.arrive $0xFFFF  }
0x69b: {  	_ =	shalt  }

</sc_bundles>
